<compile_context>
chip_gen: v7x
topology: tpu7x:2x2x1
jax: 0.10.2.dev20260603
libtpu: 0.0.44.dev20260713+nightly
codegen_flags: <defaults>
</compile_context>

<pallas_src>
import functools

import jax
import jax.numpy as jnp
from jax import lax
from jax.experimental import pallas as pl
from jax.experimental.pallas import tpu as pltpu
from jax.experimental.pallas import tpu_sc as plsc

N = 50000
E = 800000
B = 64
F = 80
R = 40
C = 1024

NC = 2
NS = 16
NW = NC * NS

CHUNK = 125
GROUP = 8
ROWS_PER_TILE = E // NS // CHUNK
GROUPS = ROWS_PER_TILE // GROUP

RH = R // NC
RHP = 32
ACC_ROWS = 50176
SLAB = ACC_ROWS // NS
TRASH = ACC_ROWS - 1

BN1 = 2048
GSTEPS1 = 25
BN = 4000
BP = BN // 4
GSTEPS = 13
NP = 12512
NPV = N // 4
AP = ACC_ROWS // 4


def _sc_segment_sum(src2d, dst2d, y0, y1, zrows):
  mesh = plsc.VectorSubcoreMesh(core_axis_name="c", subcore_axis_name="s")

  @functools.partial(
      pl.kernel,
      mesh=mesh,
      compiler_params=pltpu.CompilerParams(use_tc_tiling_on_sc=False),
      out_type=jax.ShapeDtypeStruct((NC, ACC_ROWS, RHP), jnp.bfloat16),
      scratch_types=[
          pltpu.VMEM((GROUP, CHUNK), jnp.int32),
          pltpu.VMEM((GROUP, CHUNK), jnp.int32),
          pltpu.VMEM((GROUP, CHUNK, RHP), jnp.bfloat16),
          pltpu.VMEM((GROUP, CHUNK), jnp.int32),
          pltpu.VMEM((GROUP, CHUNK), jnp.int32),
          pltpu.VMEM((GROUP, CHUNK, RHP), jnp.bfloat16),
          pltpu.VMEM_SHARED((ACC_ROWS, RHP), jnp.bfloat16),
          pltpu.SemaphoreType.DMA,
          pltpu.SemaphoreType.DMA,
          pltpu.SemaphoreType.DMA,
          pltpu.SemaphoreType.DMA,
      ],
  )
  def k(src_hbm, dst_hbm, y0_hbm, y1_hbm, z_hbm, out_hbm,
        sidxA, didxA, rowsA, sidxB, didxB, rowsB, acc,
        semA, semB, semSA, semSB):
    c = lax.axis_index("c")
    s = lax.axis_index("s")

    pltpu.sync_copy(z_hbm, acc.at[pl.ds(s * SLAB, SLAB)])
    plsc.subcore_barrier()

    base = s * ROWS_PER_TILE

    def run(y_hbm):
      def load_fire(g, sidx, didx, rows, sem):
        r0 = base + g * GROUP
        pltpu.sync_copy(src_hbm.at[pl.ds(r0, GROUP)], sidx)
        pltpu.sync_copy(dst_hbm.at[pl.ds(r0, GROUP)], didx)
        for j in range(GROUP):
          pltpu.async_copy(y_hbm.at[sidx.at[j]], rows.at[j], sem)

      def drain_gathers(sidx, rows, sem):
        for j in range(GROUP):
          pltpu.make_async_copy(y_hbm.at[sidx.at[j]], rows.at[j], sem).wait()

      def fire_scatters(didx, rows, sem):
        for j in range(GROUP):
          pltpu.async_copy(rows.at[j], acc.at[didx.at[j]], sem, add=True)

      def drain_scatters(didx, rows, sem):
        for j in range(GROUP):
          pltpu.make_async_copy(rows.at[j], acc.at[didx.at[j]], sem).wait()

      load_fire(0, sidxA, didxA, rowsA, semA)

      def body(i, carry):
        g = i * 2

        @pl.when(g > 0)
        def _():
          drain_scatters(didxB, rowsB, semSB)

        load_fire(g + 1, sidxB, didxB, rowsB, semB)
        drain_gathers(sidxA, rowsA, semA)
        fire_scatters(didxA, rowsA, semSA)
        drain_scatters(didxA, rowsA, semSA)

        @pl.when(g + 2 < GROUPS)
        def _():
          load_fire(g + 2, sidxA, didxA, rowsA, semA)

        drain_gathers(sidxB, rowsB, semB)
        fire_scatters(didxB, rowsB, semSB)
        return carry

      lax.fori_loop(0, GROUPS // 2, body, 0)
      drain_scatters(didxB, rowsB, semSB)

    @pl.when(c == 0)
    def _():
      run(y0_hbm)

    @pl.when(c == 1)
    def _():
      run(y1_hbm)

    plsc.subcore_barrier()

    pltpu.sync_copy(acc.at[pl.ds(s * SLAB, SLAB)],
                    out_hbm.at[c, pl.ds(s * SLAB, SLAB)])

  return k(src2d, dst2d, y0, y1, zrows)


def _mm_rule(x4_ref, w0_ref, w1_ref, o0_ref, o1_ref):
  x4 = x4_ref[...]
  o0_ref[...] = jnp.dot(
      x4, w0_ref[...], preferred_element_type=jnp.float32).astype(jnp.bfloat16)
  o1_ref[...] = jnp.dot(
      x4, w1_ref[...], preferred_element_type=jnp.float32).astype(jnp.bfloat16)


def _fused_body(y0_ref, y1_ref, a0_ref, a1_ref, gid_ref, br0_ref, br1_ref,
                wc4_ref, bc4_ref,
                w1_ref, b1_ref, w2_ref, b2_ref, w3_ref, b3_ref,
                w6_ref, b6_ref, w7_ref, b7_ref, ph_ref, o_ref, pooled):
  i = pl.program_id(0)
  h0 = jnp.maximum(
      y0_ref[...].astype(jnp.float32) + a0_ref[0].astype(jnp.float32)
      + br0_ref[...], 0.0)
  h1 = jnp.maximum(
      y1_ref[...].astype(jnp.float32) + a1_ref[0].astype(jnp.float32)
      + br1_ref[...], 0.0)
  validr = (i * BP + lax.broadcasted_iota(jnp.int32, (BP, 1), 0)) < NPV
  hc = jnp.where(validr, jnp.concatenate([h0, h1], axis=1), 0.0)
  gq = jnp.dot(hc.astype(jnp.bfloat16), wc4_ref[...],
               preferred_element_type=jnp.float32)
  gq = jnp.maximum(gq + bc4_ref[...], 0.0).astype(jnp.bfloat16)
  validc = (i * BP + lax.broadcasted_iota(jnp.int32, (B, BP), 1)) < NPV
  biota = lax.broadcasted_iota(jnp.int32, (B, BP), 0)
  part = jnp.zeros((B, C), jnp.float32)
  for a in range(4):
    oh = jnp.where((gid_ref[0, a, :][None, :] == biota) & validc,
                   1.0, 0.0).astype(jnp.bfloat16)
    part += jnp.dot(oh, gq[:, C * a:C * (a + 1)],
                    preferred_element_type=jnp.float32)

  @pl.when(i == 0)
  def _():
    pooled[...] = jnp.zeros_like(pooled)

  pooled[...] += part

  @pl.when(i == pl.num_programs(0) - 1)
  def _():
    p = pooled[...]
    d1 = jax.nn.sigmoid(
        jnp.dot(p, w1_ref[...], preferred_element_type=jnp.float32)
        + b1_ref[...])
    d2 = jax.nn.sigmoid(
        jnp.dot(d1, w2_ref[...], preferred_element_type=jnp.float32)
        + b2_ref[...])
    z3 = (jnp.dot(d2, w3_ref[...], preferred_element_type=jnp.float32)
          + b3_ref[...])
    d3 = jax.nn.softmax(z3, axis=-1)
    mv = jnp.maximum(
        jnp.dot(d3, w6_ref[...], preferred_element_type=jnp.float32)
        + b6_ref[...], 0.0)
    merged = (mv * w7_ref[0:1, :]
              + jnp.dot(ph_ref[...], w7_ref[1:16, :],
                        preferred_element_type=jnp.float32)
              + b7_ref[...])
    o_ref[...] = jnp.maximum(merged, 0.0)


def kernel(x, edge_index, graph_ids, physics_info, W_rule, b_rule,
           W_conv, b_conv, W1, b1, W2, b2, W3, b3, W6, b6, W7, b7):
  x4 = x.reshape(NPV, 4 * F)
  eye4 = jnp.eye(4, dtype=jnp.float32)
  W40 = jnp.kron(eye4, jnp.pad(W_rule[:, :RH], ((0, 0), (0, RHP - RH))))
  W41 = jnp.kron(eye4, jnp.pad(W_rule[:, RH:], ((0, 0), (0, RHP - RH))))
  BP1 = BN1 // 4
  y0p, y1p = pl.pallas_call(
      _mm_rule,
      grid=(GSTEPS1,),
      in_specs=[
          pl.BlockSpec((BP1, 4 * F), lambda i: (i, 0)),
          pl.BlockSpec((4 * F, 128), lambda i: (0, 0)),
          pl.BlockSpec((4 * F, 128), lambda i: (0, 0)),
      ],
      out_specs=[pl.BlockSpec((BP1, 128), lambda i: (i, 0)),
                 pl.BlockSpec((BP1, 128), lambda i: (i, 0))],
      out_shape=[jax.ShapeDtypeStruct((NP, 128), jnp.bfloat16),
                 jax.ShapeDtypeStruct((NP, 128), jnp.bfloat16)],
  )(x4, W40, W41)
  y0 = y0p.reshape(NP * 4, RHP)
  y1 = y1p.reshape(NP * 4, RHP)

  src_p = edge_index[0].reshape(-1, CHUNK)
  dst_p = edge_index[1].reshape(-1, CHUNK)
  zrows = jnp.zeros((SLAB, RHP), jnp.bfloat16)
  agg = _sc_segment_sum(src_p, dst_p, y0, y1, zrows)

  aggp = agg.reshape(NC, AP, 128)
  gid4 = jnp.pad(graph_ids, (0, GSTEPS * BN - N)).reshape(
      GSTEPS, BP, 4).transpose(0, 2, 1)
  br0 = jnp.tile(jnp.pad(b_rule[:RH], (0, RHP - RH)), 4).reshape(1, 128)
  br1 = jnp.tile(jnp.pad(b_rule[RH:], (0, RHP - RH)), 4).reshape(1, 128)
  wc4 = jnp.concatenate(
      [jnp.kron(eye4, jnp.pad(W_conv[:RH], ((0, RHP - RH), (0, 0)))),
       jnp.kron(eye4, jnp.pad(W_conv[RH:], ((0, RHP - RH), (0, 0))))],
      axis=0).astype(jnp.bfloat16)
  bc4 = jnp.tile(b_conv, 4).reshape(1, 4 * C)
  out = pl.pallas_call(
      _fused_body,
      grid=(GSTEPS,),
      in_specs=[
          pl.BlockSpec((BP, 128), lambda i: (i, 0)),
          pl.BlockSpec((BP, 128), lambda i: (i, 0)),
          pl.BlockSpec((1, BP, 128), lambda i: (0, i, 0)),
          pl.BlockSpec((1, BP, 128), lambda i: (1, i, 0)),
          pl.BlockSpec((1, 4, BP), lambda i: (i, 0, 0)),
          pl.BlockSpec((1, 128), lambda i: (0, 0)),
          pl.BlockSpec((1, 128), lambda i: (0, 0)),
          pl.BlockSpec((2 * 4 * RHP, 4 * C), lambda i: (0, 0)),
          pl.BlockSpec((1, 4 * C), lambda i: (0, 0)),
          pl.BlockSpec((C, 300), lambda i: (0, 0)),
          pl.BlockSpec((1, 300), lambda i: (0, 0)),
          pl.BlockSpec((300, 100), lambda i: (0, 0)),
          pl.BlockSpec((1, 100), lambda i: (0, 0)),
          pl.BlockSpec((100, 20), lambda i: (0, 0)),
          pl.BlockSpec((1, 20), lambda i: (0, 0)),
          pl.BlockSpec((20, 1), lambda i: (0, 0)),
          pl.BlockSpec((1, 1), lambda i: (0, 0)),
          pl.BlockSpec((16, 1), lambda i: (0, 0)),
          pl.BlockSpec((1, 1), lambda i: (0, 0)),
          pl.BlockSpec((B, 15), lambda i: (0, 0)),
      ],
      out_specs=pl.BlockSpec((B, 1), lambda i: (0, 0)),
      out_shape=jax.ShapeDtypeStruct((B, 1), jnp.float32),
      scratch_shapes=[pltpu.VMEM((B, C), jnp.float32)],
  )(y0p, y1p, aggp, aggp, gid4, br0, br1, wc4, bc4,
    W1, b1.reshape(1, 300), W2, b2.reshape(1, 100),
    W3, b3.reshape(1, 20), W6, b6.reshape(1, 1), W7, b7.reshape(1, 1),
    physics_info)
  return out

# --- scband reference (transcript-rebuilt; emitter-appended) ---
"""Pipeline reference for scband-pggcnmodel-10969346474671 (READ-ONLY COPY).

The authoritative reference and input builder live on the scoring server;
editing this copy changes nothing except your own understanding.
"""

import jax, jax.numpy as jnp
import numpy as np

N = 50000
E = 800000
B = 64
F = 80
R = 40
C = 1024


def setup_inputs(seed: int = 0) -> dict:
    key = jax.random.key(seed)
    ks = jax.random.split(key, 20)
    x = jax.random.normal(ks[0], (N, F), dtype=jnp.float32)
    edge_index = jax.random.randint(ks[1], (2, E), 0, N, dtype=jnp.int32)
    graph_ids = jnp.sort(jax.random.randint(ks[2], (N,), 0, B, dtype=jnp.int32))
    physics_info = jax.random.uniform(ks[3], (B, 15), dtype=jnp.float32)
    W_rule = jax.random.normal(ks[4], (F, R), dtype=jnp.float32) * 0.05
    b_rule = jnp.zeros((R,), dtype=jnp.float32)
    W_conv = jax.random.normal(ks[5], (R, C), dtype=jnp.float32) * 0.05
    b_conv = jnp.zeros((C,), dtype=jnp.float32)
    W1 = jax.random.normal(ks[6], (C, 300), dtype=jnp.float32) * 0.05
    b1 = jnp.zeros((300,), dtype=jnp.float32)
    W2 = jax.random.normal(ks[7], (300, 100), dtype=jnp.float32) * 0.05
    b2 = jnp.zeros((100,), dtype=jnp.float32)
    W3 = jax.random.normal(ks[8], (100, 20), dtype=jnp.float32) * 0.05
    b3 = jnp.zeros((20,), dtype=jnp.float32)
    W6 = jax.random.normal(ks[9], (20, 1), dtype=jnp.float32) * 0.05
    b6 = jnp.zeros((1,), dtype=jnp.float32)
    W7 = jnp.array([0.5, -1, -1, 1, 1, 1, 1, 1, -1, -1, -1, -1, -1, -1, -1, -1], dtype=jnp.float32).reshape(16, 1)
    b7 = jnp.zeros((1,), dtype=jnp.float32)
    return {"x": x, "edge_index": edge_index, "graph_ids": graph_ids, "physics_info": physics_info,
            "W_rule": W_rule, "b_rule": b_rule, "W_conv": W_conv, "b_conv": b_conv,
            "W1": W1, "b1": b1, "W2": W2, "b2": b2, "W3": W3, "b3": b3,
            "W6": W6, "b6": b6, "W7": W7, "b7": b7}


def reference(x, edge_index, graph_ids, physics_info, W_rule, b_rule, W_conv, b_conv,
              W1, b1, W2, b2, W3, b3, W6, b6, W7, b7):
    # RuleGraphConvLayer: gather neighbor features along edges, scatter-add to dst,
    # combine with self features, project to r_out_channel.
    src = edge_index[0]
    dst = edge_index[1]
    msg = jnp.take(x, src, axis=0)
    agg = jax.ops.segment_sum(msg, dst, num_segments=N)
    h = jax.nn.relu((x + agg) @ W_rule + b_rule)
    # ConvLayer: per-node projection to c_out_channel then graph-level pooling
    g = jax.nn.relu(h @ W_conv + b_conv)
    pooled = jax.ops.segment_sum(g, graph_ids, num_segments=B)
    # dense head
    d1 = jax.nn.sigmoid(pooled @ W1 + b1)
    d2 = jax.nn.sigmoid(d1 @ W2 + b2)
    d3 = jax.nn.softmax(d2 @ W3 + b3, axis=-1)
    model_var = jax.nn.relu(d3 @ W6 + b6)
    merged = jnp.concatenate([model_var, physics_info], axis=1)
    out = jax.nn.relu(merged @ W7 + b7)
    return out

if __name__ == "__main__":
    import jax
    _d = setup_inputs()
    print(jax.jit(kernel)(*tuple(_d.values())))

</pallas_src>

<mosaic_0001>
#map = affine_map<(d0, d1) -> (0, 0)>
#map1 = affine_map<(d0, d1) -> (0, 0, 0)>
module attributes {stable_mosaic.version = 14 : i64} {
  func.func @k(%arg0: i32, %arg1: i32, %arg2: memref<6400x125xi32, #tpu.memory_space<hbm>>, %arg3: memref<6400x125xi32, #tpu.memory_space<hbm>>, %arg4: memref<50048x32xbf16, #tpu.memory_space<hbm>>, %arg5: memref<50048x32xbf16, #tpu.memory_space<hbm>>, %arg6: memref<3136x32xbf16, #tpu.memory_space<hbm>>, %arg7: memref<2x50176x32xbf16, #tpu.memory_space<hbm>>, %arg8: memref<8x125xi32, #tpu.memory_space<vmem>>, %arg9: memref<8x125xi32, #tpu.memory_space<vmem>>, %arg10: memref<8x125x32xbf16, #tpu.memory_space<vmem>>, %arg11: memref<8x125xi32, #tpu.memory_space<vmem>>, %arg12: memref<8x125xi32, #tpu.memory_space<vmem>>, %arg13: memref<8x125x32xbf16, #tpu.memory_space<vmem>>, %arg14: memref<50176x32xbf16, #tpu.memory_space<vmem_shared>>, %arg15: memref<!tpu.dma_semaphore, #tpu.memory_space<semaphore_mem>>, %arg16: memref<!tpu.dma_semaphore, #tpu.memory_space<semaphore_mem>>, %arg17: memref<!tpu.dma_semaphore, #tpu.memory_space<semaphore_mem>>, %arg18: memref<!tpu.dma_semaphore, #tpu.memory_space<semaphore_mem>>) attributes {dimension_semantics = [#tpu.dimension_semantics<core_parallel>, #tpu.dimension_semantics<subcore_parallel>], iteration_bounds = array<i64: 2, 16>, scalar_prefetch = 0 : i64, scratch_operands = 11 : i64, tpu.core_type = #tpu.core_type<sc_vector_subcore>, window_params = [{transform_indices = #map}, {transform_indices = #map}, {transform_indices = #map}, {transform_indices = #map}, {transform_indices = #map}, {transform_indices = #map1}]} {
    %mul3A = arith.constant 3136 : i32
    %mul3A_0 = arith.muli %arg1, %mul3A : i32
    "tpu.region"() ({
      %run_scoped3A = tpu.sem_alloc : memref<!tpu.dma_semaphore, #tpu.memory_space<semaphore_mem>>
      %dma_start3A = arith.constant 0 : i32
      %dma_start3A_15 = tpu.memref_slice %arg14[%mul3A_0, %dma_start3A] : memref<50176x32xbf16, #tpu.memory_space<vmem_shared>> -> memref<3136x32xbf16, #tpu.memory_space<vmem_shared>>
      tpu.enqueue_dma source(%arg6 : memref<3136x32xbf16, #tpu.memory_space<hbm>>) target(%dma_start3A_15 : memref<3136x32xbf16, #tpu.memory_space<vmem_shared>>) target_semaphore(%run_scoped3A : memref<!tpu.dma_semaphore, #tpu.memory_space<semaphore_mem>>)
      %dma_wait3A = arith.constant 0 : i32
      %dma_wait3A_16 = tpu.memref_slice %arg14[%mul3A_0, %dma_wait3A] : memref<50176x32xbf16, #tpu.memory_space<vmem_shared>> -> memref<3136x32xbf16, #tpu.memory_space<vmem_shared>>
      tpu.wait_dma2 semaphore(%run_scoped3A : memref<!tpu.dma_semaphore, #tpu.memory_space<semaphore_mem>>) src(%arg6 : memref<3136x32xbf16, #tpu.memory_space<hbm>>) dst(%dma_wait3A_16 : memref<3136x32xbf16, #tpu.memory_space<vmem_shared>>)
      tpu.yield
    }) : () -> ()
    %barrier3A = arith.constant 0 : index
    tpu.barrier barrier_id(%barrier3A)
    %mul3A_1 = arith.constant 400 : i32
    %mul3A_2 = arith.muli %arg1, %mul3A_1 : i32
    %eq3A = arith.constant 0 : i32
    %eq3A_3 = arith.cmpi eq, %arg0, %eq3A : i32
    %convert_element_type3A = arith.extui %eq3A_3 : i1 to i32
    %cond3A = arith.constant 0 : i32
    %cond3A_4 = arith.cmpi ne, %convert_element_type3A, %cond3A : i32
    scf.if %cond3A_4 {
      %add3A = arith.constant 0 : i32
      %add3A_15 = arith.addi %mul3A_2, %add3A : i32
      "tpu.region"() ({
        %run_scoped3A = tpu.sem_alloc : memref<!tpu.dma_semaphore, #tpu.memory_space<semaphore_mem>>
        %dma_start3A_211 = arith.constant 0 : i32
        %dma_start3A_212 = tpu.memref_slice %arg2[%add3A_15, %dma_start3A_211] : memref<6400x125xi32, #tpu.memory_space<hbm>> -> memref<8x125xi32, #tpu.memory_space<hbm>>
        %dma_start3A_213 = arith.constant 0 : i32
        %dma_start3A_214 = tpu.memref_slice %arg2[%add3A_15, %dma_start3A_213] : memref<6400x125xi32, #tpu.memory_space<hbm>> -> memref<8x125xi32, #tpu.memory_space<hbm>>
        tpu.enqueue_dma source(%dma_start3A_214 : memref<8x125xi32, #tpu.memory_space<hbm>>) target(%arg8 : memref<8x125xi32, #tpu.memory_space<vmem>>) target_semaphore(%run_scoped3A : memref<!tpu.dma_semaphore, #tpu.memory_space<semaphore_mem>>)
        %dma_wait3A_215 = arith.constant 0 : i32
        %dma_wait3A_216 = tpu.memref_slice %arg2[%add3A_15, %dma_wait3A_215] : memref<6400x125xi32, #tpu.memory_space<hbm>> -> memref<8x125xi32, #tpu.memory_space<hbm>>
        %dma_wait3A_217 = arith.constant 0 : i32
        %dma_wait3A_218 = tpu.memref_slice %arg2[%add3A_15, %dma_wait3A_217] : memref<6400x125xi32, #tpu.memory_space<hbm>> -> memref<8x125xi32, #tpu.memory_space<hbm>>
        tpu.wait_dma2 semaphore(%run_scoped3A : memref<!tpu.dma_semaphore, #tpu.memory_space<semaphore_mem>>) src(%dma_wait3A_218 : memref<8x125xi32, #tpu.memory_space<hbm>>) dst(%arg8 : memref<8x125xi32, #tpu.memory_space<vmem>>)
        tpu.yield
      }) : () -> ()
      "tpu.region"() ({
        %run_scoped3A = tpu.sem_alloc : memref<!tpu.dma_semaphore, #tpu.memory_space<semaphore_mem>>
        %dma_start3A_211 = arith.constant 0 : i32
        %dma_start3A_212 = tpu.memref_slice %arg3[%add3A_15, %dma_start3A_211] : memref<6400x125xi32, #tpu.memory_space<hbm>> -> memref<8x125xi32, #tpu.memory_space<hbm>>
        %dma_start3A_213 = arith.constant 0 : i32
        %dma_start3A_214 = tpu.memref_slice %arg3[%add3A_15, %dma_start3A_213] : memref<6400x125xi32, #tpu.memory_space<hbm>> -> memref<8x125xi32, #tpu.memory_space<hbm>>
        tpu.enqueue_dma source(%dma_start3A_214 : memref<8x125xi32, #tpu.memory_space<hbm>>) target(%arg9 : memref<8x125xi32, #tpu.memory_space<vmem>>) target_semaphore(%run_scoped3A : memref<!tpu.dma_semaphore, #tpu.memory_space<semaphore_mem>>)
        %dma_wait3A_215 = arith.constant 0 : i32
        %dma_wait3A_216 = tpu.memref_slice %arg3[%add3A_15, %dma_wait3A_215] : memref<6400x125xi32, #tpu.memory_space<hbm>> -> memref<8x125xi32, #tpu.memory_space<hbm>>
        %dma_wait3A_217 = arith.constant 0 : i32
        %dma_wait3A_218 = tpu.memref_slice %arg3[%add3A_15, %dma_wait3A_217] : memref<6400x125xi32, #tpu.memory_space<hbm>> -> memref<8x125xi32, #tpu.memory_space<hbm>>
        tpu.wait_dma2 semaphore(%run_scoped3A : memref<!tpu.dma_semaphore, #tpu.memory_space<semaphore_mem>>) src(%dma_wait3A_218 : memref<8x125xi32, #tpu.memory_space<hbm>>) dst(%arg9 : memref<8x125xi32, #tpu.memory_space<vmem>>)
        tpu.yield
      }) : () -> ()
      %dma_start3A = arith.constant 0 : i32
      %dma_start3A_16 = arith.constant 0 : i32
      %dma_start3A_17 = arith.constant 0 : i32
      %dma_start3A_18 = arith.constant 0 : i32
      %dma_start3A_19 = tpu.memref_slice %arg10[%dma_start3A_16, %dma_start3A_17, %dma_start3A_18] : memref<8x125x32xbf16, #tpu.memory_space<vmem>> -> memref<1x125x32xbf16, #tpu.memory_space<vmem>>
      %dma_start3A_20 = tpu.memref_squeeze %dma_start3A_19 : memref<1x125x32xbf16, #tpu.memory_space<vmem>> -> memref<125x32xbf16, #tpu.memory_space<vmem>>
      %dma_start3A_21 = arith.constant 0 : i32
      %dma_start3A_22 = tpu.memref_slice %arg8[%dma_start3A, %dma_start3A_21] : memref<8x125xi32, #tpu.memory_space<vmem>> -> memref<1x125xi32, #tpu.memory_space<vmem>>
      %dma_start3A_23 = tpu.memref_squeeze %dma_start3A_22 : memref<1x125xi32, #tpu.memory_space<vmem>> -> memref<125xi32, #tpu.memory_space<vmem>>
      %dma_start3A_24 = arith.constant 0 : i32
      %dma_start3A_25 = arith.constant 0 : i32
      %dma_start3A_26 = tpu.memref_slice %arg4[%dma_start3A_24, %dma_start3A_25] : memref<50048x32xbf16, #tpu.memory_space<hbm>> -> memref<50048x32xbf16, #tpu.memory_space<hbm>>
      tpu.enqueue_indirect_dma source(%dma_start3A_26 : memref<50048x32xbf16, #tpu.memory_space<hbm>>) target(%dma_start3A_20 : memref<125x32xbf16, #tpu.memory_space<vmem>>) offsets(%dma_start3A_23 : memref<125xi32, #tpu.memory_space<vmem>>) semaphore(%arg15 : memref<!tpu.dma_semaphore, #tpu.memory_space<semaphore_mem>>)
      %dma_start3A_27 = arith.constant 1 : i32
      %dma_start3A_28 = arith.constant 1 : i32
      %dma_start3A_29 = arith.constant 0 : i32
      %dma_start3A_30 = arith.constant 0 : i32
      %dma_start3A_31 = tpu.memref_slice %arg10[%dma_start3A_28, %dma_start3A_29, %dma_start3A_30] : memref<8x125x32xbf16, #tpu.memory_space<vmem>> -> memref<1x125x32xbf16, #tpu.memory_space<vmem>>
      %dma_start3A_32 = tpu.memref_squeeze %dma_start3A_31 : memref<1x125x32xbf16, #tpu.memory_space<vmem>> -> memref<125x32xbf16, #tpu.memory_space<vmem>>
      %dma_start3A_33 = arith.constant 0 : i32
      %dma_start3A_34 = tpu.memref_slice %arg8[%dma_start3A_27, %dma_start3A_33] : memref<8x125xi32, #tpu.memory_space<vmem>> -> memref<1x125xi32, #tpu.memory_space<vmem>>
      %dma_start3A_35 = tpu.memref_squeeze %dma_start3A_34 : memref<1x125xi32, #tpu.memory_space<vmem>> -> memref<125xi32, #tpu.memory_space<vmem>>
      %dma_start3A_36 = arith.constant 0 : i32
      %dma_start3A_37 = arith.constant 0 : i32
      %dma_start3A_38 = tpu.memref_slice %arg4[%dma_start3A_36, %dma_start3A_37] : memref<50048x32xbf16, #tpu.memory_space<hbm>> -> memref<50048x32xbf16, #tpu.memory_space<hbm>>
      tpu.enqueue_indirect_dma source(%dma_start3A_38 : memref<50048x32xbf16, #tpu.memory_space<hbm>>) target(%dma_start3A_32 : memref<125x32xbf16, #tpu.memory_space<vmem>>) offsets(%dma_start3A_35 : memref<125xi32, #tpu.memory_space<vmem>>) semaphore(%arg15 : memref<!tpu.dma_semaphore, #tpu.memory_space<semaphore_mem>>)
      %dma_start3A_39 = arith.constant 2 : i32
      %dma_start3A_40 = arith.constant 2 : i32
      %dma_start3A_41 = arith.constant 0 : i32
      %dma_start3A_42 = arith.constant 0 : i32
      %dma_start3A_43 = tpu.memref_slice %arg10[%dma_start3A_40, %dma_start3A_41, %dma_start3A_42] : memref<8x125x32xbf16, #tpu.memory_space<vmem>> -> memref<1x125x32xbf16, #tpu.memory_space<vmem>>
      %dma_start3A_44 = tpu.memref_squeeze %dma_start3A_43 : memref<1x125x32xbf16, #tpu.memory_space<vmem>> -> memref<125x32xbf16, #tpu.memory_space<vmem>>
      %dma_start3A_45 = arith.constant 0 : i32
      %dma_start3A_46 = tpu.memref_slice %arg8[%dma_start3A_39, %dma_start3A_45] : memref<8x125xi32, #tpu.memory_space<vmem>> -> memref<1x125xi32, #tpu.memory_space<vmem>>
      %dma_start3A_47 = tpu.memref_squeeze %dma_start3A_46 : memref<1x125xi32, #tpu.memory_space<vmem>> -> memref<125xi32, #tpu.memory_space<vmem>>
      %dma_start3A_48 = arith.constant 0 : i32
      %dma_start3A_49 = arith.constant 0 : i32
      %dma_start3A_50 = tpu.memref_slice %arg4[%dma_start3A_48, %dma_start3A_49] : memref<50048x32xbf16, #tpu.memory_space<hbm>> -> memref<50048x32xbf16, #tpu.memory_space<hbm>>
      tpu.enqueue_indirect_dma source(%dma_start3A_50 : memref<50048x32xbf16, #tpu.memory_space<hbm>>) target(%dma_start3A_44 : memref<125x32xbf16, #tpu.memory_space<vmem>>) offsets(%dma_start3A_47 : memref<125xi32, #tpu.memory_space<vmem>>) semaphore(%arg15 : memref<!tpu.dma_semaphore, #tpu.memory_space<semaphore_mem>>)
      %dma_start3A_51 = arith.constant 3 : i32
      %dma_start3A_52 = arith.constant 3 : i32
      %dma_start3A_53 = arith.constant 0 : i32
      %dma_start3A_54 = arith.constant 0 : i32
      %dma_start3A_55 = tpu.memref_slice %arg10[%dma_start3A_52, %dma_start3A_53, %dma_start3A_54] : memref<8x125x32xbf16, #tpu.memory_space<vmem>> -> memref<1x125x32xbf16, #tpu.memory_space<vmem>>
      %dma_start3A_56 = tpu.memref_squeeze %dma_start3A_55 : memref<1x125x32xbf16, #tpu.memory_space<vmem>> -> memref<125x32xbf16, #tpu.memory_space<vmem>>
      %dma_start3A_57 = arith.constant 0 : i32
      %dma_start3A_58 = tpu.memref_slice %arg8[%dma_start3A_51, %dma_start3A_57] : memref<8x125xi32, #tpu.memory_space<vmem>> -> memref<1x125xi32, #tpu.memory_space<vmem>>
      %dma_start3A_59 = tpu.memref_squeeze %dma_start3A_58 : memref<1x125xi32, #tpu.memory_space<vmem>> -> memref<125xi32, #tpu.memory_space<vmem>>
      %dma_start3A_60 = arith.constant 0 : i32
      %dma_start3A_61 = arith.constant 0 : i32
      %dma_start3A_62 = tpu.memref_slice %arg4[%dma_start3A_60, %dma_start3A_61] : memref<50048x32xbf16, #tpu.memory_space<hbm>> -> memref<50048x32xbf16, #tpu.memory_space<hbm>>
      tpu.enqueue_indirect_dma source(%dma_start3A_62 : memref<50048x32xbf16, #tpu.memory_space<hbm>>) target(%dma_start3A_56 : memref<125x32xbf16, #tpu.memory_space<vmem>>) offsets(%dma_start3A_59 : memref<125xi32, #tpu.memory_space<vmem>>) semaphore(%arg15 : memref<!tpu.dma_semaphore, #tpu.memory_space<semaphore_mem>>)
      %dma_start3A_63 = arith.constant 4 : i32
      %dma_start3A_64 = arith.constant 4 : i32
      %dma_start3A_65 = arith.constant 0 : i32
      %dma_start3A_66 = arith.constant 0 : i32
      %dma_start3A_67 = tpu.memref_slice %arg10[%dma_start3A_64, %dma_start3A_65, %dma_start3A_66] : memref<8x125x32xbf16, #tpu.memory_space<vmem>> -> memref<1x125x32xbf16, #tpu.memory_space<vmem>>
      %dma_start3A_68 = tpu.memref_squeeze %dma_start3A_67 : memref<1x125x32xbf16, #tpu.memory_space<vmem>> -> memref<125x32xbf16, #tpu.memory_space<vmem>>
      %dma_start3A_69 = arith.constant 0 : i32
      %dma_start3A_70 = tpu.memref_slice %arg8[%dma_start3A_63, %dma_start3A_69] : memref<8x125xi32, #tpu.memory_space<vmem>> -> memref<1x125xi32, #tpu.memory_space<vmem>>
      %dma_start3A_71 = tpu.memref_squeeze %dma_start3A_70 : memref<1x125xi32, #tpu.memory_space<vmem>> -> memref<125xi32, #tpu.memory_space<vmem>>
      %dma_start3A_72 = arith.constant 0 : i32
      %dma_start3A_73 = arith.constant 0 : i32
      %dma_start3A_74 = tpu.memref_slice %arg4[%dma_start3A_72, %dma_start3A_73] : memref<50048x32xbf16, #tpu.memory_space<hbm>> -> memref<50048x32xbf16, #tpu.memory_space<hbm>>
      tpu.enqueue_indirect_dma source(%dma_start3A_74 : memref<50048x32xbf16, #tpu.memory_space<hbm>>) target(%dma_start3A_68 : memref<125x32xbf16, #tpu.memory_space<vmem>>) offsets(%dma_start3A_71 : memref<125xi32, #tpu.memory_space<vmem>>) semaphore(%arg15 : memref<!tpu.dma_semaphore, #tpu.memory_space<semaphore_mem>>)
      %dma_start3A_75 = arith.constant 5 : i32
      %dma_start3A_76 = arith.constant 5 : i32
      %dma_start3A_77 = arith.constant 0 : i32
      %dma_start3A_78 = arith.constant 0 : i32
      %dma_start3A_79 = tpu.memref_slice %arg10[%dma_start3A_76, %dma_start3A_77, %dma_start3A_78] : memref<8x125x32xbf16, #tpu.memory_space<vmem>> -> memref<1x125x32xbf16, #tpu.memory_space<vmem>>
      %dma_start3A_80 = tpu.memref_squeeze %dma_start3A_79 : memref<1x125x32xbf16, #tpu.memory_space<vmem>> -> memref<125x32xbf16, #tpu.memory_space<vmem>>
      %dma_start3A_81 = arith.constant 0 : i32
      %dma_start3A_82 = tpu.memref_slice %arg8[%dma_start3A_75, %dma_start3A_81] : memref<8x125xi32, #tpu.memory_space<vmem>> -> memref<1x125xi32, #tpu.memory_space<vmem>>
      %dma_start3A_83 = tpu.memref_squeeze %dma_start3A_82 : memref<1x125xi32, #tpu.memory_space<vmem>> -> memref<125xi32, #tpu.memory_space<vmem>>
      %dma_start3A_84 = arith.constant 0 : i32
      %dma_start3A_85 = arith.constant 0 : i32
      %dma_start3A_86 = tpu.memref_slice %arg4[%dma_start3A_84, %dma_start3A_85] : memref<50048x32xbf16, #tpu.memory_space<hbm>> -> memref<50048x32xbf16, #tpu.memory_space<hbm>>
      tpu.enqueue_indirect_dma source(%dma_start3A_86 : memref<50048x32xbf16, #tpu.memory_space<hbm>>) target(%dma_start3A_80 : memref<125x32xbf16, #tpu.memory_space<vmem>>) offsets(%dma_start3A_83 : memref<125xi32, #tpu.memory_space<vmem>>) semaphore(%arg15 : memref<!tpu.dma_semaphore, #tpu.memory_space<semaphore_mem>>)
      %dma_start3A_87 = arith.constant 6 : i32
      %dma_start3A_88 = arith.constant 6 : i32
      %dma_start3A_89 = arith.constant 0 : i32
      %dma_start3A_90 = arith.constant 0 : i32
      %dma_start3A_91 = tpu.memref_slice %arg10[%dma_start3A_88, %dma_start3A_89, %dma_start3A_90] : memref<8x125x32xbf16, #tpu.memory_space<vmem>> -> memref<1x125x32xbf16, #tpu.memory_space<vmem>>
      %dma_start3A_92 = tpu.memref_squeeze %dma_start3A_91 : memref<1x125x32xbf16, #tpu.memory_space<vmem>> -> memref<125x32xbf16, #tpu.memory_space<vmem>>
      %dma_start3A_93 = arith.constant 0 : i32
      %dma_start3A_94 = tpu.memref_slice %arg8[%dma_start3A_87, %dma_start3A_93] : memref<8x125xi32, #tpu.memory_space<vmem>> -> memref<1x125xi32, #tpu.memory_space<vmem>>
      %dma_start3A_95 = tpu.memref_squeeze %dma_start3A_94 : memref<1x125xi32, #tpu.memory_space<vmem>> -> memref<125xi32, #tpu.memory_space<vmem>>
      %dma_start3A_96 = arith.constant 0 : i32
      %dma_start3A_97 = arith.constant 0 : i32
      %dma_start3A_98 = tpu.memref_slice %arg4[%dma_start3A_96, %dma_start3A_97] : memref<50048x32xbf16, #tpu.memory_space<hbm>> -> memref<50048x32xbf16, #tpu.memory_space<hbm>>
      tpu.enqueue_indirect_dma source(%dma_start3A_98 : memref<50048x32xbf16, #tpu.memory_space<hbm>>) target(%dma_start3A_92 : memref<125x32xbf16, #tpu.memory_space<vmem>>) offsets(%dma_start3A_95 : memref<125xi32, #tpu.memory_space<vmem>>) semaphore(%arg15 : memref<!tpu.dma_semaphore, #tpu.memory_space<semaphore_mem>>)
      %dma_start3A_99 = arith.constant 7 : i32
      %dma_start3A_100 = arith.constant 7 : i32
      %dma_start3A_101 = arith.constant 0 : i32
      %dma_start3A_102 = arith.constant 0 : i32
      %dma_start3A_103 = tpu.memref_slice %arg10[%dma_start3A_100, %dma_start3A_101, %dma_start3A_102] : memref<8x125x32xbf16, #tpu.memory_space<vmem>> -> memref<1x125x32xbf16, #tpu.memory_space<vmem>>
      %dma_start3A_104 = tpu.memref_squeeze %dma_start3A_103 : memref<1x125x32xbf16, #tpu.memory_space<vmem>> -> memref<125x32xbf16, #tpu.memory_space<vmem>>
      %dma_start3A_105 = arith.constant 0 : i32
      %dma_start3A_106 = tpu.memref_slice %arg8[%dma_start3A_99, %dma_start3A_105] : memref<8x125xi32, #tpu.memory_space<vmem>> -> memref<1x125xi32, #tpu.memory_space<vmem>>
      %dma_start3A_107 = tpu.memref_squeeze %dma_start3A_106 : memref<1x125xi32, #tpu.memory_space<vmem>> -> memref<125xi32, #tpu.memory_space<vmem>>
      %dma_start3A_108 = arith.constant 0 : i32
      %dma_start3A_109 = arith.constant 0 : i32
      %dma_start3A_110 = tpu.memref_slice %arg4[%dma_start3A_108, %dma_start3A_109] : memref<50048x32xbf16, #tpu.memory_space<hbm>> -> memref<50048x32xbf16, #tpu.memory_space<hbm>>
      tpu.enqueue_indirect_dma source(%dma_start3A_110 : memref<50048x32xbf16, #tpu.memory_space<hbm>>) target(%dma_start3A_104 : memref<125x32xbf16, #tpu.memory_space<vmem>>) offsets(%dma_start3A_107 : memref<125xi32, #tpu.memory_space<vmem>>) semaphore(%arg15 : memref<!tpu.dma_semaphore, #tpu.memory_space<semaphore_mem>>)
      %scan3A = arith.constant 0 : i32
      %scan3A_111 = arith.constant 0 : i32
      %scan3A_112 = arith.constant 25 : i32
      %scan3A_113 = arith.addi %scan3A_111, %scan3A_112 : i32
      %scan3A_114 = arith.constant 1 : i32
      scf.for %scan3A_211 = %scan3A_111 to %scan3A_113 step %scan3A_114  : i32 {
        %mul3A_212 = arith.constant 2 : i32
        %mul3A_213 = arith.muli %scan3A_211, %mul3A_212 : i32
        %gt3A = arith.constant 0 : i32
        %gt3A_214 = arith.cmpi sgt, %mul3A_213, %gt3A : i32
        %convert_element_type3A_215 = arith.extui %gt3A_214 : i1 to i32
        %cond3A_216 = arith.constant 0 : i32
        %cond3A_217 = arith.cmpi ne, %convert_element_type3A_215, %cond3A_216 : i32
        scf.if %cond3A_217 {
          %dma_wait3A_805 = arith.constant 0 : i32
          %dma_wait3A_806 = arith.constant 0 : i32
          %dma_wait3A_807 = arith.constant 0 : i32
          %dma_wait3A_808 = arith.constant 0 : i32
          %dma_wait3A_809 = tpu.memref_slice %arg13[%dma_wait3A_805, %dma_wait3A_807, %dma_wait3A_808] : memref<8x125x32xbf16, #tpu.memory_space<vmem>> -> memref<1x125x32xbf16, #tpu.memory_space<vmem>>
          %dma_wait3A_810 = tpu.memref_squeeze %dma_wait3A_809 : memref<1x125x32xbf16, #tpu.memory_space<vmem>> -> memref<125x32xbf16, #tpu.memory_space<vmem>>
          %dma_wait3A_811 = arith.constant 0 : i32
          %dma_wait3A_812 = tpu.memref_slice %arg12[%dma_wait3A_806, %dma_wait3A_811] : memref<8x125xi32, #tpu.memory_space<vmem>> -> memref<1x125xi32, #tpu.memory_space<vmem>>
          %dma_wait3A_813 = tpu.memref_squeeze %dma_wait3A_812 : memref<1x125xi32, #tpu.memory_space<vmem>> -> memref<125xi32, #tpu.memory_space<vmem>>
          %dma_wait3A_814 = arith.constant 0 : i32
          %dma_wait3A_815 = arith.constant 0 : i32
          %dma_wait3A_816 = tpu.memref_slice %arg14[%dma_wait3A_814, %dma_wait3A_815] : memref<50176x32xbf16, #tpu.memory_space<vmem_shared>> -> memref<50176x32xbf16, #tpu.memory_space<vmem_shared>>
          tpu.wait_indirect_dma semaphore(%arg18 : memref<!tpu.dma_semaphore, #tpu.memory_space<semaphore_mem>>) src(%dma_wait3A_810 : memref<125x32xbf16, #tpu.memory_space<vmem>>) dst(%dma_wait3A_816 : memref<50176x32xbf16, #tpu.memory_space<vmem_shared>>)
          %dma_wait3A_817 = arith.constant 1 : i32
          %dma_wait3A_818 = arith.constant 1 : i32
          %dma_wait3A_819 = arith.constant 0 : i32
          %dma_wait3A_820 = arith.constant 0 : i32
          %dma_wait3A_821 = tpu.memref_slice %arg13[%dma_wait3A_817, %dma_wait3A_819, %dma_wait3A_820] : memref<8x125x32xbf16, #tpu.memory_space<vmem>> -> memref<1x125x32xbf16, #tpu.memory_space<vmem>>
          %dma_wait3A_822 = tpu.memref_squeeze %dma_wait3A_821 : memref<1x125x32xbf16, #tpu.memory_space<vmem>> -> memref<125x32xbf16, #tpu.memory_space<vmem>>
          %dma_wait3A_823 = arith.constant 0 : i32
          %dma_wait3A_824 = tpu.memref_slice %arg12[%dma_wait3A_818, %dma_wait3A_823] : memref<8x125xi32, #tpu.memory_space<vmem>> -> memref<1x125xi32, #tpu.memory_space<vmem>>
          %dma_wait3A_825 = tpu.memref_squeeze %dma_wait3A_824 : memref<1x125xi32, #tpu.memory_space<vmem>> -> memref<125xi32, #tpu.memory_space<vmem>>
          %dma_wait3A_826 = arith.constant 0 : i32
          %dma_wait3A_827 = arith.constant 0 : i32
          %dma_wait3A_828 = tpu.memref_slice %arg14[%dma_wait3A_826, %dma_wait3A_827] : memref<50176x32xbf16, #tpu.memory_space<vmem_shared>> -> memref<50176x32xbf16, #tpu.memory_space<vmem_shared>>
          tpu.wait_indirect_dma semaphore(%arg18 : memref<!tpu.dma_semaphore, #tpu.memory_space<semaphore_mem>>) src(%dma_wait3A_822 : memref<125x32xbf16, #tpu.memory_space<vmem>>) dst(%dma_wait3A_828 : memref<50176x32xbf16, #tpu.memory_space<vmem_shared>>)
          %dma_wait3A_829 = arith.constant 2 : i32
          %dma_wait3A_830 = arith.constant 2 : i32
          %dma_wait3A_831 = arith.constant 0 : i32
          %dma_wait3A_832 = arith.constant 0 : i32
          %dma_wait3A_833 = tpu.memref_slice %arg13[%dma_wait3A_829, %dma_wait3A_831, %dma_wait3A_832] : memref<8x125x32xbf16, #tpu.memory_space<vmem>> -> memref<1x125x32xbf16, #tpu.memory_space<vmem>>
          %dma_wait3A_834 = tpu.memref_squeeze %dma_wait3A_833 : memref<1x125x32xbf16, #tpu.memory_space<vmem>> -> memref<125x32xbf16, #tpu.memory_space<vmem>>
          %dma_wait3A_835 = arith.constant 0 : i32
          %dma_wait3A_836 = tpu.memref_slice %arg12[%dma_wait3A_830, %dma_wait3A_835] : memref<8x125xi32, #tpu.memory_space<vmem>> -> memref<1x125xi32, #tpu.memory_space<vmem>>
          %dma_wait3A_837 = tpu.memref_squeeze %dma_wait3A_836 : memref<1x125xi32, #tpu.memory_space<vmem>> -> memref<125xi32, #tpu.memory_space<vmem>>
          %dma_wait3A_838 = arith.constant 0 : i32
          %dma_wait3A_839 = arith.constant 0 : i32
          %dma_wait3A_840 = tpu.memref_slice %arg14[%dma_wait3A_838, %dma_wait3A_839] : memref<50176x32xbf16, #tpu.memory_space<vmem_shared>> -> memref<50176x32xbf16, #tpu.memory_space<vmem_shared>>
          tpu.wait_indirect_dma semaphore(%arg18 : memref<!tpu.dma_semaphore, #tpu.memory_space<semaphore_mem>>) src(%dma_wait3A_834 : memref<125x32xbf16, #tpu.memory_space<vmem>>) dst(%dma_wait3A_840 : memref<50176x32xbf16, #tpu.memory_space<vmem_shared>>)
          %dma_wait3A_841 = arith.constant 3 : i32
          %dma_wait3A_842 = arith.constant 3 : i32
          %dma_wait3A_843 = arith.constant 0 : i32
          %dma_wait3A_844 = arith.constant 0 : i32
          %dma_wait3A_845 = tpu.memref_slice %arg13[%dma_wait3A_841, %dma_wait3A_843, %dma_wait3A_844] : memref<8x125x32xbf16, #tpu.memory_space<vmem>> -> memref<1x125x32xbf16, #tpu.memory_space<vmem>>
          %dma_wait3A_846 = tpu.memref_squeeze %dma_wait3A_845 : memref<1x125x32xbf16, #tpu.memory_space<vmem>> -> memref<125x32xbf16, #tpu.memory_space<vmem>>
          %dma_wait3A_847 = arith.constant 0 : i32
          %dma_wait3A_848 = tpu.memref_slice %arg12[%dma_wait3A_842, %dma_wait3A_847] : memref<8x125xi32, #tpu.memory_space<vmem>> -> memref<1x125xi32, #tpu.memory_space<vmem>>
          %dma_wait3A_849 = tpu.memref_squeeze %dma_wait3A_848 : memref<1x125xi32, #tpu.memory_space<vmem>> -> memref<125xi32, #tpu.memory_space<vmem>>
          %dma_wait3A_850 = arith.constant 0 : i32
          %dma_wait3A_851 = arith.constant 0 : i32
          %dma_wait3A_852 = tpu.memref_slice %arg14[%dma_wait3A_850, %dma_wait3A_851] : memref<50176x32xbf16, #tpu.memory_space<vmem_shared>> -> memref<50176x32xbf16, #tpu.memory_space<vmem_shared>>
          tpu.wait_indirect_dma semaphore(%arg18 : memref<!tpu.dma_semaphore, #tpu.memory_space<semaphore_mem>>) src(%dma_wait3A_846 : memref<125x32xbf16, #tpu.memory_space<vmem>>) dst(%dma_wait3A_852 : memref<50176x32xbf16, #tpu.memory_space<vmem_shared>>)
          %dma_wait3A_853 = arith.constant 4 : i32
          %dma_wait3A_854 = arith.constant 4 : i32
          %dma_wait3A_855 = arith.constant 0 : i32
          %dma_wait3A_856 = arith.constant 0 : i32
          %dma_wait3A_857 = tpu.memref_slice %arg13[%dma_wait3A_853, %dma_wait3A_855, %dma_wait3A_856] : memref<8x125x32xbf16, #tpu.memory_space<vmem>> -> memref<1x125x32xbf16, #tpu.memory_space<vmem>>
          %dma_wait3A_858 = tpu.memref_squeeze %dma_wait3A_857 : memref<1x125x32xbf16, #tpu.memory_space<vmem>> -> memref<125x32xbf16, #tpu.memory_space<vmem>>
          %dma_wait3A_859 = arith.constant 0 : i32
          %dma_wait3A_860 = tpu.memref_slice %arg12[%dma_wait3A_854, %dma_wait3A_859] : memref<8x125xi32, #tpu.memory_space<vmem>> -> memref<1x125xi32, #tpu.memory_space<vmem>>
          %dma_wait3A_861 = tpu.memref_squeeze %dma_wait3A_860 : memref<1x125xi32, #tpu.memory_space<vmem>> -> memref<125xi32, #tpu.memory_space<vmem>>
          %dma_wait3A_862 = arith.constant 0 : i32
          %dma_wait3A_863 = arith.constant 0 : i32
          %dma_wait3A_864 = tpu.memref_slice %arg14[%dma_wait3A_862, %dma_wait3A_863] : memref<50176x32xbf16, #tpu.memory_space<vmem_shared>> -> memref<50176x32xbf16, #tpu.memory_space<vmem_shared>>
          tpu.wait_indirect_dma semaphore(%arg18 : memref<!tpu.dma_semaphore, #tpu.memory_space<semaphore_mem>>) src(%dma_wait3A_858 : memref<125x32xbf16, #tpu.memory_space<vmem>>) dst(%dma_wait3A_864 : memref<50176x32xbf16, #tpu.memory_space<vmem_shared>>)
          %dma_wait3A_865 = arith.constant 5 : i32
          %dma_wait3A_866 = arith.constant 5 : i32
          %dma_wait3A_867 = arith.constant 0 : i32
          %dma_wait3A_868 = arith.constant 0 : i32
          %dma_wait3A_869 = tpu.memref_slice %arg13[%dma_wait3A_865, %dma_wait3A_867, %dma_wait3A_868] : memref<8x125x32xbf16, #tpu.memory_space<vmem>> -> memref<1x125x32xbf16, #tpu.memory_space<vmem>>
          %dma_wait3A_870 = tpu.memref_squeeze %dma_wait3A_869 : memref<1x125x32xbf16, #tpu.memory_space<vmem>> -> memref<125x32xbf16, #tpu.memory_space<vmem>>
          %dma_wait3A_871 = arith.constant 0 : i32
          %dma_wait3A_872 = tpu.memref_slice %arg12[%dma_wait3A_866, %dma_wait3A_871] : memref<8x125xi32, #tpu.memory_space<vmem>> -> memref<1x125xi32, #tpu.memory_space<vmem>>
          %dma_wait3A_873 = tpu.memref_squeeze %dma_wait3A_872 : memref<1x125xi32, #tpu.memory_space<vmem>> -> memref<125xi32, #tpu.memory_space<vmem>>
          %dma_wait3A_874 = arith.constant 0 : i32
          %dma_wait3A_875 = arith.constant 0 : i32
          %dma_wait3A_876 = tpu.memref_slice %arg14[%dma_wait3A_874, %dma_wait3A_875] : memref<50176x32xbf16, #tpu.memory_space<vmem_shared>> -> memref<50176x32xbf16, #tpu.memory_space<vmem_shared>>
          tpu.wait_indirect_dma semaphore(%arg18 : memref<!tpu.dma_semaphore, #tpu.memory_space<semaphore_mem>>) src(%dma_wait3A_870 : memref<125x32xbf16, #tpu.memory_space<vmem>>) dst(%dma_wait3A_876 : memref<50176x32xbf16, #tpu.memory_space<vmem_shared>>)
          %dma_wait3A_877 = arith.constant 6 : i32
          %dma_wait3A_878 = arith.constant 6 : i32
          %dma_wait3A_879 = arith.constant 0 : i32
          %dma_wait3A_880 = arith.constant 0 : i32
          %dma_wait3A_881 = tpu.memref_slice %arg13[%dma_wait3A_877, %dma_wait3A_879, %dma_wait3A_880] : memref<8x125x32xbf16, #tpu.memory_space<vmem>> -> memref<1x125x32xbf16, #tpu.memory_space<vmem>>
          %dma_wait3A_882 = tpu.memref_squeeze %dma_wait3A_881 : memref<1x125x32xbf16, #tpu.memory_space<vmem>> -> memref<125x32xbf16, #tpu.memory_space<vmem>>
          %dma_wait3A_883 = arith.constant 0 : i32
          %dma_wait3A_884 = tpu.memref_slice %arg12[%dma_wait3A_878, %dma_wait3A_883] : memref<8x125xi32, #tpu.memory_space<vmem>> -> memref<1x125xi32, #tpu.memory_space<vmem>>
          %dma_wait3A_885 = tpu.memref_squeeze %dma_wait3A_884 : memref<1x125xi32, #tpu.memory_space<vmem>> -> memref<125xi32, #tpu.memory_space<vmem>>
          %dma_wait3A_886 = arith.constant 0 : i32
          %dma_wait3A_887 = arith.constant 0 : i32
          %dma_wait3A_888 = tpu.memref_slice %arg14[%dma_wait3A_886, %dma_wait3A_887] : memref<50176x32xbf16, #tpu.memory_space<vmem_shared>> -> memref<50176x32xbf16, #tpu.memory_space<vmem_shared>>
          tpu.wait_indirect_dma semaphore(%arg18 : memref<!tpu.dma_semaphore, #tpu.memory_space<semaphore_mem>>) src(%dma_wait3A_882 : memref<125x32xbf16, #tpu.memory_space<vmem>>) dst(%dma_wait3A_888 : memref<50176x32xbf16, #tpu.memory_space<vmem_shared>>)
          %dma_wait3A_889 = arith.constant 7 : i32
          %dma_wait3A_890 = arith.constant 7 : i32
          %dma_wait3A_891 = arith.constant 0 : i32
          %dma_wait3A_892 = arith.constant 0 : i32
          %dma_wait3A_893 = tpu.memref_slice %arg13[%dma_wait3A_889, %dma_wait3A_891, %dma_wait3A_892] : memref<8x125x32xbf16, #tpu.memory_space<vmem>> -> memref<1x125x32xbf16, #tpu.memory_space<vmem>>
          %dma_wait3A_894 = tpu.memref_squeeze %dma_wait3A_893 : memref<1x125x32xbf16, #tpu.memory_space<vmem>> -> memref<125x32xbf16, #tpu.memory_space<vmem>>
          %dma_wait3A_895 = arith.constant 0 : i32
          %dma_wait3A_896 = tpu.memref_slice %arg12[%dma_wait3A_890, %dma_wait3A_895] : memref<8x125xi32, #tpu.memory_space<vmem>> -> memref<1x125xi32, #tpu.memory_space<vmem>>
          %dma_wait3A_897 = tpu.memref_squeeze %dma_wait3A_896 : memref<1x125xi32, #tpu.memory_space<vmem>> -> memref<125xi32, #tpu.memory_space<vmem>>
          %dma_wait3A_898 = arith.constant 0 : i32
          %dma_wait3A_899 = arith.constant 0 : i32
          %dma_wait3A_900 = tpu.memref_slice %arg14[%dma_wait3A_898, %dma_wait3A_899] : memref<50176x32xbf16, #tpu.memory_space<vmem_shared>> -> memref<50176x32xbf16, #tpu.memory_space<vmem_shared>>
          tpu.wait_indirect_dma semaphore(%arg18 : memref<!tpu.dma_semaphore, #tpu.memory_space<semaphore_mem>>) src(%dma_wait3A_894 : memref<125x32xbf16, #tpu.memory_space<vmem>>) dst(%dma_wait3A_900 : memref<50176x32xbf16, #tpu.memory_space<vmem_shared>>)
        } else {
        }
        %add3A_218 = arith.constant 1 : i32
        %add3A_219 = arith.addi %mul3A_213, %add3A_218 : i32
        %mul3A_220 = arith.constant 8 : i32
        %mul3A_221 = arith.muli %add3A_219, %mul3A_220 : i32
        %add3A_222 = arith.addi %mul3A_2, %mul3A_221 : i32
        "tpu.region"() ({
          %run_scoped3A = tpu.sem_alloc : memref<!tpu.dma_semaphore, #tpu.memory_space<semaphore_mem>>
          %dma_start3A_805 = arith.constant 0 : i32
          %dma_start3A_806 = tpu.memref_slice %arg2[%add3A_222, %dma_start3A_805] : memref<6400x125xi32, #tpu.memory_space<hbm>> -> memref<8x125xi32, #tpu.memory_space<hbm>>
          %dma_start3A_807 = arith.constant 0 : i32
          %dma_start3A_808 = tpu.memref_slice %arg2[%add3A_222, %dma_start3A_807] : memref<6400x125xi32, #tpu.memory_space<hbm>> -> memref<8x125xi32, #tpu.memory_space<hbm>>
          tpu.enqueue_dma source(%dma_start3A_808 : memref<8x125xi32, #tpu.memory_space<hbm>>) target(%arg11 : memref<8x125xi32, #tpu.memory_space<vmem>>) target_semaphore(%run_scoped3A : memref<!tpu.dma_semaphore, #tpu.memory_space<semaphore_mem>>)
          %dma_wait3A_809 = arith.constant 0 : i32
          %dma_wait3A_810 = tpu.memref_slice %arg2[%add3A_222, %dma_wait3A_809] : memref<6400x125xi32, #tpu.memory_space<hbm>> -> memref<8x125xi32, #tpu.memory_space<hbm>>
          %dma_wait3A_811 = arith.constant 0 : i32
          %dma_wait3A_812 = tpu.memref_slice %arg2[%add3A_222, %dma_wait3A_811] : memref<6400x125xi32, #tpu.memory_space<hbm>> -> memref<8x125xi32, #tpu.memory_space<hbm>>
          tpu.wait_dma2 semaphore(%run_scoped3A : memref<!tpu.dma_semaphore, #tpu.memory_space<semaphore_mem>>) src(%dma_wait3A_812 : memref<8x125xi32, #tpu.memory_space<hbm>>) dst(%arg11 : memref<8x125xi32, #tpu.memory_space<vmem>>)
          tpu.yield
        }) : () -> ()
        "tpu.region"() ({
          %run_scoped3A = tpu.sem_alloc : memref<!tpu.dma_semaphore, #tpu.memory_space<semaphore_mem>>
          %dma_start3A_805 = arith.constant 0 : i32
          %dma_start3A_806 = tpu.memref_slice %arg3[%add3A_222, %dma_start3A_805] : memref<6400x125xi32, #tpu.memory_space<hbm>> -> memref<8x125xi32, #tpu.memory_space<hbm>>
          %dma_start3A_807 = arith.constant 0 : i32
          %dma_start3A_808 = tpu.memref_slice %arg3[%add3A_222, %dma_start3A_807] : memref<6400x125xi32, #tpu.memory_space<hbm>> -> memref<8x125xi32, #tpu.memory_space<hbm>>
          tpu.enqueue_dma source(%dma_start3A_808 : memref<8x125xi32, #tpu.memory_space<hbm>>) target(%arg12 : memref<8x125xi32, #tpu.memory_space<vmem>>) target_semaphore(%run_scoped3A : memref<!tpu.dma_semaphore, #tpu.memory_space<semaphore_mem>>)
          %dma_wait3A_809 = arith.constant 0 : i32
          %dma_wait3A_810 = tpu.memref_slice %arg3[%add3A_222, %dma_wait3A_809] : memref<6400x125xi32, #tpu.memory_space<hbm>> -> memref<8x125xi32, #tpu.memory_space<hbm>>
          %dma_wait3A_811 = arith.constant 0 : i32
          %dma_wait3A_812 = tpu.memref_slice %arg3[%add3A_222, %dma_wait3A_811] : memref<6400x125xi32, #tpu.memory_space<hbm>> -> memref<8x125xi32, #tpu.memory_space<hbm>>
          tpu.wait_dma2 semaphore(%run_scoped3A : memref<!tpu.dma_semaphore, #tpu.memory_space<semaphore_mem>>) src(%dma_wait3A_812 : memref<8x125xi32, #tpu.memory_space<hbm>>) dst(%arg12 : memref<8x125xi32, #tpu.memory_space<vmem>>)
          tpu.yield
        }) : () -> ()
        %dma_start3A_223 = arith.constant 0 : i32
        %dma_start3A_224 = arith.constant 0 : i32
        %dma_start3A_225 = arith.constant 0 : i32
        %dma_start3A_226 = arith.constant 0 : i32
        %dma_start3A_227 = tpu.memref_slice %arg13[%dma_start3A_224, %dma_start3A_225, %dma_start3A_226] : memref<8x125x32xbf16, #tpu.memory_space<vmem>> -> memref<1x125x32xbf16, #tpu.memory_space<vmem>>
        %dma_start3A_228 = tpu.memref_squeeze %dma_start3A_227 : memref<1x125x32xbf16, #tpu.memory_space<vmem>> -> memref<125x32xbf16, #tpu.memory_space<vmem>>
        %dma_start3A_229 = arith.constant 0 : i32
        %dma_start3A_230 = tpu.memref_slice %arg11[%dma_start3A_223, %dma_start3A_229] : memref<8x125xi32, #tpu.memory_space<vmem>> -> memref<1x125xi32, #tpu.memory_space<vmem>>
        %dma_start3A_231 = tpu.memref_squeeze %dma_start3A_230 : memref<1x125xi32, #tpu.memory_space<vmem>> -> memref<125xi32, #tpu.memory_space<vmem>>
        %dma_start3A_232 = arith.constant 0 : i32
        %dma_start3A_233 = arith.constant 0 : i32
        %dma_start3A_234 = tpu.memref_slice %arg4[%dma_start3A_232, %dma_start3A_233] : memref<50048x32xbf16, #tpu.memory_space<hbm>> -> memref<50048x32xbf16, #tpu.memory_space<hbm>>
        tpu.enqueue_indirect_dma source(%dma_start3A_234 : memref<50048x32xbf16, #tpu.memory_space<hbm>>) target(%dma_start3A_228 : memref<125x32xbf16, #tpu.memory_space<vmem>>) offsets(%dma_start3A_231 : memref<125xi32, #tpu.memory_space<vmem>>) semaphore(%arg16 : memref<!tpu.dma_semaphore, #tpu.memory_space<semaphore_mem>>)
        %dma_start3A_235 = arith.constant 1 : i32
        %dma_start3A_236 = arith.constant 1 : i32
        %dma_start3A_237 = arith.constant 0 : i32
        %dma_start3A_238 = arith.constant 0 : i32
        %dma_start3A_239 = tpu.memref_slice %arg13[%dma_start3A_236, %dma_start3A_237, %dma_start3A_238] : memref<8x125x32xbf16, #tpu.memory_space<vmem>> -> memref<1x125x32xbf16, #tpu.memory_space<vmem>>
        %dma_start3A_240 = tpu.memref_squeeze %dma_start3A_239 : memref<1x125x32xbf16, #tpu.memory_space<vmem>> -> memref<125x32xbf16, #tpu.memory_space<vmem>>
        %dma_start3A_241 = arith.constant 0 : i32
        %dma_start3A_242 = tpu.memref_slice %arg11[%dma_start3A_235, %dma_start3A_241] : memref<8x125xi32, #tpu.memory_space<vmem>> -> memref<1x125xi32, #tpu.memory_space<vmem>>
        %dma_start3A_243 = tpu.memref_squeeze %dma_start3A_242 : memref<1x125xi32, #tpu.memory_space<vmem>> -> memref<125xi32, #tpu.memory_space<vmem>>
        %dma_start3A_244 = arith.constant 0 : i32
        %dma_start3A_245 = arith.constant 0 : i32
        %dma_start3A_246 = tpu.memref_slice %arg4[%dma_start3A_244, %dma_start3A_245] : memref<50048x32xbf16, #tpu.memory_space<hbm>> -> memref<50048x32xbf16, #tpu.memory_space<hbm>>
        tpu.enqueue_indirect_dma source(%dma_start3A_246 : memref<50048x32xbf16, #tpu.memory_space<hbm>>) target(%dma_start3A_240 : memref<125x32xbf16, #tpu.memory_space<vmem>>) offsets(%dma_start3A_243 : memref<125xi32, #tpu.memory_space<vmem>>) semaphore(%arg16 : memref<!tpu.dma_semaphore, #tpu.memory_space<semaphore_mem>>)
        %dma_start3A_247 = arith.constant 2 : i32
        %dma_start3A_248 = arith.constant 2 : i32
        %dma_start3A_249 = arith.constant 0 : i32
        %dma_start3A_250 = arith.constant 0 : i32
        %dma_start3A_251 = tpu.memref_slice %arg13[%dma_start3A_248, %dma_start3A_249, %dma_start3A_250] : memref<8x125x32xbf16, #tpu.memory_space<vmem>> -> memref<1x125x32xbf16, #tpu.memory_space<vmem>>
        %dma_start3A_252 = tpu.memref_squeeze %dma_start3A_251 : memref<1x125x32xbf16, #tpu.memory_space<vmem>> -> memref<125x32xbf16, #tpu.memory_space<vmem>>
        %dma_start3A_253 = arith.constant 0 : i32
        %dma_start3A_254 = tpu.memref_slice %arg11[%dma_start3A_247, %dma_start3A_253] : memref<8x125xi32, #tpu.memory_space<vmem>> -> memref<1x125xi32, #tpu.memory_space<vmem>>
        %dma_start3A_255 = tpu.memref_squeeze %dma_start3A_254 : memref<1x125xi32, #tpu.memory_space<vmem>> -> memref<125xi32, #tpu.memory_space<vmem>>
        %dma_start3A_256 = arith.constant 0 : i32
        %dma_start3A_257 = arith.constant 0 : i32
        %dma_start3A_258 = tpu.memref_slice %arg4[%dma_start3A_256, %dma_start3A_257] : memref<50048x32xbf16, #tpu.memory_space<hbm>> -> memref<50048x32xbf16, #tpu.memory_space<hbm>>
        tpu.enqueue_indirect_dma source(%dma_start3A_258 : memref<50048x32xbf16, #tpu.memory_space<hbm>>) target(%dma_start3A_252 : memref<125x32xbf16, #tpu.memory_space<vmem>>) offsets(%dma_start3A_255 : memref<125xi32, #tpu.memory_space<vmem>>) semaphore(%arg16 : memref<!tpu.dma_semaphore, #tpu.memory_space<semaphore_mem>>)
        %dma_start3A_259 = arith.constant 3 : i32
        %dma_start3A_260 = arith.constant 3 : i32
        %dma_start3A_261 = arith.constant 0 : i32
        %dma_start3A_262 = arith.constant 0 : i32
        %dma_start3A_263 = tpu.memref_slice %arg13[%dma_start3A_260, %dma_start3A_261, %dma_start3A_262] : memref<8x125x32xbf16, #tpu.memory_space<vmem>> -> memref<1x125x32xbf16, #tpu.memory_space<vmem>>
        %dma_start3A_264 = tpu.memref_squeeze %dma_start3A_263 : memref<1x125x32xbf16, #tpu.memory_space<vmem>> -> memref<125x32xbf16, #tpu.memory_space<vmem>>
        %dma_start3A_265 = arith.constant 0 : i32
        %dma_start3A_266 = tpu.memref_slice %arg11[%dma_start3A_259, %dma_start3A_265] : memref<8x125xi32, #tpu.memory_space<vmem>> -> memref<1x125xi32, #tpu.memory_space<vmem>>
        %dma_start3A_267 = tpu.memref_squeeze %dma_start3A_266 : memref<1x125xi32, #tpu.memory_space<vmem>> -> memref<125xi32, #tpu.memory_space<vmem>>
        %dma_start3A_268 = arith.constant 0 : i32
        %dma_start3A_269 = arith.constant 0 : i32
        %dma_start3A_270 = tpu.memref_slice %arg4[%dma_start3A_268, %dma_start3A_269] : memref<50048x32xbf16, #tpu.memory_space<hbm>> -> memref<50048x32xbf16, #tpu.memory_space<hbm>>
        tpu.enqueue_indirect_dma source(%dma_start3A_270 : memref<50048x32xbf16, #tpu.memory_space<hbm>>) target(%dma_start3A_264 : memref<125x32xbf16, #tpu.memory_space<vmem>>) offsets(%dma_start3A_267 : memref<125xi32, #tpu.memory_space<vmem>>) semaphore(%arg16 : memref<!tpu.dma_semaphore, #tpu.memory_space<semaphore_mem>>)
        %dma_start3A_271 = arith.constant 4 : i32
        %dma_start3A_272 = arith.constant 4 : i32
        %dma_start3A_273 = arith.constant 0 : i32
        %dma_start3A_274 = arith.constant 0 : i32
        %dma_start3A_275 = tpu.memref_slice %arg13[%dma_start3A_272, %dma_start3A_273, %dma_start3A_274] : memref<8x125x32xbf16, #tpu.memory_space<vmem>> -> memref<1x125x32xbf16, #tpu.memory_space<vmem>>
        %dma_start3A_276 = tpu.memref_squeeze %dma_start3A_275 : memref<1x125x32xbf16, #tpu.memory_space<vmem>> -> memref<125x32xbf16, #tpu.memory_space<vmem>>
        %dma_start3A_277 = arith.constant 0 : i32
        %dma_start3A_278 = tpu.memref_slice %arg11[%dma_start3A_271, %dma_start3A_277] : memref<8x125xi32, #tpu.memory_space<vmem>> -> memref<1x125xi32, #tpu.memory_space<vmem>>
        %dma_start3A_279 = tpu.memref_squeeze %dma_start3A_278 : memref<1x125xi32, #tpu.memory_space<vmem>> -> memref<125xi32, #tpu.memory_space<vmem>>
        %dma_start3A_280 = arith.constant 0 : i32
        %dma_start3A_281 = arith.constant 0 : i32
        %dma_start3A_282 = tpu.memref_slice %arg4[%dma_start3A_280, %dma_start3A_281] : memref<50048x32xbf16, #tpu.memory_space<hbm>> -> memref<50048x32xbf16, #tpu.memory_space<hbm>>
        tpu.enqueue_indirect_dma source(%dma_start3A_282 : memref<50048x32xbf16, #tpu.memory_space<hbm>>) target(%dma_start3A_276 : memref<125x32xbf16, #tpu.memory_space<vmem>>) offsets(%dma_start3A_279 : memref<125xi32, #tpu.memory_space<vmem>>) semaphore(%arg16 : memref<!tpu.dma_semaphore, #tpu.memory_space<semaphore_mem>>)
        %dma_start3A_283 = arith.constant 5 : i32
        %dma_start3A_284 = arith.constant 5 : i32
        %dma_start3A_285 = arith.constant 0 : i32
        %dma_start3A_286 = arith.constant 0 : i32
        %dma_start3A_287 = tpu.memref_slice %arg13[%dma_start3A_284, %dma_start3A_285, %dma_start3A_286] : memref<8x125x32xbf16, #tpu.memory_space<vmem>> -> memref<1x125x32xbf16, #tpu.memory_space<vmem>>
        %dma_start3A_288 = tpu.memref_squeeze %dma_start3A_287 : memref<1x125x32xbf16, #tpu.memory_space<vmem>> -> memref<125x32xbf16, #tpu.memory_space<vmem>>
        %dma_start3A_289 = arith.constant 0 : i32
        %dma_start3A_290 = tpu.memref_slice %arg11[%dma_start3A_283, %dma_start3A_289] : memref<8x125xi32, #tpu.memory_space<vmem>> -> memref<1x125xi32, #tpu.memory_space<vmem>>
        %dma_start3A_291 = tpu.memref_squeeze %dma_start3A_290 : memref<1x125xi32, #tpu.memory_space<vmem>> -> memref<125xi32, #tpu.memory_space<vmem>>
        %dma_start3A_292 = arith.constant 0 : i32
        %dma_start3A_293 = arith.constant 0 : i32
        %dma_start3A_294 = tpu.memref_slice %arg4[%dma_start3A_292, %dma_start3A_293] : memref<50048x32xbf16, #tpu.memory_space<hbm>> -> memref<50048x32xbf16, #tpu.memory_space<hbm>>
        tpu.enqueue_indirect_dma source(%dma_start3A_294 : memref<50048x32xbf16, #tpu.memory_space<hbm>>) target(%dma_start3A_288 : memref<125x32xbf16, #tpu.memory_space<vmem>>) offsets(%dma_start3A_291 : memref<125xi32, #tpu.memory_space<vmem>>) semaphore(%arg16 : memref<!tpu.dma_semaphore, #tpu.memory_space<semaphore_mem>>)
        %dma_start3A_295 = arith.constant 6 : i32
        %dma_start3A_296 = arith.constant 6 : i32
        %dma_start3A_297 = arith.constant 0 : i32
        %dma_start3A_298 = arith.constant 0 : i32
        %dma_start3A_299 = tpu.memref_slice %arg13[%dma_start3A_296, %dma_start3A_297, %dma_start3A_298] : memref<8x125x32xbf16, #tpu.memory_space<vmem>> -> memref<1x125x32xbf16, #tpu.memory_space<vmem>>
        %dma_start3A_300 = tpu.memref_squeeze %dma_start3A_299 : memref<1x125x32xbf16, #tpu.memory_space<vmem>> -> memref<125x32xbf16, #tpu.memory_space<vmem>>
        %dma_start3A_301 = arith.constant 0 : i32
        %dma_start3A_302 = tpu.memref_slice %arg11[%dma_start3A_295, %dma_start3A_301] : memref<8x125xi32, #tpu.memory_space<vmem>> -> memref<1x125xi32, #tpu.memory_space<vmem>>
        %dma_start3A_303 = tpu.memref_squeeze %dma_start3A_302 : memref<1x125xi32, #tpu.memory_space<vmem>> -> memref<125xi32, #tpu.memory_space<vmem>>
        %dma_start3A_304 = arith.constant 0 : i32
        %dma_start3A_305 = arith.constant 0 : i32
        %dma_start3A_306 = tpu.memref_slice %arg4[%dma_start3A_304, %dma_start3A_305] : memref<50048x32xbf16, #tpu.memory_space<hbm>> -> memref<50048x32xbf16, #tpu.memory_space<hbm>>
        tpu.enqueue_indirect_dma source(%dma_start3A_306 : memref<50048x32xbf16, #tpu.memory_space<hbm>>) target(%dma_start3A_300 : memref<125x32xbf16, #tpu.memory_space<vmem>>) offsets(%dma_start3A_303 : memref<125xi32, #tpu.memory_space<vmem>>) semaphore(%arg16 : memref<!tpu.dma_semaphore, #tpu.memory_space<semaphore_mem>>)
        %dma_start3A_307 = arith.constant 7 : i32
        %dma_start3A_308 = arith.constant 7 : i32
        %dma_start3A_309 = arith.constant 0 : i32
        %dma_start3A_310 = arith.constant 0 : i32
        %dma_start3A_311 = tpu.memref_slice %arg13[%dma_start3A_308, %dma_start3A_309, %dma_start3A_310] : memref<8x125x32xbf16, #tpu.memory_space<vmem>> -> memref<1x125x32xbf16, #tpu.memory_space<vmem>>
        %dma_start3A_312 = tpu.memref_squeeze %dma_start3A_311 : memref<1x125x32xbf16, #tpu.memory_space<vmem>> -> memref<125x32xbf16, #tpu.memory_space<vmem>>
        %dma_start3A_313 = arith.constant 0 : i32
        %dma_start3A_314 = tpu.memref_slice %arg11[%dma_start3A_307, %dma_start3A_313] : memref<8x125xi32, #tpu.memory_space<vmem>> -> memref<1x125xi32, #tpu.memory_space<vmem>>
        %dma_start3A_315 = tpu.memref_squeeze %dma_start3A_314 : memref<1x125xi32, #tpu.memory_space<vmem>> -> memref<125xi32, #tpu.memory_space<vmem>>
        %dma_start3A_316 = arith.constant 0 : i32
        %dma_start3A_317 = arith.constant 0 : i32
        %dma_start3A_318 = tpu.memref_slice %arg4[%dma_start3A_316, %dma_start3A_317] : memref<50048x32xbf16, #tpu.memory_space<hbm>> -> memref<50048x32xbf16, #tpu.memory_space<hbm>>
        tpu.enqueue_indirect_dma source(%dma_start3A_318 : memref<50048x32xbf16, #tpu.memory_space<hbm>>) target(%dma_start3A_312 : memref<125x32xbf16, #tpu.memory_space<vmem>>) offsets(%dma_start3A_315 : memref<125xi32, #tpu.memory_space<vmem>>) semaphore(%arg16 : memref<!tpu.dma_semaphore, #tpu.memory_space<semaphore_mem>>)
        %dma_wait3A_319 = arith.constant 0 : i32
        %dma_wait3A_320 = arith.constant 0 : i32
        %dma_wait3A_321 = arith.constant 0 : i32
        %dma_wait3A_322 = arith.constant 0 : i32
        %dma_wait3A_323 = tpu.memref_slice %arg10[%dma_wait3A_320, %dma_wait3A_321, %dma_wait3A_322] : memref<8x125x32xbf16, #tpu.memory_space<vmem>> -> memref<1x125x32xbf16, #tpu.memory_space<vmem>>
        %dma_wait3A_324 = tpu.memref_squeeze %dma_wait3A_323 : memref<1x125x32xbf16, #tpu.memory_space<vmem>> -> memref<125x32xbf16, #tpu.memory_space<vmem>>
        %dma_wait3A_325 = arith.constant 0 : i32
        %dma_wait3A_326 = tpu.memref_slice %arg8[%dma_wait3A_319, %dma_wait3A_325] : memref<8x125xi32, #tpu.memory_space<vmem>> -> memref<1x125xi32, #tpu.memory_space<vmem>>
        %dma_wait3A_327 = tpu.memref_squeeze %dma_wait3A_326 : memref<1x125xi32, #tpu.memory_space<vmem>> -> memref<125xi32, #tpu.memory_space<vmem>>
        %dma_wait3A_328 = arith.constant 0 : i32
        %dma_wait3A_329 = arith.constant 0 : i32
        %dma_wait3A_330 = tpu.memref_slice %arg4[%dma_wait3A_328, %dma_wait3A_329] : memref<50048x32xbf16, #tpu.memory_space<hbm>> -> memref<50048x32xbf16, #tpu.memory_space<hbm>>
        tpu.wait_indirect_dma semaphore(%arg15 : memref<!tpu.dma_semaphore, #tpu.memory_space<semaphore_mem>>) src(%dma_wait3A_330 : memref<50048x32xbf16, #tpu.memory_space<hbm>>) dst(%dma_wait3A_324 : memref<125x32xbf16, #tpu.memory_space<vmem>>)
        %dma_wait3A_331 = arith.constant 1 : i32
        %dma_wait3A_332 = arith.constant 1 : i32
        %dma_wait3A_333 = arith.constant 0 : i32
        %dma_wait3A_334 = arith.constant 0 : i32
        %dma_wait3A_335 = tpu.memref_slice %arg10[%dma_wait3A_332, %dma_wait3A_333, %dma_wait3A_334] : memref<8x125x32xbf16, #tpu.memory_space<vmem>> -> memref<1x125x32xbf16, #tpu.memory_space<vmem>>
        %dma_wait3A_336 = tpu.memref_squeeze %dma_wait3A_335 : memref<1x125x32xbf16, #tpu.memory_space<vmem>> -> memref<125x32xbf16, #tpu.memory_space<vmem>>
        %dma_wait3A_337 = arith.constant 0 : i32
        %dma_wait3A_338 = tpu.memref_slice %arg8[%dma_wait3A_331, %dma_wait3A_337] : memref<8x125xi32, #tpu.memory_space<vmem>> -> memref<1x125xi32, #tpu.memory_space<vmem>>
        %dma_wait3A_339 = tpu.memref_squeeze %dma_wait3A_338 : memref<1x125xi32, #tpu.memory_space<vmem>> -> memref<125xi32, #tpu.memory_space<vmem>>
        %dma_wait3A_340 = arith.constant 0 : i32
        %dma_wait3A_341 = arith.constant 0 : i32
        %dma_wait3A_342 = tpu.memref_slice %arg4[%dma_wait3A_340, %dma_wait3A_341] : memref<50048x32xbf16, #tpu.memory_space<hbm>> -> memref<50048x32xbf16, #tpu.memory_space<hbm>>
        tpu.wait_indirect_dma semaphore(%arg15 : memref<!tpu.dma_semaphore, #tpu.memory_space<semaphore_mem>>) src(%dma_wait3A_342 : memref<50048x32xbf16, #tpu.memory_space<hbm>>) dst(%dma_wait3A_336 : memref<125x32xbf16, #tpu.memory_space<vmem>>)
        %dma_wait3A_343 = arith.constant 2 : i32
        %dma_wait3A_344 = arith.constant 2 : i32
        %dma_wait3A_345 = arith.constant 0 : i32
        %dma_wait3A_346 = arith.constant 0 : i32
        %dma_wait3A_347 = tpu.memref_slice %arg10[%dma_wait3A_344, %dma_wait3A_345, %dma_wait3A_346] : memref<8x125x32xbf16, #tpu.memory_space<vmem>> -> memref<1x125x32xbf16, #tpu.memory_space<vmem>>
        %dma_wait3A_348 = tpu.memref_squeeze %dma_wait3A_347 : memref<1x125x32xbf16, #tpu.memory_space<vmem>> -> memref<125x32xbf16, #tpu.memory_space<vmem>>
        %dma_wait3A_349 = arith.constant 0 : i32
        %dma_wait3A_350 = tpu.memref_slice %arg8[%dma_wait3A_343, %dma_wait3A_349] : memref<8x125xi32, #tpu.memory_space<vmem>> -> memref<1x125xi32, #tpu.memory_space<vmem>>
        %dma_wait3A_351 = tpu.memref_squeeze %dma_wait3A_350 : memref<1x125xi32, #tpu.memory_space<vmem>> -> memref<125xi32, #tpu.memory_space<vmem>>
        %dma_wait3A_352 = arith.constant 0 : i32
        %dma_wait3A_353 = arith.constant 0 : i32
        %dma_wait3A_354 = tpu.memref_slice %arg4[%dma_wait3A_352, %dma_wait3A_353] : memref<50048x32xbf16, #tpu.memory_space<hbm>> -> memref<50048x32xbf16, #tpu.memory_space<hbm>>
        tpu.wait_indirect_dma semaphore(%arg15 : memref<!tpu.dma_semaphore, #tpu.memory_space<semaphore_mem>>) src(%dma_wait3A_354 : memref<50048x32xbf16, #tpu.memory_space<hbm>>) dst(%dma_wait3A_348 : memref<125x32xbf16, #tpu.memory_space<vmem>>)
        %dma_wait3A_355 = arith.constant 3 : i32
        %dma_wait3A_356 = arith.constant 3 : i32
        %dma_wait3A_357 = arith.constant 0 : i32
        %dma_wait3A_358 = arith.constant 0 : i32
        %dma_wait3A_359 = tpu.memref_slice %arg10[%dma_wait3A_356, %dma_wait3A_357, %dma_wait3A_358] : memref<8x125x32xbf16, #tpu.memory_space<vmem>> -> memref<1x125x32xbf16, #tpu.memory_space<vmem>>
        %dma_wait3A_360 = tpu.memref_squeeze %dma_wait3A_359 : memref<1x125x32xbf16, #tpu.memory_space<vmem>> -> memref<125x32xbf16, #tpu.memory_space<vmem>>
        %dma_wait3A_361 = arith.constant 0 : i32
        %dma_wait3A_362 = tpu.memref_slice %arg8[%dma_wait3A_355, %dma_wait3A_361] : memref<8x125xi32, #tpu.memory_space<vmem>> -> memref<1x125xi32, #tpu.memory_space<vmem>>
        %dma_wait3A_363 = tpu.memref_squeeze %dma_wait3A_362 : memref<1x125xi32, #tpu.memory_space<vmem>> -> memref<125xi32, #tpu.memory_space<vmem>>
        %dma_wait3A_364 = arith.constant 0 : i32
        %dma_wait3A_365 = arith.constant 0 : i32
        %dma_wait3A_366 = tpu.memref_slice %arg4[%dma_wait3A_364, %dma_wait3A_365] : memref<50048x32xbf16, #tpu.memory_space<hbm>> -> memref<50048x32xbf16, #tpu.memory_space<hbm>>
        tpu.wait_indirect_dma semaphore(%arg15 : memref<!tpu.dma_semaphore, #tpu.memory_space<semaphore_mem>>) src(%dma_wait3A_366 : memref<50048x32xbf16, #tpu.memory_space<hbm>>) dst(%dma_wait3A_360 : memref<125x32xbf16, #tpu.memory_space<vmem>>)
        %dma_wait3A_367 = arith.constant 4 : i32
        %dma_wait3A_368 = arith.constant 4 : i32
        %dma_wait3A_369 = arith.constant 0 : i32
        %dma_wait3A_370 = arith.constant 0 : i32
        %dma_wait3A_371 = tpu.memref_slice %arg10[%dma_wait3A_368, %dma_wait3A_369, %dma_wait3A_370] : memref<8x125x32xbf16, #tpu.memory_space<vmem>> -> memref<1x125x32xbf16, #tpu.memory_space<vmem>>
        %dma_wait3A_372 = tpu.memref_squeeze %dma_wait3A_371 : memref<1x125x32xbf16, #tpu.memory_space<vmem>> -> memref<125x32xbf16, #tpu.memory_space<vmem>>
        %dma_wait3A_373 = arith.constant 0 : i32
        %dma_wait3A_374 = tpu.memref_slice %arg8[%dma_wait3A_367, %dma_wait3A_373] : memref<8x125xi32, #tpu.memory_space<vmem>> -> memref<1x125xi32, #tpu.memory_space<vmem>>
        %dma_wait3A_375 = tpu.memref_squeeze %dma_wait3A_374 : memref<1x125xi32, #tpu.memory_space<vmem>> -> memref<125xi32, #tpu.memory_space<vmem>>
        %dma_wait3A_376 = arith.constant 0 : i32
        %dma_wait3A_377 = arith.constant 0 : i32
        %dma_wait3A_378 = tpu.memref_slice %arg4[%dma_wait3A_376, %dma_wait3A_377] : memref<50048x32xbf16, #tpu.memory_space<hbm>> -> memref<50048x32xbf16, #tpu.memory_space<hbm>>
        tpu.wait_indirect_dma semaphore(%arg15 : memref<!tpu.dma_semaphore, #tpu.memory_space<semaphore_mem>>) src(%dma_wait3A_378 : memref<50048x32xbf16, #tpu.memory_space<hbm>>) dst(%dma_wait3A_372 : memref<125x32xbf16, #tpu.memory_space<vmem>>)
        %dma_wait3A_379 = arith.constant 5 : i32
        %dma_wait3A_380 = arith.constant 5 : i32
        %dma_wait3A_381 = arith.constant 0 : i32
        %dma_wait3A_382 = arith.constant 0 : i32
        %dma_wait3A_383 = tpu.memref_slice %arg10[%dma_wait3A_380, %dma_wait3A_381, %dma_wait3A_382] : memref<8x125x32xbf16, #tpu.memory_space<vmem>> -> memref<1x125x32xbf16, #tpu.memory_space<vmem>>
        %dma_wait3A_384 = tpu.memref_squeeze %dma_wait3A_383 : memref<1x125x32xbf16, #tpu.memory_space<vmem>> -> memref<125x32xbf16, #tpu.memory_space<vmem>>
        %dma_wait3A_385 = arith.constant 0 : i32
        %dma_wait3A_386 = tpu.memref_slice %arg8[%dma_wait3A_379, %dma_wait3A_385] : memref<8x125xi32, #tpu.memory_space<vmem>> -> memref<1x125xi32, #tpu.memory_space<vmem>>
        %dma_wait3A_387 = tpu.memref_squeeze %dma_wait3A_386 : memref<1x125xi32, #tpu.memory_space<vmem>> -> memref<125xi32, #tpu.memory_space<vmem>>
        %dma_wait3A_388 = arith.constant 0 : i32
        %dma_wait3A_389 = arith.constant 0 : i32
        %dma_wait3A_390 = tpu.memref_slice %arg4[%dma_wait3A_388, %dma_wait3A_389] : memref<50048x32xbf16, #tpu.memory_space<hbm>> -> memref<50048x32xbf16, #tpu.memory_space<hbm>>
        tpu.wait_indirect_dma semaphore(%arg15 : memref<!tpu.dma_semaphore, #tpu.memory_space<semaphore_mem>>) src(%dma_wait3A_390 : memref<50048x32xbf16, #tpu.memory_space<hbm>>) dst(%dma_wait3A_384 : memref<125x32xbf16, #tpu.memory_space<vmem>>)
        %dma_wait3A_391 = arith.constant 6 : i32
        %dma_wait3A_392 = arith.constant 6 : i32
        %dma_wait3A_393 = arith.constant 0 : i32
        %dma_wait3A_394 = arith.constant 0 : i32
        %dma_wait3A_395 = tpu.memref_slice %arg10[%dma_wait3A_392, %dma_wait3A_393, %dma_wait3A_394] : memref<8x125x32xbf16, #tpu.memory_space<vmem>> -> memref<1x125x32xbf16, #tpu.memory_space<vmem>>
        %dma_wait3A_396 = tpu.memref_squeeze %dma_wait3A_395 : memref<1x125x32xbf16, #tpu.memory_space<vmem>> -> memref<125x32xbf16, #tpu.memory_space<vmem>>
        %dma_wait3A_397 = arith.constant 0 : i32
        %dma_wait3A_398 = tpu.memref_slice %arg8[%dma_wait3A_391, %dma_wait3A_397] : memref<8x125xi32, #tpu.memory_space<vmem>> -> memref<1x125xi32, #tpu.memory_space<vmem>>
        %dma_wait3A_399 = tpu.memref_squeeze %dma_wait3A_398 : memref<1x125xi32, #tpu.memory_space<vmem>> -> memref<125xi32, #tpu.memory_space<vmem>>
        %dma_wait3A_400 = arith.constant 0 : i32
        %dma_wait3A_401 = arith.constant 0 : i32
        %dma_wait3A_402 = tpu.memref_slice %arg4[%dma_wait3A_400, %dma_wait3A_401] : memref<50048x32xbf16, #tpu.memory_space<hbm>> -> memref<50048x32xbf16, #tpu.memory_space<hbm>>
        tpu.wait_indirect_dma semaphore(%arg15 : memref<!tpu.dma_semaphore, #tpu.memory_space<semaphore_mem>>) src(%dma_wait3A_402 : memref<50048x32xbf16, #tpu.memory_space<hbm>>) dst(%dma_wait3A_396 : memref<125x32xbf16, #tpu.memory_space<vmem>>)
        %dma_wait3A_403 = arith.constant 7 : i32
        %dma_wait3A_404 = arith.constant 7 : i32
        %dma_wait3A_405 = arith.constant 0 : i32
        %dma_wait3A_406 = arith.constant 0 : i32
        %dma_wait3A_407 = tpu.memref_slice %arg10[%dma_wait3A_404, %dma_wait3A_405, %dma_wait3A_406] : memref<8x125x32xbf16, #tpu.memory_space<vmem>> -> memref<1x125x32xbf16, #tpu.memory_space<vmem>>
        %dma_wait3A_408 = tpu.memref_squeeze %dma_wait3A_407 : memref<1x125x32xbf16, #tpu.memory_space<vmem>> -> memref<125x32xbf16, #tpu.memory_space<vmem>>
        %dma_wait3A_409 = arith.constant 0 : i32
        %dma_wait3A_410 = tpu.memref_slice %arg8[%dma_wait3A_403, %dma_wait3A_409] : memref<8x125xi32, #tpu.memory_space<vmem>> -> memref<1x125xi32, #tpu.memory_space<vmem>>
        %dma_wait3A_411 = tpu.memref_squeeze %dma_wait3A_410 : memref<1x125xi32, #tpu.memory_space<vmem>> -> memref<125xi32, #tpu.memory_space<vmem>>
        %dma_wait3A_412 = arith.constant 0 : i32
        %dma_wait3A_413 = arith.constant 0 : i32
        %dma_wait3A_414 = tpu.memref_slice %arg4[%dma_wait3A_412, %dma_wait3A_413] : memref<50048x32xbf16, #tpu.memory_space<hbm>> -> memref<50048x32xbf16, #tpu.memory_space<hbm>>
        tpu.wait_indirect_dma semaphore(%arg15 : memref<!tpu.dma_semaphore, #tpu.memory_space<semaphore_mem>>) src(%dma_wait3A_414 : memref<50048x32xbf16, #tpu.memory_space<hbm>>) dst(%dma_wait3A_408 : memref<125x32xbf16, #tpu.memory_space<vmem>>)
        %dma_start3A_415 = arith.constant 0 : i32
        %dma_start3A_416 = arith.constant 0 : i32
        %dma_start3A_417 = arith.constant 0 : i32
        %dma_start3A_418 = arith.constant 0 : i32
        %dma_start3A_419 = tpu.memref_slice %arg10[%dma_start3A_415, %dma_start3A_417, %dma_start3A_418] : memref<8x125x32xbf16, #tpu.memory_space<vmem>> -> memref<1x125x32xbf16, #tpu.memory_space<vmem>>
        %dma_start3A_420 = tpu.memref_squeeze %dma_start3A_419 : memref<1x125x32xbf16, #tpu.memory_space<vmem>> -> memref<125x32xbf16, #tpu.memory_space<vmem>>
        %dma_start3A_421 = arith.constant 0 : i32
        %dma_start3A_422 = tpu.memref_slice %arg9[%dma_start3A_416, %dma_start3A_421] : memref<8x125xi32, #tpu.memory_space<vmem>> -> memref<1x125xi32, #tpu.memory_space<vmem>>
        %dma_start3A_423 = tpu.memref_squeeze %dma_start3A_422 : memref<1x125xi32, #tpu.memory_space<vmem>> -> memref<125xi32, #tpu.memory_space<vmem>>
        %dma_start3A_424 = arith.constant 0 : i32
        %dma_start3A_425 = arith.constant 0 : i32
        %dma_start3A_426 = tpu.memref_slice %arg14[%dma_start3A_424, %dma_start3A_425] : memref<50176x32xbf16, #tpu.memory_space<vmem_shared>> -> memref<50176x32xbf16, #tpu.memory_space<vmem_shared>>
        tpu.enqueue_indirect_dma source(%dma_start3A_420 : memref<125x32xbf16, #tpu.memory_space<vmem>>) target(%dma_start3A_426 : memref<50176x32xbf16, #tpu.memory_space<vmem_shared>>) offsets(%dma_start3A_423 : memref<125xi32, #tpu.memory_space<vmem>>) semaphore(%arg17 : memref<!tpu.dma_semaphore, #tpu.memory_space<semaphore_mem>>) {add = true}
        %dma_start3A_427 = arith.constant 1 : i32
        %dma_start3A_428 = arith.constant 1 : i32
        %dma_start3A_429 = arith.constant 0 : i32
        %dma_start3A_430 = arith.constant 0 : i32
        %dma_start3A_431 = tpu.memref_slice %arg10[%dma_start3A_427, %dma_start3A_429, %dma_start3A_430] : memref<8x125x32xbf16, #tpu.memory_space<vmem>> -> memref<1x125x32xbf16, #tpu.memory_space<vmem>>
        %dma_start3A_432 = tpu.memref_squeeze %dma_start3A_431 : memref<1x125x32xbf16, #tpu.memory_space<vmem>> -> memref<125x32xbf16, #tpu.memory_space<vmem>>
        %dma_start3A_433 = arith.constant 0 : i32
        %dma_start3A_434 = tpu.memref_slice %arg9[%dma_start3A_428, %dma_start3A_433] : memref<8x125xi32, #tpu.memory_space<vmem>> -> memref<1x125xi32, #tpu.memory_space<vmem>>
        %dma_start3A_435 = tpu.memref_squeeze %dma_start3A_434 : memref<1x125xi32, #tpu.memory_space<vmem>> -> memref<125xi32, #tpu.memory_space<vmem>>
        %dma_start3A_436 = arith.constant 0 : i32
        %dma_start3A_437 = arith.constant 0 : i32
        %dma_start3A_438 = tpu.memref_slice %arg14[%dma_start3A_436, %dma_start3A_437] : memref<50176x32xbf16, #tpu.memory_space<vmem_shared>> -> memref<50176x32xbf16, #tpu.memory_space<vmem_shared>>
        tpu.enqueue_indirect_dma source(%dma_start3A_432 : memref<125x32xbf16, #tpu.memory_space<vmem>>) target(%dma_start3A_438 : memref<50176x32xbf16, #tpu.memory_space<vmem_shared>>) offsets(%dma_start3A_435 : memref<125xi32, #tpu.memory_space<vmem>>) semaphore(%arg17 : memref<!tpu.dma_semaphore, #tpu.memory_space<semaphore_mem>>) {add = true}
        %dma_start3A_439 = arith.constant 2 : i32
        %dma_start3A_440 = arith.constant 2 : i32
        %dma_start3A_441 = arith.constant 0 : i32
        %dma_start3A_442 = arith.constant 0 : i32
        %dma_start3A_443 = tpu.memref_slice %arg10[%dma_start3A_439, %dma_start3A_441, %dma_start3A_442] : memref<8x125x32xbf16, #tpu.memory_space<vmem>> -> memref<1x125x32xbf16, #tpu.memory_space<vmem>>
        %dma_start3A_444 = tpu.memref_squeeze %dma_start3A_443 : memref<1x125x32xbf16, #tpu.memory_space<vmem>> -> memref<125x32xbf16, #tpu.memory_space<vmem>>
        %dma_start3A_445 = arith.constant 0 : i32
        %dma_start3A_446 = tpu.memref_slice %arg9[%dma_start3A_440, %dma_start3A_445] : memref<8x125xi32, #tpu.memory_space<vmem>> -> memref<1x125xi32, #tpu.memory_space<vmem>>
        %dma_start3A_447 = tpu.memref_squeeze %dma_start3A_446 : memref<1x125xi32, #tpu.memory_space<vmem>> -> memref<125xi32, #tpu.memory_space<vmem>>
        %dma_start3A_448 = arith.constant 0 : i32
        %dma_start3A_449 = arith.constant 0 : i32
        %dma_start3A_450 = tpu.memref_slice %arg14[%dma_start3A_448, %dma_start3A_449] : memref<50176x32xbf16, #tpu.memory_space<vmem_shared>> -> memref<50176x32xbf16, #tpu.memory_space<vmem_shared>>
        tpu.enqueue_indirect_dma source(%dma_start3A_444 : memref<125x32xbf16, #tpu.memory_space<vmem>>) target(%dma_start3A_450 : memref<50176x32xbf16, #tpu.memory_space<vmem_shared>>) offsets(%dma_start3A_447 : memref<125xi32, #tpu.memory_space<vmem>>) semaphore(%arg17 : memref<!tpu.dma_semaphore, #tpu.memory_space<semaphore_mem>>) {add = true}
        %dma_start3A_451 = arith.constant 3 : i32
        %dma_start3A_452 = arith.constant 3 : i32
        %dma_start3A_453 = arith.constant 0 : i32
        %dma_start3A_454 = arith.constant 0 : i32
        %dma_start3A_455 = tpu.memref_slice %arg10[%dma_start3A_451, %dma_start3A_453, %dma_start3A_454] : memref<8x125x32xbf16, #tpu.memory_space<vmem>> -> memref<1x125x32xbf16, #tpu.memory_space<vmem>>
        %dma_start3A_456 = tpu.memref_squeeze %dma_start3A_455 : memref<1x125x32xbf16, #tpu.memory_space<vmem>> -> memref<125x32xbf16, #tpu.memory_space<vmem>>
        %dma_start3A_457 = arith.constant 0 : i32
        %dma_start3A_458 = tpu.memref_slice %arg9[%dma_start3A_452, %dma_start3A_457] : memref<8x125xi32, #tpu.memory_space<vmem>> -> memref<1x125xi32, #tpu.memory_space<vmem>>
        %dma_start3A_459 = tpu.memref_squeeze %dma_start3A_458 : memref<1x125xi32, #tpu.memory_space<vmem>> -> memref<125xi32, #tpu.memory_space<vmem>>
        %dma_start3A_460 = arith.constant 0 : i32
        %dma_start3A_461 = arith.constant 0 : i32
        %dma_start3A_462 = tpu.memref_slice %arg14[%dma_start3A_460, %dma_start3A_461] : memref<50176x32xbf16, #tpu.memory_space<vmem_shared>> -> memref<50176x32xbf16, #tpu.memory_space<vmem_shared>>
        tpu.enqueue_indirect_dma source(%dma_start3A_456 : memref<125x32xbf16, #tpu.memory_space<vmem>>) target(%dma_start3A_462 : memref<50176x32xbf16, #tpu.memory_space<vmem_shared>>) offsets(%dma_start3A_459 : memref<125xi32, #tpu.memory_space<vmem>>) semaphore(%arg17 : memref<!tpu.dma_semaphore, #tpu.memory_space<semaphore_mem>>) {add = true}
        %dma_start3A_463 = arith.constant 4 : i32
        %dma_start3A_464 = arith.constant 4 : i32
        %dma_start3A_465 = arith.constant 0 : i32
        %dma_start3A_466 = arith.constant 0 : i32
        %dma_start3A_467 = tpu.memref_slice %arg10[%dma_start3A_463, %dma_start3A_465, %dma_start3A_466] : memref<8x125x32xbf16, #tpu.memory_space<vmem>> -> memref<1x125x32xbf16, #tpu.memory_space<vmem>>
        %dma_start3A_468 = tpu.memref_squeeze %dma_start3A_467 : memref<1x125x32xbf16, #tpu.memory_space<vmem>> -> memref<125x32xbf16, #tpu.memory_space<vmem>>
        %dma_start3A_469 = arith.constant 0 : i32
        %dma_start3A_470 = tpu.memref_slice %arg9[%dma_start3A_464, %dma_start3A_469] : memref<8x125xi32, #tpu.memory_space<vmem>> -> memref<1x125xi32, #tpu.memory_space<vmem>>
        %dma_start3A_471 = tpu.memref_squeeze %dma_start3A_470 : memref<1x125xi32, #tpu.memory_space<vmem>> -> memref<125xi32, #tpu.memory_space<vmem>>
        %dma_start3A_472 = arith.constant 0 : i32
        %dma_start3A_473 = arith.constant 0 : i32
        %dma_start3A_474 = tpu.memref_slice %arg14[%dma_start3A_472, %dma_start3A_473] : memref<50176x32xbf16, #tpu.memory_space<vmem_shared>> -> memref<50176x32xbf16, #tpu.memory_space<vmem_shared>>
        tpu.enqueue_indirect_dma source(%dma_start3A_468 : memref<125x32xbf16, #tpu.memory_space<vmem>>) target(%dma_start3A_474 : memref<50176x32xbf16, #tpu.memory_space<vmem_shared>>) offsets(%dma_start3A_471 : memref<125xi32, #tpu.memory_space<vmem>>) semaphore(%arg17 : memref<!tpu.dma_semaphore, #tpu.memory_space<semaphore_mem>>) {add = true}
        %dma_start3A_475 = arith.constant 5 : i32
        %dma_start3A_476 = arith.constant 5 : i32
        %dma_start3A_477 = arith.constant 0 : i32
        %dma_start3A_478 = arith.constant 0 : i32
        %dma_start3A_479 = tpu.memref_slice %arg10[%dma_start3A_475, %dma_start3A_477, %dma_start3A_478] : memref<8x125x32xbf16, #tpu.memory_space<vmem>> -> memref<1x125x32xbf16, #tpu.memory_space<vmem>>
        %dma_start3A_480 = tpu.memref_squeeze %dma_start3A_479 : memref<1x125x32xbf16, #tpu.memory_space<vmem>> -> memref<125x32xbf16, #tpu.memory_space<vmem>>
        %dma_start3A_481 = arith.constant 0 : i32
        %dma_start3A_482 = tpu.memref_slice %arg9[%dma_start3A_476, %dma_start3A_481] : memref<8x125xi32, #tpu.memory_space<vmem>> -> memref<1x125xi32, #tpu.memory_space<vmem>>
        %dma_start3A_483 = tpu.memref_squeeze %dma_start3A_482 : memref<1x125xi32, #tpu.memory_space<vmem>> -> memref<125xi32, #tpu.memory_space<vmem>>
        %dma_start3A_484 = arith.constant 0 : i32
        %dma_start3A_485 = arith.constant 0 : i32
        %dma_start3A_486 = tpu.memref_slice %arg14[%dma_start3A_484, %dma_start3A_485] : memref<50176x32xbf16, #tpu.memory_space<vmem_shared>> -> memref<50176x32xbf16, #tpu.memory_space<vmem_shared>>
        tpu.enqueue_indirect_dma source(%dma_start3A_480 : memref<125x32xbf16, #tpu.memory_space<vmem>>) target(%dma_start3A_486 : memref<50176x32xbf16, #tpu.memory_space<vmem_shared>>) offsets(%dma_start3A_483 : memref<125xi32, #tpu.memory_space<vmem>>) semaphore(%arg17 : memref<!tpu.dma_semaphore, #tpu.memory_space<semaphore_mem>>) {add = true}
        %dma_start3A_487 = arith.constant 6 : i32
        %dma_start3A_488 = arith.constant 6 : i32
        %dma_start3A_489 = arith.constant 0 : i32
        %dma_start3A_490 = arith.constant 0 : i32
        %dma_start3A_491 = tpu.memref_slice %arg10[%dma_start3A_487, %dma_start3A_489, %dma_start3A_490] : memref<8x125x32xbf16, #tpu.memory_space<vmem>> -> memref<1x125x32xbf16, #tpu.memory_space<vmem>>
        %dma_start3A_492 = tpu.memref_squeeze %dma_start3A_491 : memref<1x125x32xbf16, #tpu.memory_space<vmem>> -> memref<125x32xbf16, #tpu.memory_space<vmem>>
        %dma_start3A_493 = arith.constant 0 : i32
        %dma_start3A_494 = tpu.memref_slice %arg9[%dma_start3A_488, %dma_start3A_493] : memref<8x125xi32, #tpu.memory_space<vmem>> -> memref<1x125xi32, #tpu.memory_space<vmem>>
        %dma_start3A_495 = tpu.memref_squeeze %dma_start3A_494 : memref<1x125xi32, #tpu.memory_space<vmem>> -> memref<125xi32, #tpu.memory_space<vmem>>
        %dma_start3A_496 = arith.constant 0 : i32
        %dma_start3A_497 = arith.constant 0 : i32
        %dma_start3A_498 = tpu.memref_slice %arg14[%dma_start3A_496, %dma_start3A_497] : memref<50176x32xbf16, #tpu.memory_space<vmem_shared>> -> memref<50176x32xbf16, #tpu.memory_space<vmem_shared>>
        tpu.enqueue_indirect_dma source(%dma_start3A_492 : memref<125x32xbf16, #tpu.memory_space<vmem>>) target(%dma_start3A_498 : memref<50176x32xbf16, #tpu.memory_space<vmem_shared>>) offsets(%dma_start3A_495 : memref<125xi32, #tpu.memory_space<vmem>>) semaphore(%arg17 : memref<!tpu.dma_semaphore, #tpu.memory_space<semaphore_mem>>) {add = true}
        %dma_start3A_499 = arith.constant 7 : i32
        %dma_start3A_500 = arith.constant 7 : i32
        %dma_start3A_501 = arith.constant 0 : i32
        %dma_start3A_502 = arith.constant 0 : i32
        %dma_start3A_503 = tpu.memref_slice %arg10[%dma_start3A_499, %dma_start3A_501, %dma_start3A_502] : memref<8x125x32xbf16, #tpu.memory_space<vmem>> -> memref<1x125x32xbf16, #tpu.memory_space<vmem>>
        %dma_start3A_504 = tpu.memref_squeeze %dma_start3A_503 : memref<1x125x32xbf16, #tpu.memory_space<vmem>> -> memref<125x32xbf16, #tpu.memory_space<vmem>>
        %dma_start3A_505 = arith.constant 0 : i32
        %dma_start3A_506 = tpu.memref_slice %arg9[%dma_start3A_500, %dma_start3A_505] : memref<8x125xi32, #tpu.memory_space<vmem>> -> memref<1x125xi32, #tpu.memory_space<vmem>>
        %dma_start3A_507 = tpu.memref_squeeze %dma_start3A_506 : memref<1x125xi32, #tpu.memory_space<vmem>> -> memref<125xi32, #tpu.memory_space<vmem>>
        %dma_start3A_508 = arith.constant 0 : i32
        %dma_start3A_509 = arith.constant 0 : i32
        %dma_start3A_510 = tpu.memref_slice %arg14[%dma_start3A_508, %dma_start3A_509] : memref<50176x32xbf16, #tpu.memory_space<vmem_shared>> -> memref<50176x32xbf16, #tpu.memory_space<vmem_shared>>
        tpu.enqueue_indirect_dma source(%dma_start3A_504 : memref<125x32xbf16, #tpu.memory_space<vmem>>) target(%dma_start3A_510 : memref<50176x32xbf16, #tpu.memory_space<vmem_shared>>) offsets(%dma_start3A_507 : memref<125xi32, #tpu.memory_space<vmem>>) semaphore(%arg17 : memref<!tpu.dma_semaphore, #tpu.memory_space<semaphore_mem>>) {add = true}
        %dma_wait3A_511 = arith.constant 0 : i32
        %dma_wait3A_512 = arith.constant 0 : i32
        %dma_wait3A_513 = arith.constant 0 : i32
        %dma_wait3A_514 = arith.constant 0 : i32
        %dma_wait3A_515 = tpu.memref_slice %arg10[%dma_wait3A_511, %dma_wait3A_513, %dma_wait3A_514] : memref<8x125x32xbf16, #tpu.memory_space<vmem>> -> memref<1x125x32xbf16, #tpu.memory_space<vmem>>
        %dma_wait3A_516 = tpu.memref_squeeze %dma_wait3A_515 : memref<1x125x32xbf16, #tpu.memory_space<vmem>> -> memref<125x32xbf16, #tpu.memory_space<vmem>>
        %dma_wait3A_517 = arith.constant 0 : i32
        %dma_wait3A_518 = tpu.memref_slice %arg9[%dma_wait3A_512, %dma_wait3A_517] : memref<8x125xi32, #tpu.memory_space<vmem>> -> memref<1x125xi32, #tpu.memory_space<vmem>>
        %dma_wait3A_519 = tpu.memref_squeeze %dma_wait3A_518 : memref<1x125xi32, #tpu.memory_space<vmem>> -> memref<125xi32, #tpu.memory_space<vmem>>
        %dma_wait3A_520 = arith.constant 0 : i32
        %dma_wait3A_521 = arith.constant 0 : i32
        %dma_wait3A_522 = tpu.memref_slice %arg14[%dma_wait3A_520, %dma_wait3A_521] : memref<50176x32xbf16, #tpu.memory_space<vmem_shared>> -> memref<50176x32xbf16, #tpu.memory_space<vmem_shared>>
        tpu.wait_indirect_dma semaphore(%arg17 : memref<!tpu.dma_semaphore, #tpu.memory_space<semaphore_mem>>) src(%dma_wait3A_516 : memref<125x32xbf16, #tpu.memory_space<vmem>>) dst(%dma_wait3A_522 : memref<50176x32xbf16, #tpu.memory_space<vmem_shared>>)
        %dma_wait3A_523 = arith.constant 1 : i32
        %dma_wait3A_524 = arith.constant 1 : i32
        %dma_wait3A_525 = arith.constant 0 : i32
        %dma_wait3A_526 = arith.constant 0 : i32
        %dma_wait3A_527 = tpu.memref_slice %arg10[%dma_wait3A_523, %dma_wait3A_525, %dma_wait3A_526] : memref<8x125x32xbf16, #tpu.memory_space<vmem>> -> memref<1x125x32xbf16, #tpu.memory_space<vmem>>
        %dma_wait3A_528 = tpu.memref_squeeze %dma_wait3A_527 : memref<1x125x32xbf16, #tpu.memory_space<vmem>> -> memref<125x32xbf16, #tpu.memory_space<vmem>>
        %dma_wait3A_529 = arith.constant 0 : i32
        %dma_wait3A_530 = tpu.memref_slice %arg9[%dma_wait3A_524, %dma_wait3A_529] : memref<8x125xi32, #tpu.memory_space<vmem>> -> memref<1x125xi32, #tpu.memory_space<vmem>>
        %dma_wait3A_531 = tpu.memref_squeeze %dma_wait3A_530 : memref<1x125xi32, #tpu.memory_space<vmem>> -> memref<125xi32, #tpu.memory_space<vmem>>
        %dma_wait3A_532 = arith.constant 0 : i32
        %dma_wait3A_533 = arith.constant 0 : i32
        %dma_wait3A_534 = tpu.memref_slice %arg14[%dma_wait3A_532, %dma_wait3A_533] : memref<50176x32xbf16, #tpu.memory_space<vmem_shared>> -> memref<50176x32xbf16, #tpu.memory_space<vmem_shared>>
        tpu.wait_indirect_dma semaphore(%arg17 : memref<!tpu.dma_semaphore, #tpu.memory_space<semaphore_mem>>) src(%dma_wait3A_528 : memref<125x32xbf16, #tpu.memory_space<vmem>>) dst(%dma_wait3A_534 : memref<50176x32xbf16, #tpu.memory_space<vmem_shared>>)
        %dma_wait3A_535 = arith.constant 2 : i32
        %dma_wait3A_536 = arith.constant 2 : i32
        %dma_wait3A_537 = arith.constant 0 : i32
        %dma_wait3A_538 = arith.constant 0 : i32
        %dma_wait3A_539 = tpu.memref_slice %arg10[%dma_wait3A_535, %dma_wait3A_537, %dma_wait3A_538] : memref<8x125x32xbf16, #tpu.memory_space<vmem>> -> memref<1x125x32xbf16, #tpu.memory_space<vmem>>
        %dma_wait3A_540 = tpu.memref_squeeze %dma_wait3A_539 : memref<1x125x32xbf16, #tpu.memory_space<vmem>> -> memref<125x32xbf16, #tpu.memory_space<vmem>>
        %dma_wait3A_541 = arith.constant 0 : i32
        %dma_wait3A_542 = tpu.memref_slice %arg9[%dma_wait3A_536, %dma_wait3A_541] : memref<8x125xi32, #tpu.memory_space<vmem>> -> memref<1x125xi32, #tpu.memory_space<vmem>>
        %dma_wait3A_543 = tpu.memref_squeeze %dma_wait3A_542 : memref<1x125xi32, #tpu.memory_space<vmem>> -> memref<125xi32, #tpu.memory_space<vmem>>
        %dma_wait3A_544 = arith.constant 0 : i32
        %dma_wait3A_545 = arith.constant 0 : i32
        %dma_wait3A_546 = tpu.memref_slice %arg14[%dma_wait3A_544, %dma_wait3A_545] : memref<50176x32xbf16, #tpu.memory_space<vmem_shared>> -> memref<50176x32xbf16, #tpu.memory_space<vmem_shared>>
        tpu.wait_indirect_dma semaphore(%arg17 : memref<!tpu.dma_semaphore, #tpu.memory_space<semaphore_mem>>) src(%dma_wait3A_540 : memref<125x32xbf16, #tpu.memory_space<vmem>>) dst(%dma_wait3A_546 : memref<50176x32xbf16, #tpu.memory_space<vmem_shared>>)
        %dma_wait3A_547 = arith.constant 3 : i32
        %dma_wait3A_548 = arith.constant 3 : i32
        %dma_wait3A_549 = arith.constant 0 : i32
        %dma_wait3A_550 = arith.constant 0 : i32
        %dma_wait3A_551 = tpu.memref_slice %arg10[%dma_wait3A_547, %dma_wait3A_549, %dma_wait3A_550] : memref<8x125x32xbf16, #tpu.memory_space<vmem>> -> memref<1x125x32xbf16, #tpu.memory_space<vmem>>
        %dma_wait3A_552 = tpu.memref_squeeze %dma_wait3A_551 : memref<1x125x32xbf16, #tpu.memory_space<vmem>> -> memref<125x32xbf16, #tpu.memory_space<vmem>>
        %dma_wait3A_553 = arith.constant 0 : i32
        %dma_wait3A_554 = tpu.memref_slice %arg9[%dma_wait3A_548, %dma_wait3A_553] : memref<8x125xi32, #tpu.memory_space<vmem>> -> memref<1x125xi32, #tpu.memory_space<vmem>>
        %dma_wait3A_555 = tpu.memref_squeeze %dma_wait3A_554 : memref<1x125xi32, #tpu.memory_space<vmem>> -> memref<125xi32, #tpu.memory_space<vmem>>
        %dma_wait3A_556 = arith.constant 0 : i32
        %dma_wait3A_557 = arith.constant 0 : i32
        %dma_wait3A_558 = tpu.memref_slice %arg14[%dma_wait3A_556, %dma_wait3A_557] : memref<50176x32xbf16, #tpu.memory_space<vmem_shared>> -> memref<50176x32xbf16, #tpu.memory_space<vmem_shared>>
        tpu.wait_indirect_dma semaphore(%arg17 : memref<!tpu.dma_semaphore, #tpu.memory_space<semaphore_mem>>) src(%dma_wait3A_552 : memref<125x32xbf16, #tpu.memory_space<vmem>>) dst(%dma_wait3A_558 : memref<50176x32xbf16, #tpu.memory_space<vmem_shared>>)
        %dma_wait3A_559 = arith.constant 4 : i32
        %dma_wait3A_560 = arith.constant 4 : i32
        %dma_wait3A_561 = arith.constant 0 : i32
        %dma_wait3A_562 = arith.constant 0 : i32
        %dma_wait3A_563 = tpu.memref_slice %arg10[%dma_wait3A_559, %dma_wait3A_561, %dma_wait3A_562] : memref<8x125x32xbf16, #tpu.memory_space<vmem>> -> memref<1x125x32xbf16, #tpu.memory_space<vmem>>
        %dma_wait3A_564 = tpu.memref_squeeze %dma_wait3A_563 : memref<1x125x32xbf16, #tpu.memory_space<vmem>> -> memref<125x32xbf16, #tpu.memory_space<vmem>>
        %dma_wait3A_565 = arith.constant 0 : i32
        %dma_wait3A_566 = tpu.memref_slice %arg9[%dma_wait3A_560, %dma_wait3A_565] : memref<8x125xi32, #tpu.memory_space<vmem>> -> memref<1x125xi32, #tpu.memory_space<vmem>>
        %dma_wait3A_567 = tpu.memref_squeeze %dma_wait3A_566 : memref<1x125xi32, #tpu.memory_space<vmem>> -> memref<125xi32, #tpu.memory_space<vmem>>
        %dma_wait3A_568 = arith.constant 0 : i32
        %dma_wait3A_569 = arith.constant 0 : i32
        %dma_wait3A_570 = tpu.memref_slice %arg14[%dma_wait3A_568, %dma_wait3A_569] : memref<50176x32xbf16, #tpu.memory_space<vmem_shared>> -> memref<50176x32xbf16, #tpu.memory_space<vmem_shared>>
        tpu.wait_indirect_dma semaphore(%arg17 : memref<!tpu.dma_semaphore, #tpu.memory_space<semaphore_mem>>) src(%dma_wait3A_564 : memref<125x32xbf16, #tpu.memory_space<vmem>>) dst(%dma_wait3A_570 : memref<50176x32xbf16, #tpu.memory_space<vmem_shared>>)
        %dma_wait3A_571 = arith.constant 5 : i32
        %dma_wait3A_572 = arith.constant 5 : i32
        %dma_wait3A_573 = arith.constant 0 : i32
        %dma_wait3A_574 = arith.constant 0 : i32
        %dma_wait3A_575 = tpu.memref_slice %arg10[%dma_wait3A_571, %dma_wait3A_573, %dma_wait3A_574] : memref<8x125x32xbf16, #tpu.memory_space<vmem>> -> memref<1x125x32xbf16, #tpu.memory_space<vmem>>
        %dma_wait3A_576 = tpu.memref_squeeze %dma_wait3A_575 : memref<1x125x32xbf16, #tpu.memory_space<vmem>> -> memref<125x32xbf16, #tpu.memory_space<vmem>>
        %dma_wait3A_577 = arith.constant 0 : i32
        %dma_wait3A_578 = tpu.memref_slice %arg9[%dma_wait3A_572, %dma_wait3A_577] : memref<8x125xi32, #tpu.memory_space<vmem>> -> memref<1x125xi32, #tpu.memory_space<vmem>>
        %dma_wait3A_579 = tpu.memref_squeeze %dma_wait3A_578 : memref<1x125xi32, #tpu.memory_space<vmem>> -> memref<125xi32, #tpu.memory_space<vmem>>
        %dma_wait3A_580 = arith.constant 0 : i32
        %dma_wait3A_581 = arith.constant 0 : i32
        %dma_wait3A_582 = tpu.memref_slice %arg14[%dma_wait3A_580, %dma_wait3A_581] : memref<50176x32xbf16, #tpu.memory_space<vmem_shared>> -> memref<50176x32xbf16, #tpu.memory_space<vmem_shared>>
        tpu.wait_indirect_dma semaphore(%arg17 : memref<!tpu.dma_semaphore, #tpu.memory_space<semaphore_mem>>) src(%dma_wait3A_576 : memref<125x32xbf16, #tpu.memory_space<vmem>>) dst(%dma_wait3A_582 : memref<50176x32xbf16, #tpu.memory_space<vmem_shared>>)
        %dma_wait3A_583 = arith.constant 6 : i32
        %dma_wait3A_584 = arith.constant 6 : i32
        %dma_wait3A_585 = arith.constant 0 : i32
        %dma_wait3A_586 = arith.constant 0 : i32
        %dma_wait3A_587 = tpu.memref_slice %arg10[%dma_wait3A_583, %dma_wait3A_585, %dma_wait3A_586] : memref<8x125x32xbf16, #tpu.memory_space<vmem>> -> memref<1x125x32xbf16, #tpu.memory_space<vmem>>
        %dma_wait3A_588 = tpu.memref_squeeze %dma_wait3A_587 : memref<1x125x32xbf16, #tpu.memory_space<vmem>> -> memref<125x32xbf16, #tpu.memory_space<vmem>>
        %dma_wait3A_589 = arith.constant 0 : i32
        %dma_wait3A_590 = tpu.memref_slice %arg9[%dma_wait3A_584, %dma_wait3A_589] : memref<8x125xi32, #tpu.memory_space<vmem>> -> memref<1x125xi32, #tpu.memory_space<vmem>>
        %dma_wait3A_591 = tpu.memref_squeeze %dma_wait3A_590 : memref<1x125xi32, #tpu.memory_space<vmem>> -> memref<125xi32, #tpu.memory_space<vmem>>
        %dma_wait3A_592 = arith.constant 0 : i32
        %dma_wait3A_593 = arith.constant 0 : i32
        %dma_wait3A_594 = tpu.memref_slice %arg14[%dma_wait3A_592, %dma_wait3A_593] : memref<50176x32xbf16, #tpu.memory_space<vmem_shared>> -> memref<50176x32xbf16, #tpu.memory_space<vmem_shared>>
        tpu.wait_indirect_dma semaphore(%arg17 : memref<!tpu.dma_semaphore, #tpu.memory_space<semaphore_mem>>) src(%dma_wait3A_588 : memref<125x32xbf16, #tpu.memory_space<vmem>>) dst(%dma_wait3A_594 : memref<50176x32xbf16, #tpu.memory_space<vmem_shared>>)
        %dma_wait3A_595 = arith.constant 7 : i32
        %dma_wait3A_596 = arith.constant 7 : i32
        %dma_wait3A_597 = arith.constant 0 : i32
        %dma_wait3A_598 = arith.constant 0 : i32
        %dma_wait3A_599 = tpu.memref_slice %arg10[%dma_wait3A_595, %dma_wait3A_597, %dma_wait3A_598] : memref<8x125x32xbf16, #tpu.memory_space<vmem>> -> memref<1x125x32xbf16, #tpu.memory_space<vmem>>
        %dma_wait3A_600 = tpu.memref_squeeze %dma_wait3A_599 : memref<1x125x32xbf16, #tpu.memory_space<vmem>> -> memref<125x32xbf16, #tpu.memory_space<vmem>>
        %dma_wait3A_601 = arith.constant 0 : i32
        %dma_wait3A_602 = tpu.memref_slice %arg9[%dma_wait3A_596, %dma_wait3A_601] : memref<8x125xi32, #tpu.memory_space<vmem>> -> memref<1x125xi32, #tpu.memory_space<vmem>>
        %dma_wait3A_603 = tpu.memref_squeeze %dma_wait3A_602 : memref<1x125xi32, #tpu.memory_space<vmem>> -> memref<125xi32, #tpu.memory_space<vmem>>
        %dma_wait3A_604 = arith.constant 0 : i32
        %dma_wait3A_605 = arith.constant 0 : i32
        %dma_wait3A_606 = tpu.memref_slice %arg14[%dma_wait3A_604, %dma_wait3A_605] : memref<50176x32xbf16, #tpu.memory_space<vmem_shared>> -> memref<50176x32xbf16, #tpu.memory_space<vmem_shared>>
        tpu.wait_indirect_dma semaphore(%arg17 : memref<!tpu.dma_semaphore, #tpu.memory_space<semaphore_mem>>) src(%dma_wait3A_600 : memref<125x32xbf16, #tpu.memory_space<vmem>>) dst(%dma_wait3A_606 : memref<50176x32xbf16, #tpu.memory_space<vmem_shared>>)
        %add3A_607 = arith.constant 2 : i32
        %add3A_608 = arith.addi %mul3A_213, %add3A_607 : i32
        %lt3A = arith.constant 50 : i32
        %lt3A_609 = arith.cmpi slt, %add3A_608, %lt3A : i32
        %convert_element_type3A_610 = arith.extui %lt3A_609 : i1 to i32
        %cond3A_611 = arith.constant 0 : i32
        %cond3A_612 = arith.cmpi ne, %convert_element_type3A_610, %cond3A_611 : i32
        scf.if %cond3A_612 {
          %add3A_805 = arith.constant 2 : i32
          %add3A_806 = arith.addi %mul3A_213, %add3A_805 : i32
          %mul3A_807 = arith.constant 8 : i32
          %mul3A_808 = arith.muli %add3A_806, %mul3A_807 : i32
          %add3A_809 = arith.addi %mul3A_2, %mul3A_808 : i32
          "tpu.region"() ({
            %run_scoped3A = tpu.sem_alloc : memref<!tpu.dma_semaphore, #tpu.memory_space<semaphore_mem>>
            %dma_start3A_906 = arith.constant 0 : i32
            %dma_start3A_907 = tpu.memref_slice %arg2[%add3A_809, %dma_start3A_906] : memref<6400x125xi32, #tpu.memory_space<hbm>> -> memref<8x125xi32, #tpu.memory_space<hbm>>
            %dma_start3A_908 = arith.constant 0 : i32
            %dma_start3A_909 = tpu.memref_slice %arg2[%add3A_809, %dma_start3A_908] : memref<6400x125xi32, #tpu.memory_space<hbm>> -> memref<8x125xi32, #tpu.memory_space<hbm>>
            tpu.enqueue_dma source(%dma_start3A_909 : memref<8x125xi32, #tpu.memory_space<hbm>>) target(%arg8 : memref<8x125xi32, #tpu.memory_space<vmem>>) target_semaphore(%run_scoped3A : memref<!tpu.dma_semaphore, #tpu.memory_space<semaphore_mem>>)
            %dma_wait3A_910 = arith.constant 0 : i32
            %dma_wait3A_911 = tpu.memref_slice %arg2[%add3A_809, %dma_wait3A_910] : memref<6400x125xi32, #tpu.memory_space<hbm>> -> memref<8x125xi32, #tpu.memory_space<hbm>>
            %dma_wait3A_912 = arith.constant 0 : i32
            %dma_wait3A_913 = tpu.memref_slice %arg2[%add3A_809, %dma_wait3A_912] : memref<6400x125xi32, #tpu.memory_space<hbm>> -> memref<8x125xi32, #tpu.memory_space<hbm>>
            tpu.wait_dma2 semaphore(%run_scoped3A : memref<!tpu.dma_semaphore, #tpu.memory_space<semaphore_mem>>) src(%dma_wait3A_913 : memref<8x125xi32, #tpu.memory_space<hbm>>) dst(%arg8 : memref<8x125xi32, #tpu.memory_space<vmem>>)
            tpu.yield
          }) : () -> ()
          "tpu.region"() ({
            %run_scoped3A = tpu.sem_alloc : memref<!tpu.dma_semaphore, #tpu.memory_space<semaphore_mem>>
            %dma_start3A_906 = arith.constant 0 : i32
            %dma_start3A_907 = tpu.memref_slice %arg3[%add3A_809, %dma_start3A_906] : memref<6400x125xi32, #tpu.memory_space<hbm>> -> memref<8x125xi32, #tpu.memory_space<hbm>>
            %dma_start3A_908 = arith.constant 0 : i32
            %dma_start3A_909 = tpu.memref_slice %arg3[%add3A_809, %dma_start3A_908] : memref<6400x125xi32, #tpu.memory_space<hbm>> -> memref<8x125xi32, #tpu.memory_space<hbm>>
            tpu.enqueue_dma source(%dma_start3A_909 : memref<8x125xi32, #tpu.memory_space<hbm>>) target(%arg9 : memref<8x125xi32, #tpu.memory_space<vmem>>) target_semaphore(%run_scoped3A : memref<!tpu.dma_semaphore, #tpu.memory_space<semaphore_mem>>)
            %dma_wait3A_910 = arith.constant 0 : i32
            %dma_wait3A_911 = tpu.memref_slice %arg3[%add3A_809, %dma_wait3A_910] : memref<6400x125xi32, #tpu.memory_space<hbm>> -> memref<8x125xi32, #tpu.memory_space<hbm>>
            %dma_wait3A_912 = arith.constant 0 : i32
            %dma_wait3A_913 = tpu.memref_slice %arg3[%add3A_809, %dma_wait3A_912] : memref<6400x125xi32, #tpu.memory_space<hbm>> -> memref<8x125xi32, #tpu.memory_space<hbm>>
            tpu.wait_dma2 semaphore(%run_scoped3A : memref<!tpu.dma_semaphore, #tpu.memory_space<semaphore_mem>>) src(%dma_wait3A_913 : memref<8x125xi32, #tpu.memory_space<hbm>>) dst(%arg9 : memref<8x125xi32, #tpu.memory_space<vmem>>)
            tpu.yield
          }) : () -> ()
          %dma_start3A_810 = arith.constant 0 : i32
          %dma_start3A_811 = arith.constant 0 : i32
          %dma_start3A_812 = arith.constant 0 : i32
          %dma_start3A_813 = arith.constant 0 : i32
          %dma_start3A_814 = tpu.memref_slice %arg10[%dma_start3A_811, %dma_start3A_812, %dma_start3A_813] : memref<8x125x32xbf16, #tpu.memory_space<vmem>> -> memref<1x125x32xbf16, #tpu.memory_space<vmem>>
          %dma_start3A_815 = tpu.memref_squeeze %dma_start3A_814 : memref<1x125x32xbf16, #tpu.memory_space<vmem>> -> memref<125x32xbf16, #tpu.memory_space<vmem>>
          %dma_start3A_816 = arith.constant 0 : i32
          %dma_start3A_817 = tpu.memref_slice %arg8[%dma_start3A_810, %dma_start3A_816] : memref<8x125xi32, #tpu.memory_space<vmem>> -> memref<1x125xi32, #tpu.memory_space<vmem>>
          %dma_start3A_818 = tpu.memref_squeeze %dma_start3A_817 : memref<1x125xi32, #tpu.memory_space<vmem>> -> memref<125xi32, #tpu.memory_space<vmem>>
          %dma_start3A_819 = arith.constant 0 : i32
          %dma_start3A_820 = arith.constant 0 : i32
          %dma_start3A_821 = tpu.memref_slice %arg4[%dma_start3A_819, %dma_start3A_820] : memref<50048x32xbf16, #tpu.memory_space<hbm>> -> memref<50048x32xbf16, #tpu.memory_space<hbm>>
          tpu.enqueue_indirect_dma source(%dma_start3A_821 : memref<50048x32xbf16, #tpu.memory_space<hbm>>) target(%dma_start3A_815 : memref<125x32xbf16, #tpu.memory_space<vmem>>) offsets(%dma_start3A_818 : memref<125xi32, #tpu.memory_space<vmem>>) semaphore(%arg15 : memref<!tpu.dma_semaphore, #tpu.memory_space<semaphore_mem>>)
          %dma_start3A_822 = arith.constant 1 : i32
          %dma_start3A_823 = arith.constant 1 : i32
          %dma_start3A_824 = arith.constant 0 : i32
          %dma_start3A_825 = arith.constant 0 : i32
          %dma_start3A_826 = tpu.memref_slice %arg10[%dma_start3A_823, %dma_start3A_824, %dma_start3A_825] : memref<8x125x32xbf16, #tpu.memory_space<vmem>> -> memref<1x125x32xbf16, #tpu.memory_space<vmem>>
          %dma_start3A_827 = tpu.memref_squeeze %dma_start3A_826 : memref<1x125x32xbf16, #tpu.memory_space<vmem>> -> memref<125x32xbf16, #tpu.memory_space<vmem>>
          %dma_start3A_828 = arith.constant 0 : i32
          %dma_start3A_829 = tpu.memref_slice %arg8[%dma_start3A_822, %dma_start3A_828] : memref<8x125xi32, #tpu.memory_space<vmem>> -> memref<1x125xi32, #tpu.memory_space<vmem>>
          %dma_start3A_830 = tpu.memref_squeeze %dma_start3A_829 : memref<1x125xi32, #tpu.memory_space<vmem>> -> memref<125xi32, #tpu.memory_space<vmem>>
          %dma_start3A_831 = arith.constant 0 : i32
          %dma_start3A_832 = arith.constant 0 : i32
          %dma_start3A_833 = tpu.memref_slice %arg4[%dma_start3A_831, %dma_start3A_832] : memref<50048x32xbf16, #tpu.memory_space<hbm>> -> memref<50048x32xbf16, #tpu.memory_space<hbm>>
          tpu.enqueue_indirect_dma source(%dma_start3A_833 : memref<50048x32xbf16, #tpu.memory_space<hbm>>) target(%dma_start3A_827 : memref<125x32xbf16, #tpu.memory_space<vmem>>) offsets(%dma_start3A_830 : memref<125xi32, #tpu.memory_space<vmem>>) semaphore(%arg15 : memref<!tpu.dma_semaphore, #tpu.memory_space<semaphore_mem>>)
          %dma_start3A_834 = arith.constant 2 : i32
          %dma_start3A_835 = arith.constant 2 : i32
          %dma_start3A_836 = arith.constant 0 : i32
          %dma_start3A_837 = arith.constant 0 : i32
          %dma_start3A_838 = tpu.memref_slice %arg10[%dma_start3A_835, %dma_start3A_836, %dma_start3A_837] : memref<8x125x32xbf16, #tpu.memory_space<vmem>> -> memref<1x125x32xbf16, #tpu.memory_space<vmem>>
          %dma_start3A_839 = tpu.memref_squeeze %dma_start3A_838 : memref<1x125x32xbf16, #tpu.memory_space<vmem>> -> memref<125x32xbf16, #tpu.memory_space<vmem>>
          %dma_start3A_840 = arith.constant 0 : i32
          %dma_start3A_841 = tpu.memref_slice %arg8[%dma_start3A_834, %dma_start3A_840] : memref<8x125xi32, #tpu.memory_space<vmem>> -> memref<1x125xi32, #tpu.memory_space<vmem>>
          %dma_start3A_842 = tpu.memref_squeeze %dma_start3A_841 : memref<1x125xi32, #tpu.memory_space<vmem>> -> memref<125xi32, #tpu.memory_space<vmem>>
          %dma_start3A_843 = arith.constant 0 : i32
          %dma_start3A_844 = arith.constant 0 : i32
          %dma_start3A_845 = tpu.memref_slice %arg4[%dma_start3A_843, %dma_start3A_844] : memref<50048x32xbf16, #tpu.memory_space<hbm>> -> memref<50048x32xbf16, #tpu.memory_space<hbm>>
          tpu.enqueue_indirect_dma source(%dma_start3A_845 : memref<50048x32xbf16, #tpu.memory_space<hbm>>) target(%dma_start3A_839 : memref<125x32xbf16, #tpu.memory_space<vmem>>) offsets(%dma_start3A_842 : memref<125xi32, #tpu.memory_space<vmem>>) semaphore(%arg15 : memref<!tpu.dma_semaphore, #tpu.memory_space<semaphore_mem>>)
          %dma_start3A_846 = arith.constant 3 : i32
          %dma_start3A_847 = arith.constant 3 : i32
          %dma_start3A_848 = arith.constant 0 : i32
          %dma_start3A_849 = arith.constant 0 : i32
          %dma_start3A_850 = tpu.memref_slice %arg10[%dma_start3A_847, %dma_start3A_848, %dma_start3A_849] : memref<8x125x32xbf16, #tpu.memory_space<vmem>> -> memref<1x125x32xbf16, #tpu.memory_space<vmem>>
          %dma_start3A_851 = tpu.memref_squeeze %dma_start3A_850 : memref<1x125x32xbf16, #tpu.memory_space<vmem>> -> memref<125x32xbf16, #tpu.memory_space<vmem>>
          %dma_start3A_852 = arith.constant 0 : i32
          %dma_start3A_853 = tpu.memref_slice %arg8[%dma_start3A_846, %dma_start3A_852] : memref<8x125xi32, #tpu.memory_space<vmem>> -> memref<1x125xi32, #tpu.memory_space<vmem>>
          %dma_start3A_854 = tpu.memref_squeeze %dma_start3A_853 : memref<1x125xi32, #tpu.memory_space<vmem>> -> memref<125xi32, #tpu.memory_space<vmem>>
          %dma_start3A_855 = arith.constant 0 : i32
          %dma_start3A_856 = arith.constant 0 : i32
          %dma_start3A_857 = tpu.memref_slice %arg4[%dma_start3A_855, %dma_start3A_856] : memref<50048x32xbf16, #tpu.memory_space<hbm>> -> memref<50048x32xbf16, #tpu.memory_space<hbm>>
          tpu.enqueue_indirect_dma source(%dma_start3A_857 : memref<50048x32xbf16, #tpu.memory_space<hbm>>) target(%dma_start3A_851 : memref<125x32xbf16, #tpu.memory_space<vmem>>) offsets(%dma_start3A_854 : memref<125xi32, #tpu.memory_space<vmem>>) semaphore(%arg15 : memref<!tpu.dma_semaphore, #tpu.memory_space<semaphore_mem>>)
          %dma_start3A_858 = arith.constant 4 : i32
          %dma_start3A_859 = arith.constant 4 : i32
          %dma_start3A_860 = arith.constant 0 : i32
          %dma_start3A_861 = arith.constant 0 : i32
          %dma_start3A_862 = tpu.memref_slice %arg10[%dma_start3A_859, %dma_start3A_860, %dma_start3A_861] : memref<8x125x32xbf16, #tpu.memory_space<vmem>> -> memref<1x125x32xbf16, #tpu.memory_space<vmem>>
          %dma_start3A_863 = tpu.memref_squeeze %dma_start3A_862 : memref<1x125x32xbf16, #tpu.memory_space<vmem>> -> memref<125x32xbf16, #tpu.memory_space<vmem>>
          %dma_start3A_864 = arith.constant 0 : i32
          %dma_start3A_865 = tpu.memref_slice %arg8[%dma_start3A_858, %dma_start3A_864] : memref<8x125xi32, #tpu.memory_space<vmem>> -> memref<1x125xi32, #tpu.memory_space<vmem>>
          %dma_start3A_866 = tpu.memref_squeeze %dma_start3A_865 : memref<1x125xi32, #tpu.memory_space<vmem>> -> memref<125xi32, #tpu.memory_space<vmem>>
          %dma_start3A_867 = arith.constant 0 : i32
          %dma_start3A_868 = arith.constant 0 : i32
          %dma_start3A_869 = tpu.memref_slice %arg4[%dma_start3A_867, %dma_start3A_868] : memref<50048x32xbf16, #tpu.memory_space<hbm>> -> memref<50048x32xbf16, #tpu.memory_space<hbm>>
          tpu.enqueue_indirect_dma source(%dma_start3A_869 : memref<50048x32xbf16, #tpu.memory_space<hbm>>) target(%dma_start3A_863 : memref<125x32xbf16, #tpu.memory_space<vmem>>) offsets(%dma_start3A_866 : memref<125xi32, #tpu.memory_space<vmem>>) semaphore(%arg15 : memref<!tpu.dma_semaphore, #tpu.memory_space<semaphore_mem>>)
          %dma_start3A_870 = arith.constant 5 : i32
          %dma_start3A_871 = arith.constant 5 : i32
          %dma_start3A_872 = arith.constant 0 : i32
          %dma_start3A_873 = arith.constant 0 : i32
          %dma_start3A_874 = tpu.memref_slice %arg10[%dma_start3A_871, %dma_start3A_872, %dma_start3A_873] : memref<8x125x32xbf16, #tpu.memory_space<vmem>> -> memref<1x125x32xbf16, #tpu.memory_space<vmem>>
          %dma_start3A_875 = tpu.memref_squeeze %dma_start3A_874 : memref<1x125x32xbf16, #tpu.memory_space<vmem>> -> memref<125x32xbf16, #tpu.memory_space<vmem>>
          %dma_start3A_876 = arith.constant 0 : i32
          %dma_start3A_877 = tpu.memref_slice %arg8[%dma_start3A_870, %dma_start3A_876] : memref<8x125xi32, #tpu.memory_space<vmem>> -> memref<1x125xi32, #tpu.memory_space<vmem>>
          %dma_start3A_878 = tpu.memref_squeeze %dma_start3A_877 : memref<1x125xi32, #tpu.memory_space<vmem>> -> memref<125xi32, #tpu.memory_space<vmem>>
          %dma_start3A_879 = arith.constant 0 : i32
          %dma_start3A_880 = arith.constant 0 : i32
          %dma_start3A_881 = tpu.memref_slice %arg4[%dma_start3A_879, %dma_start3A_880] : memref<50048x32xbf16, #tpu.memory_space<hbm>> -> memref<50048x32xbf16, #tpu.memory_space<hbm>>
          tpu.enqueue_indirect_dma source(%dma_start3A_881 : memref<50048x32xbf16, #tpu.memory_space<hbm>>) target(%dma_start3A_875 : memref<125x32xbf16, #tpu.memory_space<vmem>>) offsets(%dma_start3A_878 : memref<125xi32, #tpu.memory_space<vmem>>) semaphore(%arg15 : memref<!tpu.dma_semaphore, #tpu.memory_space<semaphore_mem>>)
          %dma_start3A_882 = arith.constant 6 : i32
          %dma_start3A_883 = arith.constant 6 : i32
          %dma_start3A_884 = arith.constant 0 : i32
          %dma_start3A_885 = arith.constant 0 : i32
          %dma_start3A_886 = tpu.memref_slice %arg10[%dma_start3A_883, %dma_start3A_884, %dma_start3A_885] : memref<8x125x32xbf16, #tpu.memory_space<vmem>> -> memref<1x125x32xbf16, #tpu.memory_space<vmem>>
          %dma_start3A_887 = tpu.memref_squeeze %dma_start3A_886 : memref<1x125x32xbf16, #tpu.memory_space<vmem>> -> memref<125x32xbf16, #tpu.memory_space<vmem>>
          %dma_start3A_888 = arith.constant 0 : i32
          %dma_start3A_889 = tpu.memref_slice %arg8[%dma_start3A_882, %dma_start3A_888] : memref<8x125xi32, #tpu.memory_space<vmem>> -> memref<1x125xi32, #tpu.memory_space<vmem>>
          %dma_start3A_890 = tpu.memref_squeeze %dma_start3A_889 : memref<1x125xi32, #tpu.memory_space<vmem>> -> memref<125xi32, #tpu.memory_space<vmem>>
          %dma_start3A_891 = arith.constant 0 : i32
          %dma_start3A_892 = arith.constant 0 : i32
          %dma_start3A_893 = tpu.memref_slice %arg4[%dma_start3A_891, %dma_start3A_892] : memref<50048x32xbf16, #tpu.memory_space<hbm>> -> memref<50048x32xbf16, #tpu.memory_space<hbm>>
          tpu.enqueue_indirect_dma source(%dma_start3A_893 : memref<50048x32xbf16, #tpu.memory_space<hbm>>) target(%dma_start3A_887 : memref<125x32xbf16, #tpu.memory_space<vmem>>) offsets(%dma_start3A_890 : memref<125xi32, #tpu.memory_space<vmem>>) semaphore(%arg15 : memref<!tpu.dma_semaphore, #tpu.memory_space<semaphore_mem>>)
          %dma_start3A_894 = arith.constant 7 : i32
          %dma_start3A_895 = arith.constant 7 : i32
          %dma_start3A_896 = arith.constant 0 : i32
          %dma_start3A_897 = arith.constant 0 : i32
          %dma_start3A_898 = tpu.memref_slice %arg10[%dma_start3A_895, %dma_start3A_896, %dma_start3A_897] : memref<8x125x32xbf16, #tpu.memory_space<vmem>> -> memref<1x125x32xbf16, #tpu.memory_space<vmem>>
          %dma_start3A_899 = tpu.memref_squeeze %dma_start3A_898 : memref<1x125x32xbf16, #tpu.memory_space<vmem>> -> memref<125x32xbf16, #tpu.memory_space<vmem>>
          %dma_start3A_900 = arith.constant 0 : i32
          %dma_start3A_901 = tpu.memref_slice %arg8[%dma_start3A_894, %dma_start3A_900] : memref<8x125xi32, #tpu.memory_space<vmem>> -> memref<1x125xi32, #tpu.memory_space<vmem>>
          %dma_start3A_902 = tpu.memref_squeeze %dma_start3A_901 : memref<1x125xi32, #tpu.memory_space<vmem>> -> memref<125xi32, #tpu.memory_space<vmem>>
          %dma_start3A_903 = arith.constant 0 : i32
          %dma_start3A_904 = arith.constant 0 : i32
          %dma_start3A_905 = tpu.memref_slice %arg4[%dma_start3A_903, %dma_start3A_904] : memref<50048x32xbf16, #tpu.memory_space<hbm>> -> memref<50048x32xbf16, #tpu.memory_space<hbm>>
          tpu.enqueue_indirect_dma source(%dma_start3A_905 : memref<50048x32xbf16, #tpu.memory_space<hbm>>) target(%dma_start3A_899 : memref<125x32xbf16, #tpu.memory_space<vmem>>) offsets(%dma_start3A_902 : memref<125xi32, #tpu.memory_space<vmem>>) semaphore(%arg15 : memref<!tpu.dma_semaphore, #tpu.memory_space<semaphore_mem>>)
        } else {
        }
        %dma_wait3A_613 = arith.constant 0 : i32
        %dma_wait3A_614 = arith.constant 0 : i32
        %dma_wait3A_615 = arith.constant 0 : i32
        %dma_wait3A_616 = arith.constant 0 : i32
        %dma_wait3A_617 = tpu.memref_slice %arg13[%dma_wait3A_614, %dma_wait3A_615, %dma_wait3A_616] : memref<8x125x32xbf16, #tpu.memory_space<vmem>> -> memref<1x125x32xbf16, #tpu.memory_space<vmem>>
        %dma_wait3A_618 = tpu.memref_squeeze %dma_wait3A_617 : memref<1x125x32xbf16, #tpu.memory_space<vmem>> -> memref<125x32xbf16, #tpu.memory_space<vmem>>
        %dma_wait3A_619 = arith.constant 0 : i32
        %dma_wait3A_620 = tpu.memref_slice %arg11[%dma_wait3A_613, %dma_wait3A_619] : memref<8x125xi32, #tpu.memory_space<vmem>> -> memref<1x125xi32, #tpu.memory_space<vmem>>
        %dma_wait3A_621 = tpu.memref_squeeze %dma_wait3A_620 : memref<1x125xi32, #tpu.memory_space<vmem>> -> memref<125xi32, #tpu.memory_space<vmem>>
        %dma_wait3A_622 = arith.constant 0 : i32
        %dma_wait3A_623 = arith.constant 0 : i32
        %dma_wait3A_624 = tpu.memref_slice %arg4[%dma_wait3A_622, %dma_wait3A_623] : memref<50048x32xbf16, #tpu.memory_space<hbm>> -> memref<50048x32xbf16, #tpu.memory_space<hbm>>
        tpu.wait_indirect_dma semaphore(%arg16 : memref<!tpu.dma_semaphore, #tpu.memory_space<semaphore_mem>>) src(%dma_wait3A_624 : memref<50048x32xbf16, #tpu.memory_space<hbm>>) dst(%dma_wait3A_618 : memref<125x32xbf16, #tpu.memory_space<vmem>>)
        %dma_wait3A_625 = arith.constant 1 : i32
        %dma_wait3A_626 = arith.constant 1 : i32
        %dma_wait3A_627 = arith.constant 0 : i32
        %dma_wait3A_628 = arith.constant 0 : i32
        %dma_wait3A_629 = tpu.memref_slice %arg13[%dma_wait3A_626, %dma_wait3A_627, %dma_wait3A_628] : memref<8x125x32xbf16, #tpu.memory_space<vmem>> -> memref<1x125x32xbf16, #tpu.memory_space<vmem>>
        %dma_wait3A_630 = tpu.memref_squeeze %dma_wait3A_629 : memref<1x125x32xbf16, #tpu.memory_space<vmem>> -> memref<125x32xbf16, #tpu.memory_space<vmem>>
        %dma_wait3A_631 = arith.constant 0 : i32
        %dma_wait3A_632 = tpu.memref_slice %arg11[%dma_wait3A_625, %dma_wait3A_631] : memref<8x125xi32, #tpu.memory_space<vmem>> -> memref<1x125xi32, #tpu.memory_space<vmem>>
        %dma_wait3A_633 = tpu.memref_squeeze %dma_wait3A_632 : memref<1x125xi32, #tpu.memory_space<vmem>> -> memref<125xi32, #tpu.memory_space<vmem>>
        %dma_wait3A_634 = arith.constant 0 : i32
        %dma_wait3A_635 = arith.constant 0 : i32
        %dma_wait3A_636 = tpu.memref_slice %arg4[%dma_wait3A_634, %dma_wait3A_635] : memref<50048x32xbf16, #tpu.memory_space<hbm>> -> memref<50048x32xbf16, #tpu.memory_space<hbm>>
        tpu.wait_indirect_dma semaphore(%arg16 : memref<!tpu.dma_semaphore, #tpu.memory_space<semaphore_mem>>) src(%dma_wait3A_636 : memref<50048x32xbf16, #tpu.memory_space<hbm>>) dst(%dma_wait3A_630 : memref<125x32xbf16, #tpu.memory_space<vmem>>)
        %dma_wait3A_637 = arith.constant 2 : i32
        %dma_wait3A_638 = arith.constant 2 : i32
        %dma_wait3A_639 = arith.constant 0 : i32
        %dma_wait3A_640 = arith.constant 0 : i32
        %dma_wait3A_641 = tpu.memref_slice %arg13[%dma_wait3A_638, %dma_wait3A_639, %dma_wait3A_640] : memref<8x125x32xbf16, #tpu.memory_space<vmem>> -> memref<1x125x32xbf16, #tpu.memory_space<vmem>>
        %dma_wait3A_642 = tpu.memref_squeeze %dma_wait3A_641 : memref<1x125x32xbf16, #tpu.memory_space<vmem>> -> memref<125x32xbf16, #tpu.memory_space<vmem>>
        %dma_wait3A_643 = arith.constant 0 : i32
        %dma_wait3A_644 = tpu.memref_slice %arg11[%dma_wait3A_637, %dma_wait3A_643] : memref<8x125xi32, #tpu.memory_space<vmem>> -> memref<1x125xi32, #tpu.memory_space<vmem>>
        %dma_wait3A_645 = tpu.memref_squeeze %dma_wait3A_644 : memref<1x125xi32, #tpu.memory_space<vmem>> -> memref<125xi32, #tpu.memory_space<vmem>>
        %dma_wait3A_646 = arith.constant 0 : i32
        %dma_wait3A_647 = arith.constant 0 : i32
        %dma_wait3A_648 = tpu.memref_slice %arg4[%dma_wait3A_646, %dma_wait3A_647] : memref<50048x32xbf16, #tpu.memory_space<hbm>> -> memref<50048x32xbf16, #tpu.memory_space<hbm>>
        tpu.wait_indirect_dma semaphore(%arg16 : memref<!tpu.dma_semaphore, #tpu.memory_space<semaphore_mem>>) src(%dma_wait3A_648 : memref<50048x32xbf16, #tpu.memory_space<hbm>>) dst(%dma_wait3A_642 : memref<125x32xbf16, #tpu.memory_space<vmem>>)
        %dma_wait3A_649 = arith.constant 3 : i32
        %dma_wait3A_650 = arith.constant 3 : i32
        %dma_wait3A_651 = arith.constant 0 : i32
        %dma_wait3A_652 = arith.constant 0 : i32
        %dma_wait3A_653 = tpu.memref_slice %arg13[%dma_wait3A_650, %dma_wait3A_651, %dma_wait3A_652] : memref<8x125x32xbf16, #tpu.memory_space<vmem>> -> memref<1x125x32xbf16, #tpu.memory_space<vmem>>
        %dma_wait3A_654 = tpu.memref_squeeze %dma_wait3A_653 : memref<1x125x32xbf16, #tpu.memory_space<vmem>> -> memref<125x32xbf16, #tpu.memory_space<vmem>>
        %dma_wait3A_655 = arith.constant 0 : i32
        %dma_wait3A_656 = tpu.memref_slice %arg11[%dma_wait3A_649, %dma_wait3A_655] : memref<8x125xi32, #tpu.memory_space<vmem>> -> memref<1x125xi32, #tpu.memory_space<vmem>>
        %dma_wait3A_657 = tpu.memref_squeeze %dma_wait3A_656 : memref<1x125xi32, #tpu.memory_space<vmem>> -> memref<125xi32, #tpu.memory_space<vmem>>
        %dma_wait3A_658 = arith.constant 0 : i32
        %dma_wait3A_659 = arith.constant 0 : i32
        %dma_wait3A_660 = tpu.memref_slice %arg4[%dma_wait3A_658, %dma_wait3A_659] : memref<50048x32xbf16, #tpu.memory_space<hbm>> -> memref<50048x32xbf16, #tpu.memory_space<hbm>>
        tpu.wait_indirect_dma semaphore(%arg16 : memref<!tpu.dma_semaphore, #tpu.memory_space<semaphore_mem>>) src(%dma_wait3A_660 : memref<50048x32xbf16, #tpu.memory_space<hbm>>) dst(%dma_wait3A_654 : memref<125x32xbf16, #tpu.memory_space<vmem>>)
        %dma_wait3A_661 = arith.constant 4 : i32
        %dma_wait3A_662 = arith.constant 4 : i32
        %dma_wait3A_663 = arith.constant 0 : i32
        %dma_wait3A_664 = arith.constant 0 : i32
        %dma_wait3A_665 = tpu.memref_slice %arg13[%dma_wait3A_662, %dma_wait3A_663, %dma_wait3A_664] : memref<8x125x32xbf16, #tpu.memory_space<vmem>> -> memref<1x125x32xbf16, #tpu.memory_space<vmem>>
        %dma_wait3A_666 = tpu.memref_squeeze %dma_wait3A_665 : memref<1x125x32xbf16, #tpu.memory_space<vmem>> -> memref<125x32xbf16, #tpu.memory_space<vmem>>
        %dma_wait3A_667 = arith.constant 0 : i32
        %dma_wait3A_668 = tpu.memref_slice %arg11[%dma_wait3A_661, %dma_wait3A_667] : memref<8x125xi32, #tpu.memory_space<vmem>> -> memref<1x125xi32, #tpu.memory_space<vmem>>
        %dma_wait3A_669 = tpu.memref_squeeze %dma_wait3A_668 : memref<1x125xi32, #tpu.memory_space<vmem>> -> memref<125xi32, #tpu.memory_space<vmem>>
        %dma_wait3A_670 = arith.constant 0 : i32
        %dma_wait3A_671 = arith.constant 0 : i32
        %dma_wait3A_672 = tpu.memref_slice %arg4[%dma_wait3A_670, %dma_wait3A_671] : memref<50048x32xbf16, #tpu.memory_space<hbm>> -> memref<50048x32xbf16, #tpu.memory_space<hbm>>
        tpu.wait_indirect_dma semaphore(%arg16 : memref<!tpu.dma_semaphore, #tpu.memory_space<semaphore_mem>>) src(%dma_wait3A_672 : memref<50048x32xbf16, #tpu.memory_space<hbm>>) dst(%dma_wait3A_666 : memref<125x32xbf16, #tpu.memory_space<vmem>>)
        %dma_wait3A_673 = arith.constant 5 : i32
        %dma_wait3A_674 = arith.constant 5 : i32
        %dma_wait3A_675 = arith.constant 0 : i32
        %dma_wait3A_676 = arith.constant 0 : i32
        %dma_wait3A_677 = tpu.memref_slice %arg13[%dma_wait3A_674, %dma_wait3A_675, %dma_wait3A_676] : memref<8x125x32xbf16, #tpu.memory_space<vmem>> -> memref<1x125x32xbf16, #tpu.memory_space<vmem>>
        %dma_wait3A_678 = tpu.memref_squeeze %dma_wait3A_677 : memref<1x125x32xbf16, #tpu.memory_space<vmem>> -> memref<125x32xbf16, #tpu.memory_space<vmem>>
        %dma_wait3A_679 = arith.constant 0 : i32
        %dma_wait3A_680 = tpu.memref_slice %arg11[%dma_wait3A_673, %dma_wait3A_679] : memref<8x125xi32, #tpu.memory_space<vmem>> -> memref<1x125xi32, #tpu.memory_space<vmem>>
        %dma_wait3A_681 = tpu.memref_squeeze %dma_wait3A_680 : memref<1x125xi32, #tpu.memory_space<vmem>> -> memref<125xi32, #tpu.memory_space<vmem>>
        %dma_wait3A_682 = arith.constant 0 : i32
        %dma_wait3A_683 = arith.constant 0 : i32
        %dma_wait3A_684 = tpu.memref_slice %arg4[%dma_wait3A_682, %dma_wait3A_683] : memref<50048x32xbf16, #tpu.memory_space<hbm>> -> memref<50048x32xbf16, #tpu.memory_space<hbm>>
        tpu.wait_indirect_dma semaphore(%arg16 : memref<!tpu.dma_semaphore, #tpu.memory_space<semaphore_mem>>) src(%dma_wait3A_684 : memref<50048x32xbf16, #tpu.memory_space<hbm>>) dst(%dma_wait3A_678 : memref<125x32xbf16, #tpu.memory_space<vmem>>)
        %dma_wait3A_685 = arith.constant 6 : i32
        %dma_wait3A_686 = arith.constant 6 : i32
        %dma_wait3A_687 = arith.constant 0 : i32
        %dma_wait3A_688 = arith.constant 0 : i32
        %dma_wait3A_689 = tpu.memref_slice %arg13[%dma_wait3A_686, %dma_wait3A_687, %dma_wait3A_688] : memref<8x125x32xbf16, #tpu.memory_space<vmem>> -> memref<1x125x32xbf16, #tpu.memory_space<vmem>>
        %dma_wait3A_690 = tpu.memref_squeeze %dma_wait3A_689 : memref<1x125x32xbf16, #tpu.memory_space<vmem>> -> memref<125x32xbf16, #tpu.memory_space<vmem>>
        %dma_wait3A_691 = arith.constant 0 : i32
        %dma_wait3A_692 = tpu.memref_slice %arg11[%dma_wait3A_685, %dma_wait3A_691] : memref<8x125xi32, #tpu.memory_space<vmem>> -> memref<1x125xi32, #tpu.memory_space<vmem>>
        %dma_wait3A_693 = tpu.memref_squeeze %dma_wait3A_692 : memref<1x125xi32, #tpu.memory_space<vmem>> -> memref<125xi32, #tpu.memory_space<vmem>>
        %dma_wait3A_694 = arith.constant 0 : i32
        %dma_wait3A_695 = arith.constant 0 : i32
        %dma_wait3A_696 = tpu.memref_slice %arg4[%dma_wait3A_694, %dma_wait3A_695] : memref<50048x32xbf16, #tpu.memory_space<hbm>> -> memref<50048x32xbf16, #tpu.memory_space<hbm>>
        tpu.wait_indirect_dma semaphore(%arg16 : memref<!tpu.dma_semaphore, #tpu.memory_space<semaphore_mem>>) src(%dma_wait3A_696 : memref<50048x32xbf16, #tpu.memory_space<hbm>>) dst(%dma_wait3A_690 : memref<125x32xbf16, #tpu.memory_space<vmem>>)
        %dma_wait3A_697 = arith.constant 7 : i32
        %dma_wait3A_698 = arith.constant 7 : i32
        %dma_wait3A_699 = arith.constant 0 : i32
        %dma_wait3A_700 = arith.constant 0 : i32
        %dma_wait3A_701 = tpu.memref_slice %arg13[%dma_wait3A_698, %dma_wait3A_699, %dma_wait3A_700] : memref<8x125x32xbf16, #tpu.memory_space<vmem>> -> memref<1x125x32xbf16, #tpu.memory_space<vmem>>
        %dma_wait3A_702 = tpu.memref_squeeze %dma_wait3A_701 : memref<1x125x32xbf16, #tpu.memory_space<vmem>> -> memref<125x32xbf16, #tpu.memory_space<vmem>>
        %dma_wait3A_703 = arith.constant 0 : i32
        %dma_wait3A_704 = tpu.memref_slice %arg11[%dma_wait3A_697, %dma_wait3A_703] : memref<8x125xi32, #tpu.memory_space<vmem>> -> memref<1x125xi32, #tpu.memory_space<vmem>>
        %dma_wait3A_705 = tpu.memref_squeeze %dma_wait3A_704 : memref<1x125xi32, #tpu.memory_space<vmem>> -> memref<125xi32, #tpu.memory_space<vmem>>
        %dma_wait3A_706 = arith.constant 0 : i32
        %dma_wait3A_707 = arith.constant 0 : i32
        %dma_wait3A_708 = tpu.memref_slice %arg4[%dma_wait3A_706, %dma_wait3A_707] : memref<50048x32xbf16, #tpu.memory_space<hbm>> -> memref<50048x32xbf16, #tpu.memory_space<hbm>>
        tpu.wait_indirect_dma semaphore(%arg16 : memref<!tpu.dma_semaphore, #tpu.memory_space<semaphore_mem>>) src(%dma_wait3A_708 : memref<50048x32xbf16, #tpu.memory_space<hbm>>) dst(%dma_wait3A_702 : memref<125x32xbf16, #tpu.memory_space<vmem>>)
        %dma_start3A_709 = arith.constant 0 : i32
        %dma_start3A_710 = arith.constant 0 : i32
        %dma_start3A_711 = arith.constant 0 : i32
        %dma_start3A_712 = arith.constant 0 : i32
        %dma_start3A_713 = tpu.memref_slice %arg13[%dma_start3A_709, %dma_start3A_711, %dma_start3A_712] : memref<8x125x32xbf16, #tpu.memory_space<vmem>> -> memref<1x125x32xbf16, #tpu.memory_space<vmem>>
        %dma_start3A_714 = tpu.memref_squeeze %dma_start3A_713 : memref<1x125x32xbf16, #tpu.memory_space<vmem>> -> memref<125x32xbf16, #tpu.memory_space<vmem>>
        %dma_start3A_715 = arith.constant 0 : i32
        %dma_start3A_716 = tpu.memref_slice %arg12[%dma_start3A_710, %dma_start3A_715] : memref<8x125xi32, #tpu.memory_space<vmem>> -> memref<1x125xi32, #tpu.memory_space<vmem>>
        %dma_start3A_717 = tpu.memref_squeeze %dma_start3A_716 : memref<1x125xi32, #tpu.memory_space<vmem>> -> memref<125xi32, #tpu.memory_space<vmem>>
        %dma_start3A_718 = arith.constant 0 : i32
        %dma_start3A_719 = arith.constant 0 : i32
        %dma_start3A_720 = tpu.memref_slice %arg14[%dma_start3A_718, %dma_start3A_719] : memref<50176x32xbf16, #tpu.memory_space<vmem_shared>> -> memref<50176x32xbf16, #tpu.memory_space<vmem_shared>>
        tpu.enqueue_indirect_dma source(%dma_start3A_714 : memref<125x32xbf16, #tpu.memory_space<vmem>>) target(%dma_start3A_720 : memref<50176x32xbf16, #tpu.memory_space<vmem_shared>>) offsets(%dma_start3A_717 : memref<125xi32, #tpu.memory_space<vmem>>) semaphore(%arg18 : memref<!tpu.dma_semaphore, #tpu.memory_space<semaphore_mem>>) {add = true}
        %dma_start3A_721 = arith.constant 1 : i32
        %dma_start3A_722 = arith.constant 1 : i32
        %dma_start3A_723 = arith.constant 0 : i32
        %dma_start3A_724 = arith.constant 0 : i32
        %dma_start3A_725 = tpu.memref_slice %arg13[%dma_start3A_721, %dma_start3A_723, %dma_start3A_724] : memref<8x125x32xbf16, #tpu.memory_space<vmem>> -> memref<1x125x32xbf16, #tpu.memory_space<vmem>>
        %dma_start3A_726 = tpu.memref_squeeze %dma_start3A_725 : memref<1x125x32xbf16, #tpu.memory_space<vmem>> -> memref<125x32xbf16, #tpu.memory_space<vmem>>
        %dma_start3A_727 = arith.constant 0 : i32
        %dma_start3A_728 = tpu.memref_slice %arg12[%dma_start3A_722, %dma_start3A_727] : memref<8x125xi32, #tpu.memory_space<vmem>> -> memref<1x125xi32, #tpu.memory_space<vmem>>
        %dma_start3A_729 = tpu.memref_squeeze %dma_start3A_728 : memref<1x125xi32, #tpu.memory_space<vmem>> -> memref<125xi32, #tpu.memory_space<vmem>>
        %dma_start3A_730 = arith.constant 0 : i32
        %dma_start3A_731 = arith.constant 0 : i32
        %dma_start3A_732 = tpu.memref_slice %arg14[%dma_start3A_730, %dma_start3A_731] : memref<50176x32xbf16, #tpu.memory_space<vmem_shared>> -> memref<50176x32xbf16, #tpu.memory_space<vmem_shared>>
        tpu.enqueue_indirect_dma source(%dma_start3A_726 : memref<125x32xbf16, #tpu.memory_space<vmem>>) target(%dma_start3A_732 : memref<50176x32xbf16, #tpu.memory_space<vmem_shared>>) offsets(%dma_start3A_729 : memref<125xi32, #tpu.memory_space<vmem>>) semaphore(%arg18 : memref<!tpu.dma_semaphore, #tpu.memory_space<semaphore_mem>>) {add = true}
        %dma_start3A_733 = arith.constant 2 : i32
        %dma_start3A_734 = arith.constant 2 : i32
        %dma_start3A_735 = arith.constant 0 : i32
        %dma_start3A_736 = arith.constant 0 : i32
        %dma_start3A_737 = tpu.memref_slice %arg13[%dma_start3A_733, %dma_start3A_735, %dma_start3A_736] : memref<8x125x32xbf16, #tpu.memory_space<vmem>> -> memref<1x125x32xbf16, #tpu.memory_space<vmem>>
        %dma_start3A_738 = tpu.memref_squeeze %dma_start3A_737 : memref<1x125x32xbf16, #tpu.memory_space<vmem>> -> memref<125x32xbf16, #tpu.memory_space<vmem>>
        %dma_start3A_739 = arith.constant 0 : i32
        %dma_start3A_740 = tpu.memref_slice %arg12[%dma_start3A_734, %dma_start3A_739] : memref<8x125xi32, #tpu.memory_space<vmem>> -> memref<1x125xi32, #tpu.memory_space<vmem>>
        %dma_start3A_741 = tpu.memref_squeeze %dma_start3A_740 : memref<1x125xi32, #tpu.memory_space<vmem>> -> memref<125xi32, #tpu.memory_space<vmem>>
        %dma_start3A_742 = arith.constant 0 : i32
        %dma_start3A_743 = arith.constant 0 : i32
        %dma_start3A_744 = tpu.memref_slice %arg14[%dma_start3A_742, %dma_start3A_743] : memref<50176x32xbf16, #tpu.memory_space<vmem_shared>> -> memref<50176x32xbf16, #tpu.memory_space<vmem_shared>>
        tpu.enqueue_indirect_dma source(%dma_start3A_738 : memref<125x32xbf16, #tpu.memory_space<vmem>>) target(%dma_start3A_744 : memref<50176x32xbf16, #tpu.memory_space<vmem_shared>>) offsets(%dma_start3A_741 : memref<125xi32, #tpu.memory_space<vmem>>) semaphore(%arg18 : memref<!tpu.dma_semaphore, #tpu.memory_space<semaphore_mem>>) {add = true}
        %dma_start3A_745 = arith.constant 3 : i32
        %dma_start3A_746 = arith.constant 3 : i32
        %dma_start3A_747 = arith.constant 0 : i32
        %dma_start3A_748 = arith.constant 0 : i32
        %dma_start3A_749 = tpu.memref_slice %arg13[%dma_start3A_745, %dma_start3A_747, %dma_start3A_748] : memref<8x125x32xbf16, #tpu.memory_space<vmem>> -> memref<1x125x32xbf16, #tpu.memory_space<vmem>>
        %dma_start3A_750 = tpu.memref_squeeze %dma_start3A_749 : memref<1x125x32xbf16, #tpu.memory_space<vmem>> -> memref<125x32xbf16, #tpu.memory_space<vmem>>
        %dma_start3A_751 = arith.constant 0 : i32
        %dma_start3A_752 = tpu.memref_slice %arg12[%dma_start3A_746, %dma_start3A_751] : memref<8x125xi32, #tpu.memory_space<vmem>> -> memref<1x125xi32, #tpu.memory_space<vmem>>
        %dma_start3A_753 = tpu.memref_squeeze %dma_start3A_752 : memref<1x125xi32, #tpu.memory_space<vmem>> -> memref<125xi32, #tpu.memory_space<vmem>>
        %dma_start3A_754 = arith.constant 0 : i32
        %dma_start3A_755 = arith.constant 0 : i32
        %dma_start3A_756 = tpu.memref_slice %arg14[%dma_start3A_754, %dma_start3A_755] : memref<50176x32xbf16, #tpu.memory_space<vmem_shared>> -> memref<50176x32xbf16, #tpu.memory_space<vmem_shared>>
        tpu.enqueue_indirect_dma source(%dma_start3A_750 : memref<125x32xbf16, #tpu.memory_space<vmem>>) target(%dma_start3A_756 : memref<50176x32xbf16, #tpu.memory_space<vmem_shared>>) offsets(%dma_start3A_753 : memref<125xi32, #tpu.memory_space<vmem>>) semaphore(%arg18 : memref<!tpu.dma_semaphore, #tpu.memory_space<semaphore_mem>>) {add = true}
        %dma_start3A_757 = arith.constant 4 : i32
        %dma_start3A_758 = arith.constant 4 : i32
        %dma_start3A_759 = arith.constant 0 : i32
        %dma_start3A_760 = arith.constant 0 : i32
        %dma_start3A_761 = tpu.memref_slice %arg13[%dma_start3A_757, %dma_start3A_759, %dma_start3A_760] : memref<8x125x32xbf16, #tpu.memory_space<vmem>> -> memref<1x125x32xbf16, #tpu.memory_space<vmem>>
        %dma_start3A_762 = tpu.memref_squeeze %dma_start3A_761 : memref<1x125x32xbf16, #tpu.memory_space<vmem>> -> memref<125x32xbf16, #tpu.memory_space<vmem>>
        %dma_start3A_763 = arith.constant 0 : i32
        %dma_start3A_764 = tpu.memref_slice %arg12[%dma_start3A_758, %dma_start3A_763] : memref<8x125xi32, #tpu.memory_space<vmem>> -> memref<1x125xi32, #tpu.memory_space<vmem>>
        %dma_start3A_765 = tpu.memref_squeeze %dma_start3A_764 : memref<1x125xi32, #tpu.memory_space<vmem>> -> memref<125xi32, #tpu.memory_space<vmem>>
        %dma_start3A_766 = arith.constant 0 : i32
        %dma_start3A_767 = arith.constant 0 : i32
        %dma_start3A_768 = tpu.memref_slice %arg14[%dma_start3A_766, %dma_start3A_767] : memref<50176x32xbf16, #tpu.memory_space<vmem_shared>> -> memref<50176x32xbf16, #tpu.memory_space<vmem_shared>>
        tpu.enqueue_indirect_dma source(%dma_start3A_762 : memref<125x32xbf16, #tpu.memory_space<vmem>>) target(%dma_start3A_768 : memref<50176x32xbf16, #tpu.memory_space<vmem_shared>>) offsets(%dma_start3A_765 : memref<125xi32, #tpu.memory_space<vmem>>) semaphore(%arg18 : memref<!tpu.dma_semaphore, #tpu.memory_space<semaphore_mem>>) {add = true}
        %dma_start3A_769 = arith.constant 5 : i32
        %dma_start3A_770 = arith.constant 5 : i32
        %dma_start3A_771 = arith.constant 0 : i32
        %dma_start3A_772 = arith.constant 0 : i32
        %dma_start3A_773 = tpu.memref_slice %arg13[%dma_start3A_769, %dma_start3A_771, %dma_start3A_772] : memref<8x125x32xbf16, #tpu.memory_space<vmem>> -> memref<1x125x32xbf16, #tpu.memory_space<vmem>>
        %dma_start3A_774 = tpu.memref_squeeze %dma_start3A_773 : memref<1x125x32xbf16, #tpu.memory_space<vmem>> -> memref<125x32xbf16, #tpu.memory_space<vmem>>
        %dma_start3A_775 = arith.constant 0 : i32
        %dma_start3A_776 = tpu.memref_slice %arg12[%dma_start3A_770, %dma_start3A_775] : memref<8x125xi32, #tpu.memory_space<vmem>> -> memref<1x125xi32, #tpu.memory_space<vmem>>
        %dma_start3A_777 = tpu.memref_squeeze %dma_start3A_776 : memref<1x125xi32, #tpu.memory_space<vmem>> -> memref<125xi32, #tpu.memory_space<vmem>>
        %dma_start3A_778 = arith.constant 0 : i32
        %dma_start3A_779 = arith.constant 0 : i32
        %dma_start3A_780 = tpu.memref_slice %arg14[%dma_start3A_778, %dma_start3A_779] : memref<50176x32xbf16, #tpu.memory_space<vmem_shared>> -> memref<50176x32xbf16, #tpu.memory_space<vmem_shared>>
        tpu.enqueue_indirect_dma source(%dma_start3A_774 : memref<125x32xbf16, #tpu.memory_space<vmem>>) target(%dma_start3A_780 : memref<50176x32xbf16, #tpu.memory_space<vmem_shared>>) offsets(%dma_start3A_777 : memref<125xi32, #tpu.memory_space<vmem>>) semaphore(%arg18 : memref<!tpu.dma_semaphore, #tpu.memory_space<semaphore_mem>>) {add = true}
        %dma_start3A_781 = arith.constant 6 : i32
        %dma_start3A_782 = arith.constant 6 : i32
        %dma_start3A_783 = arith.constant 0 : i32
        %dma_start3A_784 = arith.constant 0 : i32
        %dma_start3A_785 = tpu.memref_slice %arg13[%dma_start3A_781, %dma_start3A_783, %dma_start3A_784] : memref<8x125x32xbf16, #tpu.memory_space<vmem>> -> memref<1x125x32xbf16, #tpu.memory_space<vmem>>
        %dma_start3A_786 = tpu.memref_squeeze %dma_start3A_785 : memref<1x125x32xbf16, #tpu.memory_space<vmem>> -> memref<125x32xbf16, #tpu.memory_space<vmem>>
        %dma_start3A_787 = arith.constant 0 : i32
        %dma_start3A_788 = tpu.memref_slice %arg12[%dma_start3A_782, %dma_start3A_787] : memref<8x125xi32, #tpu.memory_space<vmem>> -> memref<1x125xi32, #tpu.memory_space<vmem>>
        %dma_start3A_789 = tpu.memref_squeeze %dma_start3A_788 : memref<1x125xi32, #tpu.memory_space<vmem>> -> memref<125xi32, #tpu.memory_space<vmem>>
        %dma_start3A_790 = arith.constant 0 : i32
        %dma_start3A_791 = arith.constant 0 : i32
        %dma_start3A_792 = tpu.memref_slice %arg14[%dma_start3A_790, %dma_start3A_791] : memref<50176x32xbf16, #tpu.memory_space<vmem_shared>> -> memref<50176x32xbf16, #tpu.memory_space<vmem_shared>>
        tpu.enqueue_indirect_dma source(%dma_start3A_786 : memref<125x32xbf16, #tpu.memory_space<vmem>>) target(%dma_start3A_792 : memref<50176x32xbf16, #tpu.memory_space<vmem_shared>>) offsets(%dma_start3A_789 : memref<125xi32, #tpu.memory_space<vmem>>) semaphore(%arg18 : memref<!tpu.dma_semaphore, #tpu.memory_space<semaphore_mem>>) {add = true}
        %dma_start3A_793 = arith.constant 7 : i32
        %dma_start3A_794 = arith.constant 7 : i32
        %dma_start3A_795 = arith.constant 0 : i32
        %dma_start3A_796 = arith.constant 0 : i32
        %dma_start3A_797 = tpu.memref_slice %arg13[%dma_start3A_793, %dma_start3A_795, %dma_start3A_796] : memref<8x125x32xbf16, #tpu.memory_space<vmem>> -> memref<1x125x32xbf16, #tpu.memory_space<vmem>>
        %dma_start3A_798 = tpu.memref_squeeze %dma_start3A_797 : memref<1x125x32xbf16, #tpu.memory_space<vmem>> -> memref<125x32xbf16, #tpu.memory_space<vmem>>
        %dma_start3A_799 = arith.constant 0 : i32
        %dma_start3A_800 = tpu.memref_slice %arg12[%dma_start3A_794, %dma_start3A_799] : memref<8x125xi32, #tpu.memory_space<vmem>> -> memref<1x125xi32, #tpu.memory_space<vmem>>
        %dma_start3A_801 = tpu.memref_squeeze %dma_start3A_800 : memref<1x125xi32, #tpu.memory_space<vmem>> -> memref<125xi32, #tpu.memory_space<vmem>>
        %dma_start3A_802 = arith.constant 0 : i32
        %dma_start3A_803 = arith.constant 0 : i32
        %dma_start3A_804 = tpu.memref_slice %arg14[%dma_start3A_802, %dma_start3A_803] : memref<50176x32xbf16, #tpu.memory_space<vmem_shared>> -> memref<50176x32xbf16, #tpu.memory_space<vmem_shared>>
        tpu.enqueue_indirect_dma source(%dma_start3A_798 : memref<125x32xbf16, #tpu.memory_space<vmem>>) target(%dma_start3A_804 : memref<50176x32xbf16, #tpu.memory_space<vmem_shared>>) offsets(%dma_start3A_801 : memref<125xi32, #tpu.memory_space<vmem>>) semaphore(%arg18 : memref<!tpu.dma_semaphore, #tpu.memory_space<semaphore_mem>>) {add = true}
      }
      %scan3A_115 = arith.constant 25 : i32
      %dma_wait3A = arith.constant 0 : i32
      %dma_wait3A_116 = arith.constant 0 : i32
      %dma_wait3A_117 = arith.constant 0 : i32
      %dma_wait3A_118 = arith.constant 0 : i32
      %dma_wait3A_119 = tpu.memref_slice %arg13[%dma_wait3A, %dma_wait3A_117, %dma_wait3A_118] : memref<8x125x32xbf16, #tpu.memory_space<vmem>> -> memref<1x125x32xbf16, #tpu.memory_space<vmem>>
      %dma_wait3A_120 = tpu.memref_squeeze %dma_wait3A_119 : memref<1x125x32xbf16, #tpu.memory_space<vmem>> -> memref<125x32xbf16, #tpu.memory_space<vmem>>
      %dma_wait3A_121 = arith.constant 0 : i32
      %dma_wait3A_122 = tpu.memref_slice %arg12[%dma_wait3A_116, %dma_wait3A_121] : memref<8x125xi32, #tpu.memory_space<vmem>> -> memref<1x125xi32, #tpu.memory_space<vmem>>
      %dma_wait3A_123 = tpu.memref_squeeze %dma_wait3A_122 : memref<1x125xi32, #tpu.memory_space<vmem>> -> memref<125xi32, #tpu.memory_space<vmem>>
      %dma_wait3A_124 = arith.constant 0 : i32
      %dma_wait3A_125 = arith.constant 0 : i32
      %dma_wait3A_126 = tpu.memref_slice %arg14[%dma_wait3A_124, %dma_wait3A_125] : memref<50176x32xbf16, #tpu.memory_space<vmem_shared>> -> memref<50176x32xbf16, #tpu.memory_space<vmem_shared>>
      tpu.wait_indirect_dma semaphore(%arg18 : memref<!tpu.dma_semaphore, #tpu.memory_space<semaphore_mem>>) src(%dma_wait3A_120 : memref<125x32xbf16, #tpu.memory_space<vmem>>) dst(%dma_wait3A_126 : memref<50176x32xbf16, #tpu.memory_space<vmem_shared>>)
      %dma_wait3A_127 = arith.constant 1 : i32
      %dma_wait3A_128 = arith.constant 1 : i32
      %dma_wait3A_129 = arith.constant 0 : i32
      %dma_wait3A_130 = arith.constant 0 : i32
      %dma_wait3A_131 = tpu.memref_slice %arg13[%dma_wait3A_127, %dma_wait3A_129, %dma_wait3A_130] : memref<8x125x32xbf16, #tpu.memory_space<vmem>> -> memref<1x125x32xbf16, #tpu.memory_space<vmem>>
      %dma_wait3A_132 = tpu.memref_squeeze %dma_wait3A_131 : memref<1x125x32xbf16, #tpu.memory_space<vmem>> -> memref<125x32xbf16, #tpu.memory_space<vmem>>
      %dma_wait3A_133 = arith.constant 0 : i32
      %dma_wait3A_134 = tpu.memref_slice %arg12[%dma_wait3A_128, %dma_wait3A_133] : memref<8x125xi32, #tpu.memory_space<vmem>> -> memref<1x125xi32, #tpu.memory_space<vmem>>
      %dma_wait3A_135 = tpu.memref_squeeze %dma_wait3A_134 : memref<1x125xi32, #tpu.memory_space<vmem>> -> memref<125xi32, #tpu.memory_space<vmem>>
      %dma_wait3A_136 = arith.constant 0 : i32
      %dma_wait3A_137 = arith.constant 0 : i32
      %dma_wait3A_138 = tpu.memref_slice %arg14[%dma_wait3A_136, %dma_wait3A_137] : memref<50176x32xbf16, #tpu.memory_space<vmem_shared>> -> memref<50176x32xbf16, #tpu.memory_space<vmem_shared>>
      tpu.wait_indirect_dma semaphore(%arg18 : memref<!tpu.dma_semaphore, #tpu.memory_space<semaphore_mem>>) src(%dma_wait3A_132 : memref<125x32xbf16, #tpu.memory_space<vmem>>) dst(%dma_wait3A_138 : memref<50176x32xbf16, #tpu.memory_space<vmem_shared>>)
      %dma_wait3A_139 = arith.constant 2 : i32
      %dma_wait3A_140 = arith.constant 2 : i32
      %dma_wait3A_141 = arith.constant 0 : i32
      %dma_wait3A_142 = arith.constant 0 : i32
      %dma_wait3A_143 = tpu.memref_slice %arg13[%dma_wait3A_139, %dma_wait3A_141, %dma_wait3A_142] : memref<8x125x32xbf16, #tpu.memory_space<vmem>> -> memref<1x125x32xbf16, #tpu.memory_space<vmem>>
      %dma_wait3A_144 = tpu.memref_squeeze %dma_wait3A_143 : memref<1x125x32xbf16, #tpu.memory_space<vmem>> -> memref<125x32xbf16, #tpu.memory_space<vmem>>
      %dma_wait3A_145 = arith.constant 0 : i32
      %dma_wait3A_146 = tpu.memref_slice %arg12[%dma_wait3A_140, %dma_wait3A_145] : memref<8x125xi32, #tpu.memory_space<vmem>> -> memref<1x125xi32, #tpu.memory_space<vmem>>
      %dma_wait3A_147 = tpu.memref_squeeze %dma_wait3A_146 : memref<1x125xi32, #tpu.memory_space<vmem>> -> memref<125xi32, #tpu.memory_space<vmem>>
      %dma_wait3A_148 = arith.constant 0 : i32
      %dma_wait3A_149 = arith.constant 0 : i32
      %dma_wait3A_150 = tpu.memref_slice %arg14[%dma_wait3A_148, %dma_wait3A_149] : memref<50176x32xbf16, #tpu.memory_space<vmem_shared>> -> memref<50176x32xbf16, #tpu.memory_space<vmem_shared>>
      tpu.wait_indirect_dma semaphore(%arg18 : memref<!tpu.dma_semaphore, #tpu.memory_space<semaphore_mem>>) src(%dma_wait3A_144 : memref<125x32xbf16, #tpu.memory_space<vmem>>) dst(%dma_wait3A_150 : memref<50176x32xbf16, #tpu.memory_space<vmem_shared>>)
      %dma_wait3A_151 = arith.constant 3 : i32
      %dma_wait3A_152 = arith.constant 3 : i32
      %dma_wait3A_153 = arith.constant 0 : i32
      %dma_wait3A_154 = arith.constant 0 : i32
      %dma_wait3A_155 = tpu.memref_slice %arg13[%dma_wait3A_151, %dma_wait3A_153, %dma_wait3A_154] : memref<8x125x32xbf16, #tpu.memory_space<vmem>> -> memref<1x125x32xbf16, #tpu.memory_space<vmem>>
      %dma_wait3A_156 = tpu.memref_squeeze %dma_wait3A_155 : memref<1x125x32xbf16, #tpu.memory_space<vmem>> -> memref<125x32xbf16, #tpu.memory_space<vmem>>
      %dma_wait3A_157 = arith.constant 0 : i32
      %dma_wait3A_158 = tpu.memref_slice %arg12[%dma_wait3A_152, %dma_wait3A_157] : memref<8x125xi32, #tpu.memory_space<vmem>> -> memref<1x125xi32, #tpu.memory_space<vmem>>
      %dma_wait3A_159 = tpu.memref_squeeze %dma_wait3A_158 : memref<1x125xi32, #tpu.memory_space<vmem>> -> memref<125xi32, #tpu.memory_space<vmem>>
      %dma_wait3A_160 = arith.constant 0 : i32
      %dma_wait3A_161 = arith.constant 0 : i32
      %dma_wait3A_162 = tpu.memref_slice %arg14[%dma_wait3A_160, %dma_wait3A_161] : memref<50176x32xbf16, #tpu.memory_space<vmem_shared>> -> memref<50176x32xbf16, #tpu.memory_space<vmem_shared>>
      tpu.wait_indirect_dma semaphore(%arg18 : memref<!tpu.dma_semaphore, #tpu.memory_space<semaphore_mem>>) src(%dma_wait3A_156 : memref<125x32xbf16, #tpu.memory_space<vmem>>) dst(%dma_wait3A_162 : memref<50176x32xbf16, #tpu.memory_space<vmem_shared>>)
      %dma_wait3A_163 = arith.constant 4 : i32
      %dma_wait3A_164 = arith.constant 4 : i32
      %dma_wait3A_165 = arith.constant 0 : i32
      %dma_wait3A_166 = arith.constant 0 : i32
      %dma_wait3A_167 = tpu.memref_slice %arg13[%dma_wait3A_163, %dma_wait3A_165, %dma_wait3A_166] : memref<8x125x32xbf16, #tpu.memory_space<vmem>> -> memref<1x125x32xbf16, #tpu.memory_space<vmem>>
      %dma_wait3A_168 = tpu.memref_squeeze %dma_wait3A_167 : memref<1x125x32xbf16, #tpu.memory_space<vmem>> -> memref<125x32xbf16, #tpu.memory_space<vmem>>
      %dma_wait3A_169 = arith.constant 0 : i32
      %dma_wait3A_170 = tpu.memref_slice %arg12[%dma_wait3A_164, %dma_wait3A_169] : memref<8x125xi32, #tpu.memory_space<vmem>> -> memref<1x125xi32, #tpu.memory_space<vmem>>
      %dma_wait3A_171 = tpu.memref_squeeze %dma_wait3A_170 : memref<1x125xi32, #tpu.memory_space<vmem>> -> memref<125xi32, #tpu.memory_space<vmem>>
      %dma_wait3A_172 = arith.constant 0 : i32
      %dma_wait3A_173 = arith.constant 0 : i32
      %dma_wait3A_174 = tpu.memref_slice %arg14[%dma_wait3A_172, %dma_wait3A_173] : memref<50176x32xbf16, #tpu.memory_space<vmem_shared>> -> memref<50176x32xbf16, #tpu.memory_space<vmem_shared>>
      tpu.wait_indirect_dma semaphore(%arg18 : memref<!tpu.dma_semaphore, #tpu.memory_space<semaphore_mem>>) src(%dma_wait3A_168 : memref<125x32xbf16, #tpu.memory_space<vmem>>) dst(%dma_wait3A_174 : memref<50176x32xbf16, #tpu.memory_space<vmem_shared>>)
      %dma_wait3A_175 = arith.constant 5 : i32
      %dma_wait3A_176 = arith.constant 5 : i32
      %dma_wait3A_177 = arith.constant 0 : i32
      %dma_wait3A_178 = arith.constant 0 : i32
      %dma_wait3A_179 = tpu.memref_slice %arg13[%dma_wait3A_175, %dma_wait3A_177, %dma_wait3A_178] : memref<8x125x32xbf16, #tpu.memory_space<vmem>> -> memref<1x125x32xbf16, #tpu.memory_space<vmem>>
      %dma_wait3A_180 = tpu.memref_squeeze %dma_wait3A_179 : memref<1x125x32xbf16, #tpu.memory_space<vmem>> -> memref<125x32xbf16, #tpu.memory_space<vmem>>
      %dma_wait3A_181 = arith.constant 0 : i32
      %dma_wait3A_182 = tpu.memref_slice %arg12[%dma_wait3A_176, %dma_wait3A_181] : memref<8x125xi32, #tpu.memory_space<vmem>> -> memref<1x125xi32, #tpu.memory_space<vmem>>
      %dma_wait3A_183 = tpu.memref_squeeze %dma_wait3A_182 : memref<1x125xi32, #tpu.memory_space<vmem>> -> memref<125xi32, #tpu.memory_space<vmem>>
      %dma_wait3A_184 = arith.constant 0 : i32
      %dma_wait3A_185 = arith.constant 0 : i32
      %dma_wait3A_186 = tpu.memref_slice %arg14[%dma_wait3A_184, %dma_wait3A_185] : memref<50176x32xbf16, #tpu.memory_space<vmem_shared>> -> memref<50176x32xbf16, #tpu.memory_space<vmem_shared>>
      tpu.wait_indirect_dma semaphore(%arg18 : memref<!tpu.dma_semaphore, #tpu.memory_space<semaphore_mem>>) src(%dma_wait3A_180 : memref<125x32xbf16, #tpu.memory_space<vmem>>) dst(%dma_wait3A_186 : memref<50176x32xbf16, #tpu.memory_space<vmem_shared>>)
      %dma_wait3A_187 = arith.constant 6 : i32
      %dma_wait3A_188 = arith.constant 6 : i32
      %dma_wait3A_189 = arith.constant 0 : i32
      %dma_wait3A_190 = arith.constant 0 : i32
      %dma_wait3A_191 = tpu.memref_slice %arg13[%dma_wait3A_187, %dma_wait3A_189, %dma_wait3A_190] : memref<8x125x32xbf16, #tpu.memory_space<vmem>> -> memref<1x125x32xbf16, #tpu.memory_space<vmem>>
      %dma_wait3A_192 = tpu.memref_squeeze %dma_wait3A_191 : memref<1x125x32xbf16, #tpu.memory_space<vmem>> -> memref<125x32xbf16, #tpu.memory_space<vmem>>
      %dma_wait3A_193 = arith.constant 0 : i32
      %dma_wait3A_194 = tpu.memref_slice %arg12[%dma_wait3A_188, %dma_wait3A_193] : memref<8x125xi32, #tpu.memory_space<vmem>> -> memref<1x125xi32, #tpu.memory_space<vmem>>
      %dma_wait3A_195 = tpu.memref_squeeze %dma_wait3A_194 : memref<1x125xi32, #tpu.memory_space<vmem>> -> memref<125xi32, #tpu.memory_space<vmem>>
      %dma_wait3A_196 = arith.constant 0 : i32
      %dma_wait3A_197 = arith.constant 0 : i32
      %dma_wait3A_198 = tpu.memref_slice %arg14[%dma_wait3A_196, %dma_wait3A_197] : memref<50176x32xbf16, #tpu.memory_space<vmem_shared>> -> memref<50176x32xbf16, #tpu.memory_space<vmem_shared>>
      tpu.wait_indirect_dma semaphore(%arg18 : memref<!tpu.dma_semaphore, #tpu.memory_space<semaphore_mem>>) src(%dma_wait3A_192 : memref<125x32xbf16, #tpu.memory_space<vmem>>) dst(%dma_wait3A_198 : memref<50176x32xbf16, #tpu.memory_space<vmem_shared>>)
      %dma_wait3A_199 = arith.constant 7 : i32
      %dma_wait3A_200 = arith.constant 7 : i32
      %dma_wait3A_201 = arith.constant 0 : i32
      %dma_wait3A_202 = arith.constant 0 : i32
      %dma_wait3A_203 = tpu.memref_slice %arg13[%dma_wait3A_199, %dma_wait3A_201, %dma_wait3A_202] : memref<8x125x32xbf16, #tpu.memory_space<vmem>> -> memref<1x125x32xbf16, #tpu.memory_space<vmem>>
      %dma_wait3A_204 = tpu.memref_squeeze %dma_wait3A_203 : memref<1x125x32xbf16, #tpu.memory_space<vmem>> -> memref<125x32xbf16, #tpu.memory_space<vmem>>
      %dma_wait3A_205 = arith.constant 0 : i32
      %dma_wait3A_206 = tpu.memref_slice %arg12[%dma_wait3A_200, %dma_wait3A_205] : memref<8x125xi32, #tpu.memory_space<vmem>> -> memref<1x125xi32, #tpu.memory_space<vmem>>
      %dma_wait3A_207 = tpu.memref_squeeze %dma_wait3A_206 : memref<1x125xi32, #tpu.memory_space<vmem>> -> memref<125xi32, #tpu.memory_space<vmem>>
      %dma_wait3A_208 = arith.constant 0 : i32
      %dma_wait3A_209 = arith.constant 0 : i32
      %dma_wait3A_210 = tpu.memref_slice %arg14[%dma_wait3A_208, %dma_wait3A_209] : memref<50176x32xbf16, #tpu.memory_space<vmem_shared>> -> memref<50176x32xbf16, #tpu.memory_space<vmem_shared>>
      tpu.wait_indirect_dma semaphore(%arg18 : memref<!tpu.dma_semaphore, #tpu.memory_space<semaphore_mem>>) src(%dma_wait3A_204 : memref<125x32xbf16, #tpu.memory_space<vmem>>) dst(%dma_wait3A_210 : memref<50176x32xbf16, #tpu.memory_space<vmem_shared>>)
    } else {
    }
    %eq3A_5 = arith.constant 1 : i32
    %eq3A_6 = arith.cmpi eq, %arg0, %eq3A_5 : i32
    %convert_element_type3A_7 = arith.extui %eq3A_6 : i1 to i32
    %cond3A_8 = arith.constant 0 : i32
    %cond3A_9 = arith.cmpi ne, %convert_element_type3A_7, %cond3A_8 : i32
    scf.if %cond3A_9 {
      %add3A = arith.constant 0 : i32
      %add3A_15 = arith.addi %mul3A_2, %add3A : i32
      "tpu.region"() ({
        %run_scoped3A = tpu.sem_alloc : memref<!tpu.dma_semaphore, #tpu.memory_space<semaphore_mem>>
        %dma_start3A_211 = arith.constant 0 : i32
        %dma_start3A_212 = tpu.memref_slice %arg2[%add3A_15, %dma_start3A_211] : memref<6400x125xi32, #tpu.memory_space<hbm>> -> memref<8x125xi32, #tpu.memory_space<hbm>>
        %dma_start3A_213 = arith.constant 0 : i32
        %dma_start3A_214 = tpu.memref_slice %arg2[%add3A_15, %dma_start3A_213] : memref<6400x125xi32, #tpu.memory_space<hbm>> -> memref<8x125xi32, #tpu.memory_space<hbm>>
        tpu.enqueue_dma source(%dma_start3A_214 : memref<8x125xi32, #tpu.memory_space<hbm>>) target(%arg8 : memref<8x125xi32, #tpu.memory_space<vmem>>) target_semaphore(%run_scoped3A : memref<!tpu.dma_semaphore, #tpu.memory_space<semaphore_mem>>)
        %dma_wait3A_215 = arith.constant 0 : i32
        %dma_wait3A_216 = tpu.memref_slice %arg2[%add3A_15, %dma_wait3A_215] : memref<6400x125xi32, #tpu.memory_space<hbm>> -> memref<8x125xi32, #tpu.memory_space<hbm>>
        %dma_wait3A_217 = arith.constant 0 : i32
        %dma_wait3A_218 = tpu.memref_slice %arg2[%add3A_15, %dma_wait3A_217] : memref<6400x125xi32, #tpu.memory_space<hbm>> -> memref<8x125xi32, #tpu.memory_space<hbm>>
        tpu.wait_dma2 semaphore(%run_scoped3A : memref<!tpu.dma_semaphore, #tpu.memory_space<semaphore_mem>>) src(%dma_wait3A_218 : memref<8x125xi32, #tpu.memory_space<hbm>>) dst(%arg8 : memref<8x125xi32, #tpu.memory_space<vmem>>)
        tpu.yield
      }) : () -> ()
      "tpu.region"() ({
        %run_scoped3A = tpu.sem_alloc : memref<!tpu.dma_semaphore, #tpu.memory_space<semaphore_mem>>
        %dma_start3A_211 = arith.constant 0 : i32
        %dma_start3A_212 = tpu.memref_slice %arg3[%add3A_15, %dma_start3A_211] : memref<6400x125xi32, #tpu.memory_space<hbm>> -> memref<8x125xi32, #tpu.memory_space<hbm>>
        %dma_start3A_213 = arith.constant 0 : i32
        %dma_start3A_214 = tpu.memref_slice %arg3[%add3A_15, %dma_start3A_213] : memref<6400x125xi32, #tpu.memory_space<hbm>> -> memref<8x125xi32, #tpu.memory_space<hbm>>
        tpu.enqueue_dma source(%dma_start3A_214 : memref<8x125xi32, #tpu.memory_space<hbm>>) target(%arg9 : memref<8x125xi32, #tpu.memory_space<vmem>>) target_semaphore(%run_scoped3A : memref<!tpu.dma_semaphore, #tpu.memory_space<semaphore_mem>>)
        %dma_wait3A_215 = arith.constant 0 : i32
        %dma_wait3A_216 = tpu.memref_slice %arg3[%add3A_15, %dma_wait3A_215] : memref<6400x125xi32, #tpu.memory_space<hbm>> -> memref<8x125xi32, #tpu.memory_space<hbm>>
        %dma_wait3A_217 = arith.constant 0 : i32
        %dma_wait3A_218 = tpu.memref_slice %arg3[%add3A_15, %dma_wait3A_217] : memref<6400x125xi32, #tpu.memory_space<hbm>> -> memref<8x125xi32, #tpu.memory_space<hbm>>
        tpu.wait_dma2 semaphore(%run_scoped3A : memref<!tpu.dma_semaphore, #tpu.memory_space<semaphore_mem>>) src(%dma_wait3A_218 : memref<8x125xi32, #tpu.memory_space<hbm>>) dst(%arg9 : memref<8x125xi32, #tpu.memory_space<vmem>>)
        tpu.yield
      }) : () -> ()
      %dma_start3A = arith.constant 0 : i32
      %dma_start3A_16 = arith.constant 0 : i32
      %dma_start3A_17 = arith.constant 0 : i32
      %dma_start3A_18 = arith.constant 0 : i32
      %dma_start3A_19 = tpu.memref_slice %arg10[%dma_start3A_16, %dma_start3A_17, %dma_start3A_18] : memref<8x125x32xbf16, #tpu.memory_space<vmem>> -> memref<1x125x32xbf16, #tpu.memory_space<vmem>>
      %dma_start3A_20 = tpu.memref_squeeze %dma_start3A_19 : memref<1x125x32xbf16, #tpu.memory_space<vmem>> -> memref<125x32xbf16, #tpu.memory_space<vmem>>
      %dma_start3A_21 = arith.constant 0 : i32
      %dma_start3A_22 = tpu.memref_slice %arg8[%dma_start3A, %dma_start3A_21] : memref<8x125xi32, #tpu.memory_space<vmem>> -> memref<1x125xi32, #tpu.memory_space<vmem>>
      %dma_start3A_23 = tpu.memref_squeeze %dma_start3A_22 : memref<1x125xi32, #tpu.memory_space<vmem>> -> memref<125xi32, #tpu.memory_space<vmem>>
      %dma_start3A_24 = arith.constant 0 : i32
      %dma_start3A_25 = arith.constant 0 : i32
      %dma_start3A_26 = tpu.memref_slice %arg5[%dma_start3A_24, %dma_start3A_25] : memref<50048x32xbf16, #tpu.memory_space<hbm>> -> memref<50048x32xbf16, #tpu.memory_space<hbm>>
      tpu.enqueue_indirect_dma source(%dma_start3A_26 : memref<50048x32xbf16, #tpu.memory_space<hbm>>) target(%dma_start3A_20 : memref<125x32xbf16, #tpu.memory_space<vmem>>) offsets(%dma_start3A_23 : memref<125xi32, #tpu.memory_space<vmem>>) semaphore(%arg15 : memref<!tpu.dma_semaphore, #tpu.memory_space<semaphore_mem>>)
      %dma_start3A_27 = arith.constant 1 : i32
      %dma_start3A_28 = arith.constant 1 : i32
      %dma_start3A_29 = arith.constant 0 : i32
      %dma_start3A_30 = arith.constant 0 : i32
      %dma_start3A_31 = tpu.memref_slice %arg10[%dma_start3A_28, %dma_start3A_29, %dma_start3A_30] : memref<8x125x32xbf16, #tpu.memory_space<vmem>> -> memref<1x125x32xbf16, #tpu.memory_space<vmem>>
      %dma_start3A_32 = tpu.memref_squeeze %dma_start3A_31 : memref<1x125x32xbf16, #tpu.memory_space<vmem>> -> memref<125x32xbf16, #tpu.memory_space<vmem>>
      %dma_start3A_33 = arith.constant 0 : i32
      %dma_start3A_34 = tpu.memref_slice %arg8[%dma_start3A_27, %dma_start3A_33] : memref<8x125xi32, #tpu.memory_space<vmem>> -> memref<1x125xi32, #tpu.memory_space<vmem>>
      %dma_start3A_35 = tpu.memref_squeeze %dma_start3A_34 : memref<1x125xi32, #tpu.memory_space<vmem>> -> memref<125xi32, #tpu.memory_space<vmem>>
      %dma_start3A_36 = arith.constant 0 : i32
      %dma_start3A_37 = arith.constant 0 : i32
      %dma_start3A_38 = tpu.memref_slice %arg5[%dma_start3A_36, %dma_start3A_37] : memref<50048x32xbf16, #tpu.memory_space<hbm>> -> memref<50048x32xbf16, #tpu.memory_space<hbm>>
      tpu.enqueue_indirect_dma source(%dma_start3A_38 : memref<50048x32xbf16, #tpu.memory_space<hbm>>) target(%dma_start3A_32 : memref<125x32xbf16, #tpu.memory_space<vmem>>) offsets(%dma_start3A_35 : memref<125xi32, #tpu.memory_space<vmem>>) semaphore(%arg15 : memref<!tpu.dma_semaphore, #tpu.memory_space<semaphore_mem>>)
      %dma_start3A_39 = arith.constant 2 : i32
      %dma_start3A_40 = arith.constant 2 : i32
      %dma_start3A_41 = arith.constant 0 : i32
      %dma_start3A_42 = arith.constant 0 : i32
      %dma_start3A_43 = tpu.memref_slice %arg10[%dma_start3A_40, %dma_start3A_41, %dma_start3A_42] : memref<8x125x32xbf16, #tpu.memory_space<vmem>> -> memref<1x125x32xbf16, #tpu.memory_space<vmem>>
      %dma_start3A_44 = tpu.memref_squeeze %dma_start3A_43 : memref<1x125x32xbf16, #tpu.memory_space<vmem>> -> memref<125x32xbf16, #tpu.memory_space<vmem>>
      %dma_start3A_45 = arith.constant 0 : i32
      %dma_start3A_46 = tpu.memref_slice %arg8[%dma_start3A_39, %dma_start3A_45] : memref<8x125xi32, #tpu.memory_space<vmem>> -> memref<1x125xi32, #tpu.memory_space<vmem>>
      %dma_start3A_47 = tpu.memref_squeeze %dma_start3A_46 : memref<1x125xi32, #tpu.memory_space<vmem>> -> memref<125xi32, #tpu.memory_space<vmem>>
      %dma_start3A_48 = arith.constant 0 : i32
      %dma_start3A_49 = arith.constant 0 : i32
      %dma_start3A_50 = tpu.memref_slice %arg5[%dma_start3A_48, %dma_start3A_49] : memref<50048x32xbf16, #tpu.memory_space<hbm>> -> memref<50048x32xbf16, #tpu.memory_space<hbm>>
      tpu.enqueue_indirect_dma source(%dma_start3A_50 : memref<50048x32xbf16, #tpu.memory_space<hbm>>) target(%dma_start3A_44 : memref<125x32xbf16, #tpu.memory_space<vmem>>) offsets(%dma_start3A_47 : memref<125xi32, #tpu.memory_space<vmem>>) semaphore(%arg15 : memref<!tpu.dma_semaphore, #tpu.memory_space<semaphore_mem>>)
      %dma_start3A_51 = arith.constant 3 : i32
      %dma_start3A_52 = arith.constant 3 : i32
      %dma_start3A_53 = arith.constant 0 : i32
      %dma_start3A_54 = arith.constant 0 : i32
      %dma_start3A_55 = tpu.memref_slice %arg10[%dma_start3A_52, %dma_start3A_53, %dma_start3A_54] : memref<8x125x32xbf16, #tpu.memory_space<vmem>> -> memref<1x125x32xbf16, #tpu.memory_space<vmem>>
      %dma_start3A_56 = tpu.memref_squeeze %dma_start3A_55 : memref<1x125x32xbf16, #tpu.memory_space<vmem>> -> memref<125x32xbf16, #tpu.memory_space<vmem>>
      %dma_start3A_57 = arith.constant 0 : i32
      %dma_start3A_58 = tpu.memref_slice %arg8[%dma_start3A_51, %dma_start3A_57] : memref<8x125xi32, #tpu.memory_space<vmem>> -> memref<1x125xi32, #tpu.memory_space<vmem>>
      %dma_start3A_59 = tpu.memref_squeeze %dma_start3A_58 : memref<1x125xi32, #tpu.memory_space<vmem>> -> memref<125xi32, #tpu.memory_space<vmem>>
      %dma_start3A_60 = arith.constant 0 : i32
      %dma_start3A_61 = arith.constant 0 : i32
      %dma_start3A_62 = tpu.memref_slice %arg5[%dma_start3A_60, %dma_start3A_61] : memref<50048x32xbf16, #tpu.memory_space<hbm>> -> memref<50048x32xbf16, #tpu.memory_space<hbm>>
      tpu.enqueue_indirect_dma source(%dma_start3A_62 : memref<50048x32xbf16, #tpu.memory_space<hbm>>) target(%dma_start3A_56 : memref<125x32xbf16, #tpu.memory_space<vmem>>) offsets(%dma_start3A_59 : memref<125xi32, #tpu.memory_space<vmem>>) semaphore(%arg15 : memref<!tpu.dma_semaphore, #tpu.memory_space<semaphore_mem>>)
      %dma_start3A_63 = arith.constant 4 : i32
      %dma_start3A_64 = arith.constant 4 : i32
      %dma_start3A_65 = arith.constant 0 : i32
      %dma_start3A_66 = arith.constant 0 : i32
      %dma_start3A_67 = tpu.memref_slice %arg10[%dma_start3A_64, %dma_start3A_65, %dma_start3A_66] : memref<8x125x32xbf16, #tpu.memory_space<vmem>> -> memref<1x125x32xbf16, #tpu.memory_space<vmem>>
      %dma_start3A_68 = tpu.memref_squeeze %dma_start3A_67 : memref<1x125x32xbf16, #tpu.memory_space<vmem>> -> memref<125x32xbf16, #tpu.memory_space<vmem>>
      %dma_start3A_69 = arith.constant 0 : i32
      %dma_start3A_70 = tpu.memref_slice %arg8[%dma_start3A_63, %dma_start3A_69] : memref<8x125xi32, #tpu.memory_space<vmem>> -> memref<1x125xi32, #tpu.memory_space<vmem>>
      %dma_start3A_71 = tpu.memref_squeeze %dma_start3A_70 : memref<1x125xi32, #tpu.memory_space<vmem>> -> memref<125xi32, #tpu.memory_space<vmem>>
      %dma_start3A_72 = arith.constant 0 : i32
      %dma_start3A_73 = arith.constant 0 : i32
      %dma_start3A_74 = tpu.memref_slice %arg5[%dma_start3A_72, %dma_start3A_73] : memref<50048x32xbf16, #tpu.memory_space<hbm>> -> memref<50048x32xbf16, #tpu.memory_space<hbm>>
      tpu.enqueue_indirect_dma source(%dma_start3A_74 : memref<50048x32xbf16, #tpu.memory_space<hbm>>) target(%dma_start3A_68 : memref<125x32xbf16, #tpu.memory_space<vmem>>) offsets(%dma_start3A_71 : memref<125xi32, #tpu.memory_space<vmem>>) semaphore(%arg15 : memref<!tpu.dma_semaphore, #tpu.memory_space<semaphore_mem>>)
      %dma_start3A_75 = arith.constant 5 : i32
      %dma_start3A_76 = arith.constant 5 : i32
      %dma_start3A_77 = arith.constant 0 : i32
      %dma_start3A_78 = arith.constant 0 : i32
      %dma_start3A_79 = tpu.memref_slice %arg10[%dma_start3A_76, %dma_start3A_77, %dma_start3A_78] : memref<8x125x32xbf16, #tpu.memory_space<vmem>> -> memref<1x125x32xbf16, #tpu.memory_space<vmem>>
      %dma_start3A_80 = tpu.memref_squeeze %dma_start3A_79 : memref<1x125x32xbf16, #tpu.memory_space<vmem>> -> memref<125x32xbf16, #tpu.memory_space<vmem>>
      %dma_start3A_81 = arith.constant 0 : i32
      %dma_start3A_82 = tpu.memref_slice %arg8[%dma_start3A_75, %dma_start3A_81] : memref<8x125xi32, #tpu.memory_space<vmem>> -> memref<1x125xi32, #tpu.memory_space<vmem>>
      %dma_start3A_83 = tpu.memref_squeeze %dma_start3A_82 : memref<1x125xi32, #tpu.memory_space<vmem>> -> memref<125xi32, #tpu.memory_space<vmem>>
      %dma_start3A_84 = arith.constant 0 : i32
      %dma_start3A_85 = arith.constant 0 : i32
      %dma_start3A_86 = tpu.memref_slice %arg5[%dma_start3A_84, %dma_start3A_85] : memref<50048x32xbf16, #tpu.memory_space<hbm>> -> memref<50048x32xbf16, #tpu.memory_space<hbm>>
      tpu.enqueue_indirect_dma source(%dma_start3A_86 : memref<50048x32xbf16, #tpu.memory_space<hbm>>) target(%dma_start3A_80 : memref<125x32xbf16, #tpu.memory_space<vmem>>) offsets(%dma_start3A_83 : memref<125xi32, #tpu.memory_space<vmem>>) semaphore(%arg15 : memref<!tpu.dma_semaphore, #tpu.memory_space<semaphore_mem>>)
      %dma_start3A_87 = arith.constant 6 : i32
      %dma_start3A_88 = arith.constant 6 : i32
      %dma_start3A_89 = arith.constant 0 : i32
      %dma_start3A_90 = arith.constant 0 : i32
      %dma_start3A_91 = tpu.memref_slice %arg10[%dma_start3A_88, %dma_start3A_89, %dma_start3A_90] : memref<8x125x32xbf16, #tpu.memory_space<vmem>> -> memref<1x125x32xbf16, #tpu.memory_space<vmem>>
      %dma_start3A_92 = tpu.memref_squeeze %dma_start3A_91 : memref<1x125x32xbf16, #tpu.memory_space<vmem>> -> memref<125x32xbf16, #tpu.memory_space<vmem>>
      %dma_start3A_93 = arith.constant 0 : i32
      %dma_start3A_94 = tpu.memref_slice %arg8[%dma_start3A_87, %dma_start3A_93] : memref<8x125xi32, #tpu.memory_space<vmem>> -> memref<1x125xi32, #tpu.memory_space<vmem>>
      %dma_start3A_95 = tpu.memref_squeeze %dma_start3A_94 : memref<1x125xi32, #tpu.memory_space<vmem>> -> memref<125xi32, #tpu.memory_space<vmem>>
      %dma_start3A_96 = arith.constant 0 : i32
      %dma_start3A_97 = arith.constant 0 : i32
      %dma_start3A_98 = tpu.memref_slice %arg5[%dma_start3A_96, %dma_start3A_97] : memref<50048x32xbf16, #tpu.memory_space<hbm>> -> memref<50048x32xbf16, #tpu.memory_space<hbm>>
      tpu.enqueue_indirect_dma source(%dma_start3A_98 : memref<50048x32xbf16, #tpu.memory_space<hbm>>) target(%dma_start3A_92 : memref<125x32xbf16, #tpu.memory_space<vmem>>) offsets(%dma_start3A_95 : memref<125xi32, #tpu.memory_space<vmem>>) semaphore(%arg15 : memref<!tpu.dma_semaphore, #tpu.memory_space<semaphore_mem>>)
      %dma_start3A_99 = arith.constant 7 : i32
      %dma_start3A_100 = arith.constant 7 : i32
      %dma_start3A_101 = arith.constant 0 : i32
      %dma_start3A_102 = arith.constant 0 : i32
      %dma_start3A_103 = tpu.memref_slice %arg10[%dma_start3A_100, %dma_start3A_101, %dma_start3A_102] : memref<8x125x32xbf16, #tpu.memory_space<vmem>> -> memref<1x125x32xbf16, #tpu.memory_space<vmem>>
      %dma_start3A_104 = tpu.memref_squeeze %dma_start3A_103 : memref<1x125x32xbf16, #tpu.memory_space<vmem>> -> memref<125x32xbf16, #tpu.memory_space<vmem>>
      %dma_start3A_105 = arith.constant 0 : i32
      %dma_start3A_106 = tpu.memref_slice %arg8[%dma_start3A_99, %dma_start3A_105] : memref<8x125xi32, #tpu.memory_space<vmem>> -> memref<1x125xi32, #tpu.memory_space<vmem>>
      %dma_start3A_107 = tpu.memref_squeeze %dma_start3A_106 : memref<1x125xi32, #tpu.memory_space<vmem>> -> memref<125xi32, #tpu.memory_space<vmem>>
      %dma_start3A_108 = arith.constant 0 : i32
      %dma_start3A_109 = arith.constant 0 : i32
      %dma_start3A_110 = tpu.memref_slice %arg5[%dma_start3A_108, %dma_start3A_109] : memref<50048x32xbf16, #tpu.memory_space<hbm>> -> memref<50048x32xbf16, #tpu.memory_space<hbm>>
      tpu.enqueue_indirect_dma source(%dma_start3A_110 : memref<50048x32xbf16, #tpu.memory_space<hbm>>) target(%dma_start3A_104 : memref<125x32xbf16, #tpu.memory_space<vmem>>) offsets(%dma_start3A_107 : memref<125xi32, #tpu.memory_space<vmem>>) semaphore(%arg15 : memref<!tpu.dma_semaphore, #tpu.memory_space<semaphore_mem>>)
      %scan3A = arith.constant 0 : i32
      %scan3A_111 = arith.constant 0 : i32
      %scan3A_112 = arith.constant 25 : i32
      %scan3A_113 = arith.addi %scan3A_111, %scan3A_112 : i32
      %scan3A_114 = arith.constant 1 : i32
      scf.for %scan3A_211 = %scan3A_111 to %scan3A_113 step %scan3A_114  : i32 {
        %mul3A_212 = arith.constant 2 : i32
        %mul3A_213 = arith.muli %scan3A_211, %mul3A_212 : i32
        %gt3A = arith.constant 0 : i32
        %gt3A_214 = arith.cmpi sgt, %mul3A_213, %gt3A : i32
        %convert_element_type3A_215 = arith.extui %gt3A_214 : i1 to i32
        %cond3A_216 = arith.constant 0 : i32
        %cond3A_217 = arith.cmpi ne, %convert_element_type3A_215, %cond3A_216 : i32
        scf.if %cond3A_217 {
          %dma_wait3A_805 = arith.constant 0 : i32
          %dma_wait3A_806 = arith.constant 0 : i32
          %dma_wait3A_807 = arith.constant 0 : i32
          %dma_wait3A_808 = arith.constant 0 : i32
          %dma_wait3A_809 = tpu.memref_slice %arg13[%dma_wait3A_805, %dma_wait3A_807, %dma_wait3A_808] : memref<8x125x32xbf16, #tpu.memory_space<vmem>> -> memref<1x125x32xbf16, #tpu.memory_space<vmem>>
          %dma_wait3A_810 = tpu.memref_squeeze %dma_wait3A_809 : memref<1x125x32xbf16, #tpu.memory_space<vmem>> -> memref<125x32xbf16, #tpu.memory_space<vmem>>
          %dma_wait3A_811 = arith.constant 0 : i32
          %dma_wait3A_812 = tpu.memref_slice %arg12[%dma_wait3A_806, %dma_wait3A_811] : memref<8x125xi32, #tpu.memory_space<vmem>> -> memref<1x125xi32, #tpu.memory_space<vmem>>
          %dma_wait3A_813 = tpu.memref_squeeze %dma_wait3A_812 : memref<1x125xi32, #tpu.memory_space<vmem>> -> memref<125xi32, #tpu.memory_space<vmem>>
          %dma_wait3A_814 = arith.constant 0 : i32
          %dma_wait3A_815 = arith.constant 0 : i32
          %dma_wait3A_816 = tpu.memref_slice %arg14[%dma_wait3A_814, %dma_wait3A_815] : memref<50176x32xbf16, #tpu.memory_space<vmem_shared>> -> memref<50176x32xbf16, #tpu.memory_space<vmem_shared>>
          tpu.wait_indirect_dma semaphore(%arg18 : memref<!tpu.dma_semaphore, #tpu.memory_space<semaphore_mem>>) src(%dma_wait3A_810 : memref<125x32xbf16, #tpu.memory_space<vmem>>) dst(%dma_wait3A_816 : memref<50176x32xbf16, #tpu.memory_space<vmem_shared>>)
          %dma_wait3A_817 = arith.constant 1 : i32
          %dma_wait3A_818 = arith.constant 1 : i32
          %dma_wait3A_819 = arith.constant 0 : i32
          %dma_wait3A_820 = arith.constant 0 : i32
          %dma_wait3A_821 = tpu.memref_slice %arg13[%dma_wait3A_817, %dma_wait3A_819, %dma_wait3A_820] : memref<8x125x32xbf16, #tpu.memory_space<vmem>> -> memref<1x125x32xbf16, #tpu.memory_space<vmem>>
          %dma_wait3A_822 = tpu.memref_squeeze %dma_wait3A_821 : memref<1x125x32xbf16, #tpu.memory_space<vmem>> -> memref<125x32xbf16, #tpu.memory_space<vmem>>
          %dma_wait3A_823 = arith.constant 0 : i32
          %dma_wait3A_824 = tpu.memref_slice %arg12[%dma_wait3A_818, %dma_wait3A_823] : memref<8x125xi32, #tpu.memory_space<vmem>> -> memref<1x125xi32, #tpu.memory_space<vmem>>
          %dma_wait3A_825 = tpu.memref_squeeze %dma_wait3A_824 : memref<1x125xi32, #tpu.memory_space<vmem>> -> memref<125xi32, #tpu.memory_space<vmem>>
          %dma_wait3A_826 = arith.constant 0 : i32
          %dma_wait3A_827 = arith.constant 0 : i32
          %dma_wait3A_828 = tpu.memref_slice %arg14[%dma_wait3A_826, %dma_wait3A_827] : memref<50176x32xbf16, #tpu.memory_space<vmem_shared>> -> memref<50176x32xbf16, #tpu.memory_space<vmem_shared>>
          tpu.wait_indirect_dma semaphore(%arg18 : memref<!tpu.dma_semaphore, #tpu.memory_space<semaphore_mem>>) src(%dma_wait3A_822 : memref<125x32xbf16, #tpu.memory_space<vmem>>) dst(%dma_wait3A_828 : memref<50176x32xbf16, #tpu.memory_space<vmem_shared>>)
          %dma_wait3A_829 = arith.constant 2 : i32
          %dma_wait3A_830 = arith.constant 2 : i32
          %dma_wait3A_831 = arith.constant 0 : i32
          %dma_wait3A_832 = arith.constant 0 : i32
          %dma_wait3A_833 = tpu.memref_slice %arg13[%dma_wait3A_829, %dma_wait3A_831, %dma_wait3A_832] : memref<8x125x32xbf16, #tpu.memory_space<vmem>> -> memref<1x125x32xbf16, #tpu.memory_space<vmem>>
          %dma_wait3A_834 = tpu.memref_squeeze %dma_wait3A_833 : memref<1x125x32xbf16, #tpu.memory_space<vmem>> -> memref<125x32xbf16, #tpu.memory_space<vmem>>
          %dma_wait3A_835 = arith.constant 0 : i32
          %dma_wait3A_836 = tpu.memref_slice %arg12[%dma_wait3A_830, %dma_wait3A_835] : memref<8x125xi32, #tpu.memory_space<vmem>> -> memref<1x125xi32, #tpu.memory_space<vmem>>
          %dma_wait3A_837 = tpu.memref_squeeze %dma_wait3A_836 : memref<1x125xi32, #tpu.memory_space<vmem>> -> memref<125xi32, #tpu.memory_space<vmem>>
          %dma_wait3A_838 = arith.constant 0 : i32
          %dma_wait3A_839 = arith.constant 0 : i32
          %dma_wait3A_840 = tpu.memref_slice %arg14[%dma_wait3A_838, %dma_wait3A_839] : memref<50176x32xbf16, #tpu.memory_space<vmem_shared>> -> memref<50176x32xbf16, #tpu.memory_space<vmem_shared>>
          tpu.wait_indirect_dma semaphore(%arg18 : memref<!tpu.dma_semaphore, #tpu.memory_space<semaphore_mem>>) src(%dma_wait3A_834 : memref<125x32xbf16, #tpu.memory_space<vmem>>) dst(%dma_wait3A_840 : memref<50176x32xbf16, #tpu.memory_space<vmem_shared>>)
          %dma_wait3A_841 = arith.constant 3 : i32
          %dma_wait3A_842 = arith.constant 3 : i32
          %dma_wait3A_843 = arith.constant 0 : i32
          %dma_wait3A_844 = arith.constant 0 : i32
          %dma_wait3A_845 = tpu.memref_slice %arg13[%dma_wait3A_841, %dma_wait3A_843, %dma_wait3A_844] : memref<8x125x32xbf16, #tpu.memory_space<vmem>> -> memref<1x125x32xbf16, #tpu.memory_space<vmem>>
          %dma_wait3A_846 = tpu.memref_squeeze %dma_wait3A_845 : memref<1x125x32xbf16, #tpu.memory_space<vmem>> -> memref<125x32xbf16, #tpu.memory_space<vmem>>
          %dma_wait3A_847 = arith.constant 0 : i32
          %dma_wait3A_848 = tpu.memref_slice %arg12[%dma_wait3A_842, %dma_wait3A_847] : memref<8x125xi32, #tpu.memory_space<vmem>> -> memref<1x125xi32, #tpu.memory_space<vmem>>
          %dma_wait3A_849 = tpu.memref_squeeze %dma_wait3A_848 : memref<1x125xi32, #tpu.memory_space<vmem>> -> memref<125xi32, #tpu.memory_space<vmem>>
          %dma_wait3A_850 = arith.constant 0 : i32
          %dma_wait3A_851 = arith.constant 0 : i32
          %dma_wait3A_852 = tpu.memref_slice %arg14[%dma_wait3A_850, %dma_wait3A_851] : memref<50176x32xbf16, #tpu.memory_space<vmem_shared>> -> memref<50176x32xbf16, #tpu.memory_space<vmem_shared>>
          tpu.wait_indirect_dma semaphore(%arg18 : memref<!tpu.dma_semaphore, #tpu.memory_space<semaphore_mem>>) src(%dma_wait3A_846 : memref<125x32xbf16, #tpu.memory_space<vmem>>) dst(%dma_wait3A_852 : memref<50176x32xbf16, #tpu.memory_space<vmem_shared>>)
          %dma_wait3A_853 = arith.constant 4 : i32
          %dma_wait3A_854 = arith.constant 4 : i32
          %dma_wait3A_855 = arith.constant 0 : i32
          %dma_wait3A_856 = arith.constant 0 : i32
          %dma_wait3A_857 = tpu.memref_slice %arg13[%dma_wait3A_853, %dma_wait3A_855, %dma_wait3A_856] : memref<8x125x32xbf16, #tpu.memory_space<vmem>> -> memref<1x125x32xbf16, #tpu.memory_space<vmem>>
          %dma_wait3A_858 = tpu.memref_squeeze %dma_wait3A_857 : memref<1x125x32xbf16, #tpu.memory_space<vmem>> -> memref<125x32xbf16, #tpu.memory_space<vmem>>
          %dma_wait3A_859 = arith.constant 0 : i32
          %dma_wait3A_860 = tpu.memref_slice %arg12[%dma_wait3A_854, %dma_wait3A_859] : memref<8x125xi32, #tpu.memory_space<vmem>> -> memref<1x125xi32, #tpu.memory_space<vmem>>
          %dma_wait3A_861 = tpu.memref_squeeze %dma_wait3A_860 : memref<1x125xi32, #tpu.memory_space<vmem>> -> memref<125xi32, #tpu.memory_space<vmem>>
          %dma_wait3A_862 = arith.constant 0 : i32
          %dma_wait3A_863 = arith.constant 0 : i32
          %dma_wait3A_864 = tpu.memref_slice %arg14[%dma_wait3A_862, %dma_wait3A_863] : memref<50176x32xbf16, #tpu.memory_space<vmem_shared>> -> memref<50176x32xbf16, #tpu.memory_space<vmem_shared>>
          tpu.wait_indirect_dma semaphore(%arg18 : memref<!tpu.dma_semaphore, #tpu.memory_space<semaphore_mem>>) src(%dma_wait3A_858 : memref<125x32xbf16, #tpu.memory_space<vmem>>) dst(%dma_wait3A_864 : memref<50176x32xbf16, #tpu.memory_space<vmem_shared>>)
          %dma_wait3A_865 = arith.constant 5 : i32
          %dma_wait3A_866 = arith.constant 5 : i32
          %dma_wait3A_867 = arith.constant 0 : i32
          %dma_wait3A_868 = arith.constant 0 : i32
          %dma_wait3A_869 = tpu.memref_slice %arg13[%dma_wait3A_865, %dma_wait3A_867, %dma_wait3A_868] : memref<8x125x32xbf16, #tpu.memory_space<vmem>> -> memref<1x125x32xbf16, #tpu.memory_space<vmem>>
          %dma_wait3A_870 = tpu.memref_squeeze %dma_wait3A_869 : memref<1x125x32xbf16, #tpu.memory_space<vmem>> -> memref<125x32xbf16, #tpu.memory_space<vmem>>
          %dma_wait3A_871 = arith.constant 0 : i32
          %dma_wait3A_872 = tpu.memref_slice %arg12[%dma_wait3A_866, %dma_wait3A_871] : memref<8x125xi32, #tpu.memory_space<vmem>> -> memref<1x125xi32, #tpu.memory_space<vmem>>
          %dma_wait3A_873 = tpu.memref_squeeze %dma_wait3A_872 : memref<1x125xi32, #tpu.memory_space<vmem>> -> memref<125xi32, #tpu.memory_space<vmem>>
          %dma_wait3A_874 = arith.constant 0 : i32
          %dma_wait3A_875 = arith.constant 0 : i32
          %dma_wait3A_876 = tpu.memref_slice %arg14[%dma_wait3A_874, %dma_wait3A_875] : memref<50176x32xbf16, #tpu.memory_space<vmem_shared>> -> memref<50176x32xbf16, #tpu.memory_space<vmem_shared>>
          tpu.wait_indirect_dma semaphore(%arg18 : memref<!tpu.dma_semaphore, #tpu.memory_space<semaphore_mem>>) src(%dma_wait3A_870 : memref<125x32xbf16, #tpu.memory_space<vmem>>) dst(%dma_wait3A_876 : memref<50176x32xbf16, #tpu.memory_space<vmem_shared>>)
          %dma_wait3A_877 = arith.constant 6 : i32
          %dma_wait3A_878 = arith.constant 6 : i32
          %dma_wait3A_879 = arith.constant 0 : i32
          %dma_wait3A_880 = arith.constant 0 : i32
          %dma_wait3A_881 = tpu.memref_slice %arg13[%dma_wait3A_877, %dma_wait3A_879, %dma_wait3A_880] : memref<8x125x32xbf16, #tpu.memory_space<vmem>> -> memref<1x125x32xbf16, #tpu.memory_space<vmem>>
          %dma_wait3A_882 = tpu.memref_squeeze %dma_wait3A_881 : memref<1x125x32xbf16, #tpu.memory_space<vmem>> -> memref<125x32xbf16, #tpu.memory_space<vmem>>
          %dma_wait3A_883 = arith.constant 0 : i32
          %dma_wait3A_884 = tpu.memref_slice %arg12[%dma_wait3A_878, %dma_wait3A_883] : memref<8x125xi32, #tpu.memory_space<vmem>> -> memref<1x125xi32, #tpu.memory_space<vmem>>
          %dma_wait3A_885 = tpu.memref_squeeze %dma_wait3A_884 : memref<1x125xi32, #tpu.memory_space<vmem>> -> memref<125xi32, #tpu.memory_space<vmem>>
          %dma_wait3A_886 = arith.constant 0 : i32
          %dma_wait3A_887 = arith.constant 0 : i32
          %dma_wait3A_888 = tpu.memref_slice %arg14[%dma_wait3A_886, %dma_wait3A_887] : memref<50176x32xbf16, #tpu.memory_space<vmem_shared>> -> memref<50176x32xbf16, #tpu.memory_space<vmem_shared>>
          tpu.wait_indirect_dma semaphore(%arg18 : memref<!tpu.dma_semaphore, #tpu.memory_space<semaphore_mem>>) src(%dma_wait3A_882 : memref<125x32xbf16, #tpu.memory_space<vmem>>) dst(%dma_wait3A_888 : memref<50176x32xbf16, #tpu.memory_space<vmem_shared>>)
          %dma_wait3A_889 = arith.constant 7 : i32
          %dma_wait3A_890 = arith.constant 7 : i32
          %dma_wait3A_891 = arith.constant 0 : i32
          %dma_wait3A_892 = arith.constant 0 : i32
          %dma_wait3A_893 = tpu.memref_slice %arg13[%dma_wait3A_889, %dma_wait3A_891, %dma_wait3A_892] : memref<8x125x32xbf16, #tpu.memory_space<vmem>> -> memref<1x125x32xbf16, #tpu.memory_space<vmem>>
          %dma_wait3A_894 = tpu.memref_squeeze %dma_wait3A_893 : memref<1x125x32xbf16, #tpu.memory_space<vmem>> -> memref<125x32xbf16, #tpu.memory_space<vmem>>
          %dma_wait3A_895 = arith.constant 0 : i32
          %dma_wait3A_896 = tpu.memref_slice %arg12[%dma_wait3A_890, %dma_wait3A_895] : memref<8x125xi32, #tpu.memory_space<vmem>> -> memref<1x125xi32, #tpu.memory_space<vmem>>
          %dma_wait3A_897 = tpu.memref_squeeze %dma_wait3A_896 : memref<1x125xi32, #tpu.memory_space<vmem>> -> memref<125xi32, #tpu.memory_space<vmem>>
          %dma_wait3A_898 = arith.constant 0 : i32
          %dma_wait3A_899 = arith.constant 0 : i32
          %dma_wait3A_900 = tpu.memref_slice %arg14[%dma_wait3A_898, %dma_wait3A_899] : memref<50176x32xbf16, #tpu.memory_space<vmem_shared>> -> memref<50176x32xbf16, #tpu.memory_space<vmem_shared>>
          tpu.wait_indirect_dma semaphore(%arg18 : memref<!tpu.dma_semaphore, #tpu.memory_space<semaphore_mem>>) src(%dma_wait3A_894 : memref<125x32xbf16, #tpu.memory_space<vmem>>) dst(%dma_wait3A_900 : memref<50176x32xbf16, #tpu.memory_space<vmem_shared>>)
        } else {
        }
        %add3A_218 = arith.constant 1 : i32
        %add3A_219 = arith.addi %mul3A_213, %add3A_218 : i32
        %mul3A_220 = arith.constant 8 : i32
        %mul3A_221 = arith.muli %add3A_219, %mul3A_220 : i32
        %add3A_222 = arith.addi %mul3A_2, %mul3A_221 : i32
        "tpu.region"() ({
          %run_scoped3A = tpu.sem_alloc : memref<!tpu.dma_semaphore, #tpu.memory_space<semaphore_mem>>
          %dma_start3A_805 = arith.constant 0 : i32
          %dma_start3A_806 = tpu.memref_slice %arg2[%add3A_222, %dma_start3A_805] : memref<6400x125xi32, #tpu.memory_space<hbm>> -> memref<8x125xi32, #tpu.memory_space<hbm>>
          %dma_start3A_807 = arith.constant 0 : i32
          %dma_start3A_808 = tpu.memref_slice %arg2[%add3A_222, %dma_start3A_807] : memref<6400x125xi32, #tpu.memory_space<hbm>> -> memref<8x125xi32, #tpu.memory_space<hbm>>
          tpu.enqueue_dma source(%dma_start3A_808 : memref<8x125xi32, #tpu.memory_space<hbm>>) target(%arg11 : memref<8x125xi32, #tpu.memory_space<vmem>>) target_semaphore(%run_scoped3A : memref<!tpu.dma_semaphore, #tpu.memory_space<semaphore_mem>>)
          %dma_wait3A_809 = arith.constant 0 : i32
          %dma_wait3A_810 = tpu.memref_slice %arg2[%add3A_222, %dma_wait3A_809] : memref<6400x125xi32, #tpu.memory_space<hbm>> -> memref<8x125xi32, #tpu.memory_space<hbm>>
          %dma_wait3A_811 = arith.constant 0 : i32
          %dma_wait3A_812 = tpu.memref_slice %arg2[%add3A_222, %dma_wait3A_811] : memref<6400x125xi32, #tpu.memory_space<hbm>> -> memref<8x125xi32, #tpu.memory_space<hbm>>
          tpu.wait_dma2 semaphore(%run_scoped3A : memref<!tpu.dma_semaphore, #tpu.memory_space<semaphore_mem>>) src(%dma_wait3A_812 : memref<8x125xi32, #tpu.memory_space<hbm>>) dst(%arg11 : memref<8x125xi32, #tpu.memory_space<vmem>>)
          tpu.yield
        }) : () -> ()
        "tpu.region"() ({
          %run_scoped3A = tpu.sem_alloc : memref<!tpu.dma_semaphore, #tpu.memory_space<semaphore_mem>>
          %dma_start3A_805 = arith.constant 0 : i32
          %dma_start3A_806 = tpu.memref_slice %arg3[%add3A_222, %dma_start3A_805] : memref<6400x125xi32, #tpu.memory_space<hbm>> -> memref<8x125xi32, #tpu.memory_space<hbm>>
          %dma_start3A_807 = arith.constant 0 : i32
          %dma_start3A_808 = tpu.memref_slice %arg3[%add3A_222, %dma_start3A_807] : memref<6400x125xi32, #tpu.memory_space<hbm>> -> memref<8x125xi32, #tpu.memory_space<hbm>>
          tpu.enqueue_dma source(%dma_start3A_808 : memref<8x125xi32, #tpu.memory_space<hbm>>) target(%arg12 : memref<8x125xi32, #tpu.memory_space<vmem>>) target_semaphore(%run_scoped3A : memref<!tpu.dma_semaphore, #tpu.memory_space<semaphore_mem>>)
          %dma_wait3A_809 = arith.constant 0 : i32
          %dma_wait3A_810 = tpu.memref_slice %arg3[%add3A_222, %dma_wait3A_809] : memref<6400x125xi32, #tpu.memory_space<hbm>> -> memref<8x125xi32, #tpu.memory_space<hbm>>
          %dma_wait3A_811 = arith.constant 0 : i32
          %dma_wait3A_812 = tpu.memref_slice %arg3[%add3A_222, %dma_wait3A_811] : memref<6400x125xi32, #tpu.memory_space<hbm>> -> memref<8x125xi32, #tpu.memory_space<hbm>>
          tpu.wait_dma2 semaphore(%run_scoped3A : memref<!tpu.dma_semaphore, #tpu.memory_space<semaphore_mem>>) src(%dma_wait3A_812 : memref<8x125xi32, #tpu.memory_space<hbm>>) dst(%arg12 : memref<8x125xi32, #tpu.memory_space<vmem>>)
          tpu.yield
        }) : () -> ()
        %dma_start3A_223 = arith.constant 0 : i32
        %dma_start3A_224 = arith.constant 0 : i32
        %dma_start3A_225 = arith.constant 0 : i32
        %dma_start3A_226 = arith.constant 0 : i32
        %dma_start3A_227 = tpu.memref_slice %arg13[%dma_start3A_224, %dma_start3A_225, %dma_start3A_226] : memref<8x125x32xbf16, #tpu.memory_space<vmem>> -> memref<1x125x32xbf16, #tpu.memory_space<vmem>>
        %dma_start3A_228 = tpu.memref_squeeze %dma_start3A_227 : memref<1x125x32xbf16, #tpu.memory_space<vmem>> -> memref<125x32xbf16, #tpu.memory_space<vmem>>
        %dma_start3A_229 = arith.constant 0 : i32
        %dma_start3A_230 = tpu.memref_slice %arg11[%dma_start3A_223, %dma_start3A_229] : memref<8x125xi32, #tpu.memory_space<vmem>> -> memref<1x125xi32, #tpu.memory_space<vmem>>
        %dma_start3A_231 = tpu.memref_squeeze %dma_start3A_230 : memref<1x125xi32, #tpu.memory_space<vmem>> -> memref<125xi32, #tpu.memory_space<vmem>>
        %dma_start3A_232 = arith.constant 0 : i32
        %dma_start3A_233 = arith.constant 0 : i32
        %dma_start3A_234 = tpu.memref_slice %arg5[%dma_start3A_232, %dma_start3A_233] : memref<50048x32xbf16, #tpu.memory_space<hbm>> -> memref<50048x32xbf16, #tpu.memory_space<hbm>>
        tpu.enqueue_indirect_dma source(%dma_start3A_234 : memref<50048x32xbf16, #tpu.memory_space<hbm>>) target(%dma_start3A_228 : memref<125x32xbf16, #tpu.memory_space<vmem>>) offsets(%dma_start3A_231 : memref<125xi32, #tpu.memory_space<vmem>>) semaphore(%arg16 : memref<!tpu.dma_semaphore, #tpu.memory_space<semaphore_mem>>)
        %dma_start3A_235 = arith.constant 1 : i32
        %dma_start3A_236 = arith.constant 1 : i32
        %dma_start3A_237 = arith.constant 0 : i32
        %dma_start3A_238 = arith.constant 0 : i32
        %dma_start3A_239 = tpu.memref_slice %arg13[%dma_start3A_236, %dma_start3A_237, %dma_start3A_238] : memref<8x125x32xbf16, #tpu.memory_space<vmem>> -> memref<1x125x32xbf16, #tpu.memory_space<vmem>>
        %dma_start3A_240 = tpu.memref_squeeze %dma_start3A_239 : memref<1x125x32xbf16, #tpu.memory_space<vmem>> -> memref<125x32xbf16, #tpu.memory_space<vmem>>
        %dma_start3A_241 = arith.constant 0 : i32
        %dma_start3A_242 = tpu.memref_slice %arg11[%dma_start3A_235, %dma_start3A_241] : memref<8x125xi32, #tpu.memory_space<vmem>> -> memref<1x125xi32, #tpu.memory_space<vmem>>
        %dma_start3A_243 = tpu.memref_squeeze %dma_start3A_242 : memref<1x125xi32, #tpu.memory_space<vmem>> -> memref<125xi32, #tpu.memory_space<vmem>>
        %dma_start3A_244 = arith.constant 0 : i32
        %dma_start3A_245 = arith.constant 0 : i32
        %dma_start3A_246 = tpu.memref_slice %arg5[%dma_start3A_244, %dma_start3A_245] : memref<50048x32xbf16, #tpu.memory_space<hbm>> -> memref<50048x32xbf16, #tpu.memory_space<hbm>>
        tpu.enqueue_indirect_dma source(%dma_start3A_246 : memref<50048x32xbf16, #tpu.memory_space<hbm>>) target(%dma_start3A_240 : memref<125x32xbf16, #tpu.memory_space<vmem>>) offsets(%dma_start3A_243 : memref<125xi32, #tpu.memory_space<vmem>>) semaphore(%arg16 : memref<!tpu.dma_semaphore, #tpu.memory_space<semaphore_mem>>)
        %dma_start3A_247 = arith.constant 2 : i32
        %dma_start3A_248 = arith.constant 2 : i32
        %dma_start3A_249 = arith.constant 0 : i32
        %dma_start3A_250 = arith.constant 0 : i32
        %dma_start3A_251 = tpu.memref_slice %arg13[%dma_start3A_248, %dma_start3A_249, %dma_start3A_250] : memref<8x125x32xbf16, #tpu.memory_space<vmem>> -> memref<1x125x32xbf16, #tpu.memory_space<vmem>>
        %dma_start3A_252 = tpu.memref_squeeze %dma_start3A_251 : memref<1x125x32xbf16, #tpu.memory_space<vmem>> -> memref<125x32xbf16, #tpu.memory_space<vmem>>
        %dma_start3A_253 = arith.constant 0 : i32
        %dma_start3A_254 = tpu.memref_slice %arg11[%dma_start3A_247, %dma_start3A_253] : memref<8x125xi32, #tpu.memory_space<vmem>> -> memref<1x125xi32, #tpu.memory_space<vmem>>
        %dma_start3A_255 = tpu.memref_squeeze %dma_start3A_254 : memref<1x125xi32, #tpu.memory_space<vmem>> -> memref<125xi32, #tpu.memory_space<vmem>>
        %dma_start3A_256 = arith.constant 0 : i32
        %dma_start3A_257 = arith.constant 0 : i32
        %dma_start3A_258 = tpu.memref_slice %arg5[%dma_start3A_256, %dma_start3A_257] : memref<50048x32xbf16, #tpu.memory_space<hbm>> -> memref<50048x32xbf16, #tpu.memory_space<hbm>>
        tpu.enqueue_indirect_dma source(%dma_start3A_258 : memref<50048x32xbf16, #tpu.memory_space<hbm>>) target(%dma_start3A_252 : memref<125x32xbf16, #tpu.memory_space<vmem>>) offsets(%dma_start3A_255 : memref<125xi32, #tpu.memory_space<vmem>>) semaphore(%arg16 : memref<!tpu.dma_semaphore, #tpu.memory_space<semaphore_mem>>)
        %dma_start3A_259 = arith.constant 3 : i32
        %dma_start3A_260 = arith.constant 3 : i32
        %dma_start3A_261 = arith.constant 0 : i32
        %dma_start3A_262 = arith.constant 0 : i32
        %dma_start3A_263 = tpu.memref_slice %arg13[%dma_start3A_260, %dma_start3A_261, %dma_start3A_262] : memref<8x125x32xbf16, #tpu.memory_space<vmem>> -> memref<1x125x32xbf16, #tpu.memory_space<vmem>>
        %dma_start3A_264 = tpu.memref_squeeze %dma_start3A_263 : memref<1x125x32xbf16, #tpu.memory_space<vmem>> -> memref<125x32xbf16, #tpu.memory_space<vmem>>
        %dma_start3A_265 = arith.constant 0 : i32
        %dma_start3A_266 = tpu.memref_slice %arg11[%dma_start3A_259, %dma_start3A_265] : memref<8x125xi32, #tpu.memory_space<vmem>> -> memref<1x125xi32, #tpu.memory_space<vmem>>
        %dma_start3A_267 = tpu.memref_squeeze %dma_start3A_266 : memref<1x125xi32, #tpu.memory_space<vmem>> -> memref<125xi32, #tpu.memory_space<vmem>>
        %dma_start3A_268 = arith.constant 0 : i32
        %dma_start3A_269 = arith.constant 0 : i32
        %dma_start3A_270 = tpu.memref_slice %arg5[%dma_start3A_268, %dma_start3A_269] : memref<50048x32xbf16, #tpu.memory_space<hbm>> -> memref<50048x32xbf16, #tpu.memory_space<hbm>>
        tpu.enqueue_indirect_dma source(%dma_start3A_270 : memref<50048x32xbf16, #tpu.memory_space<hbm>>) target(%dma_start3A_264 : memref<125x32xbf16, #tpu.memory_space<vmem>>) offsets(%dma_start3A_267 : memref<125xi32, #tpu.memory_space<vmem>>) semaphore(%arg16 : memref<!tpu.dma_semaphore, #tpu.memory_space<semaphore_mem>>)
        %dma_start3A_271 = arith.constant 4 : i32
        %dma_start3A_272 = arith.constant 4 : i32
        %dma_start3A_273 = arith.constant 0 : i32
        %dma_start3A_274 = arith.constant 0 : i32
        %dma_start3A_275 = tpu.memref_slice %arg13[%dma_start3A_272, %dma_start3A_273, %dma_start3A_274] : memref<8x125x32xbf16, #tpu.memory_space<vmem>> -> memref<1x125x32xbf16, #tpu.memory_space<vmem>>
        %dma_start3A_276 = tpu.memref_squeeze %dma_start3A_275 : memref<1x125x32xbf16, #tpu.memory_space<vmem>> -> memref<125x32xbf16, #tpu.memory_space<vmem>>
        %dma_start3A_277 = arith.constant 0 : i32
        %dma_start3A_278 = tpu.memref_slice %arg11[%dma_start3A_271, %dma_start3A_277] : memref<8x125xi32, #tpu.memory_space<vmem>> -> memref<1x125xi32, #tpu.memory_space<vmem>>
        %dma_start3A_279 = tpu.memref_squeeze %dma_start3A_278 : memref<1x125xi32, #tpu.memory_space<vmem>> -> memref<125xi32, #tpu.memory_space<vmem>>
        %dma_start3A_280 = arith.constant 0 : i32
        %dma_start3A_281 = arith.constant 0 : i32
        %dma_start3A_282 = tpu.memref_slice %arg5[%dma_start3A_280, %dma_start3A_281] : memref<50048x32xbf16, #tpu.memory_space<hbm>> -> memref<50048x32xbf16, #tpu.memory_space<hbm>>
        tpu.enqueue_indirect_dma source(%dma_start3A_282 : memref<50048x32xbf16, #tpu.memory_space<hbm>>) target(%dma_start3A_276 : memref<125x32xbf16, #tpu.memory_space<vmem>>) offsets(%dma_start3A_279 : memref<125xi32, #tpu.memory_space<vmem>>) semaphore(%arg16 : memref<!tpu.dma_semaphore, #tpu.memory_space<semaphore_mem>>)
        %dma_start3A_283 = arith.constant 5 : i32
        %dma_start3A_284 = arith.constant 5 : i32
        %dma_start3A_285 = arith.constant 0 : i32
        %dma_start3A_286 = arith.constant 0 : i32
        %dma_start3A_287 = tpu.memref_slice %arg13[%dma_start3A_284, %dma_start3A_285, %dma_start3A_286] : memref<8x125x32xbf16, #tpu.memory_space<vmem>> -> memref<1x125x32xbf16, #tpu.memory_space<vmem>>
        %dma_start3A_288 = tpu.memref_squeeze %dma_start3A_287 : memref<1x125x32xbf16, #tpu.memory_space<vmem>> -> memref<125x32xbf16, #tpu.memory_space<vmem>>
        %dma_start3A_289 = arith.constant 0 : i32
        %dma_start3A_290 = tpu.memref_slice %arg11[%dma_start3A_283, %dma_start3A_289] : memref<8x125xi32, #tpu.memory_space<vmem>> -> memref<1x125xi32, #tpu.memory_space<vmem>>
        %dma_start3A_291 = tpu.memref_squeeze %dma_start3A_290 : memref<1x125xi32, #tpu.memory_space<vmem>> -> memref<125xi32, #tpu.memory_space<vmem>>
        %dma_start3A_292 = arith.constant 0 : i32
        %dma_start3A_293 = arith.constant 0 : i32
        %dma_start3A_294 = tpu.memref_slice %arg5[%dma_start3A_292, %dma_start3A_293] : memref<50048x32xbf16, #tpu.memory_space<hbm>> -> memref<50048x32xbf16, #tpu.memory_space<hbm>>
        tpu.enqueue_indirect_dma source(%dma_start3A_294 : memref<50048x32xbf16, #tpu.memory_space<hbm>>) target(%dma_start3A_288 : memref<125x32xbf16, #tpu.memory_space<vmem>>) offsets(%dma_start3A_291 : memref<125xi32, #tpu.memory_space<vmem>>) semaphore(%arg16 : memref<!tpu.dma_semaphore, #tpu.memory_space<semaphore_mem>>)
        %dma_start3A_295 = arith.constant 6 : i32
        %dma_start3A_296 = arith.constant 6 : i32
        %dma_start3A_297 = arith.constant 0 : i32
        %dma_start3A_298 = arith.constant 0 : i32
        %dma_start3A_299 = tpu.memref_slice %arg13[%dma_start3A_296, %dma_start3A_297, %dma_start3A_298] : memref<8x125x32xbf16, #tpu.memory_space<vmem>> -> memref<1x125x32xbf16, #tpu.memory_space<vmem>>
        %dma_start3A_300 = tpu.memref_squeeze %dma_start3A_299 : memref<1x125x32xbf16, #tpu.memory_space<vmem>> -> memref<125x32xbf16, #tpu.memory_space<vmem>>
        %dma_start3A_301 = arith.constant 0 : i32
        %dma_start3A_302 = tpu.memref_slice %arg11[%dma_start3A_295, %dma_start3A_301] : memref<8x125xi32, #tpu.memory_space<vmem>> -> memref<1x125xi32, #tpu.memory_space<vmem>>
        %dma_start3A_303 = tpu.memref_squeeze %dma_start3A_302 : memref<1x125xi32, #tpu.memory_space<vmem>> -> memref<125xi32, #tpu.memory_space<vmem>>
        %dma_start3A_304 = arith.constant 0 : i32
        %dma_start3A_305 = arith.constant 0 : i32
        %dma_start3A_306 = tpu.memref_slice %arg5[%dma_start3A_304, %dma_start3A_305] : memref<50048x32xbf16, #tpu.memory_space<hbm>> -> memref<50048x32xbf16, #tpu.memory_space<hbm>>
        tpu.enqueue_indirect_dma source(%dma_start3A_306 : memref<50048x32xbf16, #tpu.memory_space<hbm>>) target(%dma_start3A_300 : memref<125x32xbf16, #tpu.memory_space<vmem>>) offsets(%dma_start3A_303 : memref<125xi32, #tpu.memory_space<vmem>>) semaphore(%arg16 : memref<!tpu.dma_semaphore, #tpu.memory_space<semaphore_mem>>)
        %dma_start3A_307 = arith.constant 7 : i32
        %dma_start3A_308 = arith.constant 7 : i32
        %dma_start3A_309 = arith.constant 0 : i32
        %dma_start3A_310 = arith.constant 0 : i32
        %dma_start3A_311 = tpu.memref_slice %arg13[%dma_start3A_308, %dma_start3A_309, %dma_start3A_310] : memref<8x125x32xbf16, #tpu.memory_space<vmem>> -> memref<1x125x32xbf16, #tpu.memory_space<vmem>>
        %dma_start3A_312 = tpu.memref_squeeze %dma_start3A_311 : memref<1x125x32xbf16, #tpu.memory_space<vmem>> -> memref<125x32xbf16, #tpu.memory_space<vmem>>
        %dma_start3A_313 = arith.constant 0 : i32
        %dma_start3A_314 = tpu.memref_slice %arg11[%dma_start3A_307, %dma_start3A_313] : memref<8x125xi32, #tpu.memory_space<vmem>> -> memref<1x125xi32, #tpu.memory_space<vmem>>
        %dma_start3A_315 = tpu.memref_squeeze %dma_start3A_314 : memref<1x125xi32, #tpu.memory_space<vmem>> -> memref<125xi32, #tpu.memory_space<vmem>>
        %dma_start3A_316 = arith.constant 0 : i32
        %dma_start3A_317 = arith.constant 0 : i32
        %dma_start3A_318 = tpu.memref_slice %arg5[%dma_start3A_316, %dma_start3A_317] : memref<50048x32xbf16, #tpu.memory_space<hbm>> -> memref<50048x32xbf16, #tpu.memory_space<hbm>>
        tpu.enqueue_indirect_dma source(%dma_start3A_318 : memref<50048x32xbf16, #tpu.memory_space<hbm>>) target(%dma_start3A_312 : memref<125x32xbf16, #tpu.memory_space<vmem>>) offsets(%dma_start3A_315 : memref<125xi32, #tpu.memory_space<vmem>>) semaphore(%arg16 : memref<!tpu.dma_semaphore, #tpu.memory_space<semaphore_mem>>)
        %dma_wait3A_319 = arith.constant 0 : i32
        %dma_wait3A_320 = arith.constant 0 : i32
        %dma_wait3A_321 = arith.constant 0 : i32
        %dma_wait3A_322 = arith.constant 0 : i32
        %dma_wait3A_323 = tpu.memref_slice %arg10[%dma_wait3A_320, %dma_wait3A_321, %dma_wait3A_322] : memref<8x125x32xbf16, #tpu.memory_space<vmem>> -> memref<1x125x32xbf16, #tpu.memory_space<vmem>>
        %dma_wait3A_324 = tpu.memref_squeeze %dma_wait3A_323 : memref<1x125x32xbf16, #tpu.memory_space<vmem>> -> memref<125x32xbf16, #tpu.memory_space<vmem>>
        %dma_wait3A_325 = arith.constant 0 : i32
        %dma_wait3A_326 = tpu.memref_slice %arg8[%dma_wait3A_319, %dma_wait3A_325] : memref<8x125xi32, #tpu.memory_space<vmem>> -> memref<1x125xi32, #tpu.memory_space<vmem>>
        %dma_wait3A_327 = tpu.memref_squeeze %dma_wait3A_326 : memref<1x125xi32, #tpu.memory_space<vmem>> -> memref<125xi32, #tpu.memory_space<vmem>>
        %dma_wait3A_328 = arith.constant 0 : i32
        %dma_wait3A_329 = arith.constant 0 : i32
        %dma_wait3A_330 = tpu.memref_slice %arg5[%dma_wait3A_328, %dma_wait3A_329] : memref<50048x32xbf16, #tpu.memory_space<hbm>> -> memref<50048x32xbf16, #tpu.memory_space<hbm>>
        tpu.wait_indirect_dma semaphore(%arg15 : memref<!tpu.dma_semaphore, #tpu.memory_space<semaphore_mem>>) src(%dma_wait3A_330 : memref<50048x32xbf16, #tpu.memory_space<hbm>>) dst(%dma_wait3A_324 : memref<125x32xbf16, #tpu.memory_space<vmem>>)
        %dma_wait3A_331 = arith.constant 1 : i32
        %dma_wait3A_332 = arith.constant 1 : i32
        %dma_wait3A_333 = arith.constant 0 : i32
        %dma_wait3A_334 = arith.constant 0 : i32
        %dma_wait3A_335 = tpu.memref_slice %arg10[%dma_wait3A_332, %dma_wait3A_333, %dma_wait3A_334] : memref<8x125x32xbf16, #tpu.memory_space<vmem>> -> memref<1x125x32xbf16, #tpu.memory_space<vmem>>
        %dma_wait3A_336 = tpu.memref_squeeze %dma_wait3A_335 : memref<1x125x32xbf16, #tpu.memory_space<vmem>> -> memref<125x32xbf16, #tpu.memory_space<vmem>>
        %dma_wait3A_337 = arith.constant 0 : i32
        %dma_wait3A_338 = tpu.memref_slice %arg8[%dma_wait3A_331, %dma_wait3A_337] : memref<8x125xi32, #tpu.memory_space<vmem>> -> memref<1x125xi32, #tpu.memory_space<vmem>>
        %dma_wait3A_339 = tpu.memref_squeeze %dma_wait3A_338 : memref<1x125xi32, #tpu.memory_space<vmem>> -> memref<125xi32, #tpu.memory_space<vmem>>
        %dma_wait3A_340 = arith.constant 0 : i32
        %dma_wait3A_341 = arith.constant 0 : i32
        %dma_wait3A_342 = tpu.memref_slice %arg5[%dma_wait3A_340, %dma_wait3A_341] : memref<50048x32xbf16, #tpu.memory_space<hbm>> -> memref<50048x32xbf16, #tpu.memory_space<hbm>>
        tpu.wait_indirect_dma semaphore(%arg15 : memref<!tpu.dma_semaphore, #tpu.memory_space<semaphore_mem>>) src(%dma_wait3A_342 : memref<50048x32xbf16, #tpu.memory_space<hbm>>) dst(%dma_wait3A_336 : memref<125x32xbf16, #tpu.memory_space<vmem>>)
        %dma_wait3A_343 = arith.constant 2 : i32
        %dma_wait3A_344 = arith.constant 2 : i32
        %dma_wait3A_345 = arith.constant 0 : i32
        %dma_wait3A_346 = arith.constant 0 : i32
        %dma_wait3A_347 = tpu.memref_slice %arg10[%dma_wait3A_344, %dma_wait3A_345, %dma_wait3A_346] : memref<8x125x32xbf16, #tpu.memory_space<vmem>> -> memref<1x125x32xbf16, #tpu.memory_space<vmem>>
        %dma_wait3A_348 = tpu.memref_squeeze %dma_wait3A_347 : memref<1x125x32xbf16, #tpu.memory_space<vmem>> -> memref<125x32xbf16, #tpu.memory_space<vmem>>
        %dma_wait3A_349 = arith.constant 0 : i32
        %dma_wait3A_350 = tpu.memref_slice %arg8[%dma_wait3A_343, %dma_wait3A_349] : memref<8x125xi32, #tpu.memory_space<vmem>> -> memref<1x125xi32, #tpu.memory_space<vmem>>
        %dma_wait3A_351 = tpu.memref_squeeze %dma_wait3A_350 : memref<1x125xi32, #tpu.memory_space<vmem>> -> memref<125xi32, #tpu.memory_space<vmem>>
        %dma_wait3A_352 = arith.constant 0 : i32
        %dma_wait3A_353 = arith.constant 0 : i32
        %dma_wait3A_354 = tpu.memref_slice %arg5[%dma_wait3A_352, %dma_wait3A_353] : memref<50048x32xbf16, #tpu.memory_space<hbm>> -> memref<50048x32xbf16, #tpu.memory_space<hbm>>
        tpu.wait_indirect_dma semaphore(%arg15 : memref<!tpu.dma_semaphore, #tpu.memory_space<semaphore_mem>>) src(%dma_wait3A_354 : memref<50048x32xbf16, #tpu.memory_space<hbm>>) dst(%dma_wait3A_348 : memref<125x32xbf16, #tpu.memory_space<vmem>>)
        %dma_wait3A_355 = arith.constant 3 : i32
        %dma_wait3A_356 = arith.constant 3 : i32
        %dma_wait3A_357 = arith.constant 0 : i32
        %dma_wait3A_358 = arith.constant 0 : i32
        %dma_wait3A_359 = tpu.memref_slice %arg10[%dma_wait3A_356, %dma_wait3A_357, %dma_wait3A_358] : memref<8x125x32xbf16, #tpu.memory_space<vmem>> -> memref<1x125x32xbf16, #tpu.memory_space<vmem>>
        %dma_wait3A_360 = tpu.memref_squeeze %dma_wait3A_359 : memref<1x125x32xbf16, #tpu.memory_space<vmem>> -> memref<125x32xbf16, #tpu.memory_space<vmem>>
        %dma_wait3A_361 = arith.constant 0 : i32
        %dma_wait3A_362 = tpu.memref_slice %arg8[%dma_wait3A_355, %dma_wait3A_361] : memref<8x125xi32, #tpu.memory_space<vmem>> -> memref<1x125xi32, #tpu.memory_space<vmem>>
        %dma_wait3A_363 = tpu.memref_squeeze %dma_wait3A_362 : memref<1x125xi32, #tpu.memory_space<vmem>> -> memref<125xi32, #tpu.memory_space<vmem>>
        %dma_wait3A_364 = arith.constant 0 : i32
        %dma_wait3A_365 = arith.constant 0 : i32
        %dma_wait3A_366 = tpu.memref_slice %arg5[%dma_wait3A_364, %dma_wait3A_365] : memref<50048x32xbf16, #tpu.memory_space<hbm>> -> memref<50048x32xbf16, #tpu.memory_space<hbm>>
        tpu.wait_indirect_dma semaphore(%arg15 : memref<!tpu.dma_semaphore, #tpu.memory_space<semaphore_mem>>) src(%dma_wait3A_366 : memref<50048x32xbf16, #tpu.memory_space<hbm>>) dst(%dma_wait3A_360 : memref<125x32xbf16, #tpu.memory_space<vmem>>)
        %dma_wait3A_367 = arith.constant 4 : i32
        %dma_wait3A_368 = arith.constant 4 : i32
        %dma_wait3A_369 = arith.constant 0 : i32
        %dma_wait3A_370 = arith.constant 0 : i32
        %dma_wait3A_371 = tpu.memref_slice %arg10[%dma_wait3A_368, %dma_wait3A_369, %dma_wait3A_370] : memref<8x125x32xbf16, #tpu.memory_space<vmem>> -> memref<1x125x32xbf16, #tpu.memory_space<vmem>>
        %dma_wait3A_372 = tpu.memref_squeeze %dma_wait3A_371 : memref<1x125x32xbf16, #tpu.memory_space<vmem>> -> memref<125x32xbf16, #tpu.memory_space<vmem>>
        %dma_wait3A_373 = arith.constant 0 : i32
        %dma_wait3A_374 = tpu.memref_slice %arg8[%dma_wait3A_367, %dma_wait3A_373] : memref<8x125xi32, #tpu.memory_space<vmem>> -> memref<1x125xi32, #tpu.memory_space<vmem>>
        %dma_wait3A_375 = tpu.memref_squeeze %dma_wait3A_374 : memref<1x125xi32, #tpu.memory_space<vmem>> -> memref<125xi32, #tpu.memory_space<vmem>>
        %dma_wait3A_376 = arith.constant 0 : i32
        %dma_wait3A_377 = arith.constant 0 : i32
        %dma_wait3A_378 = tpu.memref_slice %arg5[%dma_wait3A_376, %dma_wait3A_377] : memref<50048x32xbf16, #tpu.memory_space<hbm>> -> memref<50048x32xbf16, #tpu.memory_space<hbm>>
        tpu.wait_indirect_dma semaphore(%arg15 : memref<!tpu.dma_semaphore, #tpu.memory_space<semaphore_mem>>) src(%dma_wait3A_378 : memref<50048x32xbf16, #tpu.memory_space<hbm>>) dst(%dma_wait3A_372 : memref<125x32xbf16, #tpu.memory_space<vmem>>)
        %dma_wait3A_379 = arith.constant 5 : i32
        %dma_wait3A_380 = arith.constant 5 : i32
        %dma_wait3A_381 = arith.constant 0 : i32
        %dma_wait3A_382 = arith.constant 0 : i32
        %dma_wait3A_383 = tpu.memref_slice %arg10[%dma_wait3A_380, %dma_wait3A_381, %dma_wait3A_382] : memref<8x125x32xbf16, #tpu.memory_space<vmem>> -> memref<1x125x32xbf16, #tpu.memory_space<vmem>>
        %dma_wait3A_384 = tpu.memref_squeeze %dma_wait3A_383 : memref<1x125x32xbf16, #tpu.memory_space<vmem>> -> memref<125x32xbf16, #tpu.memory_space<vmem>>
        %dma_wait3A_385 = arith.constant 0 : i32
        %dma_wait3A_386 = tpu.memref_slice %arg8[%dma_wait3A_379, %dma_wait3A_385] : memref<8x125xi32, #tpu.memory_space<vmem>> -> memref<1x125xi32, #tpu.memory_space<vmem>>
        %dma_wait3A_387 = tpu.memref_squeeze %dma_wait3A_386 : memref<1x125xi32, #tpu.memory_space<vmem>> -> memref<125xi32, #tpu.memory_space<vmem>>
        %dma_wait3A_388 = arith.constant 0 : i32
        %dma_wait3A_389 = arith.constant 0 : i32
        %dma_wait3A_390 = tpu.memref_slice %arg5[%dma_wait3A_388, %dma_wait3A_389] : memref<50048x32xbf16, #tpu.memory_space<hbm>> -> memref<50048x32xbf16, #tpu.memory_space<hbm>>
        tpu.wait_indirect_dma semaphore(%arg15 : memref<!tpu.dma_semaphore, #tpu.memory_space<semaphore_mem>>) src(%dma_wait3A_390 : memref<50048x32xbf16, #tpu.memory_space<hbm>>) dst(%dma_wait3A_384 : memref<125x32xbf16, #tpu.memory_space<vmem>>)
        %dma_wait3A_391 = arith.constant 6 : i32
        %dma_wait3A_392 = arith.constant 6 : i32
        %dma_wait3A_393 = arith.constant 0 : i32
        %dma_wait3A_394 = arith.constant 0 : i32
        %dma_wait3A_395 = tpu.memref_slice %arg10[%dma_wait3A_392, %dma_wait3A_393, %dma_wait3A_394] : memref<8x125x32xbf16, #tpu.memory_space<vmem>> -> memref<1x125x32xbf16, #tpu.memory_space<vmem>>
        %dma_wait3A_396 = tpu.memref_squeeze %dma_wait3A_395 : memref<1x125x32xbf16, #tpu.memory_space<vmem>> -> memref<125x32xbf16, #tpu.memory_space<vmem>>
        %dma_wait3A_397 = arith.constant 0 : i32
        %dma_wait3A_398 = tpu.memref_slice %arg8[%dma_wait3A_391, %dma_wait3A_397] : memref<8x125xi32, #tpu.memory_space<vmem>> -> memref<1x125xi32, #tpu.memory_space<vmem>>
        %dma_wait3A_399 = tpu.memref_squeeze %dma_wait3A_398 : memref<1x125xi32, #tpu.memory_space<vmem>> -> memref<125xi32, #tpu.memory_space<vmem>>
        %dma_wait3A_400 = arith.constant 0 : i32
        %dma_wait3A_401 = arith.constant 0 : i32
        %dma_wait3A_402 = tpu.memref_slice %arg5[%dma_wait3A_400, %dma_wait3A_401] : memref<50048x32xbf16, #tpu.memory_space<hbm>> -> memref<50048x32xbf16, #tpu.memory_space<hbm>>
        tpu.wait_indirect_dma semaphore(%arg15 : memref<!tpu.dma_semaphore, #tpu.memory_space<semaphore_mem>>) src(%dma_wait3A_402 : memref<50048x32xbf16, #tpu.memory_space<hbm>>) dst(%dma_wait3A_396 : memref<125x32xbf16, #tpu.memory_space<vmem>>)
        %dma_wait3A_403 = arith.constant 7 : i32
        %dma_wait3A_404 = arith.constant 7 : i32
        %dma_wait3A_405 = arith.constant 0 : i32
        %dma_wait3A_406 = arith.constant 0 : i32
        %dma_wait3A_407 = tpu.memref_slice %arg10[%dma_wait3A_404, %dma_wait3A_405, %dma_wait3A_406] : memref<8x125x32xbf16, #tpu.memory_space<vmem>> -> memref<1x125x32xbf16, #tpu.memory_space<vmem>>
        %dma_wait3A_408 = tpu.memref_squeeze %dma_wait3A_407 : memref<1x125x32xbf16, #tpu.memory_space<vmem>> -> memref<125x32xbf16, #tpu.memory_space<vmem>>
        %dma_wait3A_409 = arith.constant 0 : i32
        %dma_wait3A_410 = tpu.memref_slice %arg8[%dma_wait3A_403, %dma_wait3A_409] : memref<8x125xi32, #tpu.memory_space<vmem>> -> memref<1x125xi32, #tpu.memory_space<vmem>>
        %dma_wait3A_411 = tpu.memref_squeeze %dma_wait3A_410 : memref<1x125xi32, #tpu.memory_space<vmem>> -> memref<125xi32, #tpu.memory_space<vmem>>
        %dma_wait3A_412 = arith.constant 0 : i32
        %dma_wait3A_413 = arith.constant 0 : i32
        %dma_wait3A_414 = tpu.memref_slice %arg5[%dma_wait3A_412, %dma_wait3A_413] : memref<50048x32xbf16, #tpu.memory_space<hbm>> -> memref<50048x32xbf16, #tpu.memory_space<hbm>>
        tpu.wait_indirect_dma semaphore(%arg15 : memref<!tpu.dma_semaphore, #tpu.memory_space<semaphore_mem>>) src(%dma_wait3A_414 : memref<50048x32xbf16, #tpu.memory_space<hbm>>) dst(%dma_wait3A_408 : memref<125x32xbf16, #tpu.memory_space<vmem>>)
        %dma_start3A_415 = arith.constant 0 : i32
        %dma_start3A_416 = arith.constant 0 : i32
        %dma_start3A_417 = arith.constant 0 : i32
        %dma_start3A_418 = arith.constant 0 : i32
        %dma_start3A_419 = tpu.memref_slice %arg10[%dma_start3A_415, %dma_start3A_417, %dma_start3A_418] : memref<8x125x32xbf16, #tpu.memory_space<vmem>> -> memref<1x125x32xbf16, #tpu.memory_space<vmem>>
        %dma_start3A_420 = tpu.memref_squeeze %dma_start3A_419 : memref<1x125x32xbf16, #tpu.memory_space<vmem>> -> memref<125x32xbf16, #tpu.memory_space<vmem>>
        %dma_start3A_421 = arith.constant 0 : i32
        %dma_start3A_422 = tpu.memref_slice %arg9[%dma_start3A_416, %dma_start3A_421] : memref<8x125xi32, #tpu.memory_space<vmem>> -> memref<1x125xi32, #tpu.memory_space<vmem>>
        %dma_start3A_423 = tpu.memref_squeeze %dma_start3A_422 : memref<1x125xi32, #tpu.memory_space<vmem>> -> memref<125xi32, #tpu.memory_space<vmem>>
        %dma_start3A_424 = arith.constant 0 : i32
        %dma_start3A_425 = arith.constant 0 : i32
        %dma_start3A_426 = tpu.memref_slice %arg14[%dma_start3A_424, %dma_start3A_425] : memref<50176x32xbf16, #tpu.memory_space<vmem_shared>> -> memref<50176x32xbf16, #tpu.memory_space<vmem_shared>>
        tpu.enqueue_indirect_dma source(%dma_start3A_420 : memref<125x32xbf16, #tpu.memory_space<vmem>>) target(%dma_start3A_426 : memref<50176x32xbf16, #tpu.memory_space<vmem_shared>>) offsets(%dma_start3A_423 : memref<125xi32, #tpu.memory_space<vmem>>) semaphore(%arg17 : memref<!tpu.dma_semaphore, #tpu.memory_space<semaphore_mem>>) {add = true}
        %dma_start3A_427 = arith.constant 1 : i32
        %dma_start3A_428 = arith.constant 1 : i32
        %dma_start3A_429 = arith.constant 0 : i32
        %dma_start3A_430 = arith.constant 0 : i32
        %dma_start3A_431 = tpu.memref_slice %arg10[%dma_start3A_427, %dma_start3A_429, %dma_start3A_430] : memref<8x125x32xbf16, #tpu.memory_space<vmem>> -> memref<1x125x32xbf16, #tpu.memory_space<vmem>>
        %dma_start3A_432 = tpu.memref_squeeze %dma_start3A_431 : memref<1x125x32xbf16, #tpu.memory_space<vmem>> -> memref<125x32xbf16, #tpu.memory_space<vmem>>
        %dma_start3A_433 = arith.constant 0 : i32
        %dma_start3A_434 = tpu.memref_slice %arg9[%dma_start3A_428, %dma_start3A_433] : memref<8x125xi32, #tpu.memory_space<vmem>> -> memref<1x125xi32, #tpu.memory_space<vmem>>
        %dma_start3A_435 = tpu.memref_squeeze %dma_start3A_434 : memref<1x125xi32, #tpu.memory_space<vmem>> -> memref<125xi32, #tpu.memory_space<vmem>>
        %dma_start3A_436 = arith.constant 0 : i32
        %dma_start3A_437 = arith.constant 0 : i32
        %dma_start3A_438 = tpu.memref_slice %arg14[%dma_start3A_436, %dma_start3A_437] : memref<50176x32xbf16, #tpu.memory_space<vmem_shared>> -> memref<50176x32xbf16, #tpu.memory_space<vmem_shared>>
        tpu.enqueue_indirect_dma source(%dma_start3A_432 : memref<125x32xbf16, #tpu.memory_space<vmem>>) target(%dma_start3A_438 : memref<50176x32xbf16, #tpu.memory_space<vmem_shared>>) offsets(%dma_start3A_435 : memref<125xi32, #tpu.memory_space<vmem>>) semaphore(%arg17 : memref<!tpu.dma_semaphore, #tpu.memory_space<semaphore_mem>>) {add = true}
        %dma_start3A_439 = arith.constant 2 : i32
        %dma_start3A_440 = arith.constant 2 : i32
        %dma_start3A_441 = arith.constant 0 : i32
        %dma_start3A_442 = arith.constant 0 : i32
        %dma_start3A_443 = tpu.memref_slice %arg10[%dma_start3A_439, %dma_start3A_441, %dma_start3A_442] : memref<8x125x32xbf16, #tpu.memory_space<vmem>> -> memref<1x125x32xbf16, #tpu.memory_space<vmem>>
        %dma_start3A_444 = tpu.memref_squeeze %dma_start3A_443 : memref<1x125x32xbf16, #tpu.memory_space<vmem>> -> memref<125x32xbf16, #tpu.memory_space<vmem>>
        %dma_start3A_445 = arith.constant 0 : i32
        %dma_start3A_446 = tpu.memref_slice %arg9[%dma_start3A_440, %dma_start3A_445] : memref<8x125xi32, #tpu.memory_space<vmem>> -> memref<1x125xi32, #tpu.memory_space<vmem>>
        %dma_start3A_447 = tpu.memref_squeeze %dma_start3A_446 : memref<1x125xi32, #tpu.memory_space<vmem>> -> memref<125xi32, #tpu.memory_space<vmem>>
        %dma_start3A_448 = arith.constant 0 : i32
        %dma_start3A_449 = arith.constant 0 : i32
        %dma_start3A_450 = tpu.memref_slice %arg14[%dma_start3A_448, %dma_start3A_449] : memref<50176x32xbf16, #tpu.memory_space<vmem_shared>> -> memref<50176x32xbf16, #tpu.memory_space<vmem_shared>>
        tpu.enqueue_indirect_dma source(%dma_start3A_444 : memref<125x32xbf16, #tpu.memory_space<vmem>>) target(%dma_start3A_450 : memref<50176x32xbf16, #tpu.memory_space<vmem_shared>>) offsets(%dma_start3A_447 : memref<125xi32, #tpu.memory_space<vmem>>) semaphore(%arg17 : memref<!tpu.dma_semaphore, #tpu.memory_space<semaphore_mem>>) {add = true}
        %dma_start3A_451 = arith.constant 3 : i32
        %dma_start3A_452 = arith.constant 3 : i32
        %dma_start3A_453 = arith.constant 0 : i32
        %dma_start3A_454 = arith.constant 0 : i32
        %dma_start3A_455 = tpu.memref_slice %arg10[%dma_start3A_451, %dma_start3A_453, %dma_start3A_454] : memref<8x125x32xbf16, #tpu.memory_space<vmem>> -> memref<1x125x32xbf16, #tpu.memory_space<vmem>>
        %dma_start3A_456 = tpu.memref_squeeze %dma_start3A_455 : memref<1x125x32xbf16, #tpu.memory_space<vmem>> -> memref<125x32xbf16, #tpu.memory_space<vmem>>
        %dma_start3A_457 = arith.constant 0 : i32
        %dma_start3A_458 = tpu.memref_slice %arg9[%dma_start3A_452, %dma_start3A_457] : memref<8x125xi32, #tpu.memory_space<vmem>> -> memref<1x125xi32, #tpu.memory_space<vmem>>
        %dma_start3A_459 = tpu.memref_squeeze %dma_start3A_458 : memref<1x125xi32, #tpu.memory_space<vmem>> -> memref<125xi32, #tpu.memory_space<vmem>>
        %dma_start3A_460 = arith.constant 0 : i32
        %dma_start3A_461 = arith.constant 0 : i32
        %dma_start3A_462 = tpu.memref_slice %arg14[%dma_start3A_460, %dma_start3A_461] : memref<50176x32xbf16, #tpu.memory_space<vmem_shared>> -> memref<50176x32xbf16, #tpu.memory_space<vmem_shared>>
        tpu.enqueue_indirect_dma source(%dma_start3A_456 : memref<125x32xbf16, #tpu.memory_space<vmem>>) target(%dma_start3A_462 : memref<50176x32xbf16, #tpu.memory_space<vmem_shared>>) offsets(%dma_start3A_459 : memref<125xi32, #tpu.memory_space<vmem>>) semaphore(%arg17 : memref<!tpu.dma_semaphore, #tpu.memory_space<semaphore_mem>>) {add = true}
        %dma_start3A_463 = arith.constant 4 : i32
        %dma_start3A_464 = arith.constant 4 : i32
        %dma_start3A_465 = arith.constant 0 : i32
        %dma_start3A_466 = arith.constant 0 : i32
        %dma_start3A_467 = tpu.memref_slice %arg10[%dma_start3A_463, %dma_start3A_465, %dma_start3A_466] : memref<8x125x32xbf16, #tpu.memory_space<vmem>> -> memref<1x125x32xbf16, #tpu.memory_space<vmem>>
        %dma_start3A_468 = tpu.memref_squeeze %dma_start3A_467 : memref<1x125x32xbf16, #tpu.memory_space<vmem>> -> memref<125x32xbf16, #tpu.memory_space<vmem>>
        %dma_start3A_469 = arith.constant 0 : i32
        %dma_start3A_470 = tpu.memref_slice %arg9[%dma_start3A_464, %dma_start3A_469] : memref<8x125xi32, #tpu.memory_space<vmem>> -> memref<1x125xi32, #tpu.memory_space<vmem>>
        %dma_start3A_471 = tpu.memref_squeeze %dma_start3A_470 : memref<1x125xi32, #tpu.memory_space<vmem>> -> memref<125xi32, #tpu.memory_space<vmem>>
        %dma_start3A_472 = arith.constant 0 : i32
        %dma_start3A_473 = arith.constant 0 : i32
        %dma_start3A_474 = tpu.memref_slice %arg14[%dma_start3A_472, %dma_start3A_473] : memref<50176x32xbf16, #tpu.memory_space<vmem_shared>> -> memref<50176x32xbf16, #tpu.memory_space<vmem_shared>>
        tpu.enqueue_indirect_dma source(%dma_start3A_468 : memref<125x32xbf16, #tpu.memory_space<vmem>>) target(%dma_start3A_474 : memref<50176x32xbf16, #tpu.memory_space<vmem_shared>>) offsets(%dma_start3A_471 : memref<125xi32, #tpu.memory_space<vmem>>) semaphore(%arg17 : memref<!tpu.dma_semaphore, #tpu.memory_space<semaphore_mem>>) {add = true}
        %dma_start3A_475 = arith.constant 5 : i32
        %dma_start3A_476 = arith.constant 5 : i32
        %dma_start3A_477 = arith.constant 0 : i32
        %dma_start3A_478 = arith.constant 0 : i32
        %dma_start3A_479 = tpu.memref_slice %arg10[%dma_start3A_475, %dma_start3A_477, %dma_start3A_478] : memref<8x125x32xbf16, #tpu.memory_space<vmem>> -> memref<1x125x32xbf16, #tpu.memory_space<vmem>>
        %dma_start3A_480 = tpu.memref_squeeze %dma_start3A_479 : memref<1x125x32xbf16, #tpu.memory_space<vmem>> -> memref<125x32xbf16, #tpu.memory_space<vmem>>
        %dma_start3A_481 = arith.constant 0 : i32
        %dma_start3A_482 = tpu.memref_slice %arg9[%dma_start3A_476, %dma_start3A_481] : memref<8x125xi32, #tpu.memory_space<vmem>> -> memref<1x125xi32, #tpu.memory_space<vmem>>
        %dma_start3A_483 = tpu.memref_squeeze %dma_start3A_482 : memref<1x125xi32, #tpu.memory_space<vmem>> -> memref<125xi32, #tpu.memory_space<vmem>>
        %dma_start3A_484 = arith.constant 0 : i32
        %dma_start3A_485 = arith.constant 0 : i32
        %dma_start3A_486 = tpu.memref_slice %arg14[%dma_start3A_484, %dma_start3A_485] : memref<50176x32xbf16, #tpu.memory_space<vmem_shared>> -> memref<50176x32xbf16, #tpu.memory_space<vmem_shared>>
        tpu.enqueue_indirect_dma source(%dma_start3A_480 : memref<125x32xbf16, #tpu.memory_space<vmem>>) target(%dma_start3A_486 : memref<50176x32xbf16, #tpu.memory_space<vmem_shared>>) offsets(%dma_start3A_483 : memref<125xi32, #tpu.memory_space<vmem>>) semaphore(%arg17 : memref<!tpu.dma_semaphore, #tpu.memory_space<semaphore_mem>>) {add = true}
        %dma_start3A_487 = arith.constant 6 : i32
        %dma_start3A_488 = arith.constant 6 : i32
        %dma_start3A_489 = arith.constant 0 : i32
        %dma_start3A_490 = arith.constant 0 : i32
        %dma_start3A_491 = tpu.memref_slice %arg10[%dma_start3A_487, %dma_start3A_489, %dma_start3A_490] : memref<8x125x32xbf16, #tpu.memory_space<vmem>> -> memref<1x125x32xbf16, #tpu.memory_space<vmem>>
        %dma_start3A_492 = tpu.memref_squeeze %dma_start3A_491 : memref<1x125x32xbf16, #tpu.memory_space<vmem>> -> memref<125x32xbf16, #tpu.memory_space<vmem>>
        %dma_start3A_493 = arith.constant 0 : i32
        %dma_start3A_494 = tpu.memref_slice %arg9[%dma_start3A_488, %dma_start3A_493] : memref<8x125xi32, #tpu.memory_space<vmem>> -> memref<1x125xi32, #tpu.memory_space<vmem>>
        %dma_start3A_495 = tpu.memref_squeeze %dma_start3A_494 : memref<1x125xi32, #tpu.memory_space<vmem>> -> memref<125xi32, #tpu.memory_space<vmem>>
        %dma_start3A_496 = arith.constant 0 : i32
        %dma_start3A_497 = arith.constant 0 : i32
        %dma_start3A_498 = tpu.memref_slice %arg14[%dma_start3A_496, %dma_start3A_497] : memref<50176x32xbf16, #tpu.memory_space<vmem_shared>> -> memref<50176x32xbf16, #tpu.memory_space<vmem_shared>>
        tpu.enqueue_indirect_dma source(%dma_start3A_492 : memref<125x32xbf16, #tpu.memory_space<vmem>>) target(%dma_start3A_498 : memref<50176x32xbf16, #tpu.memory_space<vmem_shared>>) offsets(%dma_start3A_495 : memref<125xi32, #tpu.memory_space<vmem>>) semaphore(%arg17 : memref<!tpu.dma_semaphore, #tpu.memory_space<semaphore_mem>>) {add = true}
        %dma_start3A_499 = arith.constant 7 : i32
        %dma_start3A_500 = arith.constant 7 : i32
        %dma_start3A_501 = arith.constant 0 : i32
        %dma_start3A_502 = arith.constant 0 : i32
        %dma_start3A_503 = tpu.memref_slice %arg10[%dma_start3A_499, %dma_start3A_501, %dma_start3A_502] : memref<8x125x32xbf16, #tpu.memory_space<vmem>> -> memref<1x125x32xbf16, #tpu.memory_space<vmem>>
        %dma_start3A_504 = tpu.memref_squeeze %dma_start3A_503 : memref<1x125x32xbf16, #tpu.memory_space<vmem>> -> memref<125x32xbf16, #tpu.memory_space<vmem>>
        %dma_start3A_505 = arith.constant 0 : i32
        %dma_start3A_506 = tpu.memref_slice %arg9[%dma_start3A_500, %dma_start3A_505] : memref<8x125xi32, #tpu.memory_space<vmem>> -> memref<1x125xi32, #tpu.memory_space<vmem>>
        %dma_start3A_507 = tpu.memref_squeeze %dma_start3A_506 : memref<1x125xi32, #tpu.memory_space<vmem>> -> memref<125xi32, #tpu.memory_space<vmem>>
        %dma_start3A_508 = arith.constant 0 : i32
        %dma_start3A_509 = arith.constant 0 : i32
        %dma_start3A_510 = tpu.memref_slice %arg14[%dma_start3A_508, %dma_start3A_509] : memref<50176x32xbf16, #tpu.memory_space<vmem_shared>> -> memref<50176x32xbf16, #tpu.memory_space<vmem_shared>>
        tpu.enqueue_indirect_dma source(%dma_start3A_504 : memref<125x32xbf16, #tpu.memory_space<vmem>>) target(%dma_start3A_510 : memref<50176x32xbf16, #tpu.memory_space<vmem_shared>>) offsets(%dma_start3A_507 : memref<125xi32, #tpu.memory_space<vmem>>) semaphore(%arg17 : memref<!tpu.dma_semaphore, #tpu.memory_space<semaphore_mem>>) {add = true}
        %dma_wait3A_511 = arith.constant 0 : i32
        %dma_wait3A_512 = arith.constant 0 : i32
        %dma_wait3A_513 = arith.constant 0 : i32
        %dma_wait3A_514 = arith.constant 0 : i32
        %dma_wait3A_515 = tpu.memref_slice %arg10[%dma_wait3A_511, %dma_wait3A_513, %dma_wait3A_514] : memref<8x125x32xbf16, #tpu.memory_space<vmem>> -> memref<1x125x32xbf16, #tpu.memory_space<vmem>>
        %dma_wait3A_516 = tpu.memref_squeeze %dma_wait3A_515 : memref<1x125x32xbf16, #tpu.memory_space<vmem>> -> memref<125x32xbf16, #tpu.memory_space<vmem>>
        %dma_wait3A_517 = arith.constant 0 : i32
        %dma_wait3A_518 = tpu.memref_slice %arg9[%dma_wait3A_512, %dma_wait3A_517] : memref<8x125xi32, #tpu.memory_space<vmem>> -> memref<1x125xi32, #tpu.memory_space<vmem>>
        %dma_wait3A_519 = tpu.memref_squeeze %dma_wait3A_518 : memref<1x125xi32, #tpu.memory_space<vmem>> -> memref<125xi32, #tpu.memory_space<vmem>>
        %dma_wait3A_520 = arith.constant 0 : i32
        %dma_wait3A_521 = arith.constant 0 : i32
        %dma_wait3A_522 = tpu.memref_slice %arg14[%dma_wait3A_520, %dma_wait3A_521] : memref<50176x32xbf16, #tpu.memory_space<vmem_shared>> -> memref<50176x32xbf16, #tpu.memory_space<vmem_shared>>
        tpu.wait_indirect_dma semaphore(%arg17 : memref<!tpu.dma_semaphore, #tpu.memory_space<semaphore_mem>>) src(%dma_wait3A_516 : memref<125x32xbf16, #tpu.memory_space<vmem>>) dst(%dma_wait3A_522 : memref<50176x32xbf16, #tpu.memory_space<vmem_shared>>)
        %dma_wait3A_523 = arith.constant 1 : i32
        %dma_wait3A_524 = arith.constant 1 : i32
        %dma_wait3A_525 = arith.constant 0 : i32
        %dma_wait3A_526 = arith.constant 0 : i32
        %dma_wait3A_527 = tpu.memref_slice %arg10[%dma_wait3A_523, %dma_wait3A_525, %dma_wait3A_526] : memref<8x125x32xbf16, #tpu.memory_space<vmem>> -> memref<1x125x32xbf16, #tpu.memory_space<vmem>>
        %dma_wait3A_528 = tpu.memref_squeeze %dma_wait3A_527 : memref<1x125x32xbf16, #tpu.memory_space<vmem>> -> memref<125x32xbf16, #tpu.memory_space<vmem>>
        %dma_wait3A_529 = arith.constant 0 : i32
        %dma_wait3A_530 = tpu.memref_slice %arg9[%dma_wait3A_524, %dma_wait3A_529] : memref<8x125xi32, #tpu.memory_space<vmem>> -> memref<1x125xi32, #tpu.memory_space<vmem>>
        %dma_wait3A_531 = tpu.memref_squeeze %dma_wait3A_530 : memref<1x125xi32, #tpu.memory_space<vmem>> -> memref<125xi32, #tpu.memory_space<vmem>>
        %dma_wait3A_532 = arith.constant 0 : i32
        %dma_wait3A_533 = arith.constant 0 : i32
        %dma_wait3A_534 = tpu.memref_slice %arg14[%dma_wait3A_532, %dma_wait3A_533] : memref<50176x32xbf16, #tpu.memory_space<vmem_shared>> -> memref<50176x32xbf16, #tpu.memory_space<vmem_shared>>
        tpu.wait_indirect_dma semaphore(%arg17 : memref<!tpu.dma_semaphore, #tpu.memory_space<semaphore_mem>>) src(%dma_wait3A_528 : memref<125x32xbf16, #tpu.memory_space<vmem>>) dst(%dma_wait3A_534 : memref<50176x32xbf16, #tpu.memory_space<vmem_shared>>)
        %dma_wait3A_535 = arith.constant 2 : i32
        %dma_wait3A_536 = arith.constant 2 : i32
        %dma_wait3A_537 = arith.constant 0 : i32
        %dma_wait3A_538 = arith.constant 0 : i32
        %dma_wait3A_539 = tpu.memref_slice %arg10[%dma_wait3A_535, %dma_wait3A_537, %dma_wait3A_538] : memref<8x125x32xbf16, #tpu.memory_space<vmem>> -> memref<1x125x32xbf16, #tpu.memory_space<vmem>>
        %dma_wait3A_540 = tpu.memref_squeeze %dma_wait3A_539 : memref<1x125x32xbf16, #tpu.memory_space<vmem>> -> memref<125x32xbf16, #tpu.memory_space<vmem>>
        %dma_wait3A_541 = arith.constant 0 : i32
        %dma_wait3A_542 = tpu.memref_slice %arg9[%dma_wait3A_536, %dma_wait3A_541] : memref<8x125xi32, #tpu.memory_space<vmem>> -> memref<1x125xi32, #tpu.memory_space<vmem>>
        %dma_wait3A_543 = tpu.memref_squeeze %dma_wait3A_542 : memref<1x125xi32, #tpu.memory_space<vmem>> -> memref<125xi32, #tpu.memory_space<vmem>>
        %dma_wait3A_544 = arith.constant 0 : i32
        %dma_wait3A_545 = arith.constant 0 : i32
        %dma_wait3A_546 = tpu.memref_slice %arg14[%dma_wait3A_544, %dma_wait3A_545] : memref<50176x32xbf16, #tpu.memory_space<vmem_shared>> -> memref<50176x32xbf16, #tpu.memory_space<vmem_shared>>
        tpu.wait_indirect_dma semaphore(%arg17 : memref<!tpu.dma_semaphore, #tpu.memory_space<semaphore_mem>>) src(%dma_wait3A_540 : memref<125x32xbf16, #tpu.memory_space<vmem>>) dst(%dma_wait3A_546 : memref<50176x32xbf16, #tpu.memory_space<vmem_shared>>)
        %dma_wait3A_547 = arith.constant 3 : i32
        %dma_wait3A_548 = arith.constant 3 : i32
        %dma_wait3A_549 = arith.constant 0 : i32
        %dma_wait3A_550 = arith.constant 0 : i32
        %dma_wait3A_551 = tpu.memref_slice %arg10[%dma_wait3A_547, %dma_wait3A_549, %dma_wait3A_550] : memref<8x125x32xbf16, #tpu.memory_space<vmem>> -> memref<1x125x32xbf16, #tpu.memory_space<vmem>>
        %dma_wait3A_552 = tpu.memref_squeeze %dma_wait3A_551 : memref<1x125x32xbf16, #tpu.memory_space<vmem>> -> memref<125x32xbf16, #tpu.memory_space<vmem>>
        %dma_wait3A_553 = arith.constant 0 : i32
        %dma_wait3A_554 = tpu.memref_slice %arg9[%dma_wait3A_548, %dma_wait3A_553] : memref<8x125xi32, #tpu.memory_space<vmem>> -> memref<1x125xi32, #tpu.memory_space<vmem>>
        %dma_wait3A_555 = tpu.memref_squeeze %dma_wait3A_554 : memref<1x125xi32, #tpu.memory_space<vmem>> -> memref<125xi32, #tpu.memory_space<vmem>>
        %dma_wait3A_556 = arith.constant 0 : i32
        %dma_wait3A_557 = arith.constant 0 : i32
        %dma_wait3A_558 = tpu.memref_slice %arg14[%dma_wait3A_556, %dma_wait3A_557] : memref<50176x32xbf16, #tpu.memory_space<vmem_shared>> -> memref<50176x32xbf16, #tpu.memory_space<vmem_shared>>
        tpu.wait_indirect_dma semaphore(%arg17 : memref<!tpu.dma_semaphore, #tpu.memory_space<semaphore_mem>>) src(%dma_wait3A_552 : memref<125x32xbf16, #tpu.memory_space<vmem>>) dst(%dma_wait3A_558 : memref<50176x32xbf16, #tpu.memory_space<vmem_shared>>)
        %dma_wait3A_559 = arith.constant 4 : i32
        %dma_wait3A_560 = arith.constant 4 : i32
        %dma_wait3A_561 = arith.constant 0 : i32
        %dma_wait3A_562 = arith.constant 0 : i32
        %dma_wait3A_563 = tpu.memref_slice %arg10[%dma_wait3A_559, %dma_wait3A_561, %dma_wait3A_562] : memref<8x125x32xbf16, #tpu.memory_space<vmem>> -> memref<1x125x32xbf16, #tpu.memory_space<vmem>>
        %dma_wait3A_564 = tpu.memref_squeeze %dma_wait3A_563 : memref<1x125x32xbf16, #tpu.memory_space<vmem>> -> memref<125x32xbf16, #tpu.memory_space<vmem>>
        %dma_wait3A_565 = arith.constant 0 : i32
        %dma_wait3A_566 = tpu.memref_slice %arg9[%dma_wait3A_560, %dma_wait3A_565] : memref<8x125xi32, #tpu.memory_space<vmem>> -> memref<1x125xi32, #tpu.memory_space<vmem>>
        %dma_wait3A_567 = tpu.memref_squeeze %dma_wait3A_566 : memref<1x125xi32, #tpu.memory_space<vmem>> -> memref<125xi32, #tpu.memory_space<vmem>>
        %dma_wait3A_568 = arith.constant 0 : i32
        %dma_wait3A_569 = arith.constant 0 : i32
        %dma_wait3A_570 = tpu.memref_slice %arg14[%dma_wait3A_568, %dma_wait3A_569] : memref<50176x32xbf16, #tpu.memory_space<vmem_shared>> -> memref<50176x32xbf16, #tpu.memory_space<vmem_shared>>
        tpu.wait_indirect_dma semaphore(%arg17 : memref<!tpu.dma_semaphore, #tpu.memory_space<semaphore_mem>>) src(%dma_wait3A_564 : memref<125x32xbf16, #tpu.memory_space<vmem>>) dst(%dma_wait3A_570 : memref<50176x32xbf16, #tpu.memory_space<vmem_shared>>)
        %dma_wait3A_571 = arith.constant 5 : i32
        %dma_wait3A_572 = arith.constant 5 : i32
        %dma_wait3A_573 = arith.constant 0 : i32
        %dma_wait3A_574 = arith.constant 0 : i32
        %dma_wait3A_575 = tpu.memref_slice %arg10[%dma_wait3A_571, %dma_wait3A_573, %dma_wait3A_574] : memref<8x125x32xbf16, #tpu.memory_space<vmem>> -> memref<1x125x32xbf16, #tpu.memory_space<vmem>>
        %dma_wait3A_576 = tpu.memref_squeeze %dma_wait3A_575 : memref<1x125x32xbf16, #tpu.memory_space<vmem>> -> memref<125x32xbf16, #tpu.memory_space<vmem>>
        %dma_wait3A_577 = arith.constant 0 : i32
        %dma_wait3A_578 = tpu.memref_slice %arg9[%dma_wait3A_572, %dma_wait3A_577] : memref<8x125xi32, #tpu.memory_space<vmem>> -> memref<1x125xi32, #tpu.memory_space<vmem>>
        %dma_wait3A_579 = tpu.memref_squeeze %dma_wait3A_578 : memref<1x125xi32, #tpu.memory_space<vmem>> -> memref<125xi32, #tpu.memory_space<vmem>>
        %dma_wait3A_580 = arith.constant 0 : i32
        %dma_wait3A_581 = arith.constant 0 : i32
        %dma_wait3A_582 = tpu.memref_slice %arg14[%dma_wait3A_580, %dma_wait3A_581] : memref<50176x32xbf16, #tpu.memory_space<vmem_shared>> -> memref<50176x32xbf16, #tpu.memory_space<vmem_shared>>
        tpu.wait_indirect_dma semaphore(%arg17 : memref<!tpu.dma_semaphore, #tpu.memory_space<semaphore_mem>>) src(%dma_wait3A_576 : memref<125x32xbf16, #tpu.memory_space<vmem>>) dst(%dma_wait3A_582 : memref<50176x32xbf16, #tpu.memory_space<vmem_shared>>)
        %dma_wait3A_583 = arith.constant 6 : i32
        %dma_wait3A_584 = arith.constant 6 : i32
        %dma_wait3A_585 = arith.constant 0 : i32
        %dma_wait3A_586 = arith.constant 0 : i32
        %dma_wait3A_587 = tpu.memref_slice %arg10[%dma_wait3A_583, %dma_wait3A_585, %dma_wait3A_586] : memref<8x125x32xbf16, #tpu.memory_space<vmem>> -> memref<1x125x32xbf16, #tpu.memory_space<vmem>>
        %dma_wait3A_588 = tpu.memref_squeeze %dma_wait3A_587 : memref<1x125x32xbf16, #tpu.memory_space<vmem>> -> memref<125x32xbf16, #tpu.memory_space<vmem>>
        %dma_wait3A_589 = arith.constant 0 : i32
        %dma_wait3A_590 = tpu.memref_slice %arg9[%dma_wait3A_584, %dma_wait3A_589] : memref<8x125xi32, #tpu.memory_space<vmem>> -> memref<1x125xi32, #tpu.memory_space<vmem>>
        %dma_wait3A_591 = tpu.memref_squeeze %dma_wait3A_590 : memref<1x125xi32, #tpu.memory_space<vmem>> -> memref<125xi32, #tpu.memory_space<vmem>>
        %dma_wait3A_592 = arith.constant 0 : i32
        %dma_wait3A_593 = arith.constant 0 : i32
        %dma_wait3A_594 = tpu.memref_slice %arg14[%dma_wait3A_592, %dma_wait3A_593] : memref<50176x32xbf16, #tpu.memory_space<vmem_shared>> -> memref<50176x32xbf16, #tpu.memory_space<vmem_shared>>
        tpu.wait_indirect_dma semaphore(%arg17 : memref<!tpu.dma_semaphore, #tpu.memory_space<semaphore_mem>>) src(%dma_wait3A_588 : memref<125x32xbf16, #tpu.memory_space<vmem>>) dst(%dma_wait3A_594 : memref<50176x32xbf16, #tpu.memory_space<vmem_shared>>)
        %dma_wait3A_595 = arith.constant 7 : i32
        %dma_wait3A_596 = arith.constant 7 : i32
        %dma_wait3A_597 = arith.constant 0 : i32
        %dma_wait3A_598 = arith.constant 0 : i32
        %dma_wait3A_599 = tpu.memref_slice %arg10[%dma_wait3A_595, %dma_wait3A_597, %dma_wait3A_598] : memref<8x125x32xbf16, #tpu.memory_space<vmem>> -> memref<1x125x32xbf16, #tpu.memory_space<vmem>>
        %dma_wait3A_600 = tpu.memref_squeeze %dma_wait3A_599 : memref<1x125x32xbf16, #tpu.memory_space<vmem>> -> memref<125x32xbf16, #tpu.memory_space<vmem>>
        %dma_wait3A_601 = arith.constant 0 : i32
        %dma_wait3A_602 = tpu.memref_slice %arg9[%dma_wait3A_596, %dma_wait3A_601] : memref<8x125xi32, #tpu.memory_space<vmem>> -> memref<1x125xi32, #tpu.memory_space<vmem>>
        %dma_wait3A_603 = tpu.memref_squeeze %dma_wait3A_602 : memref<1x125xi32, #tpu.memory_space<vmem>> -> memref<125xi32, #tpu.memory_space<vmem>>
        %dma_wait3A_604 = arith.constant 0 : i32
        %dma_wait3A_605 = arith.constant 0 : i32
        %dma_wait3A_606 = tpu.memref_slice %arg14[%dma_wait3A_604, %dma_wait3A_605] : memref<50176x32xbf16, #tpu.memory_space<vmem_shared>> -> memref<50176x32xbf16, #tpu.memory_space<vmem_shared>>
        tpu.wait_indirect_dma semaphore(%arg17 : memref<!tpu.dma_semaphore, #tpu.memory_space<semaphore_mem>>) src(%dma_wait3A_600 : memref<125x32xbf16, #tpu.memory_space<vmem>>) dst(%dma_wait3A_606 : memref<50176x32xbf16, #tpu.memory_space<vmem_shared>>)
        %add3A_607 = arith.constant 2 : i32
        %add3A_608 = arith.addi %mul3A_213, %add3A_607 : i32
        %lt3A = arith.constant 50 : i32
        %lt3A_609 = arith.cmpi slt, %add3A_608, %lt3A : i32
        %convert_element_type3A_610 = arith.extui %lt3A_609 : i1 to i32
        %cond3A_611 = arith.constant 0 : i32
        %cond3A_612 = arith.cmpi ne, %convert_element_type3A_610, %cond3A_611 : i32
        scf.if %cond3A_612 {
          %add3A_805 = arith.constant 2 : i32
          %add3A_806 = arith.addi %mul3A_213, %add3A_805 : i32
          %mul3A_807 = arith.constant 8 : i32
          %mul3A_808 = arith.muli %add3A_806, %mul3A_807 : i32
          %add3A_809 = arith.addi %mul3A_2, %mul3A_808 : i32
          "tpu.region"() ({
            %run_scoped3A = tpu.sem_alloc : memref<!tpu.dma_semaphore, #tpu.memory_space<semaphore_mem>>
            %dma_start3A_906 = arith.constant 0 : i32
            %dma_start3A_907 = tpu.memref_slice %arg2[%add3A_809, %dma_start3A_906] : memref<6400x125xi32, #tpu.memory_space<hbm>> -> memref<8x125xi32, #tpu.memory_space<hbm>>
            %dma_start3A_908 = arith.constant 0 : i32
            %dma_start3A_909 = tpu.memref_slice %arg2[%add3A_809, %dma_start3A_908] : memref<6400x125xi32, #tpu.memory_space<hbm>> -> memref<8x125xi32, #tpu.memory_space<hbm>>
            tpu.enqueue_dma source(%dma_start3A_909 : memref<8x125xi32, #tpu.memory_space<hbm>>) target(%arg8 : memref<8x125xi32, #tpu.memory_space<vmem>>) target_semaphore(%run_scoped3A : memref<!tpu.dma_semaphore, #tpu.memory_space<semaphore_mem>>)
            %dma_wait3A_910 = arith.constant 0 : i32
            %dma_wait3A_911 = tpu.memref_slice %arg2[%add3A_809, %dma_wait3A_910] : memref<6400x125xi32, #tpu.memory_space<hbm>> -> memref<8x125xi32, #tpu.memory_space<hbm>>
            %dma_wait3A_912 = arith.constant 0 : i32
            %dma_wait3A_913 = tpu.memref_slice %arg2[%add3A_809, %dma_wait3A_912] : memref<6400x125xi32, #tpu.memory_space<hbm>> -> memref<8x125xi32, #tpu.memory_space<hbm>>
            tpu.wait_dma2 semaphore(%run_scoped3A : memref<!tpu.dma_semaphore, #tpu.memory_space<semaphore_mem>>) src(%dma_wait3A_913 : memref<8x125xi32, #tpu.memory_space<hbm>>) dst(%arg8 : memref<8x125xi32, #tpu.memory_space<vmem>>)
            tpu.yield
          }) : () -> ()
          "tpu.region"() ({
            %run_scoped3A = tpu.sem_alloc : memref<!tpu.dma_semaphore, #tpu.memory_space<semaphore_mem>>
            %dma_start3A_906 = arith.constant 0 : i32
            %dma_start3A_907 = tpu.memref_slice %arg3[%add3A_809, %dma_start3A_906] : memref<6400x125xi32, #tpu.memory_space<hbm>> -> memref<8x125xi32, #tpu.memory_space<hbm>>
            %dma_start3A_908 = arith.constant 0 : i32
            %dma_start3A_909 = tpu.memref_slice %arg3[%add3A_809, %dma_start3A_908] : memref<6400x125xi32, #tpu.memory_space<hbm>> -> memref<8x125xi32, #tpu.memory_space<hbm>>
            tpu.enqueue_dma source(%dma_start3A_909 : memref<8x125xi32, #tpu.memory_space<hbm>>) target(%arg9 : memref<8x125xi32, #tpu.memory_space<vmem>>) target_semaphore(%run_scoped3A : memref<!tpu.dma_semaphore, #tpu.memory_space<semaphore_mem>>)
            %dma_wait3A_910 = arith.constant 0 : i32
            %dma_wait3A_911 = tpu.memref_slice %arg3[%add3A_809, %dma_wait3A_910] : memref<6400x125xi32, #tpu.memory_space<hbm>> -> memref<8x125xi32, #tpu.memory_space<hbm>>
            %dma_wait3A_912 = arith.constant 0 : i32
            %dma_wait3A_913 = tpu.memref_slice %arg3[%add3A_809, %dma_wait3A_912] : memref<6400x125xi32, #tpu.memory_space<hbm>> -> memref<8x125xi32, #tpu.memory_space<hbm>>
            tpu.wait_dma2 semaphore(%run_scoped3A : memref<!tpu.dma_semaphore, #tpu.memory_space<semaphore_mem>>) src(%dma_wait3A_913 : memref<8x125xi32, #tpu.memory_space<hbm>>) dst(%arg9 : memref<8x125xi32, #tpu.memory_space<vmem>>)
            tpu.yield
          }) : () -> ()
          %dma_start3A_810 = arith.constant 0 : i32
          %dma_start3A_811 = arith.constant 0 : i32
          %dma_start3A_812 = arith.constant 0 : i32
          %dma_start3A_813 = arith.constant 0 : i32
          %dma_start3A_814 = tpu.memref_slice %arg10[%dma_start3A_811, %dma_start3A_812, %dma_start3A_813] : memref<8x125x32xbf16, #tpu.memory_space<vmem>> -> memref<1x125x32xbf16, #tpu.memory_space<vmem>>
          %dma_start3A_815 = tpu.memref_squeeze %dma_start3A_814 : memref<1x125x32xbf16, #tpu.memory_space<vmem>> -> memref<125x32xbf16, #tpu.memory_space<vmem>>
          %dma_start3A_816 = arith.constant 0 : i32
          %dma_start3A_817 = tpu.memref_slice %arg8[%dma_start3A_810, %dma_start3A_816] : memref<8x125xi32, #tpu.memory_space<vmem>> -> memref<1x125xi32, #tpu.memory_space<vmem>>
          %dma_start3A_818 = tpu.memref_squeeze %dma_start3A_817 : memref<1x125xi32, #tpu.memory_space<vmem>> -> memref<125xi32, #tpu.memory_space<vmem>>
          %dma_start3A_819 = arith.constant 0 : i32
          %dma_start3A_820 = arith.constant 0 : i32
          %dma_start3A_821 = tpu.memref_slice %arg5[%dma_start3A_819, %dma_start3A_820] : memref<50048x32xbf16, #tpu.memory_space<hbm>> -> memref<50048x32xbf16, #tpu.memory_space<hbm>>
          tpu.enqueue_indirect_dma source(%dma_start3A_821 : memref<50048x32xbf16, #tpu.memory_space<hbm>>) target(%dma_start3A_815 : memref<125x32xbf16, #tpu.memory_space<vmem>>) offsets(%dma_start3A_818 : memref<125xi32, #tpu.memory_space<vmem>>) semaphore(%arg15 : memref<!tpu.dma_semaphore, #tpu.memory_space<semaphore_mem>>)
          %dma_start3A_822 = arith.constant 1 : i32
          %dma_start3A_823 = arith.constant 1 : i32
          %dma_start3A_824 = arith.constant 0 : i32
          %dma_start3A_825 = arith.constant 0 : i32
          %dma_start3A_826 = tpu.memref_slice %arg10[%dma_start3A_823, %dma_start3A_824, %dma_start3A_825] : memref<8x125x32xbf16, #tpu.memory_space<vmem>> -> memref<1x125x32xbf16, #tpu.memory_space<vmem>>
          %dma_start3A_827 = tpu.memref_squeeze %dma_start3A_826 : memref<1x125x32xbf16, #tpu.memory_space<vmem>> -> memref<125x32xbf16, #tpu.memory_space<vmem>>
          %dma_start3A_828 = arith.constant 0 : i32
          %dma_start3A_829 = tpu.memref_slice %arg8[%dma_start3A_822, %dma_start3A_828] : memref<8x125xi32, #tpu.memory_space<vmem>> -> memref<1x125xi32, #tpu.memory_space<vmem>>
          %dma_start3A_830 = tpu.memref_squeeze %dma_start3A_829 : memref<1x125xi32, #tpu.memory_space<vmem>> -> memref<125xi32, #tpu.memory_space<vmem>>
          %dma_start3A_831 = arith.constant 0 : i32
          %dma_start3A_832 = arith.constant 0 : i32
          %dma_start3A_833 = tpu.memref_slice %arg5[%dma_start3A_831, %dma_start3A_832] : memref<50048x32xbf16, #tpu.memory_space<hbm>> -> memref<50048x32xbf16, #tpu.memory_space<hbm>>
          tpu.enqueue_indirect_dma source(%dma_start3A_833 : memref<50048x32xbf16, #tpu.memory_space<hbm>>) target(%dma_start3A_827 : memref<125x32xbf16, #tpu.memory_space<vmem>>) offsets(%dma_start3A_830 : memref<125xi32, #tpu.memory_space<vmem>>) semaphore(%arg15 : memref<!tpu.dma_semaphore, #tpu.memory_space<semaphore_mem>>)
          %dma_start3A_834 = arith.constant 2 : i32
          %dma_start3A_835 = arith.constant 2 : i32
          %dma_start3A_836 = arith.constant 0 : i32
          %dma_start3A_837 = arith.constant 0 : i32
          %dma_start3A_838 = tpu.memref_slice %arg10[%dma_start3A_835, %dma_start3A_836, %dma_start3A_837] : memref<8x125x32xbf16, #tpu.memory_space<vmem>> -> memref<1x125x32xbf16, #tpu.memory_space<vmem>>
          %dma_start3A_839 = tpu.memref_squeeze %dma_start3A_838 : memref<1x125x32xbf16, #tpu.memory_space<vmem>> -> memref<125x32xbf16, #tpu.memory_space<vmem>>
          %dma_start3A_840 = arith.constant 0 : i32
          %dma_start3A_841 = tpu.memref_slice %arg8[%dma_start3A_834, %dma_start3A_840] : memref<8x125xi32, #tpu.memory_space<vmem>> -> memref<1x125xi32, #tpu.memory_space<vmem>>
          %dma_start3A_842 = tpu.memref_squeeze %dma_start3A_841 : memref<1x125xi32, #tpu.memory_space<vmem>> -> memref<125xi32, #tpu.memory_space<vmem>>
          %dma_start3A_843 = arith.constant 0 : i32
          %dma_start3A_844 = arith.constant 0 : i32
          %dma_start3A_845 = tpu.memref_slice %arg5[%dma_start3A_843, %dma_start3A_844] : memref<50048x32xbf16, #tpu.memory_space<hbm>> -> memref<50048x32xbf16, #tpu.memory_space<hbm>>
          tpu.enqueue_indirect_dma source(%dma_start3A_845 : memref<50048x32xbf16, #tpu.memory_space<hbm>>) target(%dma_start3A_839 : memref<125x32xbf16, #tpu.memory_space<vmem>>) offsets(%dma_start3A_842 : memref<125xi32, #tpu.memory_space<vmem>>) semaphore(%arg15 : memref<!tpu.dma_semaphore, #tpu.memory_space<semaphore_mem>>)
          %dma_start3A_846 = arith.constant 3 : i32
          %dma_start3A_847 = arith.constant 3 : i32
          %dma_start3A_848 = arith.constant 0 : i32
          %dma_start3A_849 = arith.constant 0 : i32
          %dma_start3A_850 = tpu.memref_slice %arg10[%dma_start3A_847, %dma_start3A_848, %dma_start3A_849] : memref<8x125x32xbf16, #tpu.memory_space<vmem>> -> memref<1x125x32xbf16, #tpu.memory_space<vmem>>
          %dma_start3A_851 = tpu.memref_squeeze %dma_start3A_850 : memref<1x125x32xbf16, #tpu.memory_space<vmem>> -> memref<125x32xbf16, #tpu.memory_space<vmem>>
          %dma_start3A_852 = arith.constant 0 : i32
          %dma_start3A_853 = tpu.memref_slice %arg8[%dma_start3A_846, %dma_start3A_852] : memref<8x125xi32, #tpu.memory_space<vmem>> -> memref<1x125xi32, #tpu.memory_space<vmem>>
          %dma_start3A_854 = tpu.memref_squeeze %dma_start3A_853 : memref<1x125xi32, #tpu.memory_space<vmem>> -> memref<125xi32, #tpu.memory_space<vmem>>
          %dma_start3A_855 = arith.constant 0 : i32
          %dma_start3A_856 = arith.constant 0 : i32
          %dma_start3A_857 = tpu.memref_slice %arg5[%dma_start3A_855, %dma_start3A_856] : memref<50048x32xbf16, #tpu.memory_space<hbm>> -> memref<50048x32xbf16, #tpu.memory_space<hbm>>
          tpu.enqueue_indirect_dma source(%dma_start3A_857 : memref<50048x32xbf16, #tpu.memory_space<hbm>>) target(%dma_start3A_851 : memref<125x32xbf16, #tpu.memory_space<vmem>>) offsets(%dma_start3A_854 : memref<125xi32, #tpu.memory_space<vmem>>) semaphore(%arg15 : memref<!tpu.dma_semaphore, #tpu.memory_space<semaphore_mem>>)
          %dma_start3A_858 = arith.constant 4 : i32
          %dma_start3A_859 = arith.constant 4 : i32
          %dma_start3A_860 = arith.constant 0 : i32
          %dma_start3A_861 = arith.constant 0 : i32
          %dma_start3A_862 = tpu.memref_slice %arg10[%dma_start3A_859, %dma_start3A_860, %dma_start3A_861] : memref<8x125x32xbf16, #tpu.memory_space<vmem>> -> memref<1x125x32xbf16, #tpu.memory_space<vmem>>
          %dma_start3A_863 = tpu.memref_squeeze %dma_start3A_862 : memref<1x125x32xbf16, #tpu.memory_space<vmem>> -> memref<125x32xbf16, #tpu.memory_space<vmem>>
          %dma_start3A_864 = arith.constant 0 : i32
          %dma_start3A_865 = tpu.memref_slice %arg8[%dma_start3A_858, %dma_start3A_864] : memref<8x125xi32, #tpu.memory_space<vmem>> -> memref<1x125xi32, #tpu.memory_space<vmem>>
          %dma_start3A_866 = tpu.memref_squeeze %dma_start3A_865 : memref<1x125xi32, #tpu.memory_space<vmem>> -> memref<125xi32, #tpu.memory_space<vmem>>
          %dma_start3A_867 = arith.constant 0 : i32
          %dma_start3A_868 = arith.constant 0 : i32
          %dma_start3A_869 = tpu.memref_slice %arg5[%dma_start3A_867, %dma_start3A_868] : memref<50048x32xbf16, #tpu.memory_space<hbm>> -> memref<50048x32xbf16, #tpu.memory_space<hbm>>
          tpu.enqueue_indirect_dma source(%dma_start3A_869 : memref<50048x32xbf16, #tpu.memory_space<hbm>>) target(%dma_start3A_863 : memref<125x32xbf16, #tpu.memory_space<vmem>>) offsets(%dma_start3A_866 : memref<125xi32, #tpu.memory_space<vmem>>) semaphore(%arg15 : memref<!tpu.dma_semaphore, #tpu.memory_space<semaphore_mem>>)
          %dma_start3A_870 = arith.constant 5 : i32
          %dma_start3A_871 = arith.constant 5 : i32
          %dma_start3A_872 = arith.constant 0 : i32
          %dma_start3A_873 = arith.constant 0 : i32
          %dma_start3A_874 = tpu.memref_slice %arg10[%dma_start3A_871, %dma_start3A_872, %dma_start3A_873] : memref<8x125x32xbf16, #tpu.memory_space<vmem>> -> memref<1x125x32xbf16, #tpu.memory_space<vmem>>
          %dma_start3A_875 = tpu.memref_squeeze %dma_start3A_874 : memref<1x125x32xbf16, #tpu.memory_space<vmem>> -> memref<125x32xbf16, #tpu.memory_space<vmem>>
          %dma_start3A_876 = arith.constant 0 : i32
          %dma_start3A_877 = tpu.memref_slice %arg8[%dma_start3A_870, %dma_start3A_876] : memref<8x125xi32, #tpu.memory_space<vmem>> -> memref<1x125xi32, #tpu.memory_space<vmem>>
          %dma_start3A_878 = tpu.memref_squeeze %dma_start3A_877 : memref<1x125xi32, #tpu.memory_space<vmem>> -> memref<125xi32, #tpu.memory_space<vmem>>
          %dma_start3A_879 = arith.constant 0 : i32
          %dma_start3A_880 = arith.constant 0 : i32
          %dma_start3A_881 = tpu.memref_slice %arg5[%dma_start3A_879, %dma_start3A_880] : memref<50048x32xbf16, #tpu.memory_space<hbm>> -> memref<50048x32xbf16, #tpu.memory_space<hbm>>
          tpu.enqueue_indirect_dma source(%dma_start3A_881 : memref<50048x32xbf16, #tpu.memory_space<hbm>>) target(%dma_start3A_875 : memref<125x32xbf16, #tpu.memory_space<vmem>>) offsets(%dma_start3A_878 : memref<125xi32, #tpu.memory_space<vmem>>) semaphore(%arg15 : memref<!tpu.dma_semaphore, #tpu.memory_space<semaphore_mem>>)
          %dma_start3A_882 = arith.constant 6 : i32
          %dma_start3A_883 = arith.constant 6 : i32
          %dma_start3A_884 = arith.constant 0 : i32
          %dma_start3A_885 = arith.constant 0 : i32
          %dma_start3A_886 = tpu.memref_slice %arg10[%dma_start3A_883, %dma_start3A_884, %dma_start3A_885] : memref<8x125x32xbf16, #tpu.memory_space<vmem>> -> memref<1x125x32xbf16, #tpu.memory_space<vmem>>
          %dma_start3A_887 = tpu.memref_squeeze %dma_start3A_886 : memref<1x125x32xbf16, #tpu.memory_space<vmem>> -> memref<125x32xbf16, #tpu.memory_space<vmem>>
          %dma_start3A_888 = arith.constant 0 : i32
          %dma_start3A_889 = tpu.memref_slice %arg8[%dma_start3A_882, %dma_start3A_888] : memref<8x125xi32, #tpu.memory_space<vmem>> -> memref<1x125xi32, #tpu.memory_space<vmem>>
          %dma_start3A_890 = tpu.memref_squeeze %dma_start3A_889 : memref<1x125xi32, #tpu.memory_space<vmem>> -> memref<125xi32, #tpu.memory_space<vmem>>
          %dma_start3A_891 = arith.constant 0 : i32
          %dma_start3A_892 = arith.constant 0 : i32
          %dma_start3A_893 = tpu.memref_slice %arg5[%dma_start3A_891, %dma_start3A_892] : memref<50048x32xbf16, #tpu.memory_space<hbm>> -> memref<50048x32xbf16, #tpu.memory_space<hbm>>
          tpu.enqueue_indirect_dma source(%dma_start3A_893 : memref<50048x32xbf16, #tpu.memory_space<hbm>>) target(%dma_start3A_887 : memref<125x32xbf16, #tpu.memory_space<vmem>>) offsets(%dma_start3A_890 : memref<125xi32, #tpu.memory_space<vmem>>) semaphore(%arg15 : memref<!tpu.dma_semaphore, #tpu.memory_space<semaphore_mem>>)
          %dma_start3A_894 = arith.constant 7 : i32
          %dma_start3A_895 = arith.constant 7 : i32
          %dma_start3A_896 = arith.constant 0 : i32
          %dma_start3A_897 = arith.constant 0 : i32
          %dma_start3A_898 = tpu.memref_slice %arg10[%dma_start3A_895, %dma_start3A_896, %dma_start3A_897] : memref<8x125x32xbf16, #tpu.memory_space<vmem>> -> memref<1x125x32xbf16, #tpu.memory_space<vmem>>
          %dma_start3A_899 = tpu.memref_squeeze %dma_start3A_898 : memref<1x125x32xbf16, #tpu.memory_space<vmem>> -> memref<125x32xbf16, #tpu.memory_space<vmem>>
          %dma_start3A_900 = arith.constant 0 : i32
          %dma_start3A_901 = tpu.memref_slice %arg8[%dma_start3A_894, %dma_start3A_900] : memref<8x125xi32, #tpu.memory_space<vmem>> -> memref<1x125xi32, #tpu.memory_space<vmem>>
          %dma_start3A_902 = tpu.memref_squeeze %dma_start3A_901 : memref<1x125xi32, #tpu.memory_space<vmem>> -> memref<125xi32, #tpu.memory_space<vmem>>
          %dma_start3A_903 = arith.constant 0 : i32
          %dma_start3A_904 = arith.constant 0 : i32
          %dma_start3A_905 = tpu.memref_slice %arg5[%dma_start3A_903, %dma_start3A_904] : memref<50048x32xbf16, #tpu.memory_space<hbm>> -> memref<50048x32xbf16, #tpu.memory_space<hbm>>
          tpu.enqueue_indirect_dma source(%dma_start3A_905 : memref<50048x32xbf16, #tpu.memory_space<hbm>>) target(%dma_start3A_899 : memref<125x32xbf16, #tpu.memory_space<vmem>>) offsets(%dma_start3A_902 : memref<125xi32, #tpu.memory_space<vmem>>) semaphore(%arg15 : memref<!tpu.dma_semaphore, #tpu.memory_space<semaphore_mem>>)
        } else {
        }
        %dma_wait3A_613 = arith.constant 0 : i32
        %dma_wait3A_614 = arith.constant 0 : i32
        %dma_wait3A_615 = arith.constant 0 : i32
        %dma_wait3A_616 = arith.constant 0 : i32
        %dma_wait3A_617 = tpu.memref_slice %arg13[%dma_wait3A_614, %dma_wait3A_615, %dma_wait3A_616] : memref<8x125x32xbf16, #tpu.memory_space<vmem>> -> memref<1x125x32xbf16, #tpu.memory_space<vmem>>
        %dma_wait3A_618 = tpu.memref_squeeze %dma_wait3A_617 : memref<1x125x32xbf16, #tpu.memory_space<vmem>> -> memref<125x32xbf16, #tpu.memory_space<vmem>>
        %dma_wait3A_619 = arith.constant 0 : i32
        %dma_wait3A_620 = tpu.memref_slice %arg11[%dma_wait3A_613, %dma_wait3A_619] : memref<8x125xi32, #tpu.memory_space<vmem>> -> memref<1x125xi32, #tpu.memory_space<vmem>>
        %dma_wait3A_621 = tpu.memref_squeeze %dma_wait3A_620 : memref<1x125xi32, #tpu.memory_space<vmem>> -> memref<125xi32, #tpu.memory_space<vmem>>
        %dma_wait3A_622 = arith.constant 0 : i32
        %dma_wait3A_623 = arith.constant 0 : i32
        %dma_wait3A_624 = tpu.memref_slice %arg5[%dma_wait3A_622, %dma_wait3A_623] : memref<50048x32xbf16, #tpu.memory_space<hbm>> -> memref<50048x32xbf16, #tpu.memory_space<hbm>>
        tpu.wait_indirect_dma semaphore(%arg16 : memref<!tpu.dma_semaphore, #tpu.memory_space<semaphore_mem>>) src(%dma_wait3A_624 : memref<50048x32xbf16, #tpu.memory_space<hbm>>) dst(%dma_wait3A_618 : memref<125x32xbf16, #tpu.memory_space<vmem>>)
        %dma_wait3A_625 = arith.constant 1 : i32
        %dma_wait3A_626 = arith.constant 1 : i32
        %dma_wait3A_627 = arith.constant 0 : i32
        %dma_wait3A_628 = arith.constant 0 : i32
        %dma_wait3A_629 = tpu.memref_slice %arg13[%dma_wait3A_626, %dma_wait3A_627, %dma_wait3A_628] : memref<8x125x32xbf16, #tpu.memory_space<vmem>> -> memref<1x125x32xbf16, #tpu.memory_space<vmem>>
        %dma_wait3A_630 = tpu.memref_squeeze %dma_wait3A_629 : memref<1x125x32xbf16, #tpu.memory_space<vmem>> -> memref<125x32xbf16, #tpu.memory_space<vmem>>
        %dma_wait3A_631 = arith.constant 0 : i32
        %dma_wait3A_632 = tpu.memref_slice %arg11[%dma_wait3A_625, %dma_wait3A_631] : memref<8x125xi32, #tpu.memory_space<vmem>> -> memref<1x125xi32, #tpu.memory_space<vmem>>
        %dma_wait3A_633 = tpu.memref_squeeze %dma_wait3A_632 : memref<1x125xi32, #tpu.memory_space<vmem>> -> memref<125xi32, #tpu.memory_space<vmem>>
        %dma_wait3A_634 = arith.constant 0 : i32
        %dma_wait3A_635 = arith.constant 0 : i32
        %dma_wait3A_636 = tpu.memref_slice %arg5[%dma_wait3A_634, %dma_wait3A_635] : memref<50048x32xbf16, #tpu.memory_space<hbm>> -> memref<50048x32xbf16, #tpu.memory_space<hbm>>
        tpu.wait_indirect_dma semaphore(%arg16 : memref<!tpu.dma_semaphore, #tpu.memory_space<semaphore_mem>>) src(%dma_wait3A_636 : memref<50048x32xbf16, #tpu.memory_space<hbm>>) dst(%dma_wait3A_630 : memref<125x32xbf16, #tpu.memory_space<vmem>>)
        %dma_wait3A_637 = arith.constant 2 : i32
        %dma_wait3A_638 = arith.constant 2 : i32
        %dma_wait3A_639 = arith.constant 0 : i32
        %dma_wait3A_640 = arith.constant 0 : i32
        %dma_wait3A_641 = tpu.memref_slice %arg13[%dma_wait3A_638, %dma_wait3A_639, %dma_wait3A_640] : memref<8x125x32xbf16, #tpu.memory_space<vmem>> -> memref<1x125x32xbf16, #tpu.memory_space<vmem>>
        %dma_wait3A_642 = tpu.memref_squeeze %dma_wait3A_641 : memref<1x125x32xbf16, #tpu.memory_space<vmem>> -> memref<125x32xbf16, #tpu.memory_space<vmem>>
        %dma_wait3A_643 = arith.constant 0 : i32
        %dma_wait3A_644 = tpu.memref_slice %arg11[%dma_wait3A_637, %dma_wait3A_643] : memref<8x125xi32, #tpu.memory_space<vmem>> -> memref<1x125xi32, #tpu.memory_space<vmem>>
        %dma_wait3A_645 = tpu.memref_squeeze %dma_wait3A_644 : memref<1x125xi32, #tpu.memory_space<vmem>> -> memref<125xi32, #tpu.memory_space<vmem>>
        %dma_wait3A_646 = arith.constant 0 : i32
        %dma_wait3A_647 = arith.constant 0 : i32
        %dma_wait3A_648 = tpu.memref_slice %arg5[%dma_wait3A_646, %dma_wait3A_647] : memref<50048x32xbf16, #tpu.memory_space<hbm>> -> memref<50048x32xbf16, #tpu.memory_space<hbm>>
        tpu.wait_indirect_dma semaphore(%arg16 : memref<!tpu.dma_semaphore, #tpu.memory_space<semaphore_mem>>) src(%dma_wait3A_648 : memref<50048x32xbf16, #tpu.memory_space<hbm>>) dst(%dma_wait3A_642 : memref<125x32xbf16, #tpu.memory_space<vmem>>)
        %dma_wait3A_649 = arith.constant 3 : i32
        %dma_wait3A_650 = arith.constant 3 : i32
        %dma_wait3A_651 = arith.constant 0 : i32
        %dma_wait3A_652 = arith.constant 0 : i32
        %dma_wait3A_653 = tpu.memref_slice %arg13[%dma_wait3A_650, %dma_wait3A_651, %dma_wait3A_652] : memref<8x125x32xbf16, #tpu.memory_space<vmem>> -> memref<1x125x32xbf16, #tpu.memory_space<vmem>>
        %dma_wait3A_654 = tpu.memref_squeeze %dma_wait3A_653 : memref<1x125x32xbf16, #tpu.memory_space<vmem>> -> memref<125x32xbf16, #tpu.memory_space<vmem>>
        %dma_wait3A_655 = arith.constant 0 : i32
        %dma_wait3A_656 = tpu.memref_slice %arg11[%dma_wait3A_649, %dma_wait3A_655] : memref<8x125xi32, #tpu.memory_space<vmem>> -> memref<1x125xi32, #tpu.memory_space<vmem>>
        %dma_wait3A_657 = tpu.memref_squeeze %dma_wait3A_656 : memref<1x125xi32, #tpu.memory_space<vmem>> -> memref<125xi32, #tpu.memory_space<vmem>>
        %dma_wait3A_658 = arith.constant 0 : i32
        %dma_wait3A_659 = arith.constant 0 : i32
        %dma_wait3A_660 = tpu.memref_slice %arg5[%dma_wait3A_658, %dma_wait3A_659] : memref<50048x32xbf16, #tpu.memory_space<hbm>> -> memref<50048x32xbf16, #tpu.memory_space<hbm>>
        tpu.wait_indirect_dma semaphore(%arg16 : memref<!tpu.dma_semaphore, #tpu.memory_space<semaphore_mem>>) src(%dma_wait3A_660 : memref<50048x32xbf16, #tpu.memory_space<hbm>>) dst(%dma_wait3A_654 : memref<125x32xbf16, #tpu.memory_space<vmem>>)
        %dma_wait3A_661 = arith.constant 4 : i32
        %dma_wait3A_662 = arith.constant 4 : i32
        %dma_wait3A_663 = arith.constant 0 : i32
        %dma_wait3A_664 = arith.constant 0 : i32
        %dma_wait3A_665 = tpu.memref_slice %arg13[%dma_wait3A_662, %dma_wait3A_663, %dma_wait3A_664] : memref<8x125x32xbf16, #tpu.memory_space<vmem>> -> memref<1x125x32xbf16, #tpu.memory_space<vmem>>
        %dma_wait3A_666 = tpu.memref_squeeze %dma_wait3A_665 : memref<1x125x32xbf16, #tpu.memory_space<vmem>> -> memref<125x32xbf16, #tpu.memory_space<vmem>>
        %dma_wait3A_667 = arith.constant 0 : i32
        %dma_wait3A_668 = tpu.memref_slice %arg11[%dma_wait3A_661, %dma_wait3A_667] : memref<8x125xi32, #tpu.memory_space<vmem>> -> memref<1x125xi32, #tpu.memory_space<vmem>>
        %dma_wait3A_669 = tpu.memref_squeeze %dma_wait3A_668 : memref<1x125xi32, #tpu.memory_space<vmem>> -> memref<125xi32, #tpu.memory_space<vmem>>
        %dma_wait3A_670 = arith.constant 0 : i32
        %dma_wait3A_671 = arith.constant 0 : i32
        %dma_wait3A_672 = tpu.memref_slice %arg5[%dma_wait3A_670, %dma_wait3A_671] : memref<50048x32xbf16, #tpu.memory_space<hbm>> -> memref<50048x32xbf16, #tpu.memory_space<hbm>>
        tpu.wait_indirect_dma semaphore(%arg16 : memref<!tpu.dma_semaphore, #tpu.memory_space<semaphore_mem>>) src(%dma_wait3A_672 : memref<50048x32xbf16, #tpu.memory_space<hbm>>) dst(%dma_wait3A_666 : memref<125x32xbf16, #tpu.memory_space<vmem>>)
        %dma_wait3A_673 = arith.constant 5 : i32
        %dma_wait3A_674 = arith.constant 5 : i32
        %dma_wait3A_675 = arith.constant 0 : i32
        %dma_wait3A_676 = arith.constant 0 : i32
        %dma_wait3A_677 = tpu.memref_slice %arg13[%dma_wait3A_674, %dma_wait3A_675, %dma_wait3A_676] : memref<8x125x32xbf16, #tpu.memory_space<vmem>> -> memref<1x125x32xbf16, #tpu.memory_space<vmem>>
        %dma_wait3A_678 = tpu.memref_squeeze %dma_wait3A_677 : memref<1x125x32xbf16, #tpu.memory_space<vmem>> -> memref<125x32xbf16, #tpu.memory_space<vmem>>
        %dma_wait3A_679 = arith.constant 0 : i32
        %dma_wait3A_680 = tpu.memref_slice %arg11[%dma_wait3A_673, %dma_wait3A_679] : memref<8x125xi32, #tpu.memory_space<vmem>> -> memref<1x125xi32, #tpu.memory_space<vmem>>
        %dma_wait3A_681 = tpu.memref_squeeze %dma_wait3A_680 : memref<1x125xi32, #tpu.memory_space<vmem>> -> memref<125xi32, #tpu.memory_space<vmem>>
        %dma_wait3A_682 = arith.constant 0 : i32
        %dma_wait3A_683 = arith.constant 0 : i32
        %dma_wait3A_684 = tpu.memref_slice %arg5[%dma_wait3A_682, %dma_wait3A_683] : memref<50048x32xbf16, #tpu.memory_space<hbm>> -> memref<50048x32xbf16, #tpu.memory_space<hbm>>
        tpu.wait_indirect_dma semaphore(%arg16 : memref<!tpu.dma_semaphore, #tpu.memory_space<semaphore_mem>>) src(%dma_wait3A_684 : memref<50048x32xbf16, #tpu.memory_space<hbm>>) dst(%dma_wait3A_678 : memref<125x32xbf16, #tpu.memory_space<vmem>>)
        %dma_wait3A_685 = arith.constant 6 : i32
        %dma_wait3A_686 = arith.constant 6 : i32
        %dma_wait3A_687 = arith.constant 0 : i32
        %dma_wait3A_688 = arith.constant 0 : i32
        %dma_wait3A_689 = tpu.memref_slice %arg13[%dma_wait3A_686, %dma_wait3A_687, %dma_wait3A_688] : memref<8x125x32xbf16, #tpu.memory_space<vmem>> -> memref<1x125x32xbf16, #tpu.memory_space<vmem>>
        %dma_wait3A_690 = tpu.memref_squeeze %dma_wait3A_689 : memref<1x125x32xbf16, #tpu.memory_space<vmem>> -> memref<125x32xbf16, #tpu.memory_space<vmem>>
        %dma_wait3A_691 = arith.constant 0 : i32
        %dma_wait3A_692 = tpu.memref_slice %arg11[%dma_wait3A_685, %dma_wait3A_691] : memref<8x125xi32, #tpu.memory_space<vmem>> -> memref<1x125xi32, #tpu.memory_space<vmem>>
        %dma_wait3A_693 = tpu.memref_squeeze %dma_wait3A_692 : memref<1x125xi32, #tpu.memory_space<vmem>> -> memref<125xi32, #tpu.memory_space<vmem>>
        %dma_wait3A_694 = arith.constant 0 : i32
        %dma_wait3A_695 = arith.constant 0 : i32
        %dma_wait3A_696 = tpu.memref_slice %arg5[%dma_wait3A_694, %dma_wait3A_695] : memref<50048x32xbf16, #tpu.memory_space<hbm>> -> memref<50048x32xbf16, #tpu.memory_space<hbm>>
        tpu.wait_indirect_dma semaphore(%arg16 : memref<!tpu.dma_semaphore, #tpu.memory_space<semaphore_mem>>) src(%dma_wait3A_696 : memref<50048x32xbf16, #tpu.memory_space<hbm>>) dst(%dma_wait3A_690 : memref<125x32xbf16, #tpu.memory_space<vmem>>)
        %dma_wait3A_697 = arith.constant 7 : i32
        %dma_wait3A_698 = arith.constant 7 : i32
        %dma_wait3A_699 = arith.constant 0 : i32
        %dma_wait3A_700 = arith.constant 0 : i32
        %dma_wait3A_701 = tpu.memref_slice %arg13[%dma_wait3A_698, %dma_wait3A_699, %dma_wait3A_700] : memref<8x125x32xbf16, #tpu.memory_space<vmem>> -> memref<1x125x32xbf16, #tpu.memory_space<vmem>>
        %dma_wait3A_702 = tpu.memref_squeeze %dma_wait3A_701 : memref<1x125x32xbf16, #tpu.memory_space<vmem>> -> memref<125x32xbf16, #tpu.memory_space<vmem>>
        %dma_wait3A_703 = arith.constant 0 : i32
        %dma_wait3A_704 = tpu.memref_slice %arg11[%dma_wait3A_697, %dma_wait3A_703] : memref<8x125xi32, #tpu.memory_space<vmem>> -> memref<1x125xi32, #tpu.memory_space<vmem>>
        %dma_wait3A_705 = tpu.memref_squeeze %dma_wait3A_704 : memref<1x125xi32, #tpu.memory_space<vmem>> -> memref<125xi32, #tpu.memory_space<vmem>>
        %dma_wait3A_706 = arith.constant 0 : i32
        %dma_wait3A_707 = arith.constant 0 : i32
        %dma_wait3A_708 = tpu.memref_slice %arg5[%dma_wait3A_706, %dma_wait3A_707] : memref<50048x32xbf16, #tpu.memory_space<hbm>> -> memref<50048x32xbf16, #tpu.memory_space<hbm>>
        tpu.wait_indirect_dma semaphore(%arg16 : memref<!tpu.dma_semaphore, #tpu.memory_space<semaphore_mem>>) src(%dma_wait3A_708 : memref<50048x32xbf16, #tpu.memory_space<hbm>>) dst(%dma_wait3A_702 : memref<125x32xbf16, #tpu.memory_space<vmem>>)
        %dma_start3A_709 = arith.constant 0 : i32
        %dma_start3A_710 = arith.constant 0 : i32
        %dma_start3A_711 = arith.constant 0 : i32
        %dma_start3A_712 = arith.constant 0 : i32
        %dma_start3A_713 = tpu.memref_slice %arg13[%dma_start3A_709, %dma_start3A_711, %dma_start3A_712] : memref<8x125x32xbf16, #tpu.memory_space<vmem>> -> memref<1x125x32xbf16, #tpu.memory_space<vmem>>
        %dma_start3A_714 = tpu.memref_squeeze %dma_start3A_713 : memref<1x125x32xbf16, #tpu.memory_space<vmem>> -> memref<125x32xbf16, #tpu.memory_space<vmem>>
        %dma_start3A_715 = arith.constant 0 : i32
        %dma_start3A_716 = tpu.memref_slice %arg12[%dma_start3A_710, %dma_start3A_715] : memref<8x125xi32, #tpu.memory_space<vmem>> -> memref<1x125xi32, #tpu.memory_space<vmem>>
        %dma_start3A_717 = tpu.memref_squeeze %dma_start3A_716 : memref<1x125xi32, #tpu.memory_space<vmem>> -> memref<125xi32, #tpu.memory_space<vmem>>
        %dma_start3A_718 = arith.constant 0 : i32
        %dma_start3A_719 = arith.constant 0 : i32
        %dma_start3A_720 = tpu.memref_slice %arg14[%dma_start3A_718, %dma_start3A_719] : memref<50176x32xbf16, #tpu.memory_space<vmem_shared>> -> memref<50176x32xbf16, #tpu.memory_space<vmem_shared>>
        tpu.enqueue_indirect_dma source(%dma_start3A_714 : memref<125x32xbf16, #tpu.memory_space<vmem>>) target(%dma_start3A_720 : memref<50176x32xbf16, #tpu.memory_space<vmem_shared>>) offsets(%dma_start3A_717 : memref<125xi32, #tpu.memory_space<vmem>>) semaphore(%arg18 : memref<!tpu.dma_semaphore, #tpu.memory_space<semaphore_mem>>) {add = true}
        %dma_start3A_721 = arith.constant 1 : i32
        %dma_start3A_722 = arith.constant 1 : i32
        %dma_start3A_723 = arith.constant 0 : i32
        %dma_start3A_724 = arith.constant 0 : i32
        %dma_start3A_725 = tpu.memref_slice %arg13[%dma_start3A_721, %dma_start3A_723, %dma_start3A_724] : memref<8x125x32xbf16, #tpu.memory_space<vmem>> -> memref<1x125x32xbf16, #tpu.memory_space<vmem>>
        %dma_start3A_726 = tpu.memref_squeeze %dma_start3A_725 : memref<1x125x32xbf16, #tpu.memory_space<vmem>> -> memref<125x32xbf16, #tpu.memory_space<vmem>>
        %dma_start3A_727 = arith.constant 0 : i32
        %dma_start3A_728 = tpu.memref_slice %arg12[%dma_start3A_722, %dma_start3A_727] : memref<8x125xi32, #tpu.memory_space<vmem>> -> memref<1x125xi32, #tpu.memory_space<vmem>>
        %dma_start3A_729 = tpu.memref_squeeze %dma_start3A_728 : memref<1x125xi32, #tpu.memory_space<vmem>> -> memref<125xi32, #tpu.memory_space<vmem>>
        %dma_start3A_730 = arith.constant 0 : i32
        %dma_start3A_731 = arith.constant 0 : i32
        %dma_start3A_732 = tpu.memref_slice %arg14[%dma_start3A_730, %dma_start3A_731] : memref<50176x32xbf16, #tpu.memory_space<vmem_shared>> -> memref<50176x32xbf16, #tpu.memory_space<vmem_shared>>
        tpu.enqueue_indirect_dma source(%dma_start3A_726 : memref<125x32xbf16, #tpu.memory_space<vmem>>) target(%dma_start3A_732 : memref<50176x32xbf16, #tpu.memory_space<vmem_shared>>) offsets(%dma_start3A_729 : memref<125xi32, #tpu.memory_space<vmem>>) semaphore(%arg18 : memref<!tpu.dma_semaphore, #tpu.memory_space<semaphore_mem>>) {add = true}
        %dma_start3A_733 = arith.constant 2 : i32
        %dma_start3A_734 = arith.constant 2 : i32
        %dma_start3A_735 = arith.constant 0 : i32
        %dma_start3A_736 = arith.constant 0 : i32
        %dma_start3A_737 = tpu.memref_slice %arg13[%dma_start3A_733, %dma_start3A_735, %dma_start3A_736] : memref<8x125x32xbf16, #tpu.memory_space<vmem>> -> memref<1x125x32xbf16, #tpu.memory_space<vmem>>
        %dma_start3A_738 = tpu.memref_squeeze %dma_start3A_737 : memref<1x125x32xbf16, #tpu.memory_space<vmem>> -> memref<125x32xbf16, #tpu.memory_space<vmem>>
        %dma_start3A_739 = arith.constant 0 : i32
        %dma_start3A_740 = tpu.memref_slice %arg12[%dma_start3A_734, %dma_start3A_739] : memref<8x125xi32, #tpu.memory_space<vmem>> -> memref<1x125xi32, #tpu.memory_space<vmem>>
        %dma_start3A_741 = tpu.memref_squeeze %dma_start3A_740 : memref<1x125xi32, #tpu.memory_space<vmem>> -> memref<125xi32, #tpu.memory_space<vmem>>
        %dma_start3A_742 = arith.constant 0 : i32
        %dma_start3A_743 = arith.constant 0 : i32
        %dma_start3A_744 = tpu.memref_slice %arg14[%dma_start3A_742, %dma_start3A_743] : memref<50176x32xbf16, #tpu.memory_space<vmem_shared>> -> memref<50176x32xbf16, #tpu.memory_space<vmem_shared>>
        tpu.enqueue_indirect_dma source(%dma_start3A_738 : memref<125x32xbf16, #tpu.memory_space<vmem>>) target(%dma_start3A_744 : memref<50176x32xbf16, #tpu.memory_space<vmem_shared>>) offsets(%dma_start3A_741 : memref<125xi32, #tpu.memory_space<vmem>>) semaphore(%arg18 : memref<!tpu.dma_semaphore, #tpu.memory_space<semaphore_mem>>) {add = true}
        %dma_start3A_745 = arith.constant 3 : i32
        %dma_start3A_746 = arith.constant 3 : i32
        %dma_start3A_747 = arith.constant 0 : i32
        %dma_start3A_748 = arith.constant 0 : i32
        %dma_start3A_749 = tpu.memref_slice %arg13[%dma_start3A_745, %dma_start3A_747, %dma_start3A_748] : memref<8x125x32xbf16, #tpu.memory_space<vmem>> -> memref<1x125x32xbf16, #tpu.memory_space<vmem>>
        %dma_start3A_750 = tpu.memref_squeeze %dma_start3A_749 : memref<1x125x32xbf16, #tpu.memory_space<vmem>> -> memref<125x32xbf16, #tpu.memory_space<vmem>>
        %dma_start3A_751 = arith.constant 0 : i32
        %dma_start3A_752 = tpu.memref_slice %arg12[%dma_start3A_746, %dma_start3A_751] : memref<8x125xi32, #tpu.memory_space<vmem>> -> memref<1x125xi32, #tpu.memory_space<vmem>>
        %dma_start3A_753 = tpu.memref_squeeze %dma_start3A_752 : memref<1x125xi32, #tpu.memory_space<vmem>> -> memref<125xi32, #tpu.memory_space<vmem>>
        %dma_start3A_754 = arith.constant 0 : i32
        %dma_start3A_755 = arith.constant 0 : i32
        %dma_start3A_756 = tpu.memref_slice %arg14[%dma_start3A_754, %dma_start3A_755] : memref<50176x32xbf16, #tpu.memory_space<vmem_shared>> -> memref<50176x32xbf16, #tpu.memory_space<vmem_shared>>
        tpu.enqueue_indirect_dma source(%dma_start3A_750 : memref<125x32xbf16, #tpu.memory_space<vmem>>) target(%dma_start3A_756 : memref<50176x32xbf16, #tpu.memory_space<vmem_shared>>) offsets(%dma_start3A_753 : memref<125xi32, #tpu.memory_space<vmem>>) semaphore(%arg18 : memref<!tpu.dma_semaphore, #tpu.memory_space<semaphore_mem>>) {add = true}
        %dma_start3A_757 = arith.constant 4 : i32
        %dma_start3A_758 = arith.constant 4 : i32
        %dma_start3A_759 = arith.constant 0 : i32
        %dma_start3A_760 = arith.constant 0 : i32
        %dma_start3A_761 = tpu.memref_slice %arg13[%dma_start3A_757, %dma_start3A_759, %dma_start3A_760] : memref<8x125x32xbf16, #tpu.memory_space<vmem>> -> memref<1x125x32xbf16, #tpu.memory_space<vmem>>
        %dma_start3A_762 = tpu.memref_squeeze %dma_start3A_761 : memref<1x125x32xbf16, #tpu.memory_space<vmem>> -> memref<125x32xbf16, #tpu.memory_space<vmem>>
        %dma_start3A_763 = arith.constant 0 : i32
        %dma_start3A_764 = tpu.memref_slice %arg12[%dma_start3A_758, %dma_start3A_763] : memref<8x125xi32, #tpu.memory_space<vmem>> -> memref<1x125xi32, #tpu.memory_space<vmem>>
        %dma_start3A_765 = tpu.memref_squeeze %dma_start3A_764 : memref<1x125xi32, #tpu.memory_space<vmem>> -> memref<125xi32, #tpu.memory_space<vmem>>
        %dma_start3A_766 = arith.constant 0 : i32
        %dma_start3A_767 = arith.constant 0 : i32
        %dma_start3A_768 = tpu.memref_slice %arg14[%dma_start3A_766, %dma_start3A_767] : memref<50176x32xbf16, #tpu.memory_space<vmem_shared>> -> memref<50176x32xbf16, #tpu.memory_space<vmem_shared>>
        tpu.enqueue_indirect_dma source(%dma_start3A_762 : memref<125x32xbf16, #tpu.memory_space<vmem>>) target(%dma_start3A_768 : memref<50176x32xbf16, #tpu.memory_space<vmem_shared>>) offsets(%dma_start3A_765 : memref<125xi32, #tpu.memory_space<vmem>>) semaphore(%arg18 : memref<!tpu.dma_semaphore, #tpu.memory_space<semaphore_mem>>) {add = true}
        %dma_start3A_769 = arith.constant 5 : i32
        %dma_start3A_770 = arith.constant 5 : i32
        %dma_start3A_771 = arith.constant 0 : i32
        %dma_start3A_772 = arith.constant 0 : i32
        %dma_start3A_773 = tpu.memref_slice %arg13[%dma_start3A_769, %dma_start3A_771, %dma_start3A_772] : memref<8x125x32xbf16, #tpu.memory_space<vmem>> -> memref<1x125x32xbf16, #tpu.memory_space<vmem>>
        %dma_start3A_774 = tpu.memref_squeeze %dma_start3A_773 : memref<1x125x32xbf16, #tpu.memory_space<vmem>> -> memref<125x32xbf16, #tpu.memory_space<vmem>>
        %dma_start3A_775 = arith.constant 0 : i32
        %dma_start3A_776 = tpu.memref_slice %arg12[%dma_start3A_770, %dma_start3A_775] : memref<8x125xi32, #tpu.memory_space<vmem>> -> memref<1x125xi32, #tpu.memory_space<vmem>>
        %dma_start3A_777 = tpu.memref_squeeze %dma_start3A_776 : memref<1x125xi32, #tpu.memory_space<vmem>> -> memref<125xi32, #tpu.memory_space<vmem>>
        %dma_start3A_778 = arith.constant 0 : i32
        %dma_start3A_779 = arith.constant 0 : i32
        %dma_start3A_780 = tpu.memref_slice %arg14[%dma_start3A_778, %dma_start3A_779] : memref<50176x32xbf16, #tpu.memory_space<vmem_shared>> -> memref<50176x32xbf16, #tpu.memory_space<vmem_shared>>
        tpu.enqueue_indirect_dma source(%dma_start3A_774 : memref<125x32xbf16, #tpu.memory_space<vmem>>) target(%dma_start3A_780 : memref<50176x32xbf16, #tpu.memory_space<vmem_shared>>) offsets(%dma_start3A_777 : memref<125xi32, #tpu.memory_space<vmem>>) semaphore(%arg18 : memref<!tpu.dma_semaphore, #tpu.memory_space<semaphore_mem>>) {add = true}
        %dma_start3A_781 = arith.constant 6 : i32
        %dma_start3A_782 = arith.constant 6 : i32
        %dma_start3A_783 = arith.constant 0 : i32
        %dma_start3A_784 = arith.constant 0 : i32
        %dma_start3A_785 = tpu.memref_slice %arg13[%dma_start3A_781, %dma_start3A_783, %dma_start3A_784] : memref<8x125x32xbf16, #tpu.memory_space<vmem>> -> memref<1x125x32xbf16, #tpu.memory_space<vmem>>
        %dma_start3A_786 = tpu.memref_squeeze %dma_start3A_785 : memref<1x125x32xbf16, #tpu.memory_space<vmem>> -> memref<125x32xbf16, #tpu.memory_space<vmem>>
        %dma_start3A_787 = arith.constant 0 : i32
        %dma_start3A_788 = tpu.memref_slice %arg12[%dma_start3A_782, %dma_start3A_787] : memref<8x125xi32, #tpu.memory_space<vmem>> -> memref<1x125xi32, #tpu.memory_space<vmem>>
        %dma_start3A_789 = tpu.memref_squeeze %dma_start3A_788 : memref<1x125xi32, #tpu.memory_space<vmem>> -> memref<125xi32, #tpu.memory_space<vmem>>
        %dma_start3A_790 = arith.constant 0 : i32
        %dma_start3A_791 = arith.constant 0 : i32
        %dma_start3A_792 = tpu.memref_slice %arg14[%dma_start3A_790, %dma_start3A_791] : memref<50176x32xbf16, #tpu.memory_space<vmem_shared>> -> memref<50176x32xbf16, #tpu.memory_space<vmem_shared>>
        tpu.enqueue_indirect_dma source(%dma_start3A_786 : memref<125x32xbf16, #tpu.memory_space<vmem>>) target(%dma_start3A_792 : memref<50176x32xbf16, #tpu.memory_space<vmem_shared>>) offsets(%dma_start3A_789 : memref<125xi32, #tpu.memory_space<vmem>>) semaphore(%arg18 : memref<!tpu.dma_semaphore, #tpu.memory_space<semaphore_mem>>) {add = true}
        %dma_start3A_793 = arith.constant 7 : i32
        %dma_start3A_794 = arith.constant 7 : i32
        %dma_start3A_795 = arith.constant 0 : i32
        %dma_start3A_796 = arith.constant 0 : i32
        %dma_start3A_797 = tpu.memref_slice %arg13[%dma_start3A_793, %dma_start3A_795, %dma_start3A_796] : memref<8x125x32xbf16, #tpu.memory_space<vmem>> -> memref<1x125x32xbf16, #tpu.memory_space<vmem>>
        %dma_start3A_798 = tpu.memref_squeeze %dma_start3A_797 : memref<1x125x32xbf16, #tpu.memory_space<vmem>> -> memref<125x32xbf16, #tpu.memory_space<vmem>>
        %dma_start3A_799 = arith.constant 0 : i32
        %dma_start3A_800 = tpu.memref_slice %arg12[%dma_start3A_794, %dma_start3A_799] : memref<8x125xi32, #tpu.memory_space<vmem>> -> memref<1x125xi32, #tpu.memory_space<vmem>>
        %dma_start3A_801 = tpu.memref_squeeze %dma_start3A_800 : memref<1x125xi32, #tpu.memory_space<vmem>> -> memref<125xi32, #tpu.memory_space<vmem>>
        %dma_start3A_802 = arith.constant 0 : i32
        %dma_start3A_803 = arith.constant 0 : i32
        %dma_start3A_804 = tpu.memref_slice %arg14[%dma_start3A_802, %dma_start3A_803] : memref<50176x32xbf16, #tpu.memory_space<vmem_shared>> -> memref<50176x32xbf16, #tpu.memory_space<vmem_shared>>
        tpu.enqueue_indirect_dma source(%dma_start3A_798 : memref<125x32xbf16, #tpu.memory_space<vmem>>) target(%dma_start3A_804 : memref<50176x32xbf16, #tpu.memory_space<vmem_shared>>) offsets(%dma_start3A_801 : memref<125xi32, #tpu.memory_space<vmem>>) semaphore(%arg18 : memref<!tpu.dma_semaphore, #tpu.memory_space<semaphore_mem>>) {add = true}
      }
      %scan3A_115 = arith.constant 25 : i32
      %dma_wait3A = arith.constant 0 : i32
      %dma_wait3A_116 = arith.constant 0 : i32
      %dma_wait3A_117 = arith.constant 0 : i32
      %dma_wait3A_118 = arith.constant 0 : i32
      %dma_wait3A_119 = tpu.memref_slice %arg13[%dma_wait3A, %dma_wait3A_117, %dma_wait3A_118] : memref<8x125x32xbf16, #tpu.memory_space<vmem>> -> memref<1x125x32xbf16, #tpu.memory_space<vmem>>
      %dma_wait3A_120 = tpu.memref_squeeze %dma_wait3A_119 : memref<1x125x32xbf16, #tpu.memory_space<vmem>> -> memref<125x32xbf16, #tpu.memory_space<vmem>>
      %dma_wait3A_121 = arith.constant 0 : i32
      %dma_wait3A_122 = tpu.memref_slice %arg12[%dma_wait3A_116, %dma_wait3A_121] : memref<8x125xi32, #tpu.memory_space<vmem>> -> memref<1x125xi32, #tpu.memory_space<vmem>>
      %dma_wait3A_123 = tpu.memref_squeeze %dma_wait3A_122 : memref<1x125xi32, #tpu.memory_space<vmem>> -> memref<125xi32, #tpu.memory_space<vmem>>
      %dma_wait3A_124 = arith.constant 0 : i32
      %dma_wait3A_125 = arith.constant 0 : i32
      %dma_wait3A_126 = tpu.memref_slice %arg14[%dma_wait3A_124, %dma_wait3A_125] : memref<50176x32xbf16, #tpu.memory_space<vmem_shared>> -> memref<50176x32xbf16, #tpu.memory_space<vmem_shared>>
      tpu.wait_indirect_dma semaphore(%arg18 : memref<!tpu.dma_semaphore, #tpu.memory_space<semaphore_mem>>) src(%dma_wait3A_120 : memref<125x32xbf16, #tpu.memory_space<vmem>>) dst(%dma_wait3A_126 : memref<50176x32xbf16, #tpu.memory_space<vmem_shared>>)
      %dma_wait3A_127 = arith.constant 1 : i32
      %dma_wait3A_128 = arith.constant 1 : i32
      %dma_wait3A_129 = arith.constant 0 : i32
      %dma_wait3A_130 = arith.constant 0 : i32
      %dma_wait3A_131 = tpu.memref_slice %arg13[%dma_wait3A_127, %dma_wait3A_129, %dma_wait3A_130] : memref<8x125x32xbf16, #tpu.memory_space<vmem>> -> memref<1x125x32xbf16, #tpu.memory_space<vmem>>
      %dma_wait3A_132 = tpu.memref_squeeze %dma_wait3A_131 : memref<1x125x32xbf16, #tpu.memory_space<vmem>> -> memref<125x32xbf16, #tpu.memory_space<vmem>>
      %dma_wait3A_133 = arith.constant 0 : i32
      %dma_wait3A_134 = tpu.memref_slice %arg12[%dma_wait3A_128, %dma_wait3A_133] : memref<8x125xi32, #tpu.memory_space<vmem>> -> memref<1x125xi32, #tpu.memory_space<vmem>>
      %dma_wait3A_135 = tpu.memref_squeeze %dma_wait3A_134 : memref<1x125xi32, #tpu.memory_space<vmem>> -> memref<125xi32, #tpu.memory_space<vmem>>
      %dma_wait3A_136 = arith.constant 0 : i32
      %dma_wait3A_137 = arith.constant 0 : i32
      %dma_wait3A_138 = tpu.memref_slice %arg14[%dma_wait3A_136, %dma_wait3A_137] : memref<50176x32xbf16, #tpu.memory_space<vmem_shared>> -> memref<50176x32xbf16, #tpu.memory_space<vmem_shared>>
      tpu.wait_indirect_dma semaphore(%arg18 : memref<!tpu.dma_semaphore, #tpu.memory_space<semaphore_mem>>) src(%dma_wait3A_132 : memref<125x32xbf16, #tpu.memory_space<vmem>>) dst(%dma_wait3A_138 : memref<50176x32xbf16, #tpu.memory_space<vmem_shared>>)
      %dma_wait3A_139 = arith.constant 2 : i32
      %dma_wait3A_140 = arith.constant 2 : i32
      %dma_wait3A_141 = arith.constant 0 : i32
      %dma_wait3A_142 = arith.constant 0 : i32
      %dma_wait3A_143 = tpu.memref_slice %arg13[%dma_wait3A_139, %dma_wait3A_141, %dma_wait3A_142] : memref<8x125x32xbf16, #tpu.memory_space<vmem>> -> memref<1x125x32xbf16, #tpu.memory_space<vmem>>
      %dma_wait3A_144 = tpu.memref_squeeze %dma_wait3A_143 : memref<1x125x32xbf16, #tpu.memory_space<vmem>> -> memref<125x32xbf16, #tpu.memory_space<vmem>>
      %dma_wait3A_145 = arith.constant 0 : i32
      %dma_wait3A_146 = tpu.memref_slice %arg12[%dma_wait3A_140, %dma_wait3A_145] : memref<8x125xi32, #tpu.memory_space<vmem>> -> memref<1x125xi32, #tpu.memory_space<vmem>>
      %dma_wait3A_147 = tpu.memref_squeeze %dma_wait3A_146 : memref<1x125xi32, #tpu.memory_space<vmem>> -> memref<125xi32, #tpu.memory_space<vmem>>
      %dma_wait3A_148 = arith.constant 0 : i32
      %dma_wait3A_149 = arith.constant 0 : i32
      %dma_wait3A_150 = tpu.memref_slice %arg14[%dma_wait3A_148, %dma_wait3A_149] : memref<50176x32xbf16, #tpu.memory_space<vmem_shared>> -> memref<50176x32xbf16, #tpu.memory_space<vmem_shared>>
      tpu.wait_indirect_dma semaphore(%arg18 : memref<!tpu.dma_semaphore, #tpu.memory_space<semaphore_mem>>) src(%dma_wait3A_144 : memref<125x32xbf16, #tpu.memory_space<vmem>>) dst(%dma_wait3A_150 : memref<50176x32xbf16, #tpu.memory_space<vmem_shared>>)
      %dma_wait3A_151 = arith.constant 3 : i32
      %dma_wait3A_152 = arith.constant 3 : i32
      %dma_wait3A_153 = arith.constant 0 : i32
      %dma_wait3A_154 = arith.constant 0 : i32
      %dma_wait3A_155 = tpu.memref_slice %arg13[%dma_wait3A_151, %dma_wait3A_153, %dma_wait3A_154] : memref<8x125x32xbf16, #tpu.memory_space<vmem>> -> memref<1x125x32xbf16, #tpu.memory_space<vmem>>
      %dma_wait3A_156 = tpu.memref_squeeze %dma_wait3A_155 : memref<1x125x32xbf16, #tpu.memory_space<vmem>> -> memref<125x32xbf16, #tpu.memory_space<vmem>>
      %dma_wait3A_157 = arith.constant 0 : i32
      %dma_wait3A_158 = tpu.memref_slice %arg12[%dma_wait3A_152, %dma_wait3A_157] : memref<8x125xi32, #tpu.memory_space<vmem>> -> memref<1x125xi32, #tpu.memory_space<vmem>>
      %dma_wait3A_159 = tpu.memref_squeeze %dma_wait3A_158 : memref<1x125xi32, #tpu.memory_space<vmem>> -> memref<125xi32, #tpu.memory_space<vmem>>
      %dma_wait3A_160 = arith.constant 0 : i32
      %dma_wait3A_161 = arith.constant 0 : i32
      %dma_wait3A_162 = tpu.memref_slice %arg14[%dma_wait3A_160, %dma_wait3A_161] : memref<50176x32xbf16, #tpu.memory_space<vmem_shared>> -> memref<50176x32xbf16, #tpu.memory_space<vmem_shared>>
      tpu.wait_indirect_dma semaphore(%arg18 : memref<!tpu.dma_semaphore, #tpu.memory_space<semaphore_mem>>) src(%dma_wait3A_156 : memref<125x32xbf16, #tpu.memory_space<vmem>>) dst(%dma_wait3A_162 : memref<50176x32xbf16, #tpu.memory_space<vmem_shared>>)
      %dma_wait3A_163 = arith.constant 4 : i32
      %dma_wait3A_164 = arith.constant 4 : i32
      %dma_wait3A_165 = arith.constant 0 : i32
      %dma_wait3A_166 = arith.constant 0 : i32
      %dma_wait3A_167 = tpu.memref_slice %arg13[%dma_wait3A_163, %dma_wait3A_165, %dma_wait3A_166] : memref<8x125x32xbf16, #tpu.memory_space<vmem>> -> memref<1x125x32xbf16, #tpu.memory_space<vmem>>
      %dma_wait3A_168 = tpu.memref_squeeze %dma_wait3A_167 : memref<1x125x32xbf16, #tpu.memory_space<vmem>> -> memref<125x32xbf16, #tpu.memory_space<vmem>>
      %dma_wait3A_169 = arith.constant 0 : i32
      %dma_wait3A_170 = tpu.memref_slice %arg12[%dma_wait3A_164, %dma_wait3A_169] : memref<8x125xi32, #tpu.memory_space<vmem>> -> memref<1x125xi32, #tpu.memory_space<vmem>>
      %dma_wait3A_171 = tpu.memref_squeeze %dma_wait3A_170 : memref<1x125xi32, #tpu.memory_space<vmem>> -> memref<125xi32, #tpu.memory_space<vmem>>
      %dma_wait3A_172 = arith.constant 0 : i32
      %dma_wait3A_173 = arith.constant 0 : i32
      %dma_wait3A_174 = tpu.memref_slice %arg14[%dma_wait3A_172, %dma_wait3A_173] : memref<50176x32xbf16, #tpu.memory_space<vmem_shared>> -> memref<50176x32xbf16, #tpu.memory_space<vmem_shared>>
      tpu.wait_indirect_dma semaphore(%arg18 : memref<!tpu.dma_semaphore, #tpu.memory_space<semaphore_mem>>) src(%dma_wait3A_168 : memref<125x32xbf16, #tpu.memory_space<vmem>>) dst(%dma_wait3A_174 : memref<50176x32xbf16, #tpu.memory_space<vmem_shared>>)
      %dma_wait3A_175 = arith.constant 5 : i32
      %dma_wait3A_176 = arith.constant 5 : i32
      %dma_wait3A_177 = arith.constant 0 : i32
      %dma_wait3A_178 = arith.constant 0 : i32
      %dma_wait3A_179 = tpu.memref_slice %arg13[%dma_wait3A_175, %dma_wait3A_177, %dma_wait3A_178] : memref<8x125x32xbf16, #tpu.memory_space<vmem>> -> memref<1x125x32xbf16, #tpu.memory_space<vmem>>
      %dma_wait3A_180 = tpu.memref_squeeze %dma_wait3A_179 : memref<1x125x32xbf16, #tpu.memory_space<vmem>> -> memref<125x32xbf16, #tpu.memory_space<vmem>>
      %dma_wait3A_181 = arith.constant 0 : i32
      %dma_wait3A_182 = tpu.memref_slice %arg12[%dma_wait3A_176, %dma_wait3A_181] : memref<8x125xi32, #tpu.memory_space<vmem>> -> memref<1x125xi32, #tpu.memory_space<vmem>>
      %dma_wait3A_183 = tpu.memref_squeeze %dma_wait3A_182 : memref<1x125xi32, #tpu.memory_space<vmem>> -> memref<125xi32, #tpu.memory_space<vmem>>
      %dma_wait3A_184 = arith.constant 0 : i32
      %dma_wait3A_185 = arith.constant 0 : i32
      %dma_wait3A_186 = tpu.memref_slice %arg14[%dma_wait3A_184, %dma_wait3A_185] : memref<50176x32xbf16, #tpu.memory_space<vmem_shared>> -> memref<50176x32xbf16, #tpu.memory_space<vmem_shared>>
      tpu.wait_indirect_dma semaphore(%arg18 : memref<!tpu.dma_semaphore, #tpu.memory_space<semaphore_mem>>) src(%dma_wait3A_180 : memref<125x32xbf16, #tpu.memory_space<vmem>>) dst(%dma_wait3A_186 : memref<50176x32xbf16, #tpu.memory_space<vmem_shared>>)
      %dma_wait3A_187 = arith.constant 6 : i32
      %dma_wait3A_188 = arith.constant 6 : i32
      %dma_wait3A_189 = arith.constant 0 : i32
      %dma_wait3A_190 = arith.constant 0 : i32
      %dma_wait3A_191 = tpu.memref_slice %arg13[%dma_wait3A_187, %dma_wait3A_189, %dma_wait3A_190] : memref<8x125x32xbf16, #tpu.memory_space<vmem>> -> memref<1x125x32xbf16, #tpu.memory_space<vmem>>
      %dma_wait3A_192 = tpu.memref_squeeze %dma_wait3A_191 : memref<1x125x32xbf16, #tpu.memory_space<vmem>> -> memref<125x32xbf16, #tpu.memory_space<vmem>>
      %dma_wait3A_193 = arith.constant 0 : i32
      %dma_wait3A_194 = tpu.memref_slice %arg12[%dma_wait3A_188, %dma_wait3A_193] : memref<8x125xi32, #tpu.memory_space<vmem>> -> memref<1x125xi32, #tpu.memory_space<vmem>>
      %dma_wait3A_195 = tpu.memref_squeeze %dma_wait3A_194 : memref<1x125xi32, #tpu.memory_space<vmem>> -> memref<125xi32, #tpu.memory_space<vmem>>
      %dma_wait3A_196 = arith.constant 0 : i32
      %dma_wait3A_197 = arith.constant 0 : i32
      %dma_wait3A_198 = tpu.memref_slice %arg14[%dma_wait3A_196, %dma_wait3A_197] : memref<50176x32xbf16, #tpu.memory_space<vmem_shared>> -> memref<50176x32xbf16, #tpu.memory_space<vmem_shared>>
      tpu.wait_indirect_dma semaphore(%arg18 : memref<!tpu.dma_semaphore, #tpu.memory_space<semaphore_mem>>) src(%dma_wait3A_192 : memref<125x32xbf16, #tpu.memory_space<vmem>>) dst(%dma_wait3A_198 : memref<50176x32xbf16, #tpu.memory_space<vmem_shared>>)
      %dma_wait3A_199 = arith.constant 7 : i32
      %dma_wait3A_200 = arith.constant 7 : i32
      %dma_wait3A_201 = arith.constant 0 : i32
      %dma_wait3A_202 = arith.constant 0 : i32
      %dma_wait3A_203 = tpu.memref_slice %arg13[%dma_wait3A_199, %dma_wait3A_201, %dma_wait3A_202] : memref<8x125x32xbf16, #tpu.memory_space<vmem>> -> memref<1x125x32xbf16, #tpu.memory_space<vmem>>
      %dma_wait3A_204 = tpu.memref_squeeze %dma_wait3A_203 : memref<1x125x32xbf16, #tpu.memory_space<vmem>> -> memref<125x32xbf16, #tpu.memory_space<vmem>>
      %dma_wait3A_205 = arith.constant 0 : i32
      %dma_wait3A_206 = tpu.memref_slice %arg12[%dma_wait3A_200, %dma_wait3A_205] : memref<8x125xi32, #tpu.memory_space<vmem>> -> memref<1x125xi32, #tpu.memory_space<vmem>>
      %dma_wait3A_207 = tpu.memref_squeeze %dma_wait3A_206 : memref<1x125xi32, #tpu.memory_space<vmem>> -> memref<125xi32, #tpu.memory_space<vmem>>
      %dma_wait3A_208 = arith.constant 0 : i32
      %dma_wait3A_209 = arith.constant 0 : i32
      %dma_wait3A_210 = tpu.memref_slice %arg14[%dma_wait3A_208, %dma_wait3A_209] : memref<50176x32xbf16, #tpu.memory_space<vmem_shared>> -> memref<50176x32xbf16, #tpu.memory_space<vmem_shared>>
      tpu.wait_indirect_dma semaphore(%arg18 : memref<!tpu.dma_semaphore, #tpu.memory_space<semaphore_mem>>) src(%dma_wait3A_204 : memref<125x32xbf16, #tpu.memory_space<vmem>>) dst(%dma_wait3A_210 : memref<50176x32xbf16, #tpu.memory_space<vmem_shared>>)
    } else {
    }
    %barrier3A_10 = arith.constant 0 : index
    tpu.barrier barrier_id(%barrier3A_10)
    %mul3A_11 = arith.constant 3136 : i32
    %mul3A_12 = arith.muli %arg1, %mul3A_11 : i32
    %mul3A_13 = arith.constant 3136 : i32
    %mul3A_14 = arith.muli %arg1, %mul3A_13 : i32
    "tpu.region"() ({
      %run_scoped3A = tpu.sem_alloc : memref<!tpu.dma_semaphore, #tpu.memory_space<semaphore_mem>>
      %dma_start3A = arith.constant 0 : i32
      %dma_start3A_15 = tpu.memref_slice %arg7[%arg0, %mul3A_14, %dma_start3A] : memref<2x50176x32xbf16, #tpu.memory_space<hbm>> -> memref<1x3136x32xbf16, #tpu.memory_space<hbm>>
      %dma_start3A_16 = tpu.memref_squeeze %dma_start3A_15 : memref<1x3136x32xbf16, #tpu.memory_space<hbm>> -> memref<3136x32xbf16, #tpu.memory_space<hbm>>
      %dma_start3A_17 = arith.constant 0 : i32
      %dma_start3A_18 = tpu.memref_slice %arg14[%mul3A_12, %dma_start3A_17] : memref<50176x32xbf16, #tpu.memory_space<vmem_shared>> -> memref<3136x32xbf16, #tpu.memory_space<vmem_shared>>
      tpu.enqueue_dma source(%dma_start3A_18 : memref<3136x32xbf16, #tpu.memory_space<vmem_shared>>) target(%dma_start3A_16 : memref<3136x32xbf16, #tpu.memory_space<hbm>>) target_semaphore(%run_scoped3A : memref<!tpu.dma_semaphore, #tpu.memory_space<semaphore_mem>>)
      %dma_wait3A = arith.constant 0 : i32
      %dma_wait3A_19 = tpu.memref_slice %arg7[%arg0, %mul3A_14, %dma_wait3A] : memref<2x50176x32xbf16, #tpu.memory_space<hbm>> -> memref<1x3136x32xbf16, #tpu.memory_space<hbm>>
      %dma_wait3A_20 = tpu.memref_squeeze %dma_wait3A_19 : memref<1x3136x32xbf16, #tpu.memory_space<hbm>> -> memref<3136x32xbf16, #tpu.memory_space<hbm>>
      %dma_wait3A_21 = arith.constant 0 : i32
      %dma_wait3A_22 = tpu.memref_slice %arg14[%mul3A_12, %dma_wait3A_21] : memref<50176x32xbf16, #tpu.memory_space<vmem_shared>> -> memref<3136x32xbf16, #tpu.memory_space<vmem_shared>>
      tpu.wait_dma2 semaphore(%run_scoped3A : memref<!tpu.dma_semaphore, #tpu.memory_space<semaphore_mem>>) src(%dma_wait3A_22 : memref<3136x32xbf16, #tpu.memory_space<vmem_shared>>) dst(%dma_wait3A_20 : memref<3136x32xbf16, #tpu.memory_space<hbm>>)
      tpu.yield
    }) : () -> ()
    return
  }
}

module attributes {stable_mosaic.version = 14 : i64} {
  func.func @_mm_rule(%arg0: i32, %arg1: memref<512x320xf32, #tpu.memory_space<vmem>>, %arg2: memref<320x128xf32, #tpu.memory_space<vmem>>, %arg3: memref<320x128xf32, #tpu.memory_space<vmem>>, %arg4: memref<512x128xbf16, #tpu.memory_space<vmem>>, %arg5: memref<512x128xbf16, #tpu.memory_space<vmem>>) attributes {dimension_semantics = [#tpu.dimension_semantics<arbitrary>], iteration_bounds = array<i64: 25>, scalar_prefetch = 0 : i64, scratch_operands = 0 : i64, tpu.core_type = #tpu.core_type<tc>, window_params = [{transform_indices = @transform_0, window_bounds = array<i64: 512, 320>}, {pipeline_mode = #tpu.pipeline_mode<synchronous>, transform_indices = @transform_1, window_bounds = array<i64: 320, 128>}, {pipeline_mode = #tpu.pipeline_mode<synchronous>, transform_indices = @transform_2, window_bounds = array<i64: 320, 128>}, {transform_indices = @transform_3, window_bounds = array<i64: 512, 128>}, {transform_indices = @transform_4, window_bounds = array<i64: 512, 128>}]} {
    %get3A = arith.constant 0 : index
    %get3A_0 = arith.constant 0 : index
    %get3A_1 = vector.load %arg1[%get3A, %get3A_0] : memref<512x320xf32, #tpu.memory_space<vmem>>, vector<512x320xf32>
    %get3A_2 = arith.constant 0 : index
    %get3A_3 = arith.constant 0 : index
    %get3A_4 = vector.load %arg2[%get3A_2, %get3A_3] : memref<320x128xf32, #tpu.memory_space<vmem>>, vector<320x128xf32>
    %dot_general3A = arith.constant dense<0.000000e+00> : vector<512x128xf32>
    %dot_general3A_5 = tpu.matmul %get3A_1, %get3A_4, %dot_general3A {dimension_numbers = #tpu.dot_dimension_numbers<[1], [0], [0], [1], [0, 0, 1, 1], [], []>, transpose_lhs_hint = false} : vector<512x320xf32>, vector<320x128xf32>, vector<512x128xf32> -> vector<512x128xf32>
    %convert_element_type3A = arith.truncf %dot_general3A_5 : vector<512x128xf32> to vector<512x128xbf16>
    %swap3A = arith.constant 0 : index
    %swap3A_6 = arith.constant 0 : index
    %swap3A_7 = vector.load %arg4[%swap3A, %swap3A_6] : memref<512x128xbf16, #tpu.memory_space<vmem>>, vector<512x128xbf16>
    tpu.vector_store %arg4[%swap3A, %swap3A_6], %convert_element_type3A {strides = array<i32>} : memref<512x128xbf16, #tpu.memory_space<vmem>>, vector<512x128xbf16>,
    %get3A_8 = arith.constant 0 : index
    %get3A_9 = arith.constant 0 : index
    %get3A_10 = vector.load %arg3[%get3A_8, %get3A_9] : memref<320x128xf32, #tpu.memory_space<vmem>>, vector<320x128xf32>
    %dot_general3A_11 = arith.constant dense<0.000000e+00> : vector<512x128xf32>
    %dot_general3A_12 = tpu.matmul %get3A_1, %get3A_10, %dot_general3A_11 {dimension_numbers = #tpu.dot_dimension_numbers<[1], [0], [0], [1], [0, 0, 1, 1], [], []>, transpose_lhs_hint = false} : vector<512x320xf32>, vector<320x128xf32>, vector<512x128xf32> -> vector<512x128xf32>
    %convert_element_type3A_13 = arith.truncf %dot_general3A_12 : vector<512x128xf32> to vector<512x128xbf16>
    %swap3A_14 = arith.constant 0 : index
    %swap3A_15 = arith.constant 0 : index
    %swap3A_16 = vector.load %arg5[%swap3A_14, %swap3A_15] : memref<512x128xbf16, #tpu.memory_space<vmem>>, vector<512x128xbf16>
    tpu.vector_store %arg5[%swap3A_14, %swap3A_15], %convert_element_type3A_13 {strides = array<i32>} : memref<512x128xbf16, #tpu.memory_space<vmem>>, vector<512x128xbf16>,
    return
  }
  func.func @transform_0(%arg0: i32) -> (i32, i32) {
    %c0_i32 = arith.constant 0 : i32
    %c0_i32_0 = arith.constant 0 : i32
    return %arg0, %c0_i32 : i32, i32
  }
  func.func @transform_1(%arg0: i32) -> (i32, i32) {
    %c0_i32 = arith.constant 0 : i32
    %c0_i32_0 = arith.constant 0 : i32
    %c0_i32_1 = arith.constant 0 : i32
    return %c0_i32, %c0_i32_0 : i32, i32
  }
  func.func @transform_2(%arg0: i32) -> (i32, i32) {
    %c0_i32 = arith.constant 0 : i32
    %c0_i32_0 = arith.constant 0 : i32
    %c0_i32_1 = arith.constant 0 : i32
    return %c0_i32, %c0_i32_0 : i32, i32
  }
  func.func @transform_3(%arg0: i32) -> (i32, i32) {
    %c0_i32 = arith.constant 0 : i32
    %c0_i32_0 = arith.constant 0 : i32
    return %arg0, %c0_i32 : i32, i32
  }
  func.func @transform_4(%arg0: i32) -> (i32, i32) {
    %c0_i32 = arith.constant 0 : i32
    %c0_i32_0 = arith.constant 0 : i32
    return %arg0, %c0_i32 : i32, i32
  }
}

module attributes {stable_mosaic.version = 14 : i64} {
  func.func @_fused_body(%arg0: i32, %arg1: memref<1000x128xbf16, #tpu.memory_space<vmem>>, %arg2: memref<1000x128xbf16, #tpu.memory_space<vmem>>, %arg3: memref<1x1000x128xbf16, #tpu.memory_space<vmem>>, %arg4: memref<1x1000x128xbf16, #tpu.memory_space<vmem>>, %arg5: memref<1x4x1000xi32, #tpu.memory_space<vmem>>, %arg6: memref<1x128xf32, #tpu.memory_space<vmem>>, %arg7: memref<1x128xf32, #tpu.memory_space<vmem>>, %arg8: memref<256x4096xbf16, #tpu.memory_space<vmem>>, %arg9: memref<1x4096xf32, #tpu.memory_space<vmem>>, %arg10: memref<1024x300xf32, #tpu.memory_space<vmem>>, %arg11: memref<1x300xf32, #tpu.memory_space<vmem>>, %arg12: memref<300x100xf32, #tpu.memory_space<vmem>>, %arg13: memref<1x100xf32, #tpu.memory_space<vmem>>, %arg14: memref<100x20xf32, #tpu.memory_space<vmem>>, %arg15: memref<1x20xf32, #tpu.memory_space<vmem>>, %arg16: memref<20x1xf32, #tpu.memory_space<vmem>>, %arg17: memref<1x1xf32, #tpu.memory_space<vmem>>, %arg18: memref<16x1xf32, #tpu.memory_space<vmem>>, %arg19: memref<1x1xf32, #tpu.memory_space<vmem>>, %arg20: memref<64x15xf32, #tpu.memory_space<vmem>>, %arg21: memref<64x1xf32, #tpu.memory_space<vmem>>, %arg22: memref<64x1024xf32, #tpu.memory_space<vmem>>) attributes {dimension_semantics = [#tpu.dimension_semantics<arbitrary>], iteration_bounds = array<i64: 13>, scalar_prefetch = 0 : i64, scratch_operands = 1 : i64, tpu.core_type = #tpu.core_type<tc>, window_params = [{transform_indices = @transform_0, window_bounds = array<i64: 1000, 128>}, {transform_indices = @transform_1, window_bounds = array<i64: 1000, 128>}, {transform_indices = @transform_2, window_bounds = array<i64: 1, 1000, 128>}, {transform_indices = @transform_3, window_bounds = array<i64: 1, 1000, 128>}, {transform_indices = @transform_4, window_bounds = array<i64: 1, 4, 1000>}, {pipeline_mode = #tpu.pipeline_mode<synchronous>, transform_indices = @transform_5, window_bounds = array<i64: 1, 128>}, {pipeline_mode = #tpu.pipeline_mode<synchronous>, transform_indices = @transform_6, window_bounds = array<i64: 1, 128>}, {pipeline_mode = #tpu.pipeline_mode<synchronous>, transform_indices = @transform_7, window_bounds = array<i64: 256, 4096>}, {pipeline_mode = #tpu.pipeline_mode<synchronous>, transform_indices = @transform_8, window_bounds = array<i64: 1, 4096>}, {pipeline_mode = #tpu.pipeline_mode<synchronous>, transform_indices = @transform_9, window_bounds = array<i64: 1024, 300>}, {pipeline_mode = #tpu.pipeline_mode<synchronous>, transform_indices = @transform_10, window_bounds = array<i64: 1, 300>}, {pipeline_mode = #tpu.pipeline_mode<synchronous>, transform_indices = @transform_11, window_bounds = array<i64: 300, 100>}, {pipeline_mode = #tpu.pipeline_mode<synchronous>, transform_indices = @transform_12, window_bounds = array<i64: 1, 100>}, {pipeline_mode = #tpu.pipeline_mode<synchronous>, transform_indices = @transform_13, window_bounds = array<i64: 100, 20>}, {pipeline_mode = #tpu.pipeline_mode<synchronous>, transform_indices = @transform_14, window_bounds = array<i64: 1, 20>}, {pipeline_mode = #tpu.pipeline_mode<synchronous>, transform_indices = @transform_15, window_bounds = array<i64: 20, 1>}, {pipeline_mode = #tpu.pipeline_mode<synchronous>, transform_indices = @transform_16, window_bounds = array<i64: 1, 1>}, {pipeline_mode = #tpu.pipeline_mode<synchronous>, transform_indices = @transform_17, window_bounds = array<i64: 16, 1>}, {pipeline_mode = #tpu.pipeline_mode<synchronous>, transform_indices = @transform_18, window_bounds = array<i64: 1, 1>}, {pipeline_mode = #tpu.pipeline_mode<synchronous>, transform_indices = @transform_19, window_bounds = array<i64: 64, 15>}, {pipeline_mode = #tpu.pipeline_mode<synchronous>, transform_indices = @transform_20, window_bounds = array<i64: 64, 1>}]} {
    %get3A = arith.constant 0 : index
    %get3A_0 = arith.constant 0 : index
    %get3A_1 = vector.load %arg1[%get3A, %get3A_0] : memref<1000x128xbf16, #tpu.memory_space<vmem>>, vector<1000x128xbf16>
    %convert_element_type3A = arith.extf %get3A_1 : vector<1000x128xbf16> to vector<1000x128xf32>
    %get3A_2 = arith.constant 0 : index
    %get3A_3 = arith.constant 0 : index
    %get3A_4 = arith.constant 0 : index
    %get3A_5 = vector.load %arg3[%get3A_2, %get3A_3, %get3A_4] : memref<1x1000x128xbf16, #tpu.memory_space<vmem>>, vector<1x1000x128xbf16>
    %get3A_6 = vector.shape_cast %get3A_5 : vector<1x1000x128xbf16> to vector<1000x128xbf16>
    %convert_element_type3A_7 = arith.extf %get3A_6 : vector<1000x128xbf16> to vector<1000x128xf32>
    %add3A = arith.addf %convert_element_type3A, %convert_element_type3A_7 : vector<1000x128xf32>
    %get3A_8 = arith.constant 0 : index
    %get3A_9 = arith.constant 0 : index
    %get3A_10 = vector.load %arg6[%get3A_8, %get3A_9] : memref<1x128xf32, #tpu.memory_space<vmem>>, vector<1x128xf32>
    %add3A_11 = vector.broadcast %get3A_10 : vector<1x128xf32> to vector<1000x128xf32>
    %add3A_12 = arith.addf %add3A, %add3A_11 : vector<1000x128xf32>
    %max3A = arith.constant 0.000000e+00 : f32
    %max3A_13 = vector.broadcast %max3A : f32 to vector<1000x128xf32>
    %max3A_14 = arith.maximumf %add3A_12, %max3A_13 : vector<1000x128xf32>
    %get3A_15 = arith.constant 0 : index
    %get3A_16 = arith.constant 0 : index
    %get3A_17 = vector.load %arg2[%get3A_15, %get3A_16] : memref<1000x128xbf16, #tpu.memory_space<vmem>>, vector<1000x128xbf16>
    %convert_element_type3A_18 = arith.extf %get3A_17 : vector<1000x128xbf16> to vector<1000x128xf32>
    %get3A_19 = arith.constant 0 : index
    %get3A_20 = arith.constant 0 : index
    %get3A_21 = arith.constant 0 : index
    %get3A_22 = vector.load %arg4[%get3A_19, %get3A_20, %get3A_21] : memref<1x1000x128xbf16, #tpu.memory_space<vmem>>, vector<1x1000x128xbf16>
    %get3A_23 = vector.shape_cast %get3A_22 : vector<1x1000x128xbf16> to vector<1000x128xbf16>
    %convert_element_type3A_24 = arith.extf %get3A_23 : vector<1000x128xbf16> to vector<1000x128xf32>
    %add3A_25 = arith.addf %convert_element_type3A_18, %convert_element_type3A_24 : vector<1000x128xf32>
    %get3A_26 = arith.constant 0 : index
    %get3A_27 = arith.constant 0 : index
    %get3A_28 = vector.load %arg7[%get3A_26, %get3A_27] : memref<1x128xf32, #tpu.memory_space<vmem>>, vector<1x128xf32>
    %add3A_29 = vector.broadcast %get3A_28 : vector<1x128xf32> to vector<1000x128xf32>
    %add3A_30 = arith.addf %add3A_25, %add3A_29 : vector<1000x128xf32>
    %max3A_31 = arith.constant 0.000000e+00 : f32
    %max3A_32 = vector.broadcast %max3A_31 : f32 to vector<1000x128xf32>
    %max3A_33 = arith.maximumf %add3A_30, %max3A_32 : vector<1000x128xf32>
    %mul3A = arith.constant 1000 : i32
    %mul3A_34 = arith.muli %arg0, %mul3A : i32
    %iota3A = tpu.iota {dimensions = array<i32: 0>} : vector<1000x1xi32>
    %add3A_35 = vector.broadcast %mul3A_34 : i32 to vector<1000x1xi32>
    %add3A_36 = arith.addi %add3A_35, %iota3A : vector<1000x1xi32>
    %lt3A = arith.constant 12500 : i32
    %lt3A_37 = vector.broadcast %lt3A : i32 to vector<1000x1xi32>
    %lt3A_38 = arith.cmpi slt, %add3A_36, %lt3A_37 : vector<1000x1xi32>
    %concatenate3A = tpu.concatenate %max3A_14, %max3A_33 in 1 : vector<1000x128xf32>, vector<1000x128xf32> -> vector<1000x256xf32>
    %jit3A = arith.constant 0.000000e+00 : f32
    %broadcast_in_dim3A = vector.shape_cast %lt3A_38 : vector<1000x1xi1> to vector<1000x1xi1>
    %broadcast_in_dim3A_39 = vector.broadcast %broadcast_in_dim3A : vector<1000x1xi1> to vector<1000x256xi1>
    %broadcast_in_dim3A_40 = vector.broadcast %jit3A : f32 to vector<1000x256xf32>
    %select_n3A = arith.select %broadcast_in_dim3A_39, %concatenate3A, %broadcast_in_dim3A_40 : vector<1000x256xi1>, vector<1000x256xf32>
    %convert_element_type3A_41 = arith.truncf %select_n3A : vector<1000x256xf32> to vector<1000x256xbf16>
    %get3A_42 = arith.constant 0 : index
    %get3A_43 = arith.constant 0 : index
    %get3A_44 = vector.load %arg8[%get3A_42, %get3A_43] : memref<256x4096xbf16, #tpu.memory_space<vmem>>, vector<256x4096xbf16>
    %dot_general3A = arith.constant dense<0.000000e+00> : vector<1000x4096xf32>
    %dot_general3A_45 = tpu.matmul %convert_element_type3A_41, %get3A_44, %dot_general3A {dimension_numbers = #tpu.dot_dimension_numbers<[1], [0], [0], [1], [0, 0, 1, 1], [], []>, transpose_lhs_hint = false} : vector<1000x256xbf16>, vector<256x4096xbf16>, vector<1000x4096xf32> -> vector<1000x4096xf32>
    %get3A_46 = arith.constant 0 : index
    %get3A_47 = arith.constant 0 : index
    %get3A_48 = vector.load %arg9[%get3A_46, %get3A_47] : memref<1x4096xf32, #tpu.memory_space<vmem>>, vector<1x4096xf32>
    %add3A_49 = vector.broadcast %get3A_48 : vector<1x4096xf32> to vector<1000x4096xf32>
    %add3A_50 = arith.addf %dot_general3A_45, %add3A_49 : vector<1000x4096xf32>
    %max3A_51 = arith.constant 0.000000e+00 : f32
    %max3A_52 = vector.broadcast %max3A_51 : f32 to vector<1000x4096xf32>
    %max3A_53 = arith.maximumf %add3A_50, %max3A_52 : vector<1000x4096xf32>
    %convert_element_type3A_54 = arith.truncf %max3A_53 : vector<1000x4096xf32> to vector<1000x4096xbf16>
    %mul3A_55 = arith.constant 1000 : i32
    %mul3A_56 = arith.muli %arg0, %mul3A_55 : i32
    %iota3A_57 = tpu.iota {dimensions = array<i32: 1>} : vector<64x1000xi32>
    %add3A_58 = vector.broadcast %mul3A_56 : i32 to vector<64x1000xi32>
    %add3A_59 = arith.addi %add3A_58, %iota3A_57 : vector<64x1000xi32>
    %lt3A_60 = arith.constant 12500 : i32
    %lt3A_61 = vector.broadcast %lt3A_60 : i32 to vector<64x1000xi32>
    %lt3A_62 = arith.cmpi slt, %add3A_59, %lt3A_61 : vector<64x1000xi32>
    %iota3A_63 = tpu.iota {dimensions = array<i32: 0>} : vector<64x1000xi32>
    %broadcast_in_dim3A_64 = arith.constant 0.000000e+00 : f32
    %broadcast_in_dim3A_65 = vector.broadcast %broadcast_in_dim3A_64 : f32 to vector<64x1024xf32>
    %get3A_66 = arith.constant 0 : index
    %get3A_67 = arith.constant 0 : index
    %get3A_68 = arith.constant 0 : index
    %get3A_69 = vector.load %arg5[%get3A_66, %get3A_67, %get3A_68] : memref<1x4x1000xi32, #tpu.memory_space<vmem>>, vector<1x1x1000xi32>
    %get3A_70 = vector.shape_cast %get3A_69 : vector<1x1x1000xi32> to vector<1000xi32>
    %broadcast_in_dim3A_71 = vector.shape_cast %get3A_70 : vector<1000xi32> to vector<1x1000xi32>
    %eq3A = vector.broadcast %broadcast_in_dim3A_71 : vector<1x1000xi32> to vector<64x1000xi32>
    %eq3A_72 = arith.cmpi eq, %eq3A, %iota3A_63 : vector<64x1000xi32>
    %and3A = arith.andi %eq3A_72, %lt3A_62 : vector<64x1000xi1>
    %jit3A_73 = arith.constant 1.000000e+00 : f32
    %jit3A_74 = arith.constant 0.000000e+00 : f32
    %broadcast_in_dim3A_75 = vector.broadcast %jit3A_73 : f32 to vector<64x1000xf32>
    %broadcast_in_dim3A_76 = vector.broadcast %jit3A_74 : f32 to vector<64x1000xf32>
    %select_n3A_77 = arith.select %and3A, %broadcast_in_dim3A_75, %broadcast_in_dim3A_76 : vector<64x1000xi1>, vector<64x1000xf32>
    %convert_element_type3A_78 = arith.truncf %select_n3A_77 : vector<64x1000xf32> to vector<64x1000xbf16>
    %slice3A = vector.extract_strided_slice %convert_element_type3A_54 {offsets = [0, 0], sizes = [1000, 1024], strides = [1, 1]} : vector<1000x4096xbf16> to vector<1000x1024xbf16>
    %dot_general3A_79 = arith.constant dense<0.000000e+00> : vector<64x1024xf32>
    %dot_general3A_80 = tpu.matmul %convert_element_type3A_78, %slice3A, %dot_general3A_79 {dimension_numbers = #tpu.dot_dimension_numbers<[1], [0], [0], [1], [0, 0, 1, 1], [], []>, transpose_lhs_hint = false} : vector<64x1000xbf16>, vector<1000x1024xbf16>, vector<64x1024xf32> -> vector<64x1024xf32>
    %add3A_81 = arith.addf %broadcast_in_dim3A_65, %dot_general3A_80 : vector<64x1024xf32>
    %get3A_82 = arith.constant 0 : index
    %get3A_83 = arith.constant 1 : index
    %get3A_84 = arith.constant 0 : index
    %get3A_85 = vector.load %arg5[%get3A_82, %get3A_83, %get3A_84] : memref<1x4x1000xi32, #tpu.memory_space<vmem>>, vector<1x1x1000xi32>
    %get3A_86 = vector.shape_cast %get3A_85 : vector<1x1x1000xi32> to vector<1000xi32>
    %broadcast_in_dim3A_87 = vector.shape_cast %get3A_86 : vector<1000xi32> to vector<1x1000xi32>
    %eq3A_88 = vector.broadcast %broadcast_in_dim3A_87 : vector<1x1000xi32> to vector<64x1000xi32>
    %eq3A_89 = arith.cmpi eq, %eq3A_88, %iota3A_63 : vector<64x1000xi32>
    %and3A_90 = arith.andi %eq3A_89, %lt3A_62 : vector<64x1000xi1>
    %jit3A_91 = arith.constant 1.000000e+00 : f32
    %jit3A_92 = arith.constant 0.000000e+00 : f32
    %broadcast_in_dim3A_93 = vector.broadcast %jit3A_91 : f32 to vector<64x1000xf32>
    %broadcast_in_dim3A_94 = vector.broadcast %jit3A_92 : f32 to vector<64x1000xf32>
    %select_n3A_95 = arith.select %and3A_90, %broadcast_in_dim3A_93, %broadcast_in_dim3A_94 : vector<64x1000xi1>, vector<64x1000xf32>
    %convert_element_type3A_96 = arith.truncf %select_n3A_95 : vector<64x1000xf32> to vector<64x1000xbf16>
    %slice3A_97 = vector.extract_strided_slice %convert_element_type3A_54 {offsets = [0, 1024], sizes = [1000, 1024], strides = [1, 1]} : vector<1000x4096xbf16> to vector<1000x1024xbf16>
    %dot_general3A_98 = arith.constant dense<0.000000e+00> : vector<64x1024xf32>
    %dot_general3A_99 = tpu.matmul %convert_element_type3A_96, %slice3A_97, %dot_general3A_98 {dimension_numbers = #tpu.dot_dimension_numbers<[1], [0], [0], [1], [0, 0, 1, 1], [], []>, transpose_lhs_hint = false} : vector<64x1000xbf16>, vector<1000x1024xbf16>, vector<64x1024xf32> -> vector<64x1024xf32>
    %add3A_100 = arith.addf %add3A_81, %dot_general3A_99 : vector<64x1024xf32>
    %get3A_101 = arith.constant 0 : index
    %get3A_102 = arith.constant 2 : index
    %get3A_103 = arith.constant 0 : index
    %get3A_104 = vector.load %arg5[%get3A_101, %get3A_102, %get3A_103] : memref<1x4x1000xi32, #tpu.memory_space<vmem>>, vector<1x1x1000xi32>
    %get3A_105 = vector.shape_cast %get3A_104 : vector<1x1x1000xi32> to vector<1000xi32>
    %broadcast_in_dim3A_106 = vector.shape_cast %get3A_105 : vector<1000xi32> to vector<1x1000xi32>
    %eq3A_107 = vector.broadcast %broadcast_in_dim3A_106 : vector<1x1000xi32> to vector<64x1000xi32>
    %eq3A_108 = arith.cmpi eq, %eq3A_107, %iota3A_63 : vector<64x1000xi32>
    %and3A_109 = arith.andi %eq3A_108, %lt3A_62 : vector<64x1000xi1>
    %jit3A_110 = arith.constant 1.000000e+00 : f32
    %jit3A_111 = arith.constant 0.000000e+00 : f32
    %broadcast_in_dim3A_112 = vector.broadcast %jit3A_110 : f32 to vector<64x1000xf32>
    %broadcast_in_dim3A_113 = vector.broadcast %jit3A_111 : f32 to vector<64x1000xf32>
    %select_n3A_114 = arith.select %and3A_109, %broadcast_in_dim3A_112, %broadcast_in_dim3A_113 : vector<64x1000xi1>, vector<64x1000xf32>
    %convert_element_type3A_115 = arith.truncf %select_n3A_114 : vector<64x1000xf32> to vector<64x1000xbf16>
    %slice3A_116 = vector.extract_strided_slice %convert_element_type3A_54 {offsets = [0, 2048], sizes = [1000, 1024], strides = [1, 1]} : vector<1000x4096xbf16> to vector<1000x1024xbf16>
    %dot_general3A_117 = arith.constant dense<0.000000e+00> : vector<64x1024xf32>
    %dot_general3A_118 = tpu.matmul %convert_element_type3A_115, %slice3A_116, %dot_general3A_117 {dimension_numbers = #tpu.dot_dimension_numbers<[1], [0], [0], [1], [0, 0, 1, 1], [], []>, transpose_lhs_hint = false} : vector<64x1000xbf16>, vector<1000x1024xbf16>, vector<64x1024xf32> -> vector<64x1024xf32>
    %add3A_119 = arith.addf %add3A_100, %dot_general3A_118 : vector<64x1024xf32>
    %get3A_120 = arith.constant 0 : index
    %get3A_121 = arith.constant 3 : index
    %get3A_122 = arith.constant 0 : index
    %get3A_123 = vector.load %arg5[%get3A_120, %get3A_121, %get3A_122] : memref<1x4x1000xi32, #tpu.memory_space<vmem>>, vector<1x1x1000xi32>
    %get3A_124 = vector.shape_cast %get3A_123 : vector<1x1x1000xi32> to vector<1000xi32>
    %broadcast_in_dim3A_125 = vector.shape_cast %get3A_124 : vector<1000xi32> to vector<1x1000xi32>
    %eq3A_126 = vector.broadcast %broadcast_in_dim3A_125 : vector<1x1000xi32> to vector<64x1000xi32>
    %eq3A_127 = arith.cmpi eq, %eq3A_126, %iota3A_63 : vector<64x1000xi32>
    %and3A_128 = arith.andi %eq3A_127, %lt3A_62 : vector<64x1000xi1>
    %jit3A_129 = arith.constant 1.000000e+00 : f32
    %jit3A_130 = arith.constant 0.000000e+00 : f32
    %broadcast_in_dim3A_131 = vector.broadcast %jit3A_129 : f32 to vector<64x1000xf32>
    %broadcast_in_dim3A_132 = vector.broadcast %jit3A_130 : f32 to vector<64x1000xf32>
    %select_n3A_133 = arith.select %and3A_128, %broadcast_in_dim3A_131, %broadcast_in_dim3A_132 : vector<64x1000xi1>, vector<64x1000xf32>
    %convert_element_type3A_134 = arith.truncf %select_n3A_133 : vector<64x1000xf32> to vector<64x1000xbf16>
    %slice3A_135 = vector.extract_strided_slice %convert_element_type3A_54 {offsets = [0, 3072], sizes = [1000, 1024], strides = [1, 1]} : vector<1000x4096xbf16> to vector<1000x1024xbf16>
    %dot_general3A_136 = arith.constant dense<0.000000e+00> : vector<64x1024xf32>
    %dot_general3A_137 = tpu.matmul %convert_element_type3A_134, %slice3A_135, %dot_general3A_136 {dimension_numbers = #tpu.dot_dimension_numbers<[1], [0], [0], [1], [0, 0, 1, 1], [], []>, transpose_lhs_hint = false} : vector<64x1000xbf16>, vector<1000x1024xbf16>, vector<64x1024xf32> -> vector<64x1024xf32>
    %add3A_138 = arith.addf %add3A_119, %dot_general3A_137 : vector<64x1024xf32>
    %eq3A_139 = arith.constant 0 : i32
    %eq3A_140 = arith.cmpi eq, %arg0, %eq3A_139 : i32
    %convert_element_type3A_141 = arith.extui %eq3A_140 : i1 to i32
    %cond3A = arith.constant 0 : i32
    %cond3A_142 = arith.cmpi ne, %convert_element_type3A_141, %cond3A : i32
    scf.if %cond3A_142 {
      %broadcast_in_dim3A_154 = arith.constant 0.000000e+00 : f32
      %broadcast_in_dim3A_155 = vector.broadcast %broadcast_in_dim3A_154 : f32 to vector<64x1024xf32>
      %swap3A_156 = arith.constant 0 : index
      %swap3A_157 = arith.constant 0 : index
      %swap3A_158 = vector.load %arg22[%swap3A_156, %swap3A_157] : memref<64x1024xf32, #tpu.memory_space<vmem>>, vector<64x1024xf32>
      tpu.vector_store %arg22[%swap3A_156, %swap3A_157], %broadcast_in_dim3A_155 {strides = array<i32>} : memref<64x1024xf32, #tpu.memory_space<vmem>>, vector<64x1024xf32>,
    } else {
    }
    %get3A_143 = arith.constant 0 : index
    %get3A_144 = arith.constant 0 : index
    %get3A_145 = vector.load %arg22[%get3A_143, %get3A_144] : memref<64x1024xf32, #tpu.memory_space<vmem>>, vector<64x1024xf32>
    %add3A_146 = arith.addf %get3A_145, %add3A_138 : vector<64x1024xf32>
    %swap3A = arith.constant 0 : index
    %swap3A_147 = arith.constant 0 : index
    %swap3A_148 = vector.load %arg22[%swap3A, %swap3A_147] : memref<64x1024xf32, #tpu.memory_space<vmem>>, vector<64x1024xf32>
    tpu.vector_store %arg22[%swap3A, %swap3A_147], %add3A_146 {strides = array<i32>} : memref<64x1024xf32, #tpu.memory_space<vmem>>, vector<64x1024xf32>,
    %eq3A_149 = arith.constant 12 : i32
    %eq3A_150 = arith.cmpi eq, %arg0, %eq3A_149 : i32
    %convert_element_type3A_151 = arith.extui %eq3A_150 : i1 to i32
    %cond3A_152 = arith.constant 0 : i32
    %cond3A_153 = arith.cmpi ne, %convert_element_type3A_151, %cond3A_152 : i32
    scf.if %cond3A_153 {
      %get3A_154 = arith.constant 0 : index
      %get3A_155 = arith.constant 0 : index
      %get3A_156 = vector.load %arg22[%get3A_154, %get3A_155] : memref<64x1024xf32, #tpu.memory_space<vmem>>, vector<64x1024xf32>
      %get3A_157 = arith.constant 0 : index
      %get3A_158 = arith.constant 0 : index
      %get3A_159 = vector.load %arg10[%get3A_157, %get3A_158] : memref<1024x300xf32, #tpu.memory_space<vmem>>, vector<1024x300xf32>
      %dot_general3A_160 = arith.constant dense<0.000000e+00> : vector<64x300xf32>
      %dot_general3A_161 = tpu.matmul %get3A_156, %get3A_159, %dot_general3A_160 {dimension_numbers = #tpu.dot_dimension_numbers<[1], [0], [0], [1], [0, 0, 1, 1], [], []>, transpose_lhs_hint = false} : vector<64x1024xf32>, vector<1024x300xf32>, vector<64x300xf32> -> vector<64x300xf32>
      %get3A_162 = arith.constant 0 : index
      %get3A_163 = arith.constant 0 : index
      %get3A_164 = vector.load %arg11[%get3A_162, %get3A_163] : memref<1x300xf32, #tpu.memory_space<vmem>>, vector<1x300xf32>
      %add3A_165 = vector.broadcast %get3A_164 : vector<1x300xf32> to vector<64x300xf32>
      %add3A_166 = arith.addf %dot_general3A_161, %add3A_165 : vector<64x300xf32>
      %logistic3A = arith.negf %add3A_166 : vector<64x300xf32>
      %logistic3A_167 = math.exp %logistic3A : vector<64x300xf32>
      %logistic3A_168 = arith.constant 1.000000e+00 : f32
      %logistic3A_169 = vector.broadcast %logistic3A_168 : f32 to vector<64x300xf32>
      %logistic3A_170 = arith.addf %logistic3A_169, %logistic3A_167 : vector<64x300xf32>
      %logistic3A_171 = arith.divf %logistic3A_169, %logistic3A_170 : vector<64x300xf32>
      %get3A_172 = arith.constant 0 : index
      %get3A_173 = arith.constant 0 : index
      %get3A_174 = vector.load %arg12[%get3A_172, %get3A_173] : memref<300x100xf32, #tpu.memory_space<vmem>>, vector<300x100xf32>
      %dot_general3A_175 = arith.constant dense<0.000000e+00> : vector<64x100xf32>
      %dot_general3A_176 = tpu.matmul %logistic3A_171, %get3A_174, %dot_general3A_175 {dimension_numbers = #tpu.dot_dimension_numbers<[1], [0], [0], [1], [0, 0, 1, 1], [], []>, transpose_lhs_hint = false} : vector<64x300xf32>, vector<300x100xf32>, vector<64x100xf32> -> vector<64x100xf32>
      %get3A_177 = arith.constant 0 : index
      %get3A_178 = arith.constant 0 : index
      %get3A_179 = vector.load %arg13[%get3A_177, %get3A_178] : memref<1x100xf32, #tpu.memory_space<vmem>>, vector<1x100xf32>
      %add3A_180 = vector.broadcast %get3A_179 : vector<1x100xf32> to vector<64x100xf32>
      %add3A_181 = arith.addf %dot_general3A_176, %add3A_180 : vector<64x100xf32>
      %logistic3A_182 = arith.negf %add3A_181 : vector<64x100xf32>
      %logistic3A_183 = math.exp %logistic3A_182 : vector<64x100xf32>
      %logistic3A_184 = arith.constant 1.000000e+00 : f32
      %logistic3A_185 = vector.broadcast %logistic3A_184 : f32 to vector<64x100xf32>
      %logistic3A_186 = arith.addf %logistic3A_185, %logistic3A_183 : vector<64x100xf32>
      %logistic3A_187 = arith.divf %logistic3A_185, %logistic3A_186 : vector<64x100xf32>
      %get3A_188 = arith.constant 0 : index
      %get3A_189 = arith.constant 0 : index
      %get3A_190 = vector.load %arg14[%get3A_188, %get3A_189] : memref<100x20xf32, #tpu.memory_space<vmem>>, vector<100x20xf32>
      %dot_general3A_191 = arith.constant dense<0.000000e+00> : vector<64x20xf32>
      %dot_general3A_192 = tpu.matmul %logistic3A_187, %get3A_190, %dot_general3A_191 {dimension_numbers = #tpu.dot_dimension_numbers<[1], [0], [0], [1], [0, 0, 1, 1], [], []>, transpose_lhs_hint = false} : vector<64x100xf32>, vector<100x20xf32>, vector<64x20xf32> -> vector<64x20xf32>
      %get3A_193 = arith.constant 0 : index
      %get3A_194 = arith.constant 0 : index
      %get3A_195 = vector.load %arg15[%get3A_193, %get3A_194] : memref<1x20xf32, #tpu.memory_space<vmem>>, vector<1x20xf32>
      %add3A_196 = vector.broadcast %get3A_195 : vector<1x20xf32> to vector<64x20xf32>
      %add3A_197 = arith.addf %dot_general3A_192, %add3A_196 : vector<64x20xf32>
      %reduce_max3A = arith.constant dense<0xFF800000> : vector<64xf32>
      %reduce_max3A_198 = vector.multi_reduction <maximumf>, %add3A_197, %reduce_max3A [1] : vector<64x20xf32> to vector<64xf32>
      %max3A_199 = arith.constant 0xFF800000 : f32
      %max3A_200 = vector.broadcast %max3A_199 : f32 to vector<64xf32>
      %max3A_201 = arith.maximumf %max3A_200, %reduce_max3A_198 : vector<64xf32>
      %broadcast_in_dim3A_202 = vector.shape_cast %max3A_201 : vector<64xf32> to vector<64x1xf32>
      %sub3A = vector.broadcast %broadcast_in_dim3A_202 : vector<64x1xf32> to vector<64x20xf32>
      %sub3A_203 = arith.subf %add3A_197, %sub3A : vector<64x20xf32>
      %exp3A = math.exp %sub3A_203 : vector<64x20xf32>
      %reduce_sum3A = arith.constant dense<0.000000e+00> : vector<64xf32>
      %reduce_sum3A_204 = vector.multi_reduction <add>, %exp3A, %reduce_sum3A [1] : vector<64x20xf32> to vector<64xf32>
      %broadcast_in_dim3A_205 = vector.shape_cast %reduce_sum3A_204 : vector<64xf32> to vector<64x1xf32>
      %div3A = vector.broadcast %broadcast_in_dim3A_205 : vector<64x1xf32> to vector<64x20xf32>
      %div3A_206 = arith.divf %exp3A, %div3A : vector<64x20xf32>
      %get3A_207 = arith.constant 0 : index
      %get3A_208 = arith.constant 0 : index
      %get3A_209 = vector.load %arg16[%get3A_207, %get3A_208] : memref<20x1xf32, #tpu.memory_space<vmem>>, vector<20x1xf32>
      %dot_general3A_210 = arith.constant dense<0.000000e+00> : vector<64x1xf32>
      %dot_general3A_211 = tpu.matmul %div3A_206, %get3A_209, %dot_general3A_210 {dimension_numbers = #tpu.dot_dimension_numbers<[1], [0], [0], [1], [0, 0, 1, 1], [], []>, transpose_lhs_hint = false} : vector<64x20xf32>, vector<20x1xf32>, vector<64x1xf32> -> vector<64x1xf32>
      %get3A_212 = arith.constant 0 : index
      %get3A_213 = arith.constant 0 : index
      %get3A_214 = vector.load %arg17[%get3A_212, %get3A_213] : memref<1x1xf32, #tpu.memory_space<vmem>>, vector<1x1xf32>
      %add3A_215 = vector.broadcast %get3A_214 : vector<1x1xf32> to vector<64x1xf32>
      %add3A_216 = arith.addf %dot_general3A_211, %add3A_215 : vector<64x1xf32>
      %max3A_217 = arith.constant 0.000000e+00 : f32
      %max3A_218 = vector.broadcast %max3A_217 : f32 to vector<64x1xf32>
      %max3A_219 = arith.maximumf %add3A_216, %max3A_218 : vector<64x1xf32>
      %get3A_220 = arith.constant 0 : index
      %get3A_221 = arith.constant 0 : index
      %get3A_222 = vector.load %arg18[%get3A_220, %get3A_221] : memref<16x1xf32, #tpu.memory_space<vmem>>, vector<1x1xf32>
      %mul3A_223 = vector.broadcast %get3A_222 : vector<1x1xf32> to vector<64x1xf32>
      %mul3A_224 = arith.mulf %max3A_219, %mul3A_223 : vector<64x1xf32>
      %get3A_225 = arith.constant 0 : index
      %get3A_226 = arith.constant 0 : index
      %get3A_227 = vector.load %arg20[%get3A_225, %get3A_226] : memref<64x15xf32, #tpu.memory_space<vmem>>, vector<64x15xf32>
      %get3A_228 = arith.constant 1 : index
      %get3A_229 = arith.constant 0 : index
      %get3A_230 = vector.load %arg18[%get3A_228, %get3A_229] : memref<16x1xf32, #tpu.memory_space<vmem>>, vector<15x1xf32>
      %dot_general3A_231 = arith.constant dense<0.000000e+00> : vector<64x1xf32>
      %dot_general3A_232 = tpu.matmul %get3A_227, %get3A_230, %dot_general3A_231 {dimension_numbers = #tpu.dot_dimension_numbers<[1], [0], [0], [1], [0, 0, 1, 1], [], []>, transpose_lhs_hint = false} : vector<64x15xf32>, vector<15x1xf32>, vector<64x1xf32> -> vector<64x1xf32>
      %add3A_233 = arith.addf %mul3A_224, %dot_general3A_232 : vector<64x1xf32>
      %get3A_234 = arith.constant 0 : index
      %get3A_235 = arith.constant 0 : index
      %get3A_236 = vector.load %arg19[%get3A_234, %get3A_235] : memref<1x1xf32, #tpu.memory_space<vmem>>, vector<1x1xf32>
      %add3A_237 = vector.broadcast %get3A_236 : vector<1x1xf32> to vector<64x1xf32>
      %add3A_238 = arith.addf %add3A_233, %add3A_237 : vector<64x1xf32>
      %max3A_239 = arith.constant 0.000000e+00 : f32
      %max3A_240 = vector.broadcast %max3A_239 : f32 to vector<64x1xf32>
      %max3A_241 = arith.maximumf %add3A_238, %max3A_240 : vector<64x1xf32>
      %swap3A_242 = arith.constant 0 : index
      %swap3A_243 = arith.constant 0 : index
      %swap3A_244 = vector.load %arg21[%swap3A_242, %swap3A_243] : memref<64x1xf32, #tpu.memory_space<vmem>>, vector<64x1xf32>
      tpu.vector_store %arg21[%swap3A_242, %swap3A_243], %max3A_241 {strides = array<i32>} : memref<64x1xf32, #tpu.memory_space<vmem>>, vector<64x1xf32>,
    } else {
    }
    return
  }
  func.func @transform_0(%arg0: i32) -> (i32, i32) {
    %c0_i32 = arith.constant 0 : i32
    %c0_i32_0 = arith.constant 0 : i32
    return %arg0, %c0_i32 : i32, i32
  }
  func.func @transform_1(%arg0: i32) -> (i32, i32) {
    %c0_i32 = arith.constant 0 : i32
    %c0_i32_0 = arith.constant 0 : i32
    return %arg0, %c0_i32 : i32, i32
  }
  func.func @transform_2(%arg0: i32) -> (i32, i32, i32) {
    %c0_i32 = arith.constant 0 : i32
    %c0_i32_0 = arith.constant 0 : i32
    %c0_i32_1 = arith.constant 0 : i32
    return %c0_i32, %arg0, %c0_i32_0 : i32, i32, i32
  }
  func.func @transform_3(%arg0: i32) -> (i32, i32, i32) {
    %c1_i32 = arith.constant 1 : i32
    %c0_i32 = arith.constant 0 : i32
    %c0_i32_0 = arith.constant 0 : i32
    return %c1_i32, %arg0, %c0_i32 : i32, i32, i32
  }
  func.func @transform_4(%arg0: i32) -> (i32, i32, i32) {
    %c0_i32 = arith.constant 0 : i32
    %c0_i32_0 = arith.constant 0 : i32
    %c0_i32_1 = arith.constant 0 : i32
    return %arg0, %c0_i32, %c0_i32_0 : i32, i32, i32
  }
  func.func @transform_5(%arg0: i32) -> (i32, i32) {
    %c0_i32 = arith.constant 0 : i32
    %c0_i32_0 = arith.constant 0 : i32
    %c0_i32_1 = arith.constant 0 : i32
    return %c0_i32, %c0_i32_0 : i32, i32
  }
  func.func @transform_6(%arg0: i32) -> (i32, i32) {
    %c0_i32 = arith.constant 0 : i32
    %c0_i32_0 = arith.constant 0 : i32
    %c0_i32_1 = arith.constant 0 : i32
    return %c0_i32, %c0_i32_0 : i32, i32
  }
  func.func @transform_7(%arg0: i32) -> (i32, i32) {
    %c0_i32 = arith.constant 0 : i32
    %c0_i32_0 = arith.constant 0 : i32
    %c0_i32_1 = arith.constant 0 : i32
    return %c0_i32, %c0_i32_0 : i32, i32
  }
  func.func @transform_8(%arg0: i32) -> (i32, i32) {
    %c0_i32 = arith.constant 0 : i32
    %c0_i32_0 = arith.constant 0 : i32
    %c0_i32_1 = arith.constant 0 : i32
    return %c0_i32, %c0_i32_0 : i32, i32
  }
  func.func @transform_9(%arg0: i32) -> (i32, i32) {
    %c0_i32 = arith.constant 0 : i32
    %c0_i32_0 = arith.constant 0 : i32
    %c0_i32_1 = arith.constant 0 : i32
    return %c0_i32, %c0_i32_0 : i32, i32
  }
  func.func @transform_10(%arg0: i32) -> (i32, i32) {
    %c0_i32 = arith.constant 0 : i32
    %c0_i32_0 = arith.constant 0 : i32
    %c0_i32_1 = arith.constant 0 : i32
    return %c0_i32, %c0_i32_0 : i32, i32
  }
  func.func @transform_11(%arg0: i32) -> (i32, i32) {
    %c0_i32 = arith.constant 0 : i32
    %c0_i32_0 = arith.constant 0 : i32
    %c0_i32_1 = arith.constant 0 : i32
    return %c0_i32, %c0_i32_0 : i32, i32
  }
  func.func @transform_12(%arg0: i32) -> (i32, i32) {
    %c0_i32 = arith.constant 0 : i32
    %c0_i32_0 = arith.constant 0 : i32
    %c0_i32_1 = arith.constant 0 : i32
    return %c0_i32, %c0_i32_0 : i32, i32
  }
  func.func @transform_13(%arg0: i32) -> (i32, i32) {
    %c0_i32 = arith.constant 0 : i32
    %c0_i32_0 = arith.constant 0 : i32
    %c0_i32_1 = arith.constant 0 : i32
    return %c0_i32, %c0_i32_0 : i32, i32
  }
  func.func @transform_14(%arg0: i32) -> (i32, i32) {
    %c0_i32 = arith.constant 0 : i32
    %c0_i32_0 = arith.constant 0 : i32
    %c0_i32_1 = arith.constant 0 : i32
    return %c0_i32, %c0_i32_0 : i32, i32
  }
  func.func @transform_15(%arg0: i32) -> (i32, i32) {
    %c0_i32 = arith.constant 0 : i32
    %c0_i32_0 = arith.constant 0 : i32
    %c0_i32_1 = arith.constant 0 : i32
    return %c0_i32, %c0_i32_0 : i32, i32
  }
  func.func @transform_16(%arg0: i32) -> (i32, i32) {
    %c0_i32 = arith.constant 0 : i32
    %c0_i32_0 = arith.constant 0 : i32
    %c0_i32_1 = arith.constant 0 : i32
    return %c0_i32, %c0_i32_0 : i32, i32
  }
  func.func @transform_17(%arg0: i32) -> (i32, i32) {
    %c0_i32 = arith.constant 0 : i32
    %c0_i32_0 = arith.constant 0 : i32
    %c0_i32_1 = arith.constant 0 : i32
    return %c0_i32, %c0_i32_0 : i32, i32
  }
  func.func @transform_18(%arg0: i32) -> (i32, i32) {
    %c0_i32 = arith.constant 0 : i32
    %c0_i32_0 = arith.constant 0 : i32
    %c0_i32_1 = arith.constant 0 : i32
    return %c0_i32, %c0_i32_0 : i32, i32
  }
  func.func @transform_19(%arg0: i32) -> (i32, i32) {
    %c0_i32 = arith.constant 0 : i32
    %c0_i32_0 = arith.constant 0 : i32
    %c0_i32_1 = arith.constant 0 : i32
    return %c0_i32, %c0_i32_0 : i32, i32
  }
  func.func @transform_20(%arg0: i32) -> (i32, i32) {
    %c0_i32 = arith.constant 0 : i32
    %c0_i32_0 = arith.constant 0 : i32
    %c0_i32_1 = arith.constant 0 : i32
    return %c0_i32, %c0_i32_0 : i32, i32
  }
}

</mosaic_0001>

<sc_bundles>
// kernel: kernel.5.cloned.1.call-start
scs
__scs_entry_jumppad:
0x0: {  	(pc) =	sbr.rel $0x88, $3  }
0x1: {  	(tag) =	ssettag $0x0;
	lr =	simm.s32 $0x1  }
0x2: {  	[smem:$0x3F8F] =	sst lr;
	_ =	strace $0xD0000000  }
0x3: {  	_ = 	snop  }
0x4: {  	_ = 	snop  }
0x5: {  	_ = 	snop  }
0x6: {  	_ = 	snop  }
0x7: {  	_ = 	snop  }
__scs_overlays_trampoline_lowered:
0x8: {  	[smem:$0x3F9E] =	sst s0  }
0x9: {  	[smem:$0x3F9F] =	sst s1  }
0xa: {  	[smem:$0x3FA0] =	sst s2  }
0xb: {  	[smem:$0x3FA1] =	sst s3  }
0xc: {  	[smem:$0x3FA2] =	sst s4  }
0xd: {  	[smem:$0x3FA3] =	sst s5  }
0xe: {  	[smem:$0x3FA4] =	sst s6  }
0xf: {  	[smem:$0x3FA5] =	sst s7  }
0x10: {  	[smem:$0x3FA6] =	sst s8  }
0x11: {  	[smem:$0x3FA7] =	sst s9;
	s0 =	simm.s32 @!p0 $0x0  }
0x12: {  	s1 =	sld [smem:$0x3F8D];
	s0 =	simm.s32 @p0 $0x1  }
0x13: {  	[smem:$0x3FA8] =	sst s0;
	s0 =	simm.s32 @!p1 $0x0  }
0x14: {  	s2 =	sld [smem:$0x3F8C];
	s0 =	simm.s32 @p1 $0x1  }
0x15: {  	[smem:$0x3FA9] =	sst s0;
	s0 =	simm.s32 @!p2 $0x0  }
0x16: {  	s3 =	sld [smem:$0x3FDB];
	s0 =	simm.s32 @p2 $0x1  }
0x17: {  	s4 =	simm.s32 $0x1BF5;
	[smem:$0x3FAB] =	sst s0  }
0x18: {  	s0 =	sld [smem:$0x3F8E];
	_ =	swait.ge [sflag:s4], $0x0  }
0x19: {  	s7 =	sld [smem:$0x3F8F]  }
0x1a: {  	s8 =	sadd.s32 $0xFFFFE003, lr  }
0x1b: {  	s9 =	sadd.s32 $0xFFFFFEF7, lr;
	s5 =	simm.s32 $0xFFFFFFFF;
	p2 =	slt.u32 s8, $0xFFFFF086  }
0x1c: {  	p1 =	slt.u32 s9, $0xF7A;
	s5 =	simm.s32 @!p2 $0x0  }
0x1d: {  	s5 =	simm.s32 @p1 $0x1;
	p0 =	seq.s32 s7, s2  }
0x1e: {  	s7 =	smul.u32 @!p0 $0xF7A, s2;
	p2 =	seq.s32 @!p0 s5, $0x0  }
0x1f: {  	s9 =	smul.u32 $0xF7A, s1;
	s8 =	simm.s32 @!p0 $0x1BF5;
	p2 =	por !p2, p0  }
0x20: {  	[sflag:s8] =	ssyncset.s32 @!p0 $0xFFFFF086;
	s6 =	sadd.s32 @!p0 s3, s7;
	s7 =	simm.s32 @!p0 $0x108  }
0x21: {  	s3 =	sadd.s32 s3, s9;
	s6 =	sadd.s32 @!p0 $0x88, s6;
	s7 =	simm.s32 @p2 $0x1082  }
0x22: {  	[simem:s7], [sflag:s8] =	dma.local @!p0 [hbm:s6], $0xF7A  }
0x23: {  	s9 =	sor.u32 $0xD0000000, s2;
	s6 =	simm.s32 $0x108;
	_ =	swait.ge @!p0 [sflag:s8], $0x0  }
0x24: {  	s3 =	sadd.s32 $0x88, s3;
	s6 =	simm.s32 @!p1 $0x1082;
	[sflag:s4] =	ssyncset.s32 $0xFFFFF086  }
0x25: {  	[simem:s6], [sflag:s4] =	dma.local [hbm:s3], $0xF7A  }
0x26: {  	[smem:$0x3F8F] =	sst s1;
	(tag) =	ssettag s2;
	_ =	strace s9  }
0x27: {  	s1 =	sld [smem:$0x3F9F]  }
0x28: {  	s2 =	sld [smem:$0x3FA0]  }
0x29: {  	s4 =	sld [smem:$0x3FA2]  }
0x2a: {  	p0 =	seq.s32 s5, $0x0;
	s5 =	sld [smem:$0x3FA3]  }
0x2b: {  	s6 =	sld [smem:$0x3FA4]  }
0x2c: {  	s7 =	sld [smem:$0x3FA5]  }
0x2d: {  	s3 =	simm.s32 $0x108;
	s8 =	sld [smem:$0x3FA6]  }
0x2e: {  	s3 =	simm.s32 @!p0 $0x1082;
	s9 =	sld [smem:$0x3FA7]  }
0x2f: {  	lr =	sadd.s32 s0, s3;
	s0 =	sld [smem:$0x3F9E]  }
0x30: {  	s3 =	sld [smem:$0x3FA1]  }
0x31: {  	[smem:$0x3FAA] =	sst s10  }
0x32: {  	s10 =	sld [smem:$0x3FA8];
	_ =	sdelay $0x3  }
0x33: {  	p0 =	seq.s32 s10, $0x1;
	s10 =	sld [smem:$0x3FAA];
	_ =	sdelay $0x3  }
0x34: {  	[smem:$0x3FAA] =	sst s10  }
0x35: {  	s10 =	sld [smem:$0x3FA9];
	_ =	sdelay $0x3  }
0x36: {  	p1 =	seq.s32 s10, $0x1;
	s10 =	sld [smem:$0x3FAA];
	_ =	sdelay $0x3  }
0x37: {  	[smem:$0x3FAA] =	sst s10  }
0x38: {  	s10 =	sld [smem:$0x3FAB]  }
0x39: {  	_ = 	snop;
	(pc) =	sbr.ind lr, $3  }
0x3a: {  	_ = 	snop  }
0x3b: {  	_ = 	snop  }
0x3c: {  	p2 =	seq.s32 s10, $0x1;
	s10 =	sld [smem:$0x3FAA]  }
0x3d: {  	_ =	shalt  }
0x3e: {  	_ =	shalt  }
0x3f: {  	_ =	shalt  }
0x40: {  	_ =	shalt  }
0x41: {  	_ =	shalt  }
0x42: {  	_ =	shalt  }
0x43: {  	_ =	shalt  }
0x44: {  	_ =	shalt  }
0x45: {  	_ =	shalt  }
0x46: {  	_ =	shalt  }
0x47: {  	_ =	shalt  }
0x48: {  	_ =	shalt  }
0x49: {  	_ =	shalt  }
0x4a: {  	_ =	shalt  }
0x4b: {  	_ =	shalt  }
0x4c: {  	_ =	shalt  }
0x4d: {  	_ =	shalt  }
0x4e: {  	_ =	shalt  }
0x4f: {  	_ =	shalt  }
0x50: {  	_ =	shalt  }
0x51: {  	_ =	shalt  }
0x52: {  	_ =	shalt  }
0x53: {  	_ =	shalt  }
0x54: {  	_ =	shalt  }
0x55: {  	_ =	shalt  }
0x56: {  	_ =	shalt  }
0x57: {  	_ =	shalt  }
0x58: {  	_ =	shalt  }
0x59: {  	_ =	shalt  }
0x5a: {  	_ =	shalt  }
0x5b: {  	_ =	shalt  }
0x5c: {  	_ =	shalt  }
0x5d: {  	_ =	shalt  }
0x5e: {  	_ =	shalt  }
0x5f: {  	_ =	shalt  }
0x60: {  	_ =	shalt  }
0x61: {  	_ =	shalt  }
0x62: {  	_ =	shalt  }
0x63: {  	_ =	shalt  }
0x64: {  	_ =	shalt  }
0x65: {  	_ =	shalt  }
0x66: {  	_ =	shalt  }
0x67: {  	_ =	shalt  }
0x68: {  	_ =	shalt  }
0x69: {  	_ =	shalt  }
0x6a: {  	_ =	shalt  }
0x6b: {  	_ =	shalt  }
0x6c: {  	_ =	shalt  }
0x6d: {  	_ =	shalt  }
0x6e: {  	_ =	shalt  }
0x6f: {  	_ =	shalt  }
0x70: {  	_ =	shalt  }
0x71: {  	_ =	shalt  }
0x72: {  	_ =	shalt  }
0x73: {  	_ =	shalt  }
0x74: {  	_ =	shalt  }
0x75: {  	_ =	shalt  }
0x76: {  	_ =	shalt  }
0x77: {  	_ =	shalt  }
0x78: {  	_ =	shalt  }
0x79: {  	_ =	shalt  }
0x7a: {  	_ =	shalt  }
0x7b: {  	_ =	shalt  }
0x7c: {  	_ =	shalt  }
0x7d: {  	_ =	shalt  }
0x7e: {  	_ =	shalt  }
0x7f: {  	_ =	shalt  }
0x80: {  	_ =	shalt  }
0x81: {  	_ =	shalt  }
0x82: {  	_ =	shalt  }
0x83: {  	_ =	shalt  }
0x84: {  	_ =	shalt  }
0x85: {  	_ =	shalt  }
0x86: {  	_ =	shalt  }
0x87: {  	_ =	shalt  }
.Lfunc_end0:
.L_simem_size_0:
called_computation_lowered:
.L_overlay_start_0:
0x88: {  	s2 =	sld [smem:$0x3FD9]  }
0x89: {  	s3 =	sld [smem:$0x3FFE];
	_ =	sdelay $0x1  }
0x8a: {  	s1 =	srdreg.scid  }
0x8b: {  	s0 =	sand.u32 $0x1, s1  }
0x8c: {  	s16 =	sshll.u32 s0, $0xA;
	s2 =	sadd.s32 s3, s2  }
0x8d: {  	s2 =	sadd.s32 s2, s16  }
0x8e: {  	[smem:$0x3FB6] =	sst s2  }
0x8f: {  	_ = 	snop  }
0x90: {  	(tm) =	ssettm $0x1  }
0x91: {  	s17 =	sld [smem:$0x3FFB];
	_ =	sdelay $0x3  }
0x92: {  	_ =	strace s17  }
0x93: {  	s2 =	sld [smem:$0x3FFC];
	_ =	sdelay $0x3  }
0x94: {  	_ =	strace s2  }
0x95: {  	s2 =	sld [smem:$0x3FFD];
	_ =	sdelay $0x3  }
0x96: {  	_ =	strace s2  }
0x97: {  	_ =	strace $0x8FFFFFFF  }
0x98: {  	s18 =	sld [smem:$0x3FDB];
	_ =	sdelay $0x1  }
0x99: {  	s19 =	simm.s32 $_scs_section_size  }
0x9a: {  	s4 =	simm.s32 $_size__tile_overlayer_lowered;
	s5 =	simm.s32 $_tile_overlayer_lowered  }
0x9b: {  	s22 =	simm.s32 $0x1BFF;
	s21 =	sshll.u32 s5, $0x1;
	s2 =	sadd.s32 s19, s18  }
0x9c: {  	s6 =	simm.s32 $0x0;
	s20 =	sshll.u32 s4, $0x1;
	s4 =	sadd.s32 s21, s2  }
0x9d: {  	[timem:s6], [sflag:s22] =	dma.local [hbm:s4], s20  }
0x9e: {  	_ =	swait.ge [sflag:s22], s20  }
0x9f: {  	s3 =	ssub.s32 $0x0, s20;
	[sflag:s22] =	ssyncset.done $0x0  }
0xa0: {  	[sflag:s22] =	ssyncadd.s32 s3;
	_ =	sdelay $0x1  }
0xa1: {  	s23 =	simm.s32 $0x1B8B  }
0xa2: {  	_ =	swait.ge [sflag:s23], $0x1  }
0xa3: {  	[sflag:s23] =	ssyncset.done $0x0  }
0xa4: {  	s25 =	simm.s32 $0x1B8E;
	s24 =	sld [smem:$0x3FFE];
	[sflag:s23] =	ssyncadd.s32 $0xFFFFFFFF  }
0xa5: {  	s26 =	simm.s32 $execute0_lowered;
	[smem:$0x3FD2] =	sst s25  }
0xa6: {  	s4 =	sshll.u32 s26, $0x1;
	_ =	strace $0x80000046;
	[dreg:$0x1] =	wrdreg $0xFFFFFFFF  }
0xa7: {  	s28 =	simm.s32 $_size_execute0_lowered;
	s2 =	sadd.s32 s2, s4;
	[dreg:$0x0] =	wrdreg $0x0  }
0xa8: {  	s4 =	sshll.u32 s28, $0x1;
	[dreg:$0x2] =	wrdreg s2  }
0xa9: {  	[dreg:$0x3] =	wrdreg s4  }
0xaa: {  	[dreg:$0x4] =	wrdreg $0xC0  }
0xab: {  	_ =	task [dreg:s6], $0x5FFFF  }
0xac: {  	[dreg:$0x1] =	wrdreg $0xFFFFFFFF  }
0xad: {  	[dreg:$0x0] =	wrdreg $0x60  }
0xae: {  	[dreg:$0x2] =	wrdreg s24  }
0xaf: {  	[dreg:$0x3] =	wrdreg $0x8D000  }
0xb0: {  	[dreg:$0x4] =	wrdreg $0x9  }
0xb1: {  	_ =	task.clear_ibuf [dreg:s6], $0x5FFFF;
	_ =	strace $0x90000046  }
0xb2: {  	s29 =	simm.s32 $0x9;
	_ =	strace $0x80000048  }
0xb3: {  	_ =	swait.ge [sflag:s29], $0x1  }
0xb4: {  	[sflag:s29] =	ssyncadd.s32 $0xFFFFFFFF  }
0xb5: {  	_ =	strace $0x90000048  }
0xb6: {  	_ =	sfence  }
0xb7: {  	s30 =	sld [smem:$0x0];
	_ =	sdelay $0x2  }
0xb8: {  	s31 =	sshll.u32 s1, $0xD;
	s1 =	sshrl.u32 s1, $0x2  }
0xb9: {  	s3 =	sand.u32 $0x4000, s31;
	s1 =	sadd.s32 s1, s30  }
0xba: {  	s0 =	sor.u32 s3, s0;
	s1 =	sshll.u32 s1, $0x11  }
0xbb: {  	s0 =	sor.u32 s1, s0  }
0xbc: {  	s0 =	sadd.s32 $0x8F2B, s0  }
0xbd: {  	[sflag:s0] =	ssyncadd.remote.s32 $0x1  }
0xbe: {  	_ =	sfence.sel $0xFFFF  }
0xbf: {  	[dreg:$0x0] =	wrdreg $0xFFFFFFFF;
	(pc) =	sbr.abs _section_cstart, $3  }
0xc0: {  	[dreg:$0x1] =	wrdreg $0xFFFFFFFF  }
0xc1: {  	_ =	task.clear_ibuf [dreg:s6], $0x2FFFF;
	_ =	strace $0x9FFFFFFF  }
0xc2: {  	(tm) =	ssettm $0x7FFFFFFF  }
0xc3: {  	_ =	shalt  }
tec
execute0_lowered:
.L_overlay_start_1:
0x0: {  	(tag) =	ssettag $0x1  }
0x1: {  	s0 =	rddreg [dreg:$0x0];
	s10 =	stileid.u32  }
0x2: {  	s3 =	srdreg.scid;
	s2 =	rddreg [dreg:$0x1];
	s13 =	simm.s32 $0x5  }
0x3: {  	s15 =	simm.s32 $0x7D;
	s22 =	simm.s32 $0x800;
	s23 =	simm.s32 $0xFD0  }
0x4: {  	s29 =	simm.s32 $0x2740;
	s31 =	simm.s32 $0x36E0;
	s17 =	simm.s32 $0x4E80  }
0x5: {  	s21 =	simm.s32 $0x5650;
	s30 =	simm.s32 $0x65F0;
	s14 =	simm.s32 $0x7D60  }
0x6: {  	s18 =	simm.s32 $0x8530;
	s20 =	simm.s32 $0x1;
	s28 =	simm.s32 $0x3  }
0x7: {  	s19 =	simm.s32 $0x0;
	s1 =	smul.u32 $0x1900, s10;
	s6 =	sand.u32 $0x1, s3  }
0x8: {  	s7 =	smul.u32 $0x18800, s10;
	s3 =	simm.s32 $0x0;
	s5 =	sadd.s32 $0x1B000, s0  }
0x9: {  	s9 =	sadd.s32 $0x33800, s0;
	s10 =	sshll.u32 s10, $0x6;
	s4 =	smul.u32 $0x188000, s6  }
0xa: {  	[smem:$0x7FF] =	sst s3;
	s24 =	ssub.s32 $0x2, s6;
	s12 =	sor.u32 $0x1C05, s10  }
0xb: {  	p0 =	seq.s32 s6, $0x1;
	s10 =	simm.s32 $0x6DC0;
	s6 =	simm.s32 $0x2  }
0xc: {  	_ =	strace $0x80000047;
	s1 =	sadd.s32 s1, s0;
	[dreg:$0x3] =	wrdreg s9  }
0xd: {  	s25 =	sshrl.u32 s24, $0x1;
	[dreg:$0x4] =	wrdreg s12;
	s8 =	sadd.s32 s7, s4  }
0xe: {  	s4 =	sadd.s32 $0x2800, s0;
	s7 =	sshrl.u32 s7, $0x1;
	s11 =	ssub.s32 s24, s25  }
0xf: {  	s9 =	sadd.s32 $0xAE200, s1;
	s24 =	simm.s32 $0x17A0;
	s25 =	simm.s32 $0x5E20  }
.Ltmp0:
0x10: {  	s8 =	sshrl.u32 s8, $0x4;
	s7 =	sadd.s32 s7, s2;
	(pc) =	sbr.rel .LBB2_1-.Ltmp0, $4  }
0x11: {  	s26 =	smax.u32 s11, $0x1;
	s0 =	sadd.s32 s8, s0;
	s8 =	sadd.s32 $0x95200, s1  }
0x12: {  	[dreg:$0x6] =	wrdreg s26;
	s16 =	sshrl.u32 s7, $0x3;
	s26 =	simm.s32 $0x1F70  }
0x13: {  	s1 =	simm.s32 $0x4680;
	s0 =	sadd.s32 $0x35200, s0;
	[dreg:$0x7] =	wrdreg s16  }
0x14: {  	s7 =	simm.s32 $0x7590;
	[dreg:$0x5] =	wrdreg s0;
	s0 =	simm.s32 $0x4A80  }
.LBB2_7:
0x15: {  	s29 =	simm.s32 $0x4E00;
	s11 =	simm.s32 @!p1 $0x4  }
0x16: {  	[spmem:s2] =	stream.indirect.scatter.add.bf16 [tilespmem:s18], [sflag:$0x4], $0x10, s29, s15, $0xb8;
	[tilespmem:$0x15100] =	vst v63  }
0x17: {  	_ =	swait.ge @!p1 [sflag:s11], $0x7D0  }
0x18: {  	[sflag:s11] =	ssyncset.done @!p1 $0x0  }
0x19: {  	[sflag:s11] =	ssyncadd.s32 @!p1 $0xFFFFF830  }
0x1a: {  	_ =	swait.ge @!p1 [sflag:s11], $0x7D0  }
0x1b: {  	[sflag:s11] =	ssyncset.done @!p1 $0x0  }
0x1c: {  	[sflag:s11] =	ssyncadd.s32 @!p1 $0xFFFFF830  }
0x1d: {  	_ =	swait.ge @!p1 [sflag:s11], $0x7D0  }
0x1e: {  	[sflag:s11] =	ssyncset.done @!p1 $0x0  }
0x1f: {  	[sflag:s11] =	ssyncadd.s32 @!p1 $0xFFFFF830  }
0x20: {  	_ =	swait.ge @!p1 [sflag:s11], $0x7D0  }
0x21: {  	[sflag:s11] =	ssyncset.done @!p1 $0x0  }
0x22: {  	[sflag:s11] =	ssyncadd.s32 @!p1 $0xFFFFF830  }
0x23: {  	_ =	swait.ge @!p1 [sflag:s11], $0x7D0  }
0x24: {  	[sflag:s11] =	ssyncset.done @!p1 $0x0  }
0x25: {  	[sflag:s11] =	ssyncadd.s32 @!p1 $0xFFFFF830  }
0x26: {  	_ =	swait.ge @!p1 [sflag:s11], $0x7D0  }
0x27: {  	[sflag:s11] =	ssyncset.done @!p1 $0x0  }
0x28: {  	[sflag:s11] =	ssyncadd.s32 @!p1 $0xFFFFF830  }
0x29: {  	_ =	swait.ge @!p1 [sflag:s11], $0x7D0  }
0x2a: {  	[sflag:s11] =	ssyncset.done @!p1 $0x0  }
0x2b: {  	[sflag:s11] =	ssyncadd.s32 @!p1 $0xFFFFF830  }
0x2c: {  	_ =	swait.ge @!p1 [sflag:s11], $0x7D0  }
0x2d: {  	s12 =	sadd.s32 s31, s8;
	[sflag:s11] =	ssyncset.done @!p1 $0x0  }
0x2e: {  	s16 =	sadd.s32 $0x80, s12;
	[sflag:s11] =	ssyncadd.s32 @!p1 $0xFFFFF830  }
0x2f: {  	[tilespmem:s1], [sflag:$0x5] =	stream.linear.gather [hbm4b:s16+s3], $0x400, $0x38;
	[tilespmem:$0x15100] =	vst v63  }
0x30: {  	_ =	swait.ge [sflag:s13], $0x400  }
0x31: {  	s19 =	sadd.s32 s31, s9;
	[sflag:s13] =	ssyncset.done $0x0  }
0x32: {  	s11 =	sadd.s32 $0x80, s19;
	[sflag:s13] =	ssyncadd.s32 $0xFFFFFC00  }
0x33: {  	[tilespmem:s0], [sflag:$0x5] =	stream.linear.gather [hbm4b:s11+s3], $0x400, $0x38;
	[tilespmem:$0x15100] =	vst v63  }
0x34: {  	_ =	swait.ge [sflag:s13], $0x400  }
0x35: {  	[sflag:s13] =	ssyncset.done $0x0  }
0x36: {  	[sflag:s13] =	ssyncadd.s32 $0xFFFFFC00  }
0x37: {  	[tilespmem:s17], [sflag:$0x2] =	stream.indirect.gather [hbm4b:s5+s15], $0x10, s1, s15, $0xb8;
	[tilespmem:$0x15100] =	vst v63  }
0x38: {  	s12 =	simm.s32 $0x4700  }
0x39: {  	[tilespmem:s21], [sflag:$0x2] =	stream.indirect.gather [hbm4b:s5+s15], $0x10, s12, s15, $0xb8;
	[tilespmem:$0x15100] =	vst v63  }
0x3a: {  	s16 =	simm.s32 $0x4780  }
0x3b: {  	[tilespmem:s25], [sflag:$0x2] =	stream.indirect.gather [hbm4b:s5+s15], $0x10, s16, s15, $0xb8;
	[tilespmem:$0x15100] =	vst v63  }
0x3c: {  	s19 =	simm.s32 $0x4800  }
0x3d: {  	[tilespmem:s30], [sflag:$0x2] =	stream.indirect.gather [hbm4b:s5+s15], $0x10, s19, s15, $0xb8;
	[tilespmem:$0x15100] =	vst v63  }
0x3e: {  	s12 =	simm.s32 $0x4880  }
0x3f: {  	[tilespmem:s10], [sflag:$0x2] =	stream.indirect.gather [hbm4b:s5+s15], $0x10, s12, s15, $0xb8;
	[tilespmem:$0x15100] =	vst v63  }
0x40: {  	s16 =	simm.s32 $0x4900  }
0x41: {  	[tilespmem:s7], [sflag:$0x2] =	stream.indirect.gather [hbm4b:s5+s15], $0x10, s16, s15, $0xb8;
	[tilespmem:$0x15100] =	vst v63  }
0x42: {  	s19 =	simm.s32 $0x4980  }
0x43: {  	[tilespmem:s14], [sflag:$0x2] =	stream.indirect.gather [hbm4b:s5+s15], $0x10, s19, s15, $0xb8;
	[tilespmem:$0x15100] =	vst v63  }
0x44: {  	s12 =	simm.s32 $0x4A00  }
0x45: {  	[tilespmem:s18], [sflag:$0x2] =	stream.indirect.gather [hbm4b:s5+s15], $0x10, s12, s15, $0xb8;
	[tilespmem:$0x15100] =	vst v63  }
0x46: {  	_ =	swait.ge [sflag:s20], $0x7D0  }
0x47: {  	[sflag:s20] =	ssyncset.done $0x0  }
0x48: {  	[sflag:s20] =	ssyncadd.s32 $0xFFFFF830  }
0x49: {  	_ =	swait.ge [sflag:s20], $0x7D0  }
0x4a: {  	[sflag:s20] =	ssyncset.done $0x0  }
0x4b: {  	[sflag:s20] =	ssyncadd.s32 $0xFFFFF830  }
0x4c: {  	_ =	swait.ge [sflag:s20], $0x7D0  }
0x4d: {  	[sflag:s20] =	ssyncset.done $0x0  }
0x4e: {  	[sflag:s20] =	ssyncadd.s32 $0xFFFFF830  }
0x4f: {  	_ =	swait.ge [sflag:s20], $0x7D0  }
0x50: {  	[sflag:s20] =	ssyncset.done $0x0  }
0x51: {  	[sflag:s20] =	ssyncadd.s32 $0xFFFFF830  }
0x52: {  	_ =	swait.ge [sflag:s20], $0x7D0  }
0x53: {  	[sflag:s20] =	ssyncset.done $0x0  }
0x54: {  	[sflag:s20] =	ssyncadd.s32 $0xFFFFF830  }
0x55: {  	_ =	swait.ge [sflag:s20], $0x7D0  }
0x56: {  	[sflag:s20] =	ssyncset.done $0x0  }
0x57: {  	[sflag:s20] =	ssyncadd.s32 $0xFFFFF830  }
0x58: {  	_ =	swait.ge [sflag:s20], $0x7D0  }
0x59: {  	[sflag:s20] =	ssyncset.done $0x0  }
0x5a: {  	[sflag:s20] =	ssyncadd.s32 $0xFFFFF830  }
0x5b: {  	_ =	swait.ge [sflag:s20], $0x7D0  }
0x5c: {  	[sflag:s20] =	ssyncset.done $0x0  }
0x5d: {  	[sflag:s20] =	ssyncadd.s32 $0xFFFFF830  }
0x5e: {  	[spmem:s2] =	stream.indirect.scatter.add.bf16 [tilespmem:s24], [sflag:$0x3], $0x10, s22, s15, $0xb8;
	[tilespmem:$0x15100] =	vst v63  }
0x5f: {  	s16 =	simm.s32 $0x480  }
0x60: {  	[spmem:s2] =	stream.indirect.scatter.add.bf16 [tilespmem:s26], [sflag:$0x3], $0x10, s16, s15, $0xb8;
	[tilespmem:$0x15100] =	vst v63  }
0x61: {  	s19 =	simm.s32 $0x500;
	s22 =	simm.s32 $0x17A0  }
0x62: {  	[spmem:s2] =	stream.indirect.scatter.add.bf16 [tilespmem:s22], [sflag:$0x3], $0x10, s19, s15, $0xb8;
	[tilespmem:$0x15100] =	vst v63  }
0x63: {  	s24 =	simm.s32 $0x580;
	s26 =	simm.s32 $0x1F70  }
0x64: {  	[spmem:s2] =	stream.indirect.scatter.add.bf16 [tilespmem:s26], [sflag:$0x3], $0x10, s24, s15, $0xb8;
	[tilespmem:$0x15100] =	vst v63  }
0x65: {  	s12 =	simm.s32 $0x600;
	s16 =	simm.s32 $0x2740  }
0x66: {  	[spmem:s2] =	stream.indirect.scatter.add.bf16 [tilespmem:s16], [sflag:$0x3], $0x10, s12, s15, $0xb8;
	[tilespmem:$0x15100] =	vst v63  }
0x67: {  	s19 =	simm.s32 $0x2F10;
	s22 =	simm.s32 $0x680  }
0x68: {  	[spmem:s2] =	stream.indirect.scatter.add.bf16 [tilespmem:s19], [sflag:$0x3], $0x10, s22, s15, $0xb8;
	[tilespmem:$0x15100] =	vst v63  }
0x69: {  	s24 =	simm.s32 $0x700;
	s26 =	simm.s32 $0x36E0  }
0x6a: {  	[spmem:s2] =	stream.indirect.scatter.add.bf16 [tilespmem:s26], [sflag:$0x3], $0x10, s24, s15, $0xb8;
	[tilespmem:$0x15100] =	vst v63  }
0x6b: {  	s16 =	simm.s32 $0x3EB0;
	s19 =	simm.s32 $0x780  }
0x6c: {  	[spmem:s2] =	stream.indirect.scatter.add.bf16 [tilespmem:s16], [sflag:$0x3], $0x10, s19, s15, $0xb8;
	[tilespmem:$0x15100] =	vst v63  }
0x6d: {  	_ =	swait.ge [sflag:s28], $0x7D0  }
0x6e: {  	[sflag:s28] =	ssyncset.done $0x0  }
0x6f: {  	[sflag:s28] =	ssyncadd.s32 $0xFFFFF830  }
0x70: {  	_ =	swait.ge [sflag:s28], $0x7D0  }
0x71: {  	[sflag:s28] =	ssyncset.done $0x0  }
0x72: {  	[sflag:s28] =	ssyncadd.s32 $0xFFFFF830  }
0x73: {  	_ =	swait.ge [sflag:s28], $0x7D0  }
0x74: {  	[sflag:s28] =	ssyncset.done $0x0  }
0x75: {  	[sflag:s28] =	ssyncadd.s32 $0xFFFFF830  }
0x76: {  	_ =	swait.ge [sflag:s28], $0x7D0  }
0x77: {  	[sflag:s28] =	ssyncset.done $0x0  }
0x78: {  	[sflag:s28] =	ssyncadd.s32 $0xFFFFF830  }
0x79: {  	_ =	swait.ge [sflag:s28], $0x7D0  }
0x7a: {  	[sflag:s28] =	ssyncset.done $0x0  }
0x7b: {  	[sflag:s28] =	ssyncadd.s32 $0xFFFFF830  }
0x7c: {  	_ =	swait.ge [sflag:s28], $0x7D0  }
0x7d: {  	[sflag:s28] =	ssyncset.done $0x0  }
0x7e: {  	[sflag:s28] =	ssyncadd.s32 $0xFFFFF830  }
0x7f: {  	_ =	swait.ge [sflag:s28], $0x7D0  }
0x80: {  	[sflag:s28] =	ssyncset.done $0x0  }
0x81: {  	p1 =	seq.s32 s31, $0x1800;
	[sflag:s28] =	ssyncadd.s32 $0xFFFFF830  }
0x82: {  	s11 =	sadd.s32 @!p1 s31, s8;
	_ =	swait.ge [sflag:s28], $0x7D0  }
0x83: {  	s11 =	sadd.s32 @!p1 $0x100, s11;
	[sflag:s28] =	ssyncset.done $0x0  }
0x84: {  	s12 =	simm.s32 @!p1 $0x5;
	s16 =	simm.s32 @!p1 $0x0;
	[sflag:s28] =	ssyncadd.s32 $0xFFFFF830  }
0x85: {  	[tilespmem:s16], [sflag:$0x5] =	stream.linear.gather @!p1 [hbm4b:s11+s16], $0x400, $0x38;
	[tilespmem:$0x15100] =	vst v63  }
0x86: {  	_ =	swait.ge @!p1 [sflag:s12], $0x400  }
0x87: {  	s11 =	sadd.s32 @!p1 s31, s9;
	[sflag:s12] =	ssyncset.done @!p1 $0x0  }
0x88: {  	s19 =	simm.s32 @!p1 $0x400;
	s11 =	sadd.s32 @!p1 $0x100, s11;
	[sflag:s12] =	ssyncadd.s32 @!p1 $0xFFFFFC00  }
0x89: {  	[tilespmem:s19], [sflag:$0x5] =	stream.linear.gather @!p1 [hbm4b:s11+s16], $0x400, $0x38;
	[tilespmem:$0x15100] =	vst v63  }
0x8a: {  	_ =	swait.ge @!p1 [sflag:s12], $0x400  }
0x8b: {  	[sflag:s12] =	ssyncset.done @!p1 $0x0  }
0x8c: {  	s11 =	simm.s32 @!p1 $0x7D;
	[sflag:s12] =	ssyncadd.s32 @!p1 $0xFFFFFC00;
	s12 =	simm.s32 @!p1 $0x800  }
0x8d: {  	[tilespmem:s12], [sflag:$0x1] =	stream.indirect.gather @!p1 [hbm4b:s5+s11], $0x10, s16, s11, $0xb8;
	[tilespmem:$0x15100] =	vst v63  }
0x8e: {  	s12 =	simm.s32 @!p1 $0x80;
	s16 =	simm.s32 @!p1 $0xFD0  }
0x8f: {  	[tilespmem:s16], [sflag:$0x1] =	stream.indirect.gather @!p1 [hbm4b:s5+s11], $0x10, s12, s11, $0xb8;
	[tilespmem:$0x15100] =	vst v63  }
0x90: {  	s12 =	simm.s32 @!p1 $0x100;
	s16 =	simm.s32 @!p1 $0x17A0  }
0x91: {  	[tilespmem:s16], [sflag:$0x1] =	stream.indirect.gather @!p1 [hbm4b:s5+s11], $0x10, s12, s11, $0xb8;
	[tilespmem:$0x15100] =	vst v63  }
0x92: {  	s12 =	simm.s32 @!p1 $0x180;
	s16 =	simm.s32 @!p1 $0x1F70  }
0x93: {  	[tilespmem:s16], [sflag:$0x1] =	stream.indirect.gather @!p1 [hbm4b:s5+s11], $0x10, s12, s11, $0xb8;
	[tilespmem:$0x15100] =	vst v63  }
0x94: {  	s12 =	simm.s32 @!p1 $0x200;
	s16 =	simm.s32 @!p1 $0x2740  }
0x95: {  	[tilespmem:s16], [sflag:$0x1] =	stream.indirect.gather @!p1 [hbm4b:s5+s11], $0x10, s12, s11, $0xb8;
	[tilespmem:$0x15100] =	vst v63  }
0x96: {  	s12 =	simm.s32 @!p1 $0x280;
	s16 =	simm.s32 @!p1 $0x2F10  }
0x97: {  	[tilespmem:s16], [sflag:$0x1] =	stream.indirect.gather @!p1 [hbm4b:s5+s11], $0x10, s12, s11, $0xb8;
	[tilespmem:$0x15100] =	vst v63  }
0x98: {  	s12 =	simm.s32 @!p1 $0x300;
	s16 =	simm.s32 @!p1 $0x36E0  }
0x99: {  	[tilespmem:s16], [sflag:$0x1] =	stream.indirect.gather @!p1 [hbm4b:s5+s11], $0x10, s12, s11, $0xb8;
	[tilespmem:$0x15100] =	vst v63  }
0x9a: {  	s12 =	simm.s32 @!p1 $0x380;
	s16 =	simm.s32 @!p1 $0x3EB0  }
0x9b: {  	[tilespmem:s16], [sflag:$0x1] =	stream.indirect.gather @!p1 [hbm4b:s5+s11], $0x10, s12, s11, $0xb8;
	[tilespmem:$0x15100] =	vst v63  }
0x9c: {  	_ =	swait.ge [sflag:s6], $0x7D0  }
0x9d: {  	[sflag:s6] =	ssyncset.done $0x0  }
0x9e: {  	[sflag:s6] =	ssyncadd.s32 $0xFFFFF830  }
0x9f: {  	_ =	swait.ge [sflag:s6], $0x7D0  }
0xa0: {  	[sflag:s6] =	ssyncset.done $0x0  }
0xa1: {  	[sflag:s6] =	ssyncadd.s32 $0xFFFFF830  }
0xa2: {  	_ =	swait.ge [sflag:s6], $0x7D0  }
0xa3: {  	[sflag:s6] =	ssyncset.done $0x0  }
0xa4: {  	[sflag:s6] =	ssyncadd.s32 $0xFFFFF830  }
0xa5: {  	_ =	swait.ge [sflag:s6], $0x7D0  }
0xa6: {  	[sflag:s6] =	ssyncset.done $0x0  }
0xa7: {  	[sflag:s6] =	ssyncadd.s32 $0xFFFFF830  }
0xa8: {  	_ =	swait.ge [sflag:s6], $0x7D0  }
0xa9: {  	[sflag:s6] =	ssyncset.done $0x0  }
0xaa: {  	[sflag:s6] =	ssyncadd.s32 $0xFFFFF830  }
0xab: {  	_ =	swait.ge [sflag:s6], $0x7D0  }
0xac: {  	[sflag:s6] =	ssyncset.done $0x0  }
0xad: {  	[sflag:s6] =	ssyncadd.s32 $0xFFFFF830  }
0xae: {  	_ =	swait.ge [sflag:s6], $0x7D0  }
0xaf: {  	[sflag:s6] =	ssyncset.done $0x0  }
0xb0: {  	[sflag:s6] =	ssyncadd.s32 $0xFFFFF830  }
0xb1: {  	_ =	swait.ge [sflag:s6], $0x7D0  }
0xb2: {  	[sflag:s6] =	ssyncset.done $0x0  }
0xb3: {  	[sflag:s6] =	ssyncadd.s32 $0xFFFFF830  }
0xb4: {  	[spmem:s2] =	stream.indirect.scatter.add.bf16 [tilespmem:s17], [sflag:$0x4], $0x10, s0, s15, $0xb8;
	[tilespmem:$0x15100] =	vst v63  }
0xb5: {  	_ = 	snop  }
0xb6: {  	[spmem:s2] =	stream.indirect.scatter.add.bf16 [tilespmem:s21], [sflag:$0x4], $0x10, s23, s15, $0xb8;
	[tilespmem:$0x15100] =	vst v63  }
0xb7: {  	s22 =	simm.s32 $0x4B80  }
0xb8: {  	[spmem:s2] =	stream.indirect.scatter.add.bf16 [tilespmem:s25], [sflag:$0x4], $0x10, s22, s15, $0xb8;
	[tilespmem:$0x15100] =	vst v63  }
0xb9: {  	s23 =	simm.s32 $0x4C00  }
0xba: {  	[spmem:s2] =	stream.indirect.scatter.add.bf16 [tilespmem:s30], [sflag:$0x4], $0x10, s23, s15, $0xb8;
	[tilespmem:$0x15100] =	vst v63  }
0xbb: {  	s24 =	simm.s32 $0x4C80  }
0xbc: {  	[spmem:s2] =	stream.indirect.scatter.add.bf16 [tilespmem:s10], [sflag:$0x4], $0x10, s24, s15, $0xb8;
	[tilespmem:$0x15100] =	vst v63  }
0xbd: {  	s26 =	simm.s32 $0x4D00  }
0xbe: {  	[spmem:s2] =	stream.indirect.scatter.add.bf16 [tilespmem:s7], [sflag:$0x4], $0x10, s26, s15, $0xb8;
	[tilespmem:$0x15100] =	vst v63  }
0xbf: {  	s31 =	simm.s32 $0x4D80  }
0xc0: {  	[spmem:s2] =	stream.indirect.scatter.add.bf16 [tilespmem:s14], [sflag:$0x4], $0x10, s31, s15, $0xb8;
	[tilespmem:$0x15100] =	vst v63  }
0xc1: {  	s19 =	rddreg [dreg:$0x8];
	s22 =	simm.s32 $0x800;
	s23 =	simm.s32 $0xFD0  }
0xc2: {  	[spmem:s2] =	stream.indirect.scatter.add.bf16 [tilespmem:s18], [sflag:$0x4], $0x10, s29, s15, $0xb8;
	[tilespmem:$0x15100] =	vst v63  }
0xc3: {  	s24 =	simm.s32 $0x17A0;
	s26 =	simm.s32 $0x1F70;
	s29 =	simm.s32 $0x2740  }
.LBB2_8:
0xc4: {  	s11 =	simm.s32 $0x4  }
0xc5: {  	_ =	swait.ge [sflag:s11], $0x7D0  }
0xc6: {  	[sflag:s11] =	ssyncset.done $0x0  }
0xc7: {  	[sflag:s11] =	ssyncadd.s32 $0xFFFFF830  }
0xc8: {  	_ =	swait.ge [sflag:s11], $0x7D0  }
0xc9: {  	[sflag:s11] =	ssyncset.done $0x0  }
0xca: {  	[sflag:s11] =	ssyncadd.s32 $0xFFFFF830  }
0xcb: {  	_ =	swait.ge [sflag:s11], $0x7D0  }
0xcc: {  	[sflag:s11] =	ssyncset.done $0x0  }
0xcd: {  	[sflag:s11] =	ssyncadd.s32 $0xFFFFF830  }
0xce: {  	_ =	swait.ge [sflag:s11], $0x7D0  }
0xcf: {  	[sflag:s11] =	ssyncset.done $0x0  }
0xd0: {  	[sflag:s11] =	ssyncadd.s32 $0xFFFFF830  }
0xd1: {  	_ =	swait.ge [sflag:s11], $0x7D0  }
0xd2: {  	[sflag:s11] =	ssyncset.done $0x0  }
0xd3: {  	[sflag:s11] =	ssyncadd.s32 $0xFFFFF830  }
0xd4: {  	_ =	swait.ge [sflag:s11], $0x7D0  }
0xd5: {  	[sflag:s11] =	ssyncset.done $0x0  }
0xd6: {  	[sflag:s11] =	ssyncadd.s32 $0xFFFFF830  }
0xd7: {  	_ =	swait.ge [sflag:s11], $0x7D0  }
0xd8: {  	[sflag:s11] =	ssyncset.done $0x0  }
0xd9: {  	[sflag:s11] =	ssyncadd.s32 $0xFFFFF830  }
0xda: {  	_ =	swait.ge [sflag:s11], $0x7D0  }
0xdb: {  	[sflag:s11] =	ssyncset.done $0x0  }
0xdc: {  	[sflag:s11] =	ssyncadd.s32 $0xFFFFF830  }
0xdd: {  	[bflag:$0x0] =	sbarrier.arrive $0xFFFF  }
0xde: {  	s12 =	rddreg [dreg:$0x4]  }
0xdf: {  	s11 =	rddreg [dreg:$0x5]  }
0xe0: {  	s16 =	rddreg [dreg:$0x7]  }
0xe1: {  	[hbm:s11], [sflag:s12] =	dma.local [spmem:s16], $0x1880  }
0xe2: {  	_ =	swait.ge [sflag:s13], $0x1880  }
0xe3: {  	s19 =	sadd.s32 $0x1, s19;
	s11 =	rddreg [dreg:$0x6]  }
0xe4: {  	p1 =	sne.s32 s19, s11  }
.Ltmp1:
0xe5: {  	_ = 	snop;
	(pc) =	sbr.rel @!p1 .LBB2_9-.Ltmp1, $3  }
0xe6: {  	_ =	sdelay $0x1  }
0xe7: {  	[sflag:s13] =	ssyncset.done $0x0  }
0xe8: {  	s31 =	simm.s32 $0x36E0;
	[sflag:s13] =	ssyncadd.s32 $0xFFFFE780  }
.LBB2_1:
0xe9: {  	[dreg:$0x8] =	wrdreg s19  }
0xea: {  	s11 =	rddreg [dreg:$0x3]  }
0xeb: {  	[spmem:s16], [sflag:s12] =	dma.local [hbm:s11], $0x1880  }
0xec: {  	_ =	swait.ge [sflag:s13], $0x1880  }
0xed: {  	[sflag:s13] =	ssyncset.done $0x0  }
0xee: {  	[sflag:s13] =	ssyncadd.s32 $0xFFFFE780  }
0xef: {  	[bflag:$0x0] =	sbarrier.arrive $0xFFFF  }
0xf0: {  	[tilespmem:s3], [sflag:$0x5] =	stream.linear.gather [hbm4b:s8+s3], $0x400, $0x38;
	[tilespmem:$0x15100] =	vst v63  }
0xf1: {  	_ =	swait.ge [sflag:s13], $0x400  }
0xf2: {  	[sflag:s13] =	ssyncset.done $0x0  }
.Ltmp2:
0xf3: {  	s19 =	simm.s32 $0x400;
	[sflag:s13] =	ssyncadd.s32 $0xFFFFFC00;
	(pc) =	sbr.rel @!p0 .LBB2_2-.Ltmp2, $4  }
0xf4: {  	[tilespmem:s19], [sflag:$0x5] =	stream.linear.gather [hbm4b:s9+s3], $0x400, $0x38;
	[tilespmem:$0x15100] =	vst v63  }
0xf5: {  	_ =	swait.ge [sflag:s13], $0x400  }
0xf6: {  	[sflag:s13] =	ssyncset.done $0x0  }
0xf7: {  	[sflag:s13] =	ssyncadd.s32 $0xFFFFFC00  }
0xf8: {  	s11 =	simm.s32 $0x0  }
0xf9: {  	[tilespmem:s22], [sflag:$0x1] =	stream.indirect.gather [hbm4b:s5+s15], $0x10, s11, s15, $0xb8;
	[tilespmem:$0x15100] =	vst v63  }
0xfa: {  	s19 =	simm.s32 $0x80  }
0xfb: {  	[tilespmem:s23], [sflag:$0x1] =	stream.indirect.gather [hbm4b:s5+s15], $0x10, s19, s15, $0xb8;
	[tilespmem:$0x15100] =	vst v63  }
0xfc: {  	s12 =	simm.s32 $0x100  }
0xfd: {  	[tilespmem:s24], [sflag:$0x1] =	stream.indirect.gather [hbm4b:s5+s15], $0x10, s12, s15, $0xb8;
	[tilespmem:$0x15100] =	vst v63  }
0xfe: {  	s16 =	simm.s32 $0x180  }
0xff: {  	[tilespmem:s26], [sflag:$0x1] =	stream.indirect.gather [hbm4b:s5+s15], $0x10, s16, s15, $0xb8;
	[tilespmem:$0x15100] =	vst v63  }
0x100: {  	s19 =	simm.s32 $0x200  }
0x101: {  	[tilespmem:s29], [sflag:$0x1] =	stream.indirect.gather [hbm4b:s5+s15], $0x10, s19, s15, $0xb8;
	[tilespmem:$0x15100] =	vst v63  }
0x102: {  	p1 =	por $0x1, $0x1;
	s12 =	simm.s32 $0x280;
	s16 =	simm.s32 $0x2F10  }
0x103: {  	[tilespmem:s16], [sflag:$0x1] =	stream.indirect.gather [hbm4b:s5+s15], $0x10, s12, s15, $0xb8;
	[tilespmem:$0x15100] =	vst v63  }
0x104: {  	p1 =	por p1, p1;
	s19 =	simm.s32 $0x300  }
0x105: {  	[tilespmem:s31], [sflag:$0x1] =	stream.indirect.gather [hbm4b:s5+s15], $0x10, s19, s15, $0xb8;
	[tilespmem:$0x15100] =	vst v63  }
0x106: {  	s11 =	simm.s32 @!p1 $0x4;
	s12 =	simm.s32 $0x380;
	s19 =	simm.s32 $0x3EB0  }
0x107: {  	[tilespmem:s19], [sflag:$0x1] =	stream.indirect.gather [hbm4b:s5+s15], $0x10, s12, s15, $0xb8;
	[tilespmem:$0x15100] =	vst v63  }
0x108: {  	_ =	swait.ge @!p1 [sflag:s11], $0x7D0  }
0x109: {  	[sflag:s11] =	ssyncset.done @!p1 $0x0  }
0x10a: {  	[sflag:s11] =	ssyncadd.s32 @!p1 $0xFFFFF830  }
0x10b: {  	_ =	swait.ge @!p1 [sflag:s11], $0x7D0  }
0x10c: {  	[sflag:s11] =	ssyncset.done @!p1 $0x0  }
0x10d: {  	[sflag:s11] =	ssyncadd.s32 @!p1 $0xFFFFF830  }
0x10e: {  	_ =	swait.ge @!p1 [sflag:s11], $0x7D0  }
0x10f: {  	[sflag:s11] =	ssyncset.done @!p1 $0x0  }
0x110: {  	[sflag:s11] =	ssyncadd.s32 @!p1 $0xFFFFF830  }
0x111: {  	_ =	swait.ge @!p1 [sflag:s11], $0x7D0  }
0x112: {  	[sflag:s11] =	ssyncset.done @!p1 $0x0  }
0x113: {  	[sflag:s11] =	ssyncadd.s32 @!p1 $0xFFFFF830  }
0x114: {  	_ =	swait.ge @!p1 [sflag:s11], $0x7D0  }
0x115: {  	[sflag:s11] =	ssyncset.done @!p1 $0x0  }
0x116: {  	[sflag:s11] =	ssyncadd.s32 @!p1 $0xFFFFF830  }
0x117: {  	_ =	swait.ge @!p1 [sflag:s11], $0x7D0  }
0x118: {  	[sflag:s11] =	ssyncset.done @!p1 $0x0  }
0x119: {  	[sflag:s11] =	ssyncadd.s32 @!p1 $0xFFFFF830  }
0x11a: {  	_ =	swait.ge @!p1 [sflag:s11], $0x7D0  }
0x11b: {  	[sflag:s11] =	ssyncset.done @!p1 $0x0  }
0x11c: {  	[sflag:s11] =	ssyncadd.s32 @!p1 $0xFFFFF830  }
0x11d: {  	_ =	swait.ge @!p1 [sflag:s11], $0x7D0  }
0x11e: {  	s12 =	sadd.s32 $0x0, s8;
	[sflag:s11] =	ssyncset.done @!p1 $0x0  }
0x11f: {  	s12 =	sadd.s32 $0x80, s12;
	[sflag:s11] =	ssyncadd.s32 @!p1 $0xFFFFF830  }
0x120: {  	[tilespmem:s1], [sflag:$0x5] =	stream.linear.gather [hbm4b:s12+s3], $0x400, $0x38;
	[tilespmem:$0x15100] =	vst v63  }
0x121: {  	_ =	swait.ge [sflag:s13], $0x400  }
0x122: {  	s12 =	sadd.s32 $0x0, s9;
	[sflag:s13] =	ssyncset.done $0x0  }
0x123: {  	s11 =	sadd.s32 $0x80, s12;
	[sflag:s13] =	ssyncadd.s32 $0xFFFFFC00  }
0x124: {  	[tilespmem:s0], [sflag:$0x5] =	stream.linear.gather [hbm4b:s11+s3], $0x400, $0x38;
	[tilespmem:$0x15100] =	vst v63  }
0x125: {  	_ =	swait.ge [sflag:s13], $0x400  }
0x126: {  	[sflag:s13] =	ssyncset.done $0x0  }
0x127: {  	[sflag:s13] =	ssyncadd.s32 $0xFFFFFC00  }
0x128: {  	[tilespmem:s17], [sflag:$0x2] =	stream.indirect.gather [hbm4b:s5+s15], $0x10, s1, s15, $0xb8;
	[tilespmem:$0x15100] =	vst v63  }
0x129: {  	s12 =	simm.s32 $0x4700  }
0x12a: {  	[tilespmem:s21], [sflag:$0x2] =	stream.indirect.gather [hbm4b:s5+s15], $0x10, s12, s15, $0xb8;
	[tilespmem:$0x15100] =	vst v63  }
0x12b: {  	s12 =	simm.s32 $0x4780  }
0x12c: {  	[tilespmem:s25], [sflag:$0x2] =	stream.indirect.gather [hbm4b:s5+s15], $0x10, s12, s15, $0xb8;
	[tilespmem:$0x15100] =	vst v63  }
0x12d: {  	s12 =	simm.s32 $0x4800  }
0x12e: {  	[tilespmem:s30], [sflag:$0x2] =	stream.indirect.gather [hbm4b:s5+s15], $0x10, s12, s15, $0xb8;
	[tilespmem:$0x15100] =	vst v63  }
0x12f: {  	s12 =	simm.s32 $0x4880  }
0x130: {  	[tilespmem:s10], [sflag:$0x2] =	stream.indirect.gather [hbm4b:s5+s15], $0x10, s12, s15, $0xb8;
	[tilespmem:$0x15100] =	vst v63  }
0x131: {  	s12 =	simm.s32 $0x4900  }
0x132: {  	[tilespmem:s7], [sflag:$0x2] =	stream.indirect.gather [hbm4b:s5+s15], $0x10, s12, s15, $0xb8;
	[tilespmem:$0x15100] =	vst v63  }
0x133: {  	s12 =	simm.s32 $0x4980  }
0x134: {  	[tilespmem:s14], [sflag:$0x2] =	stream.indirect.gather [hbm4b:s5+s15], $0x10, s12, s15, $0xb8;
	[tilespmem:$0x15100] =	vst v63  }
0x135: {  	s12 =	simm.s32 $0x4A00  }
0x136: {  	[tilespmem:s18], [sflag:$0x2] =	stream.indirect.gather [hbm4b:s5+s15], $0x10, s12, s15, $0xb8;
	[tilespmem:$0x15100] =	vst v63  }
0x137: {  	_ =	swait.ge [sflag:s20], $0x7D0  }
0x138: {  	[sflag:s20] =	ssyncset.done $0x0  }
0x139: {  	[sflag:s20] =	ssyncadd.s32 $0xFFFFF830  }
0x13a: {  	_ =	swait.ge [sflag:s20], $0x7D0  }
0x13b: {  	[sflag:s20] =	ssyncset.done $0x0  }
0x13c: {  	[sflag:s20] =	ssyncadd.s32 $0xFFFFF830  }
0x13d: {  	_ =	swait.ge [sflag:s20], $0x7D0  }
0x13e: {  	[sflag:s20] =	ssyncset.done $0x0  }
0x13f: {  	[sflag:s20] =	ssyncadd.s32 $0xFFFFF830  }
0x140: {  	_ =	swait.ge [sflag:s20], $0x7D0  }
0x141: {  	[sflag:s20] =	ssyncset.done $0x0  }
0x142: {  	[sflag:s20] =	ssyncadd.s32 $0xFFFFF830  }
0x143: {  	_ =	swait.ge [sflag:s20], $0x7D0  }
0x144: {  	[sflag:s20] =	ssyncset.done $0x0  }
0x145: {  	[sflag:s20] =	ssyncadd.s32 $0xFFFFF830  }
0x146: {  	_ =	swait.ge [sflag:s20], $0x7D0  }
0x147: {  	[sflag:s20] =	ssyncset.done $0x0  }
0x148: {  	[sflag:s20] =	ssyncadd.s32 $0xFFFFF830  }
0x149: {  	_ =	swait.ge [sflag:s20], $0x7D0  }
0x14a: {  	[sflag:s20] =	ssyncset.done $0x0  }
0x14b: {  	[sflag:s20] =	ssyncadd.s32 $0xFFFFF830  }
0x14c: {  	_ =	swait.ge [sflag:s20], $0x7D0  }
0x14d: {  	[sflag:s20] =	ssyncset.done $0x0  }
0x14e: {  	s12 =	simm.s32 $0x400;
	[sflag:s20] =	ssyncadd.s32 $0xFFFFF830  }
0x14f: {  	[spmem:s2] =	stream.indirect.scatter.add.bf16 [tilespmem:s22], [sflag:$0x3], $0x10, s12, s15, $0xb8;
	[tilespmem:$0x15100] =	vst v63  }
0x150: {  	s22 =	simm.s32 $0x480  }
0x151: {  	[spmem:s2] =	stream.indirect.scatter.add.bf16 [tilespmem:s23], [sflag:$0x3], $0x10, s22, s15, $0xb8;
	[tilespmem:$0x15100] =	vst v63  }
0x152: {  	s12 =	simm.s32 $0x500  }
0x153: {  	[spmem:s2] =	stream.indirect.scatter.add.bf16 [tilespmem:s24], [sflag:$0x3], $0x10, s12, s15, $0xb8;
	[tilespmem:$0x15100] =	vst v63  }
0x154: {  	s22 =	simm.s32 $0x580  }
0x155: {  	[spmem:s2] =	stream.indirect.scatter.add.bf16 [tilespmem:s26], [sflag:$0x3], $0x10, s22, s15, $0xb8;
	[tilespmem:$0x15100] =	vst v63  }
0x156: {  	s23 =	simm.s32 $0x600  }
0x157: {  	[spmem:s2] =	stream.indirect.scatter.add.bf16 [tilespmem:s29], [sflag:$0x3], $0x10, s23, s15, $0xb8;
	[tilespmem:$0x15100] =	vst v63  }
0x158: {  	s24 =	simm.s32 $0x680  }
0x159: {  	[spmem:s2] =	stream.indirect.scatter.add.bf16 [tilespmem:s16], [sflag:$0x3], $0x10, s24, s15, $0xb8;
	[tilespmem:$0x15100] =	vst v63  }
0x15a: {  	s26 =	simm.s32 $0x700  }
0x15b: {  	[spmem:s2] =	stream.indirect.scatter.add.bf16 [tilespmem:s31], [sflag:$0x3], $0x10, s26, s15, $0xb8;
	[tilespmem:$0x15100] =	vst v63  }
0x15c: {  	s12 =	simm.s32 $0x780  }
0x15d: {  	[spmem:s2] =	stream.indirect.scatter.add.bf16 [tilespmem:s19], [sflag:$0x3], $0x10, s12, s15, $0xb8;
	[tilespmem:$0x15100] =	vst v63  }
0x15e: {  	_ =	swait.ge [sflag:s28], $0x7D0  }
0x15f: {  	[sflag:s28] =	ssyncset.done $0x0  }
0x160: {  	[sflag:s28] =	ssyncadd.s32 $0xFFFFF830  }
0x161: {  	_ =	swait.ge [sflag:s28], $0x7D0  }
0x162: {  	[sflag:s28] =	ssyncset.done $0x0  }
0x163: {  	[sflag:s28] =	ssyncadd.s32 $0xFFFFF830  }
0x164: {  	_ =	swait.ge [sflag:s28], $0x7D0  }
0x165: {  	[sflag:s28] =	ssyncset.done $0x0  }
0x166: {  	[sflag:s28] =	ssyncadd.s32 $0xFFFFF830  }
0x167: {  	_ =	swait.ge [sflag:s28], $0x7D0  }
0x168: {  	[sflag:s28] =	ssyncset.done $0x0  }
0x169: {  	[sflag:s28] =	ssyncadd.s32 $0xFFFFF830  }
0x16a: {  	_ =	swait.ge [sflag:s28], $0x7D0  }
0x16b: {  	[sflag:s28] =	ssyncset.done $0x0  }
0x16c: {  	[sflag:s28] =	ssyncadd.s32 $0xFFFFF830  }
0x16d: {  	_ =	swait.ge [sflag:s28], $0x7D0  }
0x16e: {  	[sflag:s28] =	ssyncset.done $0x0  }
0x16f: {  	[sflag:s28] =	ssyncadd.s32 $0xFFFFF830  }
0x170: {  	_ =	swait.ge [sflag:s28], $0x7D0  }
0x171: {  	[sflag:s28] =	ssyncset.done $0x0  }
0x172: {  	p1 =	por $0x0, $0x0;
	[sflag:s28] =	ssyncadd.s32 $0xFFFFF830  }
0x173: {  	s11 =	sadd.s32 @!p1 $0x0, s8;
	_ =	swait.ge [sflag:s28], $0x7D0  }
0x174: {  	s11 =	sadd.s32 @!p1 $0x100, s11;
	[sflag:s28] =	ssyncset.done $0x0  }
0x175: {  	s16 =	simm.s32 @!p1 $0x0;
	s12 =	simm.s32 @!p1 $0x5;
	[sflag:s28] =	ssyncadd.s32 $0xFFFFF830  }
0x176: {  	[tilespmem:s16], [sflag:$0x5] =	stream.linear.gather @!p1 [hbm4b:s11+s16], $0x400, $0x38;
	[tilespmem:$0x15100] =	vst v63  }
0x177: {  	_ =	swait.ge @!p1 [sflag:s12], $0x400  }
0x178: {  	s11 =	sadd.s32 @!p1 $0x0, s9;
	[sflag:s12] =	ssyncset.done @!p1 $0x0  }
0x179: {  	s19 =	simm.s32 @!p1 $0x400;
	s11 =	sadd.s32 @!p1 $0x100, s11;
	[sflag:s12] =	ssyncadd.s32 @!p1 $0xFFFFFC00  }
0x17a: {  	[tilespmem:s19], [sflag:$0x5] =	stream.linear.gather @!p1 [hbm4b:s11+s16], $0x400, $0x38;
	[tilespmem:$0x15100] =	vst v63  }
0x17b: {  	_ =	swait.ge @!p1 [sflag:s12], $0x400  }
0x17c: {  	[sflag:s12] =	ssyncset.done @!p1 $0x0  }
0x17d: {  	s11 =	simm.s32 @!p1 $0x7D;
	[sflag:s12] =	ssyncadd.s32 @!p1 $0xFFFFFC00;
	s12 =	simm.s32 @!p1 $0x800  }
0x17e: {  	[tilespmem:s12], [sflag:$0x1] =	stream.indirect.gather @!p1 [hbm4b:s5+s11], $0x10, s16, s11, $0xb8;
	[tilespmem:$0x15100] =	vst v63  }
0x17f: {  	s12 =	simm.s32 @!p1 $0x80;
	s16 =	simm.s32 @!p1 $0xFD0  }
0x180: {  	[tilespmem:s16], [sflag:$0x1] =	stream.indirect.gather @!p1 [hbm4b:s5+s11], $0x10, s12, s11, $0xb8;
	[tilespmem:$0x15100] =	vst v63  }
0x181: {  	s12 =	simm.s32 @!p1 $0x100;
	s16 =	simm.s32 @!p1 $0x17A0  }
0x182: {  	[tilespmem:s16], [sflag:$0x1] =	stream.indirect.gather @!p1 [hbm4b:s5+s11], $0x10, s12, s11, $0xb8;
	[tilespmem:$0x15100] =	vst v63  }
0x183: {  	s12 =	simm.s32 @!p1 $0x180;
	s16 =	simm.s32 @!p1 $0x1F70  }
0x184: {  	[tilespmem:s16], [sflag:$0x1] =	stream.indirect.gather @!p1 [hbm4b:s5+s11], $0x10, s12, s11, $0xb8;
	[tilespmem:$0x15100] =	vst v63  }
0x185: {  	s12 =	simm.s32 @!p1 $0x200;
	s16 =	simm.s32 @!p1 $0x2740  }
0x186: {  	[tilespmem:s16], [sflag:$0x1] =	stream.indirect.gather @!p1 [hbm4b:s5+s11], $0x10, s12, s11, $0xb8;
	[tilespmem:$0x15100] =	vst v63  }
0x187: {  	s12 =	simm.s32 @!p1 $0x280;
	s16 =	simm.s32 @!p1 $0x2F10  }
0x188: {  	[tilespmem:s16], [sflag:$0x1] =	stream.indirect.gather @!p1 [hbm4b:s5+s11], $0x10, s12, s11, $0xb8;
	[tilespmem:$0x15100] =	vst v63  }
0x189: {  	s12 =	simm.s32 @!p1 $0x300;
	s16 =	simm.s32 @!p1 $0x36E0  }
0x18a: {  	[tilespmem:s16], [sflag:$0x1] =	stream.indirect.gather @!p1 [hbm4b:s5+s11], $0x10, s12, s11, $0xb8;
	[tilespmem:$0x15100] =	vst v63  }
0x18b: {  	s12 =	simm.s32 @!p1 $0x380;
	s16 =	simm.s32 @!p1 $0x3EB0  }
0x18c: {  	[tilespmem:s16], [sflag:$0x1] =	stream.indirect.gather @!p1 [hbm4b:s5+s11], $0x10, s12, s11, $0xb8;
	[tilespmem:$0x15100] =	vst v63  }
0x18d: {  	_ =	swait.ge [sflag:s6], $0x7D0  }
0x18e: {  	[sflag:s6] =	ssyncset.done $0x0  }
0x18f: {  	[sflag:s6] =	ssyncadd.s32 $0xFFFFF830  }
0x190: {  	_ =	swait.ge [sflag:s6], $0x7D0  }
0x191: {  	[sflag:s6] =	ssyncset.done $0x0  }
0x192: {  	[sflag:s6] =	ssyncadd.s32 $0xFFFFF830  }
0x193: {  	_ =	swait.ge [sflag:s6], $0x7D0  }
0x194: {  	[sflag:s6] =	ssyncset.done $0x0  }
0x195: {  	[sflag:s6] =	ssyncadd.s32 $0xFFFFF830  }
0x196: {  	_ =	swait.ge [sflag:s6], $0x7D0  }
0x197: {  	[sflag:s6] =	ssyncset.done $0x0  }
0x198: {  	[sflag:s6] =	ssyncadd.s32 $0xFFFFF830  }
0x199: {  	_ =	swait.ge [sflag:s6], $0x7D0  }
0x19a: {  	[sflag:s6] =	ssyncset.done $0x0  }
0x19b: {  	[sflag:s6] =	ssyncadd.s32 $0xFFFFF830  }
0x19c: {  	_ =	swait.ge [sflag:s6], $0x7D0  }
0x19d: {  	[sflag:s6] =	ssyncset.done $0x0  }
0x19e: {  	[sflag:s6] =	ssyncadd.s32 $0xFFFFF830  }
0x19f: {  	_ =	swait.ge [sflag:s6], $0x7D0  }
0x1a0: {  	[sflag:s6] =	ssyncset.done $0x0  }
0x1a1: {  	[sflag:s6] =	ssyncadd.s32 $0xFFFFF830  }
0x1a2: {  	_ =	swait.ge [sflag:s6], $0x7D0  }
0x1a3: {  	[sflag:s6] =	ssyncset.done $0x0  }
0x1a4: {  	[sflag:s6] =	ssyncadd.s32 $0xFFFFF830  }
0x1a5: {  	[spmem:s2] =	stream.indirect.scatter.add.bf16 [tilespmem:s17], [sflag:$0x4], $0x10, s0, s15, $0xb8;
	[tilespmem:$0x15100] =	vst v63  }
0x1a6: {  	s16 =	simm.s32 $0x4B00  }
0x1a7: {  	[spmem:s2] =	stream.indirect.scatter.add.bf16 [tilespmem:s21], [sflag:$0x4], $0x10, s16, s15, $0xb8;
	[tilespmem:$0x15100] =	vst v63  }
0x1a8: {  	s19 =	simm.s32 $0x4B80  }
0x1a9: {  	[spmem:s2] =	stream.indirect.scatter.add.bf16 [tilespmem:s25], [sflag:$0x4], $0x10, s19, s15, $0xb8;
	[tilespmem:$0x15100] =	vst v63  }
0x1aa: {  	s22 =	simm.s32 $0x4C00  }
0x1ab: {  	[spmem:s2] =	stream.indirect.scatter.add.bf16 [tilespmem:s30], [sflag:$0x4], $0x10, s22, s15, $0xb8;
	[tilespmem:$0x15100] =	vst v63  }
0x1ac: {  	p6 =	por $0x0, $0x0;
	s23 =	simm.s32 $0x4C80  }
0x1ad: {  	[spmem:s2] =	stream.indirect.scatter.add.bf16 [tilespmem:s10], [sflag:$0x4], $0x10, s23, s15, $0xb8;
	[tilespmem:$0x15100] =	vst v63  }
0x1ae: {  	s29 =	simm.s32 $0x4E00;
	s24 =	simm.s32 $0x4D00;
	s26 =	simm.s32 $0x4D80  }
0x1af: {  	[spmem:s2] =	stream.indirect.scatter.add.bf16 [tilespmem:s7], [sflag:$0x4], $0x10, s24, s15, $0xb8;
	[tilespmem:$0x15100] =	vst v63  }
0x1b0: {  	s31 =	simm.s32 $0x100;
	p1 =	por p6, p6;
	s19 =	simm.s32 $0x200  }
0x1b1: {  	[spmem:s2] =	stream.indirect.scatter.add.bf16 [tilespmem:s14], [sflag:$0x4], $0x10, s26, s15, $0xb8;
	[tilespmem:$0x15100] =	vst v63  }
0x1b2: {  	s22 =	simm.s32 $0x400;
	s24 =	simm.s32 $0x800;
	s26 =	simm.s32 $0xFD0  }
.LBB2_6:
0x1b3: {  	[spmem:s2] =	stream.indirect.scatter.add.bf16 [tilespmem:s18], [sflag:$0x4], $0x10, s29, s15, $0xb8;
	[tilespmem:$0x15100] =	vst v63  }
0x1b4: {  	s23 =	smov.u32 s19  }
0x1b5: {  	s19 =	sadd.s32 $0x100, s19;
	s11 =	simm.s32 @!p1 $0x4;
	p3 =	seq.s32 s23, $0x0  }
0x1b6: {  	p2 =	sne.s32 s19, $0x1900;
	_ =	swait.ge @!p1 [sflag:s11], $0x7D0  }
0x1b7: {  	[sflag:s11] =	ssyncset.done @!p1 $0x0  }
0x1b8: {  	[sflag:s11] =	ssyncadd.s32 @!p1 $0xFFFFF830  }
0x1b9: {  	_ =	swait.ge @!p1 [sflag:s11], $0x7D0  }
0x1ba: {  	[sflag:s11] =	ssyncset.done @!p1 $0x0  }
0x1bb: {  	[sflag:s11] =	ssyncadd.s32 @!p1 $0xFFFFF830  }
0x1bc: {  	_ =	swait.ge @!p1 [sflag:s11], $0x7D0  }
0x1bd: {  	[sflag:s11] =	ssyncset.done @!p1 $0x0  }
0x1be: {  	[sflag:s11] =	ssyncadd.s32 @!p1 $0xFFFFF830  }
0x1bf: {  	_ =	swait.ge @!p1 [sflag:s11], $0x7D0  }
0x1c0: {  	[sflag:s11] =	ssyncset.done @!p1 $0x0  }
0x1c1: {  	[sflag:s11] =	ssyncadd.s32 @!p1 $0xFFFFF830  }
0x1c2: {  	_ =	swait.ge @!p1 [sflag:s11], $0x7D0  }
0x1c3: {  	[sflag:s11] =	ssyncset.done @!p1 $0x0  }
0x1c4: {  	[sflag:s11] =	ssyncadd.s32 @!p1 $0xFFFFF830  }
0x1c5: {  	_ =	swait.ge @!p1 [sflag:s11], $0x7D0  }
0x1c6: {  	[sflag:s11] =	ssyncset.done @!p1 $0x0  }
0x1c7: {  	[sflag:s11] =	ssyncadd.s32 @!p1 $0xFFFFF830  }
0x1c8: {  	_ =	swait.ge @!p1 [sflag:s11], $0x7D0  }
0x1c9: {  	[sflag:s11] =	ssyncset.done @!p1 $0x0  }
0x1ca: {  	[sflag:s11] =	ssyncadd.s32 @!p1 $0xFFFFF830  }
0x1cb: {  	_ =	swait.ge @!p1 [sflag:s11], $0x7D0  }
0x1cc: {  	s12 =	sadd.s32 s31, s8;
	[sflag:s11] =	ssyncset.done @!p1 $0x0  }
0x1cd: {  	[sflag:s11] =	ssyncadd.s32 @!p1 $0xFFFFF830;
	s11 =	sadd.s32 $0x80, s12;
	p1 =	por p3, p3  }
0x1ce: {  	[tilespmem:s1], [sflag:$0x5] =	stream.linear.gather [hbm4b:s11+s3], $0x400, $0x38;
	[tilespmem:$0x15100] =	vst v63  }
0x1cf: {  	_ =	swait.ge [sflag:s13], $0x400  }
0x1d0: {  	s11 =	sadd.s32 s31, s9;
	[sflag:s13] =	ssyncset.done $0x0  }
0x1d1: {  	s11 =	sadd.s32 $0x80, s11;
	[sflag:s13] =	ssyncadd.s32 $0xFFFFFC00  }
0x1d2: {  	[tilespmem:s0], [sflag:$0x5] =	stream.linear.gather [hbm4b:s11+s3], $0x400, $0x38;
	[tilespmem:$0x15100] =	vst v63  }
0x1d3: {  	_ =	swait.ge [sflag:s13], $0x400  }
0x1d4: {  	[sflag:s13] =	ssyncset.done $0x0  }
0x1d5: {  	[sflag:s13] =	ssyncadd.s32 $0xFFFFFC00  }
0x1d6: {  	[tilespmem:s17], [sflag:$0x2] =	stream.indirect.gather [hbm4b:s5+s15], $0x10, s1, s15, $0xb8;
	[tilespmem:$0x15100] =	vst v63  }
0x1d7: {  	s11 =	simm.s32 $0x4700  }
0x1d8: {  	[tilespmem:s21], [sflag:$0x2] =	stream.indirect.gather [hbm4b:s5+s15], $0x10, s11, s15, $0xb8;
	[tilespmem:$0x15100] =	vst v63  }
0x1d9: {  	s11 =	simm.s32 $0x4780  }
0x1da: {  	[tilespmem:s25], [sflag:$0x2] =	stream.indirect.gather [hbm4b:s5+s15], $0x10, s11, s15, $0xb8;
	[tilespmem:$0x15100] =	vst v63  }
0x1db: {  	s11 =	simm.s32 $0x4800  }
0x1dc: {  	[tilespmem:s30], [sflag:$0x2] =	stream.indirect.gather [hbm4b:s5+s15], $0x10, s11, s15, $0xb8;
	[tilespmem:$0x15100] =	vst v63  }
0x1dd: {  	s11 =	simm.s32 $0x4880  }
0x1de: {  	[tilespmem:s10], [sflag:$0x2] =	stream.indirect.gather [hbm4b:s5+s15], $0x10, s11, s15, $0xb8;
	[tilespmem:$0x15100] =	vst v63  }
0x1df: {  	s11 =	simm.s32 $0x4900  }
0x1e0: {  	[tilespmem:s7], [sflag:$0x2] =	stream.indirect.gather [hbm4b:s5+s15], $0x10, s11, s15, $0xb8;
	[tilespmem:$0x15100] =	vst v63  }
0x1e1: {  	s11 =	simm.s32 $0x4980  }
0x1e2: {  	[tilespmem:s14], [sflag:$0x2] =	stream.indirect.gather [hbm4b:s5+s15], $0x10, s11, s15, $0xb8;
	[tilespmem:$0x15100] =	vst v63  }
0x1e3: {  	s11 =	simm.s32 $0x4A00  }
0x1e4: {  	[tilespmem:s18], [sflag:$0x2] =	stream.indirect.gather [hbm4b:s5+s15], $0x10, s11, s15, $0xb8;
	[tilespmem:$0x15100] =	vst v63  }
0x1e5: {  	_ =	swait.ge [sflag:s20], $0x7D0  }
0x1e6: {  	[sflag:s20] =	ssyncset.done $0x0  }
0x1e7: {  	[sflag:s20] =	ssyncadd.s32 $0xFFFFF830  }
0x1e8: {  	_ =	swait.ge [sflag:s20], $0x7D0  }
0x1e9: {  	[sflag:s20] =	ssyncset.done $0x0  }
0x1ea: {  	[sflag:s20] =	ssyncadd.s32 $0xFFFFF830  }
0x1eb: {  	_ =	swait.ge [sflag:s20], $0x7D0  }
0x1ec: {  	[sflag:s20] =	ssyncset.done $0x0  }
0x1ed: {  	[sflag:s20] =	ssyncadd.s32 $0xFFFFF830  }
0x1ee: {  	_ =	swait.ge [sflag:s20], $0x7D0  }
0x1ef: {  	[sflag:s20] =	ssyncset.done $0x0  }
0x1f0: {  	[sflag:s20] =	ssyncadd.s32 $0xFFFFF830  }
0x1f1: {  	_ =	swait.ge [sflag:s20], $0x7D0  }
0x1f2: {  	[sflag:s20] =	ssyncset.done $0x0  }
0x1f3: {  	[sflag:s20] =	ssyncadd.s32 $0xFFFFF830  }
0x1f4: {  	_ =	swait.ge [sflag:s20], $0x7D0  }
0x1f5: {  	[sflag:s20] =	ssyncset.done $0x0  }
0x1f6: {  	[sflag:s20] =	ssyncadd.s32 $0xFFFFF830  }
0x1f7: {  	_ =	swait.ge [sflag:s20], $0x7D0  }
0x1f8: {  	[sflag:s20] =	ssyncset.done $0x0  }
0x1f9: {  	[sflag:s20] =	ssyncadd.s32 $0xFFFFF830  }
0x1fa: {  	_ =	swait.ge [sflag:s20], $0x7D0  }
0x1fb: {  	[sflag:s20] =	ssyncset.done $0x0  }
0x1fc: {  	[sflag:s20] =	ssyncadd.s32 $0xFFFFF830  }
0x1fd: {  	[spmem:s2] =	stream.indirect.scatter.add.bf16 [tilespmem:s24], [sflag:$0x3], $0x10, s22, s15, $0xb8;
	[tilespmem:$0x15100] =	vst v63  }
0x1fe: {  	s11 =	simm.s32 $0x480  }
0x1ff: {  	[spmem:s2] =	stream.indirect.scatter.add.bf16 [tilespmem:s26], [sflag:$0x3], $0x10, s11, s15, $0xb8;
	[tilespmem:$0x15100] =	vst v63  }
0x200: {  	s12 =	simm.s32 $0x17A0;
	s11 =	simm.s32 $0x500  }
0x201: {  	[spmem:s2] =	stream.indirect.scatter.add.bf16 [tilespmem:s12], [sflag:$0x3], $0x10, s11, s15, $0xb8;
	[tilespmem:$0x15100] =	vst v63  }
0x202: {  	s11 =	simm.s32 $0x580;
	s12 =	simm.s32 $0x1F70  }
0x203: {  	[spmem:s2] =	stream.indirect.scatter.add.bf16 [tilespmem:s12], [sflag:$0x3], $0x10, s11, s15, $0xb8;
	[tilespmem:$0x15100] =	vst v63  }
0x204: {  	s11 =	simm.s32 $0x600;
	s12 =	simm.s32 $0x2740  }
0x205: {  	[spmem:s2] =	stream.indirect.scatter.add.bf16 [tilespmem:s12], [sflag:$0x3], $0x10, s11, s15, $0xb8;
	[tilespmem:$0x15100] =	vst v63  }
0x206: {  	s11 =	simm.s32 $0x2F10;
	s12 =	simm.s32 $0x680  }
0x207: {  	[spmem:s2] =	stream.indirect.scatter.add.bf16 [tilespmem:s11], [sflag:$0x3], $0x10, s12, s15, $0xb8;
	[tilespmem:$0x15100] =	vst v63  }
0x208: {  	s11 =	simm.s32 $0x700;
	s12 =	simm.s32 $0x36E0  }
0x209: {  	[spmem:s2] =	stream.indirect.scatter.add.bf16 [tilespmem:s12], [sflag:$0x3], $0x10, s11, s15, $0xb8;
	[tilespmem:$0x15100] =	vst v63  }
0x20a: {  	s11 =	simm.s32 $0x3EB0;
	s12 =	simm.s32 $0x780  }
0x20b: {  	[spmem:s2] =	stream.indirect.scatter.add.bf16 [tilespmem:s11], [sflag:$0x3], $0x10, s12, s15, $0xb8;
	[tilespmem:$0x15100] =	vst v63  }
0x20c: {  	_ =	swait.ge [sflag:s28], $0x7D0  }
0x20d: {  	[sflag:s28] =	ssyncset.done $0x0  }
0x20e: {  	[sflag:s28] =	ssyncadd.s32 $0xFFFFF830  }
0x20f: {  	_ =	swait.ge [sflag:s28], $0x7D0  }
0x210: {  	[sflag:s28] =	ssyncset.done $0x0  }
0x211: {  	[sflag:s28] =	ssyncadd.s32 $0xFFFFF830  }
0x212: {  	_ =	swait.ge [sflag:s28], $0x7D0  }
0x213: {  	[sflag:s28] =	ssyncset.done $0x0  }
0x214: {  	[sflag:s28] =	ssyncadd.s32 $0xFFFFF830  }
0x215: {  	_ =	swait.ge [sflag:s28], $0x7D0  }
0x216: {  	[sflag:s28] =	ssyncset.done $0x0  }
0x217: {  	[sflag:s28] =	ssyncadd.s32 $0xFFFFF830  }
0x218: {  	_ =	swait.ge [sflag:s28], $0x7D0  }
0x219: {  	[sflag:s28] =	ssyncset.done $0x0  }
0x21a: {  	[sflag:s28] =	ssyncadd.s32 $0xFFFFF830  }
0x21b: {  	_ =	swait.ge [sflag:s28], $0x7D0  }
0x21c: {  	[sflag:s28] =	ssyncset.done $0x0  }
0x21d: {  	[sflag:s28] =	ssyncadd.s32 $0xFFFFF830  }
0x21e: {  	_ =	swait.ge [sflag:s28], $0x7D0  }
0x21f: {  	[sflag:s28] =	ssyncset.done $0x0  }
0x220: {  	[sflag:s28] =	ssyncadd.s32 $0xFFFFF830  }
0x221: {  	p3 =	seq.s32 s31, $0x1800;
	_ =	swait.ge [sflag:s28], $0x7D0  }
0x222: {  	s11 =	sadd.s32 @!p3 s31, s8;
	s12 =	simm.s32 @!p3 $0x5;
	[sflag:s28] =	ssyncset.done $0x0  }
0x223: {  	s16 =	simm.s32 @!p3 $0x0;
	s11 =	sadd.s32 @!p3 $0x100, s11;
	[sflag:s28] =	ssyncadd.s32 $0xFFFFF830  }
0x224: {  	[tilespmem:s16], [sflag:$0x5] =	stream.linear.gather @!p3 [hbm4b:s11+s16], $0x400, $0x38;
	[tilespmem:$0x15100] =	vst v63  }
0x225: {  	s11 =	sadd.s32 @!p3 s31, s9;
	s31 =	smov.u32 s23;
	_ =	swait.ge @!p3 [sflag:s12], $0x400  }
0x226: {  	s11 =	sadd.s32 @!p3 $0x100, s11;
	[sflag:s12] =	ssyncset.done @!p3 $0x0  }
0x227: {  	s23 =	simm.s32 @!p3 $0x400;
	[sflag:s12] =	ssyncadd.s32 @!p3 $0xFFFFFC00  }
0x228: {  	[tilespmem:s23], [sflag:$0x5] =	stream.linear.gather @!p3 [hbm4b:s11+s16], $0x400, $0x38;
	[tilespmem:$0x15100] =	vst v63  }
0x229: {  	s23 =	simm.s32 $0x4B00  }
0x22a: {  	_ =	swait.ge @!p3 [sflag:s12], $0x400  }
0x22b: {  	[sflag:s12] =	ssyncset.done @!p3 $0x0  }
0x22c: {  	s11 =	simm.s32 @!p3 $0x7D;
	[sflag:s12] =	ssyncadd.s32 @!p3 $0xFFFFFC00;
	s12 =	simm.s32 @!p3 $0x800  }
0x22d: {  	[tilespmem:s12], [sflag:$0x1] =	stream.indirect.gather @!p3 [hbm4b:s5+s11], $0x10, s16, s11, $0xb8;
	[tilespmem:$0x15100] =	vst v63  }
0x22e: {  	s12 =	simm.s32 @!p3 $0x80;
	s16 =	simm.s32 @!p3 $0xFD0  }
0x22f: {  	[tilespmem:s16], [sflag:$0x1] =	stream.indirect.gather @!p3 [hbm4b:s5+s11], $0x10, s12, s11, $0xb8;
	[tilespmem:$0x15100] =	vst v63  }
0x230: {  	s12 =	simm.s32 @!p3 $0x100;
	s16 =	simm.s32 @!p3 $0x17A0  }
0x231: {  	[tilespmem:s16], [sflag:$0x1] =	stream.indirect.gather @!p3 [hbm4b:s5+s11], $0x10, s12, s11, $0xb8;
	[tilespmem:$0x15100] =	vst v63  }
0x232: {  	s12 =	simm.s32 @!p3 $0x180;
	s16 =	simm.s32 @!p3 $0x1F70  }
0x233: {  	[tilespmem:s16], [sflag:$0x1] =	stream.indirect.gather @!p3 [hbm4b:s5+s11], $0x10, s12, s11, $0xb8;
	[tilespmem:$0x15100] =	vst v63  }
0x234: {  	s12 =	simm.s32 @!p3 $0x200;
	s16 =	simm.s32 @!p3 $0x2740  }
0x235: {  	[tilespmem:s16], [sflag:$0x1] =	stream.indirect.gather @!p3 [hbm4b:s5+s11], $0x10, s12, s11, $0xb8;
	[tilespmem:$0x15100] =	vst v63  }
0x236: {  	s12 =	simm.s32 @!p3 $0x280;
	s16 =	simm.s32 @!p3 $0x2F10  }
0x237: {  	[tilespmem:s16], [sflag:$0x1] =	stream.indirect.gather @!p3 [hbm4b:s5+s11], $0x10, s12, s11, $0xb8;
	[tilespmem:$0x15100] =	vst v63  }
0x238: {  	s12 =	simm.s32 @!p3 $0x300;
	s16 =	simm.s32 @!p3 $0x36E0  }
0x239: {  	[tilespmem:s16], [sflag:$0x1] =	stream.indirect.gather @!p3 [hbm4b:s5+s11], $0x10, s12, s11, $0xb8;
	[tilespmem:$0x15100] =	vst v63  }
0x23a: {  	s12 =	simm.s32 @!p3 $0x380;
	s16 =	simm.s32 @!p3 $0x3EB0  }
0x23b: {  	[tilespmem:s16], [sflag:$0x1] =	stream.indirect.gather @!p3 [hbm4b:s5+s11], $0x10, s12, s11, $0xb8;
	[tilespmem:$0x15100] =	vst v63  }
0x23c: {  	_ =	swait.ge [sflag:s6], $0x7D0  }
0x23d: {  	[sflag:s6] =	ssyncset.done $0x0  }
0x23e: {  	[sflag:s6] =	ssyncadd.s32 $0xFFFFF830  }
0x23f: {  	_ =	swait.ge [sflag:s6], $0x7D0  }
0x240: {  	[sflag:s6] =	ssyncset.done $0x0  }
0x241: {  	[sflag:s6] =	ssyncadd.s32 $0xFFFFF830  }
0x242: {  	_ =	swait.ge [sflag:s6], $0x7D0  }
0x243: {  	[sflag:s6] =	ssyncset.done $0x0  }
0x244: {  	[sflag:s6] =	ssyncadd.s32 $0xFFFFF830  }
0x245: {  	_ =	swait.ge [sflag:s6], $0x7D0  }
0x246: {  	[sflag:s6] =	ssyncset.done $0x0  }
0x247: {  	[sflag:s6] =	ssyncadd.s32 $0xFFFFF830  }
0x248: {  	_ =	swait.ge [sflag:s6], $0x7D0  }
0x249: {  	[sflag:s6] =	ssyncset.done $0x0  }
0x24a: {  	[sflag:s6] =	ssyncadd.s32 $0xFFFFF830  }
0x24b: {  	_ =	swait.ge [sflag:s6], $0x7D0  }
0x24c: {  	[sflag:s6] =	ssyncset.done $0x0  }
0x24d: {  	[sflag:s6] =	ssyncadd.s32 $0xFFFFF830  }
0x24e: {  	_ =	swait.ge [sflag:s6], $0x7D0  }
0x24f: {  	[sflag:s6] =	ssyncset.done $0x0  }
0x250: {  	[sflag:s6] =	ssyncadd.s32 $0xFFFFF830  }
0x251: {  	_ =	swait.ge [sflag:s6], $0x7D0  }
0x252: {  	[sflag:s6] =	ssyncset.done $0x0  }
0x253: {  	[sflag:s6] =	ssyncadd.s32 $0xFFFFF830  }
0x254: {  	[spmem:s2] =	stream.indirect.scatter.add.bf16 [tilespmem:s17], [sflag:$0x4], $0x10, s0, s15, $0xb8;
	[tilespmem:$0x15100] =	vst v63  }
0x255: {  	_ = 	snop  }
0x256: {  	[spmem:s2] =	stream.indirect.scatter.add.bf16 [tilespmem:s21], [sflag:$0x4], $0x10, s23, s15, $0xb8;
	[tilespmem:$0x15100] =	vst v63  }
0x257: {  	s11 =	simm.s32 $0x4B80  }
0x258: {  	[spmem:s2] =	stream.indirect.scatter.add.bf16 [tilespmem:s25], [sflag:$0x4], $0x10, s11, s15, $0xb8;
	[tilespmem:$0x15100] =	vst v63  }
0x259: {  	s11 =	simm.s32 $0x4C00  }
0x25a: {  	[spmem:s2] =	stream.indirect.scatter.add.bf16 [tilespmem:s30], [sflag:$0x4], $0x10, s11, s15, $0xb8;
	[tilespmem:$0x15100] =	vst v63  }
0x25b: {  	s11 =	simm.s32 $0x4C80  }
0x25c: {  	[spmem:s2] =	stream.indirect.scatter.add.bf16 [tilespmem:s10], [sflag:$0x4], $0x10, s11, s15, $0xb8;
	[tilespmem:$0x15100] =	vst v63  }
.Ltmp3:
0x25d: {  	_ = 	snop;
	(pc) =	sbr.rel @p2 .LBB2_6-.Ltmp3, $4  }
0x25e: {  	s11 =	simm.s32 $0x4D00  }
0x25f: {  	[spmem:s2] =	stream.indirect.scatter.add.bf16 [tilespmem:s7], [sflag:$0x4], $0x10, s11, s15, $0xb8;
	[tilespmem:$0x15100] =	vst v63  }
0x260: {  	s11 =	simm.s32 $0x4D80  }
0x261: {  	[spmem:s2] =	stream.indirect.scatter.add.bf16 [tilespmem:s14], [sflag:$0x4], $0x10, s11, s15, $0xb8;
	[tilespmem:$0x15100] =	vst v63  }
.Ltmp4:
0x262: {  	_ = 	snop;
	(pc) =	sbr.rel .LBB2_7-.Ltmp4, $1  }
0x263: {  	_ =	sdelay $0x3  }
.LBB2_2:
0x264: {  	s19 =	simm.s32 $0x0  }
0x265: {  	[tilespmem:s22], [sflag:$0x1] =	stream.indirect.gather [hbm4b:s4+s15], $0x10, s19, s15, $0xb8;
	[tilespmem:$0x15100] =	vst v63  }
0x266: {  	s11 =	simm.s32 $0x80  }
0x267: {  	[tilespmem:s23], [sflag:$0x1] =	stream.indirect.gather [hbm4b:s4+s15], $0x10, s11, s15, $0xb8;
	[tilespmem:$0x15100] =	vst v63  }
0x268: {  	s23 =	simm.s32 $0x100  }
0x269: {  	[tilespmem:s24], [sflag:$0x1] =	stream.indirect.gather [hbm4b:s4+s15], $0x10, s23, s15, $0xb8;
	[tilespmem:$0x15100] =	vst v63  }
0x26a: {  	s12 =	simm.s32 $0x180  }
0x26b: {  	[tilespmem:s26], [sflag:$0x1] =	stream.indirect.gather [hbm4b:s4+s15], $0x10, s12, s15, $0xb8;
	[tilespmem:$0x15100] =	vst v63  }
0x26c: {  	s16 =	simm.s32 $0x200  }
0x26d: {  	[tilespmem:s29], [sflag:$0x1] =	stream.indirect.gather [hbm4b:s4+s15], $0x10, s16, s15, $0xb8;
	[tilespmem:$0x15100] =	vst v63  }
0x26e: {  	p1 =	por $0x1, $0x1;
	s19 =	simm.s32 $0x280;
	s16 =	simm.s32 $0x2F10  }
0x26f: {  	[tilespmem:s16], [sflag:$0x1] =	stream.indirect.gather [hbm4b:s4+s15], $0x10, s19, s15, $0xb8;
	[tilespmem:$0x15100] =	vst v63  }
0x270: {  	s22 =	simm.s32 $0x300;
	p1 =	por p1, p1  }
0x271: {  	[tilespmem:s31], [sflag:$0x1] =	stream.indirect.gather [hbm4b:s4+s15], $0x10, s22, s15, $0xb8;
	[tilespmem:$0x15100] =	vst v63  }
0x272: {  	s23 =	simm.s32 $0x380;
	s12 =	simm.s32 $0x3EB0;
	s19 =	simm.s32 @!p1 $0x4  }
0x273: {  	[tilespmem:s12], [sflag:$0x1] =	stream.indirect.gather [hbm4b:s4+s15], $0x10, s23, s15, $0xb8;
	[tilespmem:$0x15100] =	vst v63  }
0x274: {  	_ =	swait.ge @!p1 [sflag:s19], $0x7D0  }
0x275: {  	[sflag:s19] =	ssyncset.done @!p1 $0x0  }
0x276: {  	[sflag:s19] =	ssyncadd.s32 @!p1 $0xFFFFF830  }
0x277: {  	_ =	swait.ge @!p1 [sflag:s19], $0x7D0  }
0x278: {  	[sflag:s19] =	ssyncset.done @!p1 $0x0  }
0x279: {  	[sflag:s19] =	ssyncadd.s32 @!p1 $0xFFFFF830  }
0x27a: {  	_ =	swait.ge @!p1 [sflag:s19], $0x7D0  }
0x27b: {  	[sflag:s19] =	ssyncset.done @!p1 $0x0  }
0x27c: {  	[sflag:s19] =	ssyncadd.s32 @!p1 $0xFFFFF830  }
0x27d: {  	_ =	swait.ge @!p1 [sflag:s19], $0x7D0  }
0x27e: {  	[sflag:s19] =	ssyncset.done @!p1 $0x0  }
0x27f: {  	[sflag:s19] =	ssyncadd.s32 @!p1 $0xFFFFF830  }
0x280: {  	_ =	swait.ge @!p1 [sflag:s19], $0x7D0  }
0x281: {  	[sflag:s19] =	ssyncset.done @!p1 $0x0  }
0x282: {  	[sflag:s19] =	ssyncadd.s32 @!p1 $0xFFFFF830  }
0x283: {  	_ =	swait.ge @!p1 [sflag:s19], $0x7D0  }
0x284: {  	[sflag:s19] =	ssyncset.done @!p1 $0x0  }
0x285: {  	[sflag:s19] =	ssyncadd.s32 @!p1 $0xFFFFF830  }
0x286: {  	_ =	swait.ge @!p1 [sflag:s19], $0x7D0  }
0x287: {  	[sflag:s19] =	ssyncset.done @!p1 $0x0  }
0x288: {  	[sflag:s19] =	ssyncadd.s32 @!p1 $0xFFFFF830  }
0x289: {  	_ =	swait.ge @!p1 [sflag:s19], $0x7D0  }
0x28a: {  	s24 =	sadd.s32 $0x0, s8;
	[sflag:s19] =	ssyncset.done @!p1 $0x0  }
0x28b: {  	s26 =	sadd.s32 $0x80, s24;
	[sflag:s19] =	ssyncadd.s32 @!p1 $0xFFFFF830  }
0x28c: {  	[tilespmem:s1], [sflag:$0x5] =	stream.linear.gather [hbm4b:s26+s3], $0x400, $0x38;
	[tilespmem:$0x15100] =	vst v63  }
0x28d: {  	_ =	swait.ge [sflag:s13], $0x400  }
0x28e: {  	s22 =	sadd.s32 $0x0, s9;
	[sflag:s13] =	ssyncset.done $0x0  }
0x28f: {  	s19 =	sadd.s32 $0x80, s22;
	[sflag:s13] =	ssyncadd.s32 $0xFFFFFC00  }
0x290: {  	[tilespmem:s0], [sflag:$0x5] =	stream.linear.gather [hbm4b:s19+s3], $0x400, $0x38;
	[tilespmem:$0x15100] =	vst v63  }
0x291: {  	_ =	swait.ge [sflag:s13], $0x400  }
0x292: {  	[sflag:s13] =	ssyncset.done $0x0  }
0x293: {  	[sflag:s13] =	ssyncadd.s32 $0xFFFFFC00  }
0x294: {  	[tilespmem:s17], [sflag:$0x2] =	stream.indirect.gather [hbm4b:s4+s15], $0x10, s1, s15, $0xb8;
	[tilespmem:$0x15100] =	vst v63  }
0x295: {  	s26 =	simm.s32 $0x4700  }
0x296: {  	[tilespmem:s21], [sflag:$0x2] =	stream.indirect.gather [hbm4b:s4+s15], $0x10, s26, s15, $0xb8;
	[tilespmem:$0x15100] =	vst v63  }
0x297: {  	s24 =	simm.s32 $0x4780  }
0x298: {  	[tilespmem:s25], [sflag:$0x2] =	stream.indirect.gather [hbm4b:s4+s15], $0x10, s24, s15, $0xb8;
	[tilespmem:$0x15100] =	vst v63  }
0x299: {  	s22 =	simm.s32 $0x4800  }
0x29a: {  	[tilespmem:s30], [sflag:$0x2] =	stream.indirect.gather [hbm4b:s4+s15], $0x10, s22, s15, $0xb8;
	[tilespmem:$0x15100] =	vst v63  }
0x29b: {  	s23 =	simm.s32 $0x4880  }
0x29c: {  	[tilespmem:s10], [sflag:$0x2] =	stream.indirect.gather [hbm4b:s4+s15], $0x10, s23, s15, $0xb8;
	[tilespmem:$0x15100] =	vst v63  }
0x29d: {  	s23 =	simm.s32 $0x4900  }
0x29e: {  	[tilespmem:s7], [sflag:$0x2] =	stream.indirect.gather [hbm4b:s4+s15], $0x10, s23, s15, $0xb8;
	[tilespmem:$0x15100] =	vst v63  }
0x29f: {  	s23 =	simm.s32 $0x4980  }
0x2a0: {  	[tilespmem:s14], [sflag:$0x2] =	stream.indirect.gather [hbm4b:s4+s15], $0x10, s23, s15, $0xb8;
	[tilespmem:$0x15100] =	vst v63  }
0x2a1: {  	s23 =	simm.s32 $0x4A00  }
0x2a2: {  	[tilespmem:s18], [sflag:$0x2] =	stream.indirect.gather [hbm4b:s4+s15], $0x10, s23, s15, $0xb8;
	[tilespmem:$0x15100] =	vst v63  }
0x2a3: {  	_ =	swait.ge [sflag:s20], $0x7D0  }
0x2a4: {  	[sflag:s20] =	ssyncset.done $0x0  }
0x2a5: {  	[sflag:s20] =	ssyncadd.s32 $0xFFFFF830  }
0x2a6: {  	_ =	swait.ge [sflag:s20], $0x7D0  }
0x2a7: {  	[sflag:s20] =	ssyncset.done $0x0  }
0x2a8: {  	[sflag:s20] =	ssyncadd.s32 $0xFFFFF830  }
0x2a9: {  	_ =	swait.ge [sflag:s20], $0x7D0  }
0x2aa: {  	[sflag:s20] =	ssyncset.done $0x0  }
0x2ab: {  	[sflag:s20] =	ssyncadd.s32 $0xFFFFF830  }
0x2ac: {  	_ =	swait.ge [sflag:s20], $0x7D0  }
0x2ad: {  	[sflag:s20] =	ssyncset.done $0x0  }
0x2ae: {  	[sflag:s20] =	ssyncadd.s32 $0xFFFFF830  }
0x2af: {  	_ =	swait.ge [sflag:s20], $0x7D0  }
0x2b0: {  	[sflag:s20] =	ssyncset.done $0x0  }
0x2b1: {  	[sflag:s20] =	ssyncadd.s32 $0xFFFFF830  }
0x2b2: {  	_ =	swait.ge [sflag:s20], $0x7D0  }
0x2b3: {  	[sflag:s20] =	ssyncset.done $0x0  }
0x2b4: {  	[sflag:s20] =	ssyncadd.s32 $0xFFFFF830  }
0x2b5: {  	_ =	swait.ge [sflag:s20], $0x7D0  }
0x2b6: {  	[sflag:s20] =	ssyncset.done $0x0  }
0x2b7: {  	[sflag:s20] =	ssyncadd.s32 $0xFFFFF830  }
0x2b8: {  	_ =	swait.ge [sflag:s20], $0x7D0  }
0x2b9: {  	[sflag:s20] =	ssyncset.done $0x0  }
0x2ba: {  	s29 =	simm.s32 $0x400;
	s23 =	simm.s32 $0x800;
	[sflag:s20] =	ssyncadd.s32 $0xFFFFF830  }
0x2bb: {  	[spmem:s2] =	stream.indirect.scatter.add.bf16 [tilespmem:s23], [sflag:$0x3], $0x10, s29, s15, $0xb8;
	[tilespmem:$0x15100] =	vst v63  }
0x2bc: {  	s11 =	simm.s32 $0xFD0;
	s23 =	simm.s32 $0x480  }
0x2bd: {  	[spmem:s2] =	stream.indirect.scatter.add.bf16 [tilespmem:s11], [sflag:$0x3], $0x10, s23, s15, $0xb8;
	[tilespmem:$0x15100] =	vst v63  }
0x2be: {  	s19 =	simm.s32 $0x500;
	s23 =	simm.s32 $0x17A0  }
0x2bf: {  	[spmem:s2] =	stream.indirect.scatter.add.bf16 [tilespmem:s23], [sflag:$0x3], $0x10, s19, s15, $0xb8;
	[tilespmem:$0x15100] =	vst v63  }
0x2c0: {  	s19 =	simm.s32 $0x580;
	s23 =	simm.s32 $0x1F70  }
0x2c1: {  	[spmem:s2] =	stream.indirect.scatter.add.bf16 [tilespmem:s23], [sflag:$0x3], $0x10, s19, s15, $0xb8;
	[tilespmem:$0x15100] =	vst v63  }
0x2c2: {  	s19 =	simm.s32 $0x600;
	s23 =	simm.s32 $0x2740  }
0x2c3: {  	[spmem:s2] =	stream.indirect.scatter.add.bf16 [tilespmem:s23], [sflag:$0x3], $0x10, s19, s15, $0xb8;
	[tilespmem:$0x15100] =	vst v63  }
0x2c4: {  	s23 =	simm.s32 $0x680  }
0x2c5: {  	[spmem:s2] =	stream.indirect.scatter.add.bf16 [tilespmem:s16], [sflag:$0x3], $0x10, s23, s15, $0xb8;
	[tilespmem:$0x15100] =	vst v63  }
0x2c6: {  	s19 =	simm.s32 $0x700  }
0x2c7: {  	[spmem:s2] =	stream.indirect.scatter.add.bf16 [tilespmem:s31], [sflag:$0x3], $0x10, s19, s15, $0xb8;
	[tilespmem:$0x15100] =	vst v63  }
0x2c8: {  	s23 =	simm.s32 $0x780  }
0x2c9: {  	[spmem:s2] =	stream.indirect.scatter.add.bf16 [tilespmem:s12], [sflag:$0x3], $0x10, s23, s15, $0xb8;
	[tilespmem:$0x15100] =	vst v63  }
0x2ca: {  	_ =	swait.ge [sflag:s28], $0x7D0  }
0x2cb: {  	[sflag:s28] =	ssyncset.done $0x0  }
0x2cc: {  	[sflag:s28] =	ssyncadd.s32 $0xFFFFF830  }
0x2cd: {  	_ =	swait.ge [sflag:s28], $0x7D0  }
0x2ce: {  	[sflag:s28] =	ssyncset.done $0x0  }
0x2cf: {  	[sflag:s28] =	ssyncadd.s32 $0xFFFFF830  }
0x2d0: {  	_ =	swait.ge [sflag:s28], $0x7D0  }
0x2d1: {  	[sflag:s28] =	ssyncset.done $0x0  }
0x2d2: {  	[sflag:s28] =	ssyncadd.s32 $0xFFFFF830  }
0x2d3: {  	_ =	swait.ge [sflag:s28], $0x7D0  }
0x2d4: {  	[sflag:s28] =	ssyncset.done $0x0  }
0x2d5: {  	[sflag:s28] =	ssyncadd.s32 $0xFFFFF830  }
0x2d6: {  	_ =	swait.ge [sflag:s28], $0x7D0  }
0x2d7: {  	[sflag:s28] =	ssyncset.done $0x0  }
0x2d8: {  	[sflag:s28] =	ssyncadd.s32 $0xFFFFF830  }
0x2d9: {  	_ =	swait.ge [sflag:s28], $0x7D0  }
0x2da: {  	[sflag:s28] =	ssyncset.done $0x0  }
0x2db: {  	[sflag:s28] =	ssyncadd.s32 $0xFFFFF830  }
0x2dc: {  	_ =	swait.ge [sflag:s28], $0x7D0  }
0x2dd: {  	[sflag:s28] =	ssyncset.done $0x0  }
0x2de: {  	[sflag:s28] =	ssyncadd.s32 $0xFFFFF830  }
0x2df: {  	p1 =	por $0x0, $0x0;
	_ =	swait.ge [sflag:s28], $0x7D0  }
0x2e0: {  	s11 =	simm.s32 @!p1 $0x0;
	s19 =	sadd.s32 @!p1 $0x0, s8;
	[sflag:s28] =	ssyncset.done $0x0  }
0x2e1: {  	s19 =	sadd.s32 @!p1 $0x100, s19;
	s23 =	simm.s32 @!p1 $0x5;
	[sflag:s28] =	ssyncadd.s32 $0xFFFFF830  }
0x2e2: {  	[tilespmem:s11], [sflag:$0x5] =	stream.linear.gather @!p1 [hbm4b:s19+s11], $0x400, $0x38;
	[tilespmem:$0x15100] =	vst v63  }
0x2e3: {  	_ =	swait.ge @!p1 [sflag:s23], $0x400  }
0x2e4: {  	s19 =	sadd.s32 @!p1 $0x0, s9;
	[sflag:s23] =	ssyncset.done @!p1 $0x0  }
0x2e5: {  	s31 =	simm.s32 @!p1 $0x400;
	s19 =	sadd.s32 @!p1 $0x100, s19;
	[sflag:s23] =	ssyncadd.s32 @!p1 $0xFFFFFC00  }
0x2e6: {  	[tilespmem:s31], [sflag:$0x5] =	stream.linear.gather @!p1 [hbm4b:s19+s11], $0x400, $0x38;
	[tilespmem:$0x15100] =	vst v63  }
0x2e7: {  	_ =	swait.ge @!p1 [sflag:s23], $0x400  }
0x2e8: {  	[sflag:s23] =	ssyncset.done @!p1 $0x0  }
0x2e9: {  	s19 =	simm.s32 @!p1 $0x7D;
	[sflag:s23] =	ssyncadd.s32 @!p1 $0xFFFFFC00;
	s23 =	simm.s32 @!p1 $0x800  }
0x2ea: {  	[tilespmem:s23], [sflag:$0x1] =	stream.indirect.gather @!p1 [hbm4b:s4+s19], $0x10, s11, s19, $0xb8;
	[tilespmem:$0x15100] =	vst v63  }
0x2eb: {  	s31 =	simm.s32 @!p1 $0xFD0;
	s23 =	simm.s32 @!p1 $0x80  }
0x2ec: {  	[tilespmem:s31], [sflag:$0x1] =	stream.indirect.gather @!p1 [hbm4b:s4+s19], $0x10, s23, s19, $0xb8;
	[tilespmem:$0x15100] =	vst v63  }
0x2ed: {  	s23 =	simm.s32 @!p1 $0x100;
	s31 =	simm.s32 @!p1 $0x17A0  }
0x2ee: {  	[tilespmem:s31], [sflag:$0x1] =	stream.indirect.gather @!p1 [hbm4b:s4+s19], $0x10, s23, s19, $0xb8;
	[tilespmem:$0x15100] =	vst v63  }
0x2ef: {  	s23 =	simm.s32 @!p1 $0x180;
	s31 =	simm.s32 @!p1 $0x1F70  }
0x2f0: {  	[tilespmem:s31], [sflag:$0x1] =	stream.indirect.gather @!p1 [hbm4b:s4+s19], $0x10, s23, s19, $0xb8;
	[tilespmem:$0x15100] =	vst v63  }
0x2f1: {  	s23 =	simm.s32 @!p1 $0x200;
	s31 =	simm.s32 @!p1 $0x2740  }
0x2f2: {  	[tilespmem:s31], [sflag:$0x1] =	stream.indirect.gather @!p1 [hbm4b:s4+s19], $0x10, s23, s19, $0xb8;
	[tilespmem:$0x15100] =	vst v63  }
0x2f3: {  	s23 =	simm.s32 @!p1 $0x280;
	s31 =	simm.s32 @!p1 $0x2F10  }
0x2f4: {  	[tilespmem:s31], [sflag:$0x1] =	stream.indirect.gather @!p1 [hbm4b:s4+s19], $0x10, s23, s19, $0xb8;
	[tilespmem:$0x15100] =	vst v63  }
0x2f5: {  	s23 =	simm.s32 @!p1 $0x300;
	s31 =	simm.s32 @!p1 $0x36E0  }
0x2f6: {  	[tilespmem:s31], [sflag:$0x1] =	stream.indirect.gather @!p1 [hbm4b:s4+s19], $0x10, s23, s19, $0xb8;
	[tilespmem:$0x15100] =	vst v63  }
0x2f7: {  	s23 =	simm.s32 @!p1 $0x380;
	s31 =	simm.s32 @!p1 $0x3EB0  }
0x2f8: {  	[tilespmem:s31], [sflag:$0x1] =	stream.indirect.gather @!p1 [hbm4b:s4+s19], $0x10, s23, s19, $0xb8;
	[tilespmem:$0x15100] =	vst v63  }
0x2f9: {  	_ =	swait.ge [sflag:s6], $0x7D0  }
0x2fa: {  	[sflag:s6] =	ssyncset.done $0x0  }
0x2fb: {  	[sflag:s6] =	ssyncadd.s32 $0xFFFFF830  }
0x2fc: {  	_ =	swait.ge [sflag:s6], $0x7D0  }
0x2fd: {  	[sflag:s6] =	ssyncset.done $0x0  }
0x2fe: {  	[sflag:s6] =	ssyncadd.s32 $0xFFFFF830  }
0x2ff: {  	_ =	swait.ge [sflag:s6], $0x7D0  }
0x300: {  	[sflag:s6] =	ssyncset.done $0x0  }
0x301: {  	[sflag:s6] =	ssyncadd.s32 $0xFFFFF830  }
0x302: {  	_ =	swait.ge [sflag:s6], $0x7D0  }
0x303: {  	[sflag:s6] =	ssyncset.done $0x0  }
0x304: {  	[sflag:s6] =	ssyncadd.s32 $0xFFFFF830  }
0x305: {  	_ =	swait.ge [sflag:s6], $0x7D0  }
0x306: {  	[sflag:s6] =	ssyncset.done $0x0  }
0x307: {  	[sflag:s6] =	ssyncadd.s32 $0xFFFFF830  }
0x308: {  	_ =	swait.ge [sflag:s6], $0x7D0  }
0x309: {  	[sflag:s6] =	ssyncset.done $0x0  }
0x30a: {  	[sflag:s6] =	ssyncadd.s32 $0xFFFFF830  }
0x30b: {  	_ =	swait.ge [sflag:s6], $0x7D0  }
0x30c: {  	[sflag:s6] =	ssyncset.done $0x0  }
0x30d: {  	[sflag:s6] =	ssyncadd.s32 $0xFFFFF830  }
0x30e: {  	_ =	swait.ge [sflag:s6], $0x7D0  }
0x30f: {  	[sflag:s6] =	ssyncset.done $0x0  }
0x310: {  	[sflag:s6] =	ssyncadd.s32 $0xFFFFF830  }
0x311: {  	[spmem:s2] =	stream.indirect.scatter.add.bf16 [tilespmem:s17], [sflag:$0x4], $0x10, s0, s15, $0xb8;
	[tilespmem:$0x15100] =	vst v63  }
0x312: {  	s12 =	simm.s32 $0x4B00  }
0x313: {  	[spmem:s2] =	stream.indirect.scatter.add.bf16 [tilespmem:s21], [sflag:$0x4], $0x10, s12, s15, $0xb8;
	[tilespmem:$0x15100] =	vst v63  }
0x314: {  	s19 =	simm.s32 $0x4B80  }
0x315: {  	[spmem:s2] =	stream.indirect.scatter.add.bf16 [tilespmem:s25], [sflag:$0x4], $0x10, s19, s15, $0xb8;
	[tilespmem:$0x15100] =	vst v63  }
0x316: {  	s23 =	simm.s32 $0x4C00  }
0x317: {  	[spmem:s2] =	stream.indirect.scatter.add.bf16 [tilespmem:s30], [sflag:$0x4], $0x10, s23, s15, $0xb8;
	[tilespmem:$0x15100] =	vst v63  }
0x318: {  	p6 =	por $0x0, $0x0;
	s29 =	simm.s32 $0x36E0;
	s12 =	simm.s32 $0x4C80  }
0x319: {  	[spmem:s2] =	stream.indirect.scatter.add.bf16 [tilespmem:s10], [sflag:$0x4], $0x10, s12, s15, $0xb8;
	[tilespmem:$0x15100] =	vst v63  }
0x31a: {  	s11 =	simm.s32 $0x4E00;
	s31 =	simm.s32 $0x100;
	s19 =	simm.s32 $0x4D00  }
0x31b: {  	[spmem:s2] =	stream.indirect.scatter.add.bf16 [tilespmem:s7], [sflag:$0x4], $0x10, s19, s15, $0xb8;
	[tilespmem:$0x15100] =	vst v63  }
0x31c: {  	p1 =	por p6, p6;
	s23 =	simm.s32 $0x4D80;
	s19 =	simm.s32 $0x200  }
0x31d: {  	[spmem:s2] =	stream.indirect.scatter.add.bf16 [tilespmem:s14], [sflag:$0x4], $0x10, s23, s15, $0xb8;
	[tilespmem:$0x15100] =	vst v63  }
.LBB2_3:
0x31e: {  	[spmem:s2] =	stream.indirect.scatter.add.bf16 [tilespmem:s18], [sflag:$0x4], $0x10, s11, s15, $0xb8;
	[tilespmem:$0x15100] =	vst v63  }
0x31f: {  	s23 =	smov.u32 s19  }
0x320: {  	s19 =	sadd.s32 $0x100, s19;
	s11 =	simm.s32 @!p1 $0x4;
	p3 =	seq.s32 s23, $0x0  }
0x321: {  	p2 =	seq.s32 s19, $0x1900;
	_ =	swait.ge @!p1 [sflag:s11], $0x7D0  }
0x322: {  	[sflag:s11] =	ssyncset.done @!p1 $0x0  }
0x323: {  	[sflag:s11] =	ssyncadd.s32 @!p1 $0xFFFFF830  }
0x324: {  	_ =	swait.ge @!p1 [sflag:s11], $0x7D0  }
0x325: {  	[sflag:s11] =	ssyncset.done @!p1 $0x0  }
0x326: {  	[sflag:s11] =	ssyncadd.s32 @!p1 $0xFFFFF830  }
0x327: {  	_ =	swait.ge @!p1 [sflag:s11], $0x7D0  }
0x328: {  	[sflag:s11] =	ssyncset.done @!p1 $0x0  }
0x329: {  	[sflag:s11] =	ssyncadd.s32 @!p1 $0xFFFFF830  }
0x32a: {  	_ =	swait.ge @!p1 [sflag:s11], $0x7D0  }
0x32b: {  	[sflag:s11] =	ssyncset.done @!p1 $0x0  }
0x32c: {  	[sflag:s11] =	ssyncadd.s32 @!p1 $0xFFFFF830  }
0x32d: {  	_ =	swait.ge @!p1 [sflag:s11], $0x7D0  }
0x32e: {  	[sflag:s11] =	ssyncset.done @!p1 $0x0  }
0x32f: {  	[sflag:s11] =	ssyncadd.s32 @!p1 $0xFFFFF830  }
0x330: {  	_ =	swait.ge @!p1 [sflag:s11], $0x7D0  }
0x331: {  	[sflag:s11] =	ssyncset.done @!p1 $0x0  }
0x332: {  	[sflag:s11] =	ssyncadd.s32 @!p1 $0xFFFFF830  }
0x333: {  	_ =	swait.ge @!p1 [sflag:s11], $0x7D0  }
0x334: {  	[sflag:s11] =	ssyncset.done @!p1 $0x0  }
0x335: {  	[sflag:s11] =	ssyncadd.s32 @!p1 $0xFFFFF830  }
0x336: {  	_ =	swait.ge @!p1 [sflag:s11], $0x7D0  }
0x337: {  	s12 =	sadd.s32 s31, s8;
	[sflag:s11] =	ssyncset.done @!p1 $0x0  }
0x338: {  	[sflag:s11] =	ssyncadd.s32 @!p1 $0xFFFFF830;
	s11 =	sadd.s32 $0x80, s12;
	p1 =	por p3, p3  }
0x339: {  	[tilespmem:s1], [sflag:$0x5] =	stream.linear.gather [hbm4b:s11+s3], $0x400, $0x38;
	[tilespmem:$0x15100] =	vst v63  }
0x33a: {  	_ =	swait.ge [sflag:s13], $0x400  }
0x33b: {  	s11 =	sadd.s32 s31, s9;
	[sflag:s13] =	ssyncset.done $0x0  }
0x33c: {  	s11 =	sadd.s32 $0x80, s11;
	[sflag:s13] =	ssyncadd.s32 $0xFFFFFC00  }
0x33d: {  	[tilespmem:s0], [sflag:$0x5] =	stream.linear.gather [hbm4b:s11+s3], $0x400, $0x38;
	[tilespmem:$0x15100] =	vst v63  }
0x33e: {  	_ =	swait.ge [sflag:s13], $0x400  }
0x33f: {  	[sflag:s13] =	ssyncset.done $0x0  }
0x340: {  	[sflag:s13] =	ssyncadd.s32 $0xFFFFFC00  }
0x341: {  	[tilespmem:s17], [sflag:$0x2] =	stream.indirect.gather [hbm4b:s4+s15], $0x10, s1, s15, $0xb8;
	[tilespmem:$0x15100] =	vst v63  }
0x342: {  	_ = 	snop  }
0x343: {  	[tilespmem:s21], [sflag:$0x2] =	stream.indirect.gather [hbm4b:s4+s15], $0x10, s26, s15, $0xb8;
	[tilespmem:$0x15100] =	vst v63  }
0x344: {  	_ = 	snop  }
0x345: {  	[tilespmem:s25], [sflag:$0x2] =	stream.indirect.gather [hbm4b:s4+s15], $0x10, s24, s15, $0xb8;
	[tilespmem:$0x15100] =	vst v63  }
0x346: {  	_ = 	snop  }
0x347: {  	[tilespmem:s30], [sflag:$0x2] =	stream.indirect.gather [hbm4b:s4+s15], $0x10, s22, s15, $0xb8;
	[tilespmem:$0x15100] =	vst v63  }
0x348: {  	s11 =	simm.s32 $0x4880  }
0x349: {  	[tilespmem:s10], [sflag:$0x2] =	stream.indirect.gather [hbm4b:s4+s15], $0x10, s11, s15, $0xb8;
	[tilespmem:$0x15100] =	vst v63  }
0x34a: {  	s11 =	simm.s32 $0x4900  }
0x34b: {  	[tilespmem:s7], [sflag:$0x2] =	stream.indirect.gather [hbm4b:s4+s15], $0x10, s11, s15, $0xb8;
	[tilespmem:$0x15100] =	vst v63  }
0x34c: {  	s11 =	simm.s32 $0x4980  }
0x34d: {  	[tilespmem:s14], [sflag:$0x2] =	stream.indirect.gather [hbm4b:s4+s15], $0x10, s11, s15, $0xb8;
	[tilespmem:$0x15100] =	vst v63  }
0x34e: {  	s11 =	simm.s32 $0x4A00  }
0x34f: {  	[tilespmem:s18], [sflag:$0x2] =	stream.indirect.gather [hbm4b:s4+s15], $0x10, s11, s15, $0xb8;
	[tilespmem:$0x15100] =	vst v63  }
0x350: {  	_ =	swait.ge [sflag:s20], $0x7D0  }
0x351: {  	[sflag:s20] =	ssyncset.done $0x0  }
0x352: {  	[sflag:s20] =	ssyncadd.s32 $0xFFFFF830  }
0x353: {  	_ =	swait.ge [sflag:s20], $0x7D0  }
0x354: {  	[sflag:s20] =	ssyncset.done $0x0  }
0x355: {  	[sflag:s20] =	ssyncadd.s32 $0xFFFFF830  }
0x356: {  	_ =	swait.ge [sflag:s20], $0x7D0  }
0x357: {  	[sflag:s20] =	ssyncset.done $0x0  }
0x358: {  	[sflag:s20] =	ssyncadd.s32 $0xFFFFF830  }
0x359: {  	_ =	swait.ge [sflag:s20], $0x7D0  }
0x35a: {  	[sflag:s20] =	ssyncset.done $0x0  }
0x35b: {  	[sflag:s20] =	ssyncadd.s32 $0xFFFFF830  }
0x35c: {  	_ =	swait.ge [sflag:s20], $0x7D0  }
0x35d: {  	[sflag:s20] =	ssyncset.done $0x0  }
0x35e: {  	[sflag:s20] =	ssyncadd.s32 $0xFFFFF830  }
0x35f: {  	_ =	swait.ge [sflag:s20], $0x7D0  }
0x360: {  	[sflag:s20] =	ssyncset.done $0x0  }
0x361: {  	[sflag:s20] =	ssyncadd.s32 $0xFFFFF830  }
0x362: {  	_ =	swait.ge [sflag:s20], $0x7D0  }
0x363: {  	[sflag:s20] =	ssyncset.done $0x0  }
0x364: {  	[sflag:s20] =	ssyncadd.s32 $0xFFFFF830  }
0x365: {  	_ =	swait.ge [sflag:s20], $0x7D0  }
0x366: {  	[sflag:s20] =	ssyncset.done $0x0  }
0x367: {  	s12 =	simm.s32 $0x400;
	s11 =	simm.s32 $0x800;
	[sflag:s20] =	ssyncadd.s32 $0xFFFFF830  }
0x368: {  	[spmem:s2] =	stream.indirect.scatter.add.bf16 [tilespmem:s11], [sflag:$0x3], $0x10, s12, s15, $0xb8;
	[tilespmem:$0x15100] =	vst v63  }
0x369: {  	s11 =	simm.s32 $0xFD0;
	s12 =	simm.s32 $0x480  }
0x36a: {  	[spmem:s2] =	stream.indirect.scatter.add.bf16 [tilespmem:s11], [sflag:$0x3], $0x10, s12, s15, $0xb8;
	[tilespmem:$0x15100] =	vst v63  }
0x36b: {  	s11 =	simm.s32 $0x17A0;
	s12 =	simm.s32 $0x500  }
0x36c: {  	[spmem:s2] =	stream.indirect.scatter.add.bf16 [tilespmem:s11], [sflag:$0x3], $0x10, s12, s15, $0xb8;
	[tilespmem:$0x15100] =	vst v63  }
0x36d: {  	s11 =	simm.s32 $0x1F70;
	s12 =	simm.s32 $0x580  }
0x36e: {  	[spmem:s2] =	stream.indirect.scatter.add.bf16 [tilespmem:s11], [sflag:$0x3], $0x10, s12, s15, $0xb8;
	[tilespmem:$0x15100] =	vst v63  }
0x36f: {  	s11 =	simm.s32 $0x2740;
	s12 =	simm.s32 $0x600  }
0x370: {  	[spmem:s2] =	stream.indirect.scatter.add.bf16 [tilespmem:s11], [sflag:$0x3], $0x10, s12, s15, $0xb8;
	[tilespmem:$0x15100] =	vst v63  }
0x371: {  	s11 =	simm.s32 $0x680  }
0x372: {  	[spmem:s2] =	stream.indirect.scatter.add.bf16 [tilespmem:s16], [sflag:$0x3], $0x10, s11, s15, $0xb8;
	[tilespmem:$0x15100] =	vst v63  }
0x373: {  	s11 =	simm.s32 $0x700  }
0x374: {  	[spmem:s2] =	stream.indirect.scatter.add.bf16 [tilespmem:s29], [sflag:$0x3], $0x10, s11, s15, $0xb8;
	[tilespmem:$0x15100] =	vst v63  }
0x375: {  	s12 =	simm.s32 $0x780;
	s11 =	simm.s32 $0x3EB0  }
0x376: {  	[spmem:s2] =	stream.indirect.scatter.add.bf16 [tilespmem:s11], [sflag:$0x3], $0x10, s12, s15, $0xb8;
	[tilespmem:$0x15100] =	vst v63  }
0x377: {  	_ =	swait.ge [sflag:s28], $0x7D0  }
0x378: {  	[sflag:s28] =	ssyncset.done $0x0  }
0x379: {  	[sflag:s28] =	ssyncadd.s32 $0xFFFFF830  }
0x37a: {  	_ =	swait.ge [sflag:s28], $0x7D0  }
0x37b: {  	[sflag:s28] =	ssyncset.done $0x0  }
0x37c: {  	[sflag:s28] =	ssyncadd.s32 $0xFFFFF830  }
0x37d: {  	_ =	swait.ge [sflag:s28], $0x7D0  }
0x37e: {  	[sflag:s28] =	ssyncset.done $0x0  }
0x37f: {  	[sflag:s28] =	ssyncadd.s32 $0xFFFFF830  }
0x380: {  	_ =	swait.ge [sflag:s28], $0x7D0  }
0x381: {  	[sflag:s28] =	ssyncset.done $0x0  }
0x382: {  	[sflag:s28] =	ssyncadd.s32 $0xFFFFF830  }
0x383: {  	_ =	swait.ge [sflag:s28], $0x7D0  }
0x384: {  	[sflag:s28] =	ssyncset.done $0x0  }
0x385: {  	[sflag:s28] =	ssyncadd.s32 $0xFFFFF830  }
0x386: {  	_ =	swait.ge [sflag:s28], $0x7D0  }
0x387: {  	[sflag:s28] =	ssyncset.done $0x0  }
0x388: {  	[sflag:s28] =	ssyncadd.s32 $0xFFFFF830  }
0x389: {  	_ =	swait.ge [sflag:s28], $0x7D0  }
0x38a: {  	[sflag:s28] =	ssyncset.done $0x0  }
0x38b: {  	[sflag:s28] =	ssyncadd.s32 $0xFFFFF830  }
0x38c: {  	p3 =	seq.s32 s31, $0x1800;
	_ =	swait.ge [sflag:s28], $0x7D0  }
0x38d: {  	s11 =	sadd.s32 @!p3 s31, s8;
	s12 =	simm.s32 @!p3 $0x5;
	[sflag:s28] =	ssyncset.done $0x0  }
0x38e: {  	s16 =	simm.s32 @!p3 $0x0;
	s11 =	sadd.s32 @!p3 $0x100, s11;
	[sflag:s28] =	ssyncadd.s32 $0xFFFFF830  }
0x38f: {  	[tilespmem:s16], [sflag:$0x5] =	stream.linear.gather @!p3 [hbm4b:s11+s16], $0x400, $0x38;
	[tilespmem:$0x15100] =	vst v63  }
0x390: {  	s11 =	sadd.s32 @!p3 s31, s9;
	s31 =	smov.u32 s23;
	_ =	swait.ge @!p3 [sflag:s12], $0x400  }
0x391: {  	s11 =	sadd.s32 @!p3 $0x100, s11;
	[sflag:s12] =	ssyncset.done @!p3 $0x0  }
0x392: {  	s23 =	simm.s32 @!p3 $0x400;
	[sflag:s12] =	ssyncadd.s32 @!p3 $0xFFFFFC00  }
0x393: {  	[tilespmem:s23], [sflag:$0x5] =	stream.linear.gather @!p3 [hbm4b:s11+s16], $0x400, $0x38;
	[tilespmem:$0x15100] =	vst v63  }
0x394: {  	s23 =	simm.s32 $0x4B00  }
0x395: {  	_ =	swait.ge @!p3 [sflag:s12], $0x400  }
0x396: {  	[sflag:s12] =	ssyncset.done @!p3 $0x0  }
0x397: {  	s11 =	simm.s32 @!p3 $0x7D;
	[sflag:s12] =	ssyncadd.s32 @!p3 $0xFFFFFC00;
	s12 =	simm.s32 @!p3 $0x800  }
0x398: {  	[tilespmem:s12], [sflag:$0x1] =	stream.indirect.gather @!p3 [hbm4b:s4+s11], $0x10, s16, s11, $0xb8;
	[tilespmem:$0x15100] =	vst v63  }
0x399: {  	s12 =	simm.s32 @!p3 $0x80;
	s16 =	simm.s32 @!p3 $0xFD0  }
0x39a: {  	[tilespmem:s16], [sflag:$0x1] =	stream.indirect.gather @!p3 [hbm4b:s4+s11], $0x10, s12, s11, $0xb8;
	[tilespmem:$0x15100] =	vst v63  }
0x39b: {  	s12 =	simm.s32 @!p3 $0x100;
	s16 =	simm.s32 @!p3 $0x17A0  }
0x39c: {  	[tilespmem:s16], [sflag:$0x1] =	stream.indirect.gather @!p3 [hbm4b:s4+s11], $0x10, s12, s11, $0xb8;
	[tilespmem:$0x15100] =	vst v63  }
0x39d: {  	s12 =	simm.s32 @!p3 $0x180;
	s16 =	simm.s32 @!p3 $0x1F70  }
0x39e: {  	[tilespmem:s16], [sflag:$0x1] =	stream.indirect.gather @!p3 [hbm4b:s4+s11], $0x10, s12, s11, $0xb8;
	[tilespmem:$0x15100] =	vst v63  }
0x39f: {  	s12 =	simm.s32 @!p3 $0x200;
	s16 =	simm.s32 @!p3 $0x2740  }
0x3a0: {  	[tilespmem:s16], [sflag:$0x1] =	stream.indirect.gather @!p3 [hbm4b:s4+s11], $0x10, s12, s11, $0xb8;
	[tilespmem:$0x15100] =	vst v63  }
0x3a1: {  	s12 =	simm.s32 @!p3 $0x280;
	s16 =	simm.s32 @!p3 $0x2F10  }
0x3a2: {  	[tilespmem:s16], [sflag:$0x1] =	stream.indirect.gather @!p3 [hbm4b:s4+s11], $0x10, s12, s11, $0xb8;
	[tilespmem:$0x15100] =	vst v63  }
0x3a3: {  	s12 =	simm.s32 @!p3 $0x300;
	s16 =	simm.s32 @!p3 $0x36E0  }
0x3a4: {  	[tilespmem:s16], [sflag:$0x1] =	stream.indirect.gather @!p3 [hbm4b:s4+s11], $0x10, s12, s11, $0xb8;
	[tilespmem:$0x15100] =	vst v63  }
0x3a5: {  	s12 =	simm.s32 @!p3 $0x380;
	s16 =	simm.s32 @!p3 $0x3EB0  }
0x3a6: {  	[tilespmem:s16], [sflag:$0x1] =	stream.indirect.gather @!p3 [hbm4b:s4+s11], $0x10, s12, s11, $0xb8;
	[tilespmem:$0x15100] =	vst v63  }
0x3a7: {  	s11 =	simm.s32 $0x4E00;
	s16 =	simm.s32 $0x2F10  }
0x3a8: {  	_ =	swait.ge [sflag:s6], $0x7D0  }
0x3a9: {  	[sflag:s6] =	ssyncset.done $0x0  }
0x3aa: {  	[sflag:s6] =	ssyncadd.s32 $0xFFFFF830  }
0x3ab: {  	_ =	swait.ge [sflag:s6], $0x7D0  }
0x3ac: {  	[sflag:s6] =	ssyncset.done $0x0  }
0x3ad: {  	[sflag:s6] =	ssyncadd.s32 $0xFFFFF830  }
0x3ae: {  	_ =	swait.ge [sflag:s6], $0x7D0  }
0x3af: {  	[sflag:s6] =	ssyncset.done $0x0  }
0x3b0: {  	[sflag:s6] =	ssyncadd.s32 $0xFFFFF830  }
0x3b1: {  	_ =	swait.ge [sflag:s6], $0x7D0  }
0x3b2: {  	[sflag:s6] =	ssyncset.done $0x0  }
0x3b3: {  	[sflag:s6] =	ssyncadd.s32 $0xFFFFF830  }
0x3b4: {  	_ =	swait.ge [sflag:s6], $0x7D0  }
0x3b5: {  	[sflag:s6] =	ssyncset.done $0x0  }
0x3b6: {  	[sflag:s6] =	ssyncadd.s32 $0xFFFFF830  }
0x3b7: {  	_ =	swait.ge [sflag:s6], $0x7D0  }
0x3b8: {  	[sflag:s6] =	ssyncset.done $0x0  }
0x3b9: {  	[sflag:s6] =	ssyncadd.s32 $0xFFFFF830  }
0x3ba: {  	_ =	swait.ge [sflag:s6], $0x7D0  }
0x3bb: {  	[sflag:s6] =	ssyncset.done $0x0  }
0x3bc: {  	[sflag:s6] =	ssyncadd.s32 $0xFFFFF830  }
0x3bd: {  	_ =	swait.ge [sflag:s6], $0x7D0  }
0x3be: {  	[sflag:s6] =	ssyncset.done $0x0  }
0x3bf: {  	[sflag:s6] =	ssyncadd.s32 $0xFFFFF830  }
0x3c0: {  	[spmem:s2] =	stream.indirect.scatter.add.bf16 [tilespmem:s17], [sflag:$0x4], $0x10, s0, s15, $0xb8;
	[tilespmem:$0x15100] =	vst v63  }
0x3c1: {  	_ = 	snop  }
0x3c2: {  	[spmem:s2] =	stream.indirect.scatter.add.bf16 [tilespmem:s21], [sflag:$0x4], $0x10, s23, s15, $0xb8;
	[tilespmem:$0x15100] =	vst v63  }
0x3c3: {  	s12 =	simm.s32 $0x4B80  }
0x3c4: {  	[spmem:s2] =	stream.indirect.scatter.add.bf16 [tilespmem:s25], [sflag:$0x4], $0x10, s12, s15, $0xb8;
	[tilespmem:$0x15100] =	vst v63  }
0x3c5: {  	s12 =	simm.s32 $0x4C00  }
0x3c6: {  	[spmem:s2] =	stream.indirect.scatter.add.bf16 [tilespmem:s30], [sflag:$0x4], $0x10, s12, s15, $0xb8;
	[tilespmem:$0x15100] =	vst v63  }
0x3c7: {  	s12 =	simm.s32 $0x4C80  }
0x3c8: {  	[spmem:s2] =	stream.indirect.scatter.add.bf16 [tilespmem:s10], [sflag:$0x4], $0x10, s12, s15, $0xb8;
	[tilespmem:$0x15100] =	vst v63  }
.Ltmp5:
0x3c9: {  	_ = 	snop;
	(pc) =	sbr.rel @!p2 .LBB2_3-.Ltmp5, $4  }
0x3ca: {  	s12 =	simm.s32 $0x4D00  }
0x3cb: {  	[spmem:s2] =	stream.indirect.scatter.add.bf16 [tilespmem:s7], [sflag:$0x4], $0x10, s12, s15, $0xb8;
	[tilespmem:$0x15100] =	vst v63  }
0x3cc: {  	s12 =	simm.s32 $0x4D80  }
0x3cd: {  	[spmem:s2] =	stream.indirect.scatter.add.bf16 [tilespmem:s14], [sflag:$0x4], $0x10, s12, s15, $0xb8;
	[tilespmem:$0x15100] =	vst v63  }
0x3ce: {  	[spmem:s2] =	stream.indirect.scatter.add.bf16 [tilespmem:s18], [sflag:$0x4], $0x10, s11, s15, $0xb8;
	[tilespmem:$0x15100] =	vst v63  }
0x3cf: {  	s11 =	simm.s32 @!p1 $0x4  }
0x3d0: {  	_ =	swait.ge @!p1 [sflag:s11], $0x7D0  }
0x3d1: {  	[sflag:s11] =	ssyncset.done @!p1 $0x0  }
0x3d2: {  	[sflag:s11] =	ssyncadd.s32 @!p1 $0xFFFFF830  }
0x3d3: {  	_ =	swait.ge @!p1 [sflag:s11], $0x7D0  }
0x3d4: {  	[sflag:s11] =	ssyncset.done @!p1 $0x0  }
0x3d5: {  	[sflag:s11] =	ssyncadd.s32 @!p1 $0xFFFFF830  }
0x3d6: {  	_ =	swait.ge @!p1 [sflag:s11], $0x7D0  }
0x3d7: {  	[sflag:s11] =	ssyncset.done @!p1 $0x0  }
0x3d8: {  	[sflag:s11] =	ssyncadd.s32 @!p1 $0xFFFFF830  }
0x3d9: {  	_ =	swait.ge @!p1 [sflag:s11], $0x7D0  }
0x3da: {  	[sflag:s11] =	ssyncset.done @!p1 $0x0  }
0x3db: {  	[sflag:s11] =	ssyncadd.s32 @!p1 $0xFFFFF830  }
0x3dc: {  	_ =	swait.ge @!p1 [sflag:s11], $0x7D0  }
0x3dd: {  	[sflag:s11] =	ssyncset.done @!p1 $0x0  }
0x3de: {  	[sflag:s11] =	ssyncadd.s32 @!p1 $0xFFFFF830  }
0x3df: {  	_ =	swait.ge @!p1 [sflag:s11], $0x7D0  }
0x3e0: {  	[sflag:s11] =	ssyncset.done @!p1 $0x0  }
0x3e1: {  	[sflag:s11] =	ssyncadd.s32 @!p1 $0xFFFFF830  }
0x3e2: {  	_ =	swait.ge @!p1 [sflag:s11], $0x7D0  }
0x3e3: {  	[sflag:s11] =	ssyncset.done @!p1 $0x0  }
0x3e4: {  	[sflag:s11] =	ssyncadd.s32 @!p1 $0xFFFFF830  }
0x3e5: {  	_ =	swait.ge @!p1 [sflag:s11], $0x7D0  }
0x3e6: {  	s12 =	sadd.s32 s31, s8;
	[sflag:s11] =	ssyncset.done @!p1 $0x0  }
0x3e7: {  	s12 =	sadd.s32 $0x80, s12;
	[sflag:s11] =	ssyncadd.s32 @!p1 $0xFFFFF830  }
0x3e8: {  	[tilespmem:s1], [sflag:$0x5] =	stream.linear.gather [hbm4b:s12+s3], $0x400, $0x38;
	[tilespmem:$0x15100] =	vst v63  }
0x3e9: {  	_ =	swait.ge [sflag:s13], $0x400  }
0x3ea: {  	s19 =	sadd.s32 s31, s9;
	[sflag:s13] =	ssyncset.done $0x0  }
0x3eb: {  	s11 =	sadd.s32 $0x80, s19;
	[sflag:s13] =	ssyncadd.s32 $0xFFFFFC00  }
0x3ec: {  	[tilespmem:s0], [sflag:$0x5] =	stream.linear.gather [hbm4b:s11+s3], $0x400, $0x38;
	[tilespmem:$0x15100] =	vst v63  }
0x3ed: {  	_ =	swait.ge [sflag:s13], $0x400  }
0x3ee: {  	[sflag:s13] =	ssyncset.done $0x0  }
0x3ef: {  	[sflag:s13] =	ssyncadd.s32 $0xFFFFFC00  }
0x3f0: {  	[tilespmem:s17], [sflag:$0x2] =	stream.indirect.gather [hbm4b:s4+s15], $0x10, s1, s15, $0xb8;
	[tilespmem:$0x15100] =	vst v63  }
0x3f1: {  	_ = 	snop  }
0x3f2: {  	[tilespmem:s21], [sflag:$0x2] =	stream.indirect.gather [hbm4b:s4+s15], $0x10, s26, s15, $0xb8;
	[tilespmem:$0x15100] =	vst v63  }
0x3f3: {  	_ = 	snop  }
0x3f4: {  	[tilespmem:s25], [sflag:$0x2] =	stream.indirect.gather [hbm4b:s4+s15], $0x10, s24, s15, $0xb8;
	[tilespmem:$0x15100] =	vst v63  }
0x3f5: {  	_ = 	snop  }
0x3f6: {  	[tilespmem:s30], [sflag:$0x2] =	stream.indirect.gather [hbm4b:s4+s15], $0x10, s22, s15, $0xb8;
	[tilespmem:$0x15100] =	vst v63  }
0x3f7: {  	s22 =	simm.s32 $0x4880  }
0x3f8: {  	[tilespmem:s10], [sflag:$0x2] =	stream.indirect.gather [hbm4b:s4+s15], $0x10, s22, s15, $0xb8;
	[tilespmem:$0x15100] =	vst v63  }
0x3f9: {  	s24 =	simm.s32 $0x4900  }
0x3fa: {  	[tilespmem:s7], [sflag:$0x2] =	stream.indirect.gather [hbm4b:s4+s15], $0x10, s24, s15, $0xb8;
	[tilespmem:$0x15100] =	vst v63  }
0x3fb: {  	s26 =	simm.s32 $0x4980  }
0x3fc: {  	[tilespmem:s14], [sflag:$0x2] =	stream.indirect.gather [hbm4b:s4+s15], $0x10, s26, s15, $0xb8;
	[tilespmem:$0x15100] =	vst v63  }
0x3fd: {  	s12 =	simm.s32 $0x4A00  }
0x3fe: {  	[tilespmem:s18], [sflag:$0x2] =	stream.indirect.gather [hbm4b:s4+s15], $0x10, s12, s15, $0xb8;
	[tilespmem:$0x15100] =	vst v63  }
0x3ff: {  	_ =	swait.ge [sflag:s20], $0x7D0  }
0x400: {  	[sflag:s20] =	ssyncset.done $0x0  }
0x401: {  	[sflag:s20] =	ssyncadd.s32 $0xFFFFF830  }
0x402: {  	_ =	swait.ge [sflag:s20], $0x7D0  }
0x403: {  	[sflag:s20] =	ssyncset.done $0x0  }
0x404: {  	[sflag:s20] =	ssyncadd.s32 $0xFFFFF830  }
0x405: {  	_ =	swait.ge [sflag:s20], $0x7D0  }
0x406: {  	[sflag:s20] =	ssyncset.done $0x0  }
0x407: {  	[sflag:s20] =	ssyncadd.s32 $0xFFFFF830  }
0x408: {  	_ =	swait.ge [sflag:s20], $0x7D0  }
0x409: {  	[sflag:s20] =	ssyncset.done $0x0  }
0x40a: {  	[sflag:s20] =	ssyncadd.s32 $0xFFFFF830  }
0x40b: {  	_ =	swait.ge [sflag:s20], $0x7D0  }
0x40c: {  	[sflag:s20] =	ssyncset.done $0x0  }
0x40d: {  	[sflag:s20] =	ssyncadd.s32 $0xFFFFF830  }
0x40e: {  	_ =	swait.ge [sflag:s20], $0x7D0  }
0x40f: {  	[sflag:s20] =	ssyncset.done $0x0  }
0x410: {  	[sflag:s20] =	ssyncadd.s32 $0xFFFFF830  }
0x411: {  	_ =	swait.ge [sflag:s20], $0x7D0  }
0x412: {  	[sflag:s20] =	ssyncset.done $0x0  }
0x413: {  	[sflag:s20] =	ssyncadd.s32 $0xFFFFF830  }
0x414: {  	_ =	swait.ge [sflag:s20], $0x7D0  }
0x415: {  	[sflag:s20] =	ssyncset.done $0x0  }
0x416: {  	s19 =	simm.s32 $0x800;
	s22 =	simm.s32 $0x400;
	[sflag:s20] =	ssyncadd.s32 $0xFFFFF830  }
0x417: {  	[spmem:s2] =	stream.indirect.scatter.add.bf16 [tilespmem:s19], [sflag:$0x3], $0x10, s22, s15, $0xb8;
	[tilespmem:$0x15100] =	vst v63  }
0x418: {  	s24 =	simm.s32 $0xFD0;
	s26 =	simm.s32 $0x480  }
0x419: {  	[spmem:s2] =	stream.indirect.scatter.add.bf16 [tilespmem:s24], [sflag:$0x3], $0x10, s26, s15, $0xb8;
	[tilespmem:$0x15100] =	vst v63  }
0x41a: {  	s19 =	simm.s32 $0x17A0;
	s22 =	simm.s32 $0x500  }
0x41b: {  	[spmem:s2] =	stream.indirect.scatter.add.bf16 [tilespmem:s19], [sflag:$0x3], $0x10, s22, s15, $0xb8;
	[tilespmem:$0x15100] =	vst v63  }
0x41c: {  	s24 =	simm.s32 $0x1F70;
	s26 =	simm.s32 $0x580  }
0x41d: {  	[spmem:s2] =	stream.indirect.scatter.add.bf16 [tilespmem:s24], [sflag:$0x3], $0x10, s26, s15, $0xb8;
	[tilespmem:$0x15100] =	vst v63  }
0x41e: {  	s19 =	simm.s32 $0x2740;
	s22 =	simm.s32 $0x600  }
0x41f: {  	[spmem:s2] =	stream.indirect.scatter.add.bf16 [tilespmem:s19], [sflag:$0x3], $0x10, s22, s15, $0xb8;
	[tilespmem:$0x15100] =	vst v63  }
0x420: {  	s24 =	simm.s32 $0x680  }
0x421: {  	[spmem:s2] =	stream.indirect.scatter.add.bf16 [tilespmem:s16], [sflag:$0x3], $0x10, s24, s15, $0xb8;
	[tilespmem:$0x15100] =	vst v63  }
0x422: {  	s26 =	simm.s32 $0x700  }
0x423: {  	[spmem:s2] =	stream.indirect.scatter.add.bf16 [tilespmem:s29], [sflag:$0x3], $0x10, s26, s15, $0xb8;
	[tilespmem:$0x15100] =	vst v63  }
0x424: {  	s12 =	simm.s32 $0x3EB0;
	s16 =	simm.s32 $0x780  }
0x425: {  	[spmem:s2] =	stream.indirect.scatter.add.bf16 [tilespmem:s12], [sflag:$0x3], $0x10, s16, s15, $0xb8;
	[tilespmem:$0x15100] =	vst v63  }
0x426: {  	_ =	swait.ge [sflag:s28], $0x7D0  }
0x427: {  	[sflag:s28] =	ssyncset.done $0x0  }
0x428: {  	[sflag:s28] =	ssyncadd.s32 $0xFFFFF830  }
0x429: {  	_ =	swait.ge [sflag:s28], $0x7D0  }
0x42a: {  	[sflag:s28] =	ssyncset.done $0x0  }
0x42b: {  	[sflag:s28] =	ssyncadd.s32 $0xFFFFF830  }
0x42c: {  	_ =	swait.ge [sflag:s28], $0x7D0  }
0x42d: {  	[sflag:s28] =	ssyncset.done $0x0  }
0x42e: {  	[sflag:s28] =	ssyncadd.s32 $0xFFFFF830  }
0x42f: {  	_ =	swait.ge [sflag:s28], $0x7D0  }
0x430: {  	[sflag:s28] =	ssyncset.done $0x0  }
0x431: {  	[sflag:s28] =	ssyncadd.s32 $0xFFFFF830  }
0x432: {  	_ =	swait.ge [sflag:s28], $0x7D0  }
0x433: {  	[sflag:s28] =	ssyncset.done $0x0  }
0x434: {  	[sflag:s28] =	ssyncadd.s32 $0xFFFFF830  }
0x435: {  	_ =	swait.ge [sflag:s28], $0x7D0  }
0x436: {  	[sflag:s28] =	ssyncset.done $0x0  }
0x437: {  	[sflag:s28] =	ssyncadd.s32 $0xFFFFF830  }
0x438: {  	_ =	swait.ge [sflag:s28], $0x7D0  }
0x439: {  	[sflag:s28] =	ssyncset.done $0x0  }
0x43a: {  	p1 =	seq.s32 s31, $0x1800;
	[sflag:s28] =	ssyncadd.s32 $0xFFFFF830  }
0x43b: {  	s11 =	sadd.s32 @!p1 s31, s8;
	_ =	swait.ge [sflag:s28], $0x7D0  }
0x43c: {  	s11 =	sadd.s32 @!p1 $0x100, s11;
	[sflag:s28] =	ssyncset.done $0x0  }
0x43d: {  	s12 =	simm.s32 @!p1 $0x5;
	s16 =	simm.s32 @!p1 $0x0;
	[sflag:s28] =	ssyncadd.s32 $0xFFFFF830  }
0x43e: {  	[tilespmem:s16], [sflag:$0x5] =	stream.linear.gather @!p1 [hbm4b:s11+s16], $0x400, $0x38;
	[tilespmem:$0x15100] =	vst v63  }
0x43f: {  	_ =	swait.ge @!p1 [sflag:s12], $0x400  }
0x440: {  	s11 =	sadd.s32 @!p1 s31, s9;
	[sflag:s12] =	ssyncset.done @!p1 $0x0  }
0x441: {  	s19 =	simm.s32 @!p1 $0x400;
	s11 =	sadd.s32 @!p1 $0x100, s11;
	[sflag:s12] =	ssyncadd.s32 @!p1 $0xFFFFFC00  }
0x442: {  	[tilespmem:s19], [sflag:$0x5] =	stream.linear.gather @!p1 [hbm4b:s11+s16], $0x400, $0x38;
	[tilespmem:$0x15100] =	vst v63  }
0x443: {  	_ =	swait.ge @!p1 [sflag:s12], $0x400  }
0x444: {  	[sflag:s12] =	ssyncset.done @!p1 $0x0  }
0x445: {  	s11 =	simm.s32 @!p1 $0x7D;
	[sflag:s12] =	ssyncadd.s32 @!p1 $0xFFFFFC00;
	s12 =	simm.s32 @!p1 $0x800  }
0x446: {  	[tilespmem:s12], [sflag:$0x1] =	stream.indirect.gather @!p1 [hbm4b:s4+s11], $0x10, s16, s11, $0xb8;
	[tilespmem:$0x15100] =	vst v63  }
0x447: {  	s12 =	simm.s32 @!p1 $0x80;
	s16 =	simm.s32 @!p1 $0xFD0  }
0x448: {  	[tilespmem:s16], [sflag:$0x1] =	stream.indirect.gather @!p1 [hbm4b:s4+s11], $0x10, s12, s11, $0xb8;
	[tilespmem:$0x15100] =	vst v63  }
0x449: {  	s12 =	simm.s32 @!p1 $0x100;
	s16 =	simm.s32 @!p1 $0x17A0  }
0x44a: {  	[tilespmem:s16], [sflag:$0x1] =	stream.indirect.gather @!p1 [hbm4b:s4+s11], $0x10, s12, s11, $0xb8;
	[tilespmem:$0x15100] =	vst v63  }
0x44b: {  	s12 =	simm.s32 @!p1 $0x180;
	s16 =	simm.s32 @!p1 $0x1F70  }
0x44c: {  	[tilespmem:s16], [sflag:$0x1] =	stream.indirect.gather @!p1 [hbm4b:s4+s11], $0x10, s12, s11, $0xb8;
	[tilespmem:$0x15100] =	vst v63  }
0x44d: {  	s12 =	simm.s32 @!p1 $0x200;
	s16 =	simm.s32 @!p1 $0x2740  }
0x44e: {  	[tilespmem:s16], [sflag:$0x1] =	stream.indirect.gather @!p1 [hbm4b:s4+s11], $0x10, s12, s11, $0xb8;
	[tilespmem:$0x15100] =	vst v63  }
0x44f: {  	s12 =	simm.s32 @!p1 $0x280;
	s16 =	simm.s32 @!p1 $0x2F10  }
0x450: {  	[tilespmem:s16], [sflag:$0x1] =	stream.indirect.gather @!p1 [hbm4b:s4+s11], $0x10, s12, s11, $0xb8;
	[tilespmem:$0x15100] =	vst v63  }
0x451: {  	s12 =	simm.s32 @!p1 $0x300;
	s16 =	simm.s32 @!p1 $0x36E0  }
0x452: {  	[tilespmem:s16], [sflag:$0x1] =	stream.indirect.gather @!p1 [hbm4b:s4+s11], $0x10, s12, s11, $0xb8;
	[tilespmem:$0x15100] =	vst v63  }
0x453: {  	s12 =	simm.s32 @!p1 $0x380;
	s16 =	simm.s32 @!p1 $0x3EB0  }
0x454: {  	[tilespmem:s16], [sflag:$0x1] =	stream.indirect.gather @!p1 [hbm4b:s4+s11], $0x10, s12, s11, $0xb8;
	[tilespmem:$0x15100] =	vst v63  }
0x455: {  	_ =	swait.ge [sflag:s6], $0x7D0  }
0x456: {  	[sflag:s6] =	ssyncset.done $0x0  }
0x457: {  	[sflag:s6] =	ssyncadd.s32 $0xFFFFF830  }
0x458: {  	_ =	swait.ge [sflag:s6], $0x7D0  }
0x459: {  	[sflag:s6] =	ssyncset.done $0x0  }
0x45a: {  	[sflag:s6] =	ssyncadd.s32 $0xFFFFF830  }
0x45b: {  	_ =	swait.ge [sflag:s6], $0x7D0  }
0x45c: {  	[sflag:s6] =	ssyncset.done $0x0  }
0x45d: {  	[sflag:s6] =	ssyncadd.s32 $0xFFFFF830  }
0x45e: {  	_ =	swait.ge [sflag:s6], $0x7D0  }
0x45f: {  	[sflag:s6] =	ssyncset.done $0x0  }
0x460: {  	[sflag:s6] =	ssyncadd.s32 $0xFFFFF830  }
0x461: {  	_ =	swait.ge [sflag:s6], $0x7D0  }
0x462: {  	[sflag:s6] =	ssyncset.done $0x0  }
0x463: {  	[sflag:s6] =	ssyncadd.s32 $0xFFFFF830  }
0x464: {  	_ =	swait.ge [sflag:s6], $0x7D0  }
0x465: {  	[sflag:s6] =	ssyncset.done $0x0  }
0x466: {  	[sflag:s6] =	ssyncadd.s32 $0xFFFFF830  }
0x467: {  	_ =	swait.ge [sflag:s6], $0x7D0  }
0x468: {  	[sflag:s6] =	ssyncset.done $0x0  }
0x469: {  	[sflag:s6] =	ssyncadd.s32 $0xFFFFF830  }
0x46a: {  	_ =	swait.ge [sflag:s6], $0x7D0  }
0x46b: {  	[sflag:s6] =	ssyncset.done $0x0  }
0x46c: {  	[sflag:s6] =	ssyncadd.s32 $0xFFFFF830  }
0x46d: {  	[spmem:s2] =	stream.indirect.scatter.add.bf16 [tilespmem:s17], [sflag:$0x4], $0x10, s0, s15, $0xb8;
	[tilespmem:$0x15100] =	vst v63  }
0x46e: {  	_ = 	snop  }
0x46f: {  	[spmem:s2] =	stream.indirect.scatter.add.bf16 [tilespmem:s21], [sflag:$0x4], $0x10, s23, s15, $0xb8;
	[tilespmem:$0x15100] =	vst v63  }
0x470: {  	s19 =	simm.s32 $0x4B80  }
0x471: {  	[spmem:s2] =	stream.indirect.scatter.add.bf16 [tilespmem:s25], [sflag:$0x4], $0x10, s19, s15, $0xb8;
	[tilespmem:$0x15100] =	vst v63  }
0x472: {  	s22 =	simm.s32 $0x4C00  }
0x473: {  	[spmem:s2] =	stream.indirect.scatter.add.bf16 [tilespmem:s30], [sflag:$0x4], $0x10, s22, s15, $0xb8;
	[tilespmem:$0x15100] =	vst v63  }
0x474: {  	s23 =	simm.s32 $0x4C80  }
0x475: {  	[spmem:s2] =	stream.indirect.scatter.add.bf16 [tilespmem:s10], [sflag:$0x4], $0x10, s23, s15, $0xb8;
	[tilespmem:$0x15100] =	vst v63  }
0x476: {  	s24 =	simm.s32 $0x4D00  }
0x477: {  	[spmem:s2] =	stream.indirect.scatter.add.bf16 [tilespmem:s7], [sflag:$0x4], $0x10, s24, s15, $0xb8;
	[tilespmem:$0x15100] =	vst v63  }
.Ltmp6:
0x478: {  	s26 =	simm.s32 $0x4D80;
	s29 =	simm.s32 $0x2740;
	(pc) =	sbr.rel .LBB2_8-.Ltmp6, $4  }
0x479: {  	s31 =	simm.s32 $0x4E00;
	s19 =	rddreg [dreg:$0x8];
	s22 =	simm.s32 $0x800  }
0x47a: {  	[spmem:s2] =	stream.indirect.scatter.add.bf16 [tilespmem:s14], [sflag:$0x4], $0x10, s26, s15, $0xb8;
	[tilespmem:$0x15100] =	vst v63  }
0x47b: {  	s23 =	simm.s32 $0xFD0;
	s24 =	simm.s32 $0x17A0;
	s26 =	simm.s32 $0x1F70  }
0x47c: {  	[spmem:s2] =	stream.indirect.scatter.add.bf16 [tilespmem:s18], [sflag:$0x4], $0x10, s31, s15, $0xb8;
	[tilespmem:$0x15100] =	vst v63  }
.LBB2_9:
0x47d: {  	_ =	sfence.sel $0x180000  }
0x47e: {  	[bflag:$0x0] =	sbarrier.arrive $0xFFFF  }
0x47f: {  	_ =	strace $0x90000047  }
0x480: {  	s0 =	stileid.u32;
	[bflag:$0x2] =	sbarrier.arrive $0xFFFF  }
0x481: {  	p0 =	sne.s32 s0, $0x0;
	s0 =	rddreg [dreg:$0x2]  }
0x482: {  	s0 =	sadd.s32 @!p0 $0x100000, s0  }
0x483: {  	[sflag:s0] =	ssyncadd.tile.s32 @!p0 $0x1;
	_ =	shalt  }
.Lfunc_end2:
_tile_overlayer_lowered:
.L_overlay_start_2:
0x484: {  	(tag) =	ssettag $0x2  }
0x485: {  	s0 =	rddreg [dreg:$0x0];
	s2 =	stileid.u32  }
0x486: {  	s1 =	rddreg [dreg:$0x1];
	p0 =	sne.s32 s2, $0x0  }
0x487: {  	s3 =	rddreg [dreg:$0x2];
	[bflag:$0x3] =	sbarrier.arrive $0xFFFF;
	s2 =	simm.s32 @!p0 $0x1C05  }
0x488: {  	[timem:s3], [sflag:s2] =	dma.local @!p0 [hbm:s0], s1  }
0x489: {  	s0 =	simm.s32 @!p0 $0x5  }
0x48a: {  	_ =	swait.ge @!p0 [sflag:s0], s1  }
0x48b: {  	s1 =	ssub.s32 @!p0 $0x0, s1;
	[sflag:s0] =	ssyncset.done @!p0 $0x0  }
0x48c: {  	[sflag:s0] =	ssyncadd.s32 @!p0 s1  }
0x48d: {  	[bflag:$0x3] =	sbarrier.arrive $0xFFFF  }
0x48e: {  	_ =	shalt  }

</sc_bundles>
